<compile_context>
chip_gen: v7x
topology: tpu7x:2x2x1
jax: 0.10.2.dev20260603
libtpu: 0.0.44.dev20260713+nightly
codegen_flags: <defaults>
</compile_context>

<pallas_src>
import jax
import jax.numpy as jnp
from jax import lax
from jax.experimental import pallas as pl
from jax.experimental.pallas import tpu as pltpu
from jax.experimental.pallas import tpu_sc as plsc

_D = 768
_TOP_K = 64
_TS = 2048
_L = 16
_NCH = _D // _L


def _sc_mask_kernel(pf_hbm, perm_hbm, out_hbm, pfv, permv, bitsv, maskv):
    b = lax.axis_index("s")

    @pl.when((lax.axis_index("c") == 0) & (b < 4))
    def _():
        pltpu.sync_copy(pf_hbm.at[b], pfv)
        pltpu.sync_copy(perm_hbm, permv)

        zero16f = jnp.zeros((_L,), jnp.float32)
        for i in range(_NCH):
            sl = pl.ds(i * _L, _L)
            maskv[sl] = zero16f
            bitsv[sl] = lax.bitcast_convert_type(jnp.abs(pfv[sl]),
                                                 jnp.int32)

        chunks = tuple(bitsv[pl.ds(c * _L, _L)] for c in range(_NCH))

        zero16i = jnp.zeros((_L,), jnp.int32)
        one16i = jnp.ones((_L,), jnp.int32)
        lane = lax.iota(jnp.int32, _L)

        def total_splat(vec):
            for k in (1, 2, 4, 8):
                vec = vec + vec.at[lane ^ k].get(mode="promise_in_bounds")
            return vec

        def count(pred):
            accs = [zero16i, zero16i, zero16i, zero16i]
            for c in range(_NCH):
                accs[c % 4] = accs[c % 4] + jnp.where(pred(c), one16i,
                                                      zero16i)
            return total_splat((accs[0] + accs[1]) + (accs[2] + accs[3]))

        def t_body(i, cur):
            cand = cur | (jnp.int32(1) << (jnp.int32(30) - i))
            cnt = count(lambda c: chunks[c] >= cand)
            return jnp.where(cnt >= _TOP_K, cand, cur)

        t = lax.fori_loop(0, 31, t_body,
                          jnp.zeros((_L,), jnp.int32))

        c_ge = count(lambda c: chunks[c] >= t)

        def idx_of(c):
            return lane + jnp.int32(c * _L)

        def count_sel(jcut):
            return count(lambda c: (chunks[c] > t)
                         | ((chunks[c] == t) & (idx_of(c) <= jcut)))

        def tie_search(_):
            def j_body(i, cur):
                cand = cur | (jnp.int32(1) << (jnp.int32(9) - i))
                return jnp.where(count_sel(cand) < _TOP_K, cand, cur)

            jmax = lax.fori_loop(0, 10, j_body, zero16i)
            return jnp.where(count_sel(zero16i) < _TOP_K, jmax + 1, 0)

        jcut = lax.cond(c_ge[0] == _TOP_K,
                        lambda _: jnp.full((_L,), _D, jnp.int32),
                        tie_search, 0)

        ones16f = jnp.ones((_L,), jnp.float32)
        for c in range(_NCH):
            sel = (chunks[c] > t) | ((chunks[c] == t)
                                     & (idx_of(c) <= jcut))
            plsc.store_scatter(maskv, [permv[pl.ds(c * _L, _L)]],
                               ones16f, mask=sel)

        pltpu.sync_copy(maskv, out_hbm.at[b])


def _sc_mask(pf, perm2):
    mesh = plsc.VectorSubcoreMesh(core_axis_name="c", subcore_axis_name="s",
                                  num_cores=1)
    return pl.kernel(
        _sc_mask_kernel,
        out_type=jax.ShapeDtypeStruct((4, _D), jnp.float32),
        mesh=mesh,
        scratch_types=[
            pltpu.VMEM((_D,), jnp.float32),
            pltpu.VMEM((_D,), jnp.int32),
            pltpu.VMEM((_D,), jnp.int32),
            pltpu.VMEM((_D,), jnp.float32),
        ],
        compiler_params=pltpu.CompilerParams(needs_layout_passes=False),
    )(pf, perm2)


def _tc_matmul_kernel(mask_ref, w_ref, nw_ref, x_ref, out_ref, weff_ref):
    b = pl.program_id(0)
    s = pl.program_id(1)

    @pl.when(s == 0)
    def _build_weff():
        weff_ref[...] = (w_ref[...]
                         + mask_ref[pl.ds(b, 1), :] * nw_ref[...]
                         ).astype(jnp.bfloat16)

    x_tile = x_ref[0].astype(jnp.bfloat16)
    out_ref[0] = jax.lax.dot_general(
        x_tile, weff_ref[...], (((1,), (1,)), ((), ())),
        preferred_element_type=jnp.float32)


def kernel(x, W, new_W, perm, prompt_boundary):
    B, S, D = x.shape
    pf = jax.lax.dynamic_index_in_dim(x, prompt_boundary, axis=1,
                                      keepdims=False)
    perm2 = perm.astype(jnp.int32)

    mask = _sc_mask(pf, perm2)

    grid = (B, S // _TS)
    return pl.pallas_call(
        _tc_matmul_kernel,
        grid=grid,
        in_specs=[
            pl.BlockSpec((B, D), lambda b, s: (0, 0)),
            pl.BlockSpec((D, D), lambda b, s: (0, 0)),
            pl.BlockSpec((D, D), lambda b, s: (0, 0)),
            pl.BlockSpec((1, _TS, D), lambda b, s: (b, s, 0)),
        ],
        out_specs=pl.BlockSpec((1, _TS, D), lambda b, s: (b, s, 0)),
        out_shape=jax.ShapeDtypeStruct((B, S, D), jnp.float32),
        scratch_shapes=[pltpu.VMEM((_D, _D), jnp.bfloat16)],
        compiler_params=pltpu.CompilerParams(
            dimension_semantics=("arbitrary", "arbitrary")),
    )(mask, W, new_W, x)

# --- scband reference (transcript-rebuilt; emitter-appended) ---
"""Pipeline reference for scband-memoiradapter-4922032521693 (READ-ONLY COPY).

The authoritative reference and input builder live on the scoring server;
editing this copy changes nothing except your own understanding.
"""

import jax, jax.numpy as jnp
import numpy as np

D = 768
TOP_K = 64
B = 4
S = 4096

def setup_inputs(seed: int = 0) -> dict:
    key = jax.random.key(seed)
    k1, k2, k3, k4 = jax.random.split(key, 4)
    x = jax.random.normal(k1, (B, S, D), dtype=jnp.float32)
    W = jax.random.normal(k2, (D, D), dtype=jnp.float32) * 0.02
    new_W = jax.random.normal(k3, (D, D), dtype=jnp.float32) * 0.02
    perm = jax.random.permutation(k4, D)
    return {"x": x, "W": W, "new_W": new_W, "perm": perm, "prompt_boundary": 100}

def reference(x, W, new_W, perm, prompt_boundary):
    # Original (frozen) linear layer path: F.linear(x, weight)
    base = jnp.einsum('bsd,od->bso', x, W)
    # aggregate_prompt_features with strategy 'last' (inference: padding_counts=0)
    prompt_feat = x[:, prompt_boundary, :]  # (B, D)
    # TopHasher.get_active_indices: top-k of |features|, then apply permutation
    absf = jnp.abs(prompt_feat)
    _, idx = jax.lax.top_k(absf, TOP_K)  # (B, TOP_K)
    active = jnp.take(perm, idx)  # permuted active indices (B, TOP_K)
    # Build sparse activation mask over the D input dims and sparsify x
    mask0 = jnp.zeros((x.shape[0], D), dtype=x.dtype)
    mask = jax.vmap(lambda m, a: m.at[a].set(1.0))(mask0, active)
    x_sparse = x * mask[:, None, :]
    # Residual memory forward: F.linear(x_sparse, new_weight)
    mem = jnp.einsum('bsd,od->bso', x_sparse, new_W)
    return base + mem

if __name__ == "__main__":
    import jax
    _d = setup_inputs()
    print(jax.jit(kernel)(*tuple(_d.values())))

</pallas_src>

<mosaic_0001>
#map = affine_map<(d0, d1) -> (0, 0)>
#map1 = affine_map<(d0, d1) -> (0)>
module attributes {stable_mosaic.version = 14 : i64} {
  func.func @_sc_mask_kernel(%arg0: i32, %arg1: i32, %arg2: memref<4x768xf32, #tpu.memory_space<hbm>>, %arg3: memref<768xi32, #tpu.memory_space<hbm>>, %arg4: memref<4x768xf32, #tpu.memory_space<hbm>>, %arg5: memref<768xf32, #tpu.memory_space<vmem>>, %arg6: memref<768xi32, #tpu.memory_space<vmem>>, %arg7: memref<768xi32, #tpu.memory_space<vmem>>, %arg8: memref<768xf32, #tpu.memory_space<vmem>>) attributes {dimension_semantics = [#tpu.dimension_semantics<core_parallel>, #tpu.dimension_semantics<subcore_parallel>], iteration_bounds = array<i64: 1, 16>, scalar_prefetch = 0 : i64, scratch_operands = 4 : i64, tpu.core_type = #tpu.core_type<sc_vector_subcore>, window_params = [{transform_indices = #map}, {transform_indices = #map1}, {transform_indices = #map}]} {
    %eq3A = arith.constant 0 : i32
    %eq3A_0 = arith.cmpi eq, %arg0, %eq3A : i32
    %lt3A = arith.constant 4 : i32
    %lt3A_1 = arith.cmpi slt, %arg1, %lt3A : i32
    %and3A = arith.andi %eq3A_0, %lt3A_1 : i1
    %convert_element_type3A = arith.extui %and3A : i1 to i32
    %cond3A = arith.constant 0 : i32
    %cond3A_2 = arith.cmpi ne, %convert_element_type3A, %cond3A : i32
    scf.if %cond3A_2 {
      "tpu.region"() ({
        %run_scoped3A = tpu.sem_alloc : memref<!tpu.dma_semaphore, #tpu.memory_space<semaphore_mem>>
        %dma_start3A = arith.constant 0 : i32
        %dma_start3A_1175 = tpu.memref_slice %arg2[%arg1, %dma_start3A] : memref<4x768xf32, #tpu.memory_space<hbm>> -> memref<1x768xf32, #tpu.memory_space<hbm>>
        %dma_start3A_1176 = tpu.memref_squeeze %dma_start3A_1175 : memref<1x768xf32, #tpu.memory_space<hbm>> -> memref<768xf32, #tpu.memory_space<hbm>>
        %dma_start3A_1177 = arith.constant 0 : i32
        %dma_start3A_1178 = tpu.memref_slice %arg2[%arg1, %dma_start3A_1177] : memref<4x768xf32, #tpu.memory_space<hbm>> -> memref<1x768xf32, #tpu.memory_space<hbm>>
        %dma_start3A_1179 = tpu.memref_squeeze %dma_start3A_1178 : memref<1x768xf32, #tpu.memory_space<hbm>> -> memref<768xf32, #tpu.memory_space<hbm>>
        tpu.enqueue_dma source(%dma_start3A_1179 : memref<768xf32, #tpu.memory_space<hbm>>) target(%arg5 : memref<768xf32, #tpu.memory_space<vmem>>) target_semaphore(%run_scoped3A : memref<!tpu.dma_semaphore, #tpu.memory_space<semaphore_mem>>)
        %dma_wait3A = arith.constant 0 : i32
        %dma_wait3A_1180 = tpu.memref_slice %arg2[%arg1, %dma_wait3A] : memref<4x768xf32, #tpu.memory_space<hbm>> -> memref<1x768xf32, #tpu.memory_space<hbm>>
        %dma_wait3A_1181 = tpu.memref_squeeze %dma_wait3A_1180 : memref<1x768xf32, #tpu.memory_space<hbm>> -> memref<768xf32, #tpu.memory_space<hbm>>
        %dma_wait3A_1182 = arith.constant 0 : i32
        %dma_wait3A_1183 = tpu.memref_slice %arg2[%arg1, %dma_wait3A_1182] : memref<4x768xf32, #tpu.memory_space<hbm>> -> memref<1x768xf32, #tpu.memory_space<hbm>>
        %dma_wait3A_1184 = tpu.memref_squeeze %dma_wait3A_1183 : memref<1x768xf32, #tpu.memory_space<hbm>> -> memref<768xf32, #tpu.memory_space<hbm>>
        tpu.wait_dma2 semaphore(%run_scoped3A : memref<!tpu.dma_semaphore, #tpu.memory_space<semaphore_mem>>) src(%dma_wait3A_1184 : memref<768xf32, #tpu.memory_space<hbm>>) dst(%arg5 : memref<768xf32, #tpu.memory_space<vmem>>)
        tpu.yield
      }) : () -> ()
      "tpu.region"() ({
        %run_scoped3A = tpu.sem_alloc : memref<!tpu.dma_semaphore, #tpu.memory_space<semaphore_mem>>
        tpu.enqueue_dma source(%arg3 : memref<768xi32, #tpu.memory_space<hbm>>) target(%arg6 : memref<768xi32, #tpu.memory_space<vmem>>) target_semaphore(%run_scoped3A : memref<!tpu.dma_semaphore, #tpu.memory_space<semaphore_mem>>)
        tpu.wait_dma2 semaphore(%run_scoped3A : memref<!tpu.dma_semaphore, #tpu.memory_space<semaphore_mem>>) src(%arg3 : memref<768xi32, #tpu.memory_space<hbm>>) dst(%arg6 : memref<768xi32, #tpu.memory_space<vmem>>)
        tpu.yield
      }) : () -> ()
      %broadcast_in_dim3A = arith.constant 0.000000e+00 : f32
      %broadcast_in_dim3A_3 = vector.broadcast %broadcast_in_dim3A : f32 to vector<16xf32>
      %swap3A = arith.constant 0 : index
      %swap3A_4 = tpu.vector_load %arg8[%swap3A] {strides = array<i32>} : memref<768xf32, #tpu.memory_space<vmem>>, vector<16xf32>,
      tpu.vector_store %arg8[%swap3A], %broadcast_in_dim3A_3 {strides = array<i32>} : memref<768xf32, #tpu.memory_space<vmem>>, vector<16xf32>,
      %get3A = arith.constant 0 : index
      %get3A_5 = tpu.vector_load %arg5[%get3A] {strides = array<i32>} : memref<768xf32, #tpu.memory_space<vmem>>, vector<16xf32>,
      %abs3A = math.absf %get3A_5 : vector<16xf32>
      %bitcast_convert_type3A = tpu.bitcast %abs3A : vector<16xf32> -> vector<16xi32>
      %swap3A_6 = arith.constant 0 : index
      %swap3A_7 = tpu.vector_load %arg7[%swap3A_6] {strides = array<i32>} : memref<768xi32, #tpu.memory_space<vmem>>, vector<16xi32>,
      tpu.vector_store %arg7[%swap3A_6], %bitcast_convert_type3A {strides = array<i32>} : memref<768xi32, #tpu.memory_space<vmem>>, vector<16xi32>,
      %swap3A_8 = arith.constant 16 : index
      %swap3A_9 = tpu.vector_load %arg8[%swap3A_8] {strides = array<i32>} : memref<768xf32, #tpu.memory_space<vmem>>, vector<16xf32>,
      tpu.vector_store %arg8[%swap3A_8], %broadcast_in_dim3A_3 {strides = array<i32>} : memref<768xf32, #tpu.memory_space<vmem>>, vector<16xf32>,
      %get3A_10 = arith.constant 16 : index
      %get3A_11 = tpu.vector_load %arg5[%get3A_10] {strides = array<i32>} : memref<768xf32, #tpu.memory_space<vmem>>, vector<16xf32>,
      %abs3A_12 = math.absf %get3A_11 : vector<16xf32>
      %bitcast_convert_type3A_13 = tpu.bitcast %abs3A_12 : vector<16xf32> -> vector<16xi32>
      %swap3A_14 = arith.constant 16 : index
      %swap3A_15 = tpu.vector_load %arg7[%swap3A_14] {strides = array<i32>} : memref<768xi32, #tpu.memory_space<vmem>>, vector<16xi32>,
      tpu.vector_store %arg7[%swap3A_14], %bitcast_convert_type3A_13 {strides = array<i32>} : memref<768xi32, #tpu.memory_space<vmem>>, vector<16xi32>,
      %swap3A_16 = arith.constant 32 : index
      %swap3A_17 = tpu.vector_load %arg8[%swap3A_16] {strides = array<i32>} : memref<768xf32, #tpu.memory_space<vmem>>, vector<16xf32>,
      tpu.vector_store %arg8[%swap3A_16], %broadcast_in_dim3A_3 {strides = array<i32>} : memref<768xf32, #tpu.memory_space<vmem>>, vector<16xf32>,
      %get3A_18 = arith.constant 32 : index
      %get3A_19 = tpu.vector_load %arg5[%get3A_18] {strides = array<i32>} : memref<768xf32, #tpu.memory_space<vmem>>, vector<16xf32>,
      %abs3A_20 = math.absf %get3A_19 : vector<16xf32>
      %bitcast_convert_type3A_21 = tpu.bitcast %abs3A_20 : vector<16xf32> -> vector<16xi32>
      %swap3A_22 = arith.constant 32 : index
      %swap3A_23 = tpu.vector_load %arg7[%swap3A_22] {strides = array<i32>} : memref<768xi32, #tpu.memory_space<vmem>>, vector<16xi32>,
      tpu.vector_store %arg7[%swap3A_22], %bitcast_convert_type3A_21 {strides = array<i32>} : memref<768xi32, #tpu.memory_space<vmem>>, vector<16xi32>,
      %swap3A_24 = arith.constant 48 : index
      %swap3A_25 = tpu.vector_load %arg8[%swap3A_24] {strides = array<i32>} : memref<768xf32, #tpu.memory_space<vmem>>, vector<16xf32>,
      tpu.vector_store %arg8[%swap3A_24], %broadcast_in_dim3A_3 {strides = array<i32>} : memref<768xf32, #tpu.memory_space<vmem>>, vector<16xf32>,
      %get3A_26 = arith.constant 48 : index
      %get3A_27 = tpu.vector_load %arg5[%get3A_26] {strides = array<i32>} : memref<768xf32, #tpu.memory_space<vmem>>, vector<16xf32>,
      %abs3A_28 = math.absf %get3A_27 : vector<16xf32>
      %bitcast_convert_type3A_29 = tpu.bitcast %abs3A_28 : vector<16xf32> -> vector<16xi32>
      %swap3A_30 = arith.constant 48 : index
      %swap3A_31 = tpu.vector_load %arg7[%swap3A_30] {strides = array<i32>} : memref<768xi32, #tpu.memory_space<vmem>>, vector<16xi32>,
      tpu.vector_store %arg7[%swap3A_30], %bitcast_convert_type3A_29 {strides = array<i32>} : memref<768xi32, #tpu.memory_space<vmem>>, vector<16xi32>,
      %swap3A_32 = arith.constant 64 : index
      %swap3A_33 = tpu.vector_load %arg8[%swap3A_32] {strides = array<i32>} : memref<768xf32, #tpu.memory_space<vmem>>, vector<16xf32>,
      tpu.vector_store %arg8[%swap3A_32], %broadcast_in_dim3A_3 {strides = array<i32>} : memref<768xf32, #tpu.memory_space<vmem>>, vector<16xf32>,
      %get3A_34 = arith.constant 64 : index
      %get3A_35 = tpu.vector_load %arg5[%get3A_34] {strides = array<i32>} : memref<768xf32, #tpu.memory_space<vmem>>, vector<16xf32>,
      %abs3A_36 = math.absf %get3A_35 : vector<16xf32>
      %bitcast_convert_type3A_37 = tpu.bitcast %abs3A_36 : vector<16xf32> -> vector<16xi32>
      %swap3A_38 = arith.constant 64 : index
      %swap3A_39 = tpu.vector_load %arg7[%swap3A_38] {strides = array<i32>} : memref<768xi32, #tpu.memory_space<vmem>>, vector<16xi32>,
      tpu.vector_store %arg7[%swap3A_38], %bitcast_convert_type3A_37 {strides = array<i32>} : memref<768xi32, #tpu.memory_space<vmem>>, vector<16xi32>,
      %swap3A_40 = arith.constant 80 : index
      %swap3A_41 = tpu.vector_load %arg8[%swap3A_40] {strides = array<i32>} : memref<768xf32, #tpu.memory_space<vmem>>, vector<16xf32>,
      tpu.vector_store %arg8[%swap3A_40], %broadcast_in_dim3A_3 {strides = array<i32>} : memref<768xf32, #tpu.memory_space<vmem>>, vector<16xf32>,
      %get3A_42 = arith.constant 80 : index
      %get3A_43 = tpu.vector_load %arg5[%get3A_42] {strides = array<i32>} : memref<768xf32, #tpu.memory_space<vmem>>, vector<16xf32>,
      %abs3A_44 = math.absf %get3A_43 : vector<16xf32>
      %bitcast_convert_type3A_45 = tpu.bitcast %abs3A_44 : vector<16xf32> -> vector<16xi32>
      %swap3A_46 = arith.constant 80 : index
      %swap3A_47 = tpu.vector_load %arg7[%swap3A_46] {strides = array<i32>} : memref<768xi32, #tpu.memory_space<vmem>>, vector<16xi32>,
      tpu.vector_store %arg7[%swap3A_46], %bitcast_convert_type3A_45 {strides = array<i32>} : memref<768xi32, #tpu.memory_space<vmem>>, vector<16xi32>,
      %swap3A_48 = arith.constant 96 : index
      %swap3A_49 = tpu.vector_load %arg8[%swap3A_48] {strides = array<i32>} : memref<768xf32, #tpu.memory_space<vmem>>, vector<16xf32>,
      tpu.vector_store %arg8[%swap3A_48], %broadcast_in_dim3A_3 {strides = array<i32>} : memref<768xf32, #tpu.memory_space<vmem>>, vector<16xf32>,
      %get3A_50 = arith.constant 96 : index
      %get3A_51 = tpu.vector_load %arg5[%get3A_50] {strides = array<i32>} : memref<768xf32, #tpu.memory_space<vmem>>, vector<16xf32>,
      %abs3A_52 = math.absf %get3A_51 : vector<16xf32>
      %bitcast_convert_type3A_53 = tpu.bitcast %abs3A_52 : vector<16xf32> -> vector<16xi32>
      %swap3A_54 = arith.constant 96 : index
      %swap3A_55 = tpu.vector_load %arg7[%swap3A_54] {strides = array<i32>} : memref<768xi32, #tpu.memory_space<vmem>>, vector<16xi32>,
      tpu.vector_store %arg7[%swap3A_54], %bitcast_convert_type3A_53 {strides = array<i32>} : memref<768xi32, #tpu.memory_space<vmem>>, vector<16xi32>,
      %swap3A_56 = arith.constant 112 : index
      %swap3A_57 = tpu.vector_load %arg8[%swap3A_56] {strides = array<i32>} : memref<768xf32, #tpu.memory_space<vmem>>, vector<16xf32>,
      tpu.vector_store %arg8[%swap3A_56], %broadcast_in_dim3A_3 {strides = array<i32>} : memref<768xf32, #tpu.memory_space<vmem>>, vector<16xf32>,
      %get3A_58 = arith.constant 112 : index
      %get3A_59 = tpu.vector_load %arg5[%get3A_58] {strides = array<i32>} : memref<768xf32, #tpu.memory_space<vmem>>, vector<16xf32>,
      %abs3A_60 = math.absf %get3A_59 : vector<16xf32>
      %bitcast_convert_type3A_61 = tpu.bitcast %abs3A_60 : vector<16xf32> -> vector<16xi32>
      %swap3A_62 = arith.constant 112 : index
      %swap3A_63 = tpu.vector_load %arg7[%swap3A_62] {strides = array<i32>} : memref<768xi32, #tpu.memory_space<vmem>>, vector<16xi32>,
      tpu.vector_store %arg7[%swap3A_62], %bitcast_convert_type3A_61 {strides = array<i32>} : memref<768xi32, #tpu.memory_space<vmem>>, vector<16xi32>,
      %swap3A_64 = arith.constant 128 : index
      %swap3A_65 = tpu.vector_load %arg8[%swap3A_64] {strides = array<i32>} : memref<768xf32, #tpu.memory_space<vmem>>, vector<16xf32>,
      tpu.vector_store %arg8[%swap3A_64], %broadcast_in_dim3A_3 {strides = array<i32>} : memref<768xf32, #tpu.memory_space<vmem>>, vector<16xf32>,
      %get3A_66 = arith.constant 128 : index
      %get3A_67 = tpu.vector_load %arg5[%get3A_66] {strides = array<i32>} : memref<768xf32, #tpu.memory_space<vmem>>, vector<16xf32>,
      %abs3A_68 = math.absf %get3A_67 : vector<16xf32>
      %bitcast_convert_type3A_69 = tpu.bitcast %abs3A_68 : vector<16xf32> -> vector<16xi32>
      %swap3A_70 = arith.constant 128 : index
      %swap3A_71 = tpu.vector_load %arg7[%swap3A_70] {strides = array<i32>} : memref<768xi32, #tpu.memory_space<vmem>>, vector<16xi32>,
      tpu.vector_store %arg7[%swap3A_70], %bitcast_convert_type3A_69 {strides = array<i32>} : memref<768xi32, #tpu.memory_space<vmem>>, vector<16xi32>,
      %swap3A_72 = arith.constant 144 : index
      %swap3A_73 = tpu.vector_load %arg8[%swap3A_72] {strides = array<i32>} : memref<768xf32, #tpu.memory_space<vmem>>, vector<16xf32>,
      tpu.vector_store %arg8[%swap3A_72], %broadcast_in_dim3A_3 {strides = array<i32>} : memref<768xf32, #tpu.memory_space<vmem>>, vector<16xf32>,
      %get3A_74 = arith.constant 144 : index
      %get3A_75 = tpu.vector_load %arg5[%get3A_74] {strides = array<i32>} : memref<768xf32, #tpu.memory_space<vmem>>, vector<16xf32>,
      %abs3A_76 = math.absf %get3A_75 : vector<16xf32>
      %bitcast_convert_type3A_77 = tpu.bitcast %abs3A_76 : vector<16xf32> -> vector<16xi32>
      %swap3A_78 = arith.constant 144 : index
      %swap3A_79 = tpu.vector_load %arg7[%swap3A_78] {strides = array<i32>} : memref<768xi32, #tpu.memory_space<vmem>>, vector<16xi32>,
      tpu.vector_store %arg7[%swap3A_78], %bitcast_convert_type3A_77 {strides = array<i32>} : memref<768xi32, #tpu.memory_space<vmem>>, vector<16xi32>,
      %swap3A_80 = arith.constant 160 : index
      %swap3A_81 = tpu.vector_load %arg8[%swap3A_80] {strides = array<i32>} : memref<768xf32, #tpu.memory_space<vmem>>, vector<16xf32>,
      tpu.vector_store %arg8[%swap3A_80], %broadcast_in_dim3A_3 {strides = array<i32>} : memref<768xf32, #tpu.memory_space<vmem>>, vector<16xf32>,
      %get3A_82 = arith.constant 160 : index
      %get3A_83 = tpu.vector_load %arg5[%get3A_82] {strides = array<i32>} : memref<768xf32, #tpu.memory_space<vmem>>, vector<16xf32>,
      %abs3A_84 = math.absf %get3A_83 : vector<16xf32>
      %bitcast_convert_type3A_85 = tpu.bitcast %abs3A_84 : vector<16xf32> -> vector<16xi32>
      %swap3A_86 = arith.constant 160 : index
      %swap3A_87 = tpu.vector_load %arg7[%swap3A_86] {strides = array<i32>} : memref<768xi32, #tpu.memory_space<vmem>>, vector<16xi32>,
      tpu.vector_store %arg7[%swap3A_86], %bitcast_convert_type3A_85 {strides = array<i32>} : memref<768xi32, #tpu.memory_space<vmem>>, vector<16xi32>,
      %swap3A_88 = arith.constant 176 : index
      %swap3A_89 = tpu.vector_load %arg8[%swap3A_88] {strides = array<i32>} : memref<768xf32, #tpu.memory_space<vmem>>, vector<16xf32>,
      tpu.vector_store %arg8[%swap3A_88], %broadcast_in_dim3A_3 {strides = array<i32>} : memref<768xf32, #tpu.memory_space<vmem>>, vector<16xf32>,
      %get3A_90 = arith.constant 176 : index
      %get3A_91 = tpu.vector_load %arg5[%get3A_90] {strides = array<i32>} : memref<768xf32, #tpu.memory_space<vmem>>, vector<16xf32>,
      %abs3A_92 = math.absf %get3A_91 : vector<16xf32>
      %bitcast_convert_type3A_93 = tpu.bitcast %abs3A_92 : vector<16xf32> -> vector<16xi32>
      %swap3A_94 = arith.constant 176 : index
      %swap3A_95 = tpu.vector_load %arg7[%swap3A_94] {strides = array<i32>} : memref<768xi32, #tpu.memory_space<vmem>>, vector<16xi32>,
      tpu.vector_store %arg7[%swap3A_94], %bitcast_convert_type3A_93 {strides = array<i32>} : memref<768xi32, #tpu.memory_space<vmem>>, vector<16xi32>,
      %swap3A_96 = arith.constant 192 : index
      %swap3A_97 = tpu.vector_load %arg8[%swap3A_96] {strides = array<i32>} : memref<768xf32, #tpu.memory_space<vmem>>, vector<16xf32>,
      tpu.vector_store %arg8[%swap3A_96], %broadcast_in_dim3A_3 {strides = array<i32>} : memref<768xf32, #tpu.memory_space<vmem>>, vector<16xf32>,
      %get3A_98 = arith.constant 192 : index
      %get3A_99 = tpu.vector_load %arg5[%get3A_98] {strides = array<i32>} : memref<768xf32, #tpu.memory_space<vmem>>, vector<16xf32>,
      %abs3A_100 = math.absf %get3A_99 : vector<16xf32>
      %bitcast_convert_type3A_101 = tpu.bitcast %abs3A_100 : vector<16xf32> -> vector<16xi32>
      %swap3A_102 = arith.constant 192 : index
      %swap3A_103 = tpu.vector_load %arg7[%swap3A_102] {strides = array<i32>} : memref<768xi32, #tpu.memory_space<vmem>>, vector<16xi32>,
      tpu.vector_store %arg7[%swap3A_102], %bitcast_convert_type3A_101 {strides = array<i32>} : memref<768xi32, #tpu.memory_space<vmem>>, vector<16xi32>,
      %swap3A_104 = arith.constant 208 : index
      %swap3A_105 = tpu.vector_load %arg8[%swap3A_104] {strides = array<i32>} : memref<768xf32, #tpu.memory_space<vmem>>, vector<16xf32>,
      tpu.vector_store %arg8[%swap3A_104], %broadcast_in_dim3A_3 {strides = array<i32>} : memref<768xf32, #tpu.memory_space<vmem>>, vector<16xf32>,
      %get3A_106 = arith.constant 208 : index
      %get3A_107 = tpu.vector_load %arg5[%get3A_106] {strides = array<i32>} : memref<768xf32, #tpu.memory_space<vmem>>, vector<16xf32>,
      %abs3A_108 = math.absf %get3A_107 : vector<16xf32>
      %bitcast_convert_type3A_109 = tpu.bitcast %abs3A_108 : vector<16xf32> -> vector<16xi32>
      %swap3A_110 = arith.constant 208 : index
      %swap3A_111 = tpu.vector_load %arg7[%swap3A_110] {strides = array<i32>} : memref<768xi32, #tpu.memory_space<vmem>>, vector<16xi32>,
      tpu.vector_store %arg7[%swap3A_110], %bitcast_convert_type3A_109 {strides = array<i32>} : memref<768xi32, #tpu.memory_space<vmem>>, vector<16xi32>,
      %swap3A_112 = arith.constant 224 : index
      %swap3A_113 = tpu.vector_load %arg8[%swap3A_112] {strides = array<i32>} : memref<768xf32, #tpu.memory_space<vmem>>, vector<16xf32>,
      tpu.vector_store %arg8[%swap3A_112], %broadcast_in_dim3A_3 {strides = array<i32>} : memref<768xf32, #tpu.memory_space<vmem>>, vector<16xf32>,
      %get3A_114 = arith.constant 224 : index
      %get3A_115 = tpu.vector_load %arg5[%get3A_114] {strides = array<i32>} : memref<768xf32, #tpu.memory_space<vmem>>, vector<16xf32>,
      %abs3A_116 = math.absf %get3A_115 : vector<16xf32>
      %bitcast_convert_type3A_117 = tpu.bitcast %abs3A_116 : vector<16xf32> -> vector<16xi32>
      %swap3A_118 = arith.constant 224 : index
      %swap3A_119 = tpu.vector_load %arg7[%swap3A_118] {strides = array<i32>} : memref<768xi32, #tpu.memory_space<vmem>>, vector<16xi32>,
      tpu.vector_store %arg7[%swap3A_118], %bitcast_convert_type3A_117 {strides = array<i32>} : memref<768xi32, #tpu.memory_space<vmem>>, vector<16xi32>,
      %swap3A_120 = arith.constant 240 : index
      %swap3A_121 = tpu.vector_load %arg8[%swap3A_120] {strides = array<i32>} : memref<768xf32, #tpu.memory_space<vmem>>, vector<16xf32>,
      tpu.vector_store %arg8[%swap3A_120], %broadcast_in_dim3A_3 {strides = array<i32>} : memref<768xf32, #tpu.memory_space<vmem>>, vector<16xf32>,
      %get3A_122 = arith.constant 240 : index
      %get3A_123 = tpu.vector_load %arg5[%get3A_122] {strides = array<i32>} : memref<768xf32, #tpu.memory_space<vmem>>, vector<16xf32>,
      %abs3A_124 = math.absf %get3A_123 : vector<16xf32>
      %bitcast_convert_type3A_125 = tpu.bitcast %abs3A_124 : vector<16xf32> -> vector<16xi32>
      %swap3A_126 = arith.constant 240 : index
      %swap3A_127 = tpu.vector_load %arg7[%swap3A_126] {strides = array<i32>} : memref<768xi32, #tpu.memory_space<vmem>>, vector<16xi32>,
      tpu.vector_store %arg7[%swap3A_126], %bitcast_convert_type3A_125 {strides = array<i32>} : memref<768xi32, #tpu.memory_space<vmem>>, vector<16xi32>,
      %swap3A_128 = arith.constant 256 : index
      %swap3A_129 = tpu.vector_load %arg8[%swap3A_128] {strides = array<i32>} : memref<768xf32, #tpu.memory_space<vmem>>, vector<16xf32>,
      tpu.vector_store %arg8[%swap3A_128], %broadcast_in_dim3A_3 {strides = array<i32>} : memref<768xf32, #tpu.memory_space<vmem>>, vector<16xf32>,
      %get3A_130 = arith.constant 256 : index
      %get3A_131 = tpu.vector_load %arg5[%get3A_130] {strides = array<i32>} : memref<768xf32, #tpu.memory_space<vmem>>, vector<16xf32>,
      %abs3A_132 = math.absf %get3A_131 : vector<16xf32>
      %bitcast_convert_type3A_133 = tpu.bitcast %abs3A_132 : vector<16xf32> -> vector<16xi32>
      %swap3A_134 = arith.constant 256 : index
      %swap3A_135 = tpu.vector_load %arg7[%swap3A_134] {strides = array<i32>} : memref<768xi32, #tpu.memory_space<vmem>>, vector<16xi32>,
      tpu.vector_store %arg7[%swap3A_134], %bitcast_convert_type3A_133 {strides = array<i32>} : memref<768xi32, #tpu.memory_space<vmem>>, vector<16xi32>,
      %swap3A_136 = arith.constant 272 : index
      %swap3A_137 = tpu.vector_load %arg8[%swap3A_136] {strides = array<i32>} : memref<768xf32, #tpu.memory_space<vmem>>, vector<16xf32>,
      tpu.vector_store %arg8[%swap3A_136], %broadcast_in_dim3A_3 {strides = array<i32>} : memref<768xf32, #tpu.memory_space<vmem>>, vector<16xf32>,
      %get3A_138 = arith.constant 272 : index
      %get3A_139 = tpu.vector_load %arg5[%get3A_138] {strides = array<i32>} : memref<768xf32, #tpu.memory_space<vmem>>, vector<16xf32>,
      %abs3A_140 = math.absf %get3A_139 : vector<16xf32>
      %bitcast_convert_type3A_141 = tpu.bitcast %abs3A_140 : vector<16xf32> -> vector<16xi32>
      %swap3A_142 = arith.constant 272 : index
      %swap3A_143 = tpu.vector_load %arg7[%swap3A_142] {strides = array<i32>} : memref<768xi32, #tpu.memory_space<vmem>>, vector<16xi32>,
      tpu.vector_store %arg7[%swap3A_142], %bitcast_convert_type3A_141 {strides = array<i32>} : memref<768xi32, #tpu.memory_space<vmem>>, vector<16xi32>,
      %swap3A_144 = arith.constant 288 : index
      %swap3A_145 = tpu.vector_load %arg8[%swap3A_144] {strides = array<i32>} : memref<768xf32, #tpu.memory_space<vmem>>, vector<16xf32>,
      tpu.vector_store %arg8[%swap3A_144], %broadcast_in_dim3A_3 {strides = array<i32>} : memref<768xf32, #tpu.memory_space<vmem>>, vector<16xf32>,
      %get3A_146 = arith.constant 288 : index
      %get3A_147 = tpu.vector_load %arg5[%get3A_146] {strides = array<i32>} : memref<768xf32, #tpu.memory_space<vmem>>, vector<16xf32>,
      %abs3A_148 = math.absf %get3A_147 : vector<16xf32>
      %bitcast_convert_type3A_149 = tpu.bitcast %abs3A_148 : vector<16xf32> -> vector<16xi32>
      %swap3A_150 = arith.constant 288 : index
      %swap3A_151 = tpu.vector_load %arg7[%swap3A_150] {strides = array<i32>} : memref<768xi32, #tpu.memory_space<vmem>>, vector<16xi32>,
      tpu.vector_store %arg7[%swap3A_150], %bitcast_convert_type3A_149 {strides = array<i32>} : memref<768xi32, #tpu.memory_space<vmem>>, vector<16xi32>,
      %swap3A_152 = arith.constant 304 : index
      %swap3A_153 = tpu.vector_load %arg8[%swap3A_152] {strides = array<i32>} : memref<768xf32, #tpu.memory_space<vmem>>, vector<16xf32>,
      tpu.vector_store %arg8[%swap3A_152], %broadcast_in_dim3A_3 {strides = array<i32>} : memref<768xf32, #tpu.memory_space<vmem>>, vector<16xf32>,
      %get3A_154 = arith.constant 304 : index
      %get3A_155 = tpu.vector_load %arg5[%get3A_154] {strides = array<i32>} : memref<768xf32, #tpu.memory_space<vmem>>, vector<16xf32>,
      %abs3A_156 = math.absf %get3A_155 : vector<16xf32>
      %bitcast_convert_type3A_157 = tpu.bitcast %abs3A_156 : vector<16xf32> -> vector<16xi32>
      %swap3A_158 = arith.constant 304 : index
      %swap3A_159 = tpu.vector_load %arg7[%swap3A_158] {strides = array<i32>} : memref<768xi32, #tpu.memory_space<vmem>>, vector<16xi32>,
      tpu.vector_store %arg7[%swap3A_158], %bitcast_convert_type3A_157 {strides = array<i32>} : memref<768xi32, #tpu.memory_space<vmem>>, vector<16xi32>,
      %swap3A_160 = arith.constant 320 : index
      %swap3A_161 = tpu.vector_load %arg8[%swap3A_160] {strides = array<i32>} : memref<768xf32, #tpu.memory_space<vmem>>, vector<16xf32>,
      tpu.vector_store %arg8[%swap3A_160], %broadcast_in_dim3A_3 {strides = array<i32>} : memref<768xf32, #tpu.memory_space<vmem>>, vector<16xf32>,
      %get3A_162 = arith.constant 320 : index
      %get3A_163 = tpu.vector_load %arg5[%get3A_162] {strides = array<i32>} : memref<768xf32, #tpu.memory_space<vmem>>, vector<16xf32>,
      %abs3A_164 = math.absf %get3A_163 : vector<16xf32>
      %bitcast_convert_type3A_165 = tpu.bitcast %abs3A_164 : vector<16xf32> -> vector<16xi32>
      %swap3A_166 = arith.constant 320 : index
      %swap3A_167 = tpu.vector_load %arg7[%swap3A_166] {strides = array<i32>} : memref<768xi32, #tpu.memory_space<vmem>>, vector<16xi32>,
      tpu.vector_store %arg7[%swap3A_166], %bitcast_convert_type3A_165 {strides = array<i32>} : memref<768xi32, #tpu.memory_space<vmem>>, vector<16xi32>,
      %swap3A_168 = arith.constant 336 : index
      %swap3A_169 = tpu.vector_load %arg8[%swap3A_168] {strides = array<i32>} : memref<768xf32, #tpu.memory_space<vmem>>, vector<16xf32>,
      tpu.vector_store %arg8[%swap3A_168], %broadcast_in_dim3A_3 {strides = array<i32>} : memref<768xf32, #tpu.memory_space<vmem>>, vector<16xf32>,
      %get3A_170 = arith.constant 336 : index
      %get3A_171 = tpu.vector_load %arg5[%get3A_170] {strides = array<i32>} : memref<768xf32, #tpu.memory_space<vmem>>, vector<16xf32>,
      %abs3A_172 = math.absf %get3A_171 : vector<16xf32>
      %bitcast_convert_type3A_173 = tpu.bitcast %abs3A_172 : vector<16xf32> -> vector<16xi32>
      %swap3A_174 = arith.constant 336 : index
      %swap3A_175 = tpu.vector_load %arg7[%swap3A_174] {strides = array<i32>} : memref<768xi32, #tpu.memory_space<vmem>>, vector<16xi32>,
      tpu.vector_store %arg7[%swap3A_174], %bitcast_convert_type3A_173 {strides = array<i32>} : memref<768xi32, #tpu.memory_space<vmem>>, vector<16xi32>,
      %swap3A_176 = arith.constant 352 : index
      %swap3A_177 = tpu.vector_load %arg8[%swap3A_176] {strides = array<i32>} : memref<768xf32, #tpu.memory_space<vmem>>, vector<16xf32>,
      tpu.vector_store %arg8[%swap3A_176], %broadcast_in_dim3A_3 {strides = array<i32>} : memref<768xf32, #tpu.memory_space<vmem>>, vector<16xf32>,
      %get3A_178 = arith.constant 352 : index
      %get3A_179 = tpu.vector_load %arg5[%get3A_178] {strides = array<i32>} : memref<768xf32, #tpu.memory_space<vmem>>, vector<16xf32>,
      %abs3A_180 = math.absf %get3A_179 : vector<16xf32>
      %bitcast_convert_type3A_181 = tpu.bitcast %abs3A_180 : vector<16xf32> -> vector<16xi32>
      %swap3A_182 = arith.constant 352 : index
      %swap3A_183 = tpu.vector_load %arg7[%swap3A_182] {strides = array<i32>} : memref<768xi32, #tpu.memory_space<vmem>>, vector<16xi32>,
      tpu.vector_store %arg7[%swap3A_182], %bitcast_convert_type3A_181 {strides = array<i32>} : memref<768xi32, #tpu.memory_space<vmem>>, vector<16xi32>,
      %swap3A_184 = arith.constant 368 : index
      %swap3A_185 = tpu.vector_load %arg8[%swap3A_184] {strides = array<i32>} : memref<768xf32, #tpu.memory_space<vmem>>, vector<16xf32>,
      tpu.vector_store %arg8[%swap3A_184], %broadcast_in_dim3A_3 {strides = array<i32>} : memref<768xf32, #tpu.memory_space<vmem>>, vector<16xf32>,
      %get3A_186 = arith.constant 368 : index
      %get3A_187 = tpu.vector_load %arg5[%get3A_186] {strides = array<i32>} : memref<768xf32, #tpu.memory_space<vmem>>, vector<16xf32>,
      %abs3A_188 = math.absf %get3A_187 : vector<16xf32>
      %bitcast_convert_type3A_189 = tpu.bitcast %abs3A_188 : vector<16xf32> -> vector<16xi32>
      %swap3A_190 = arith.constant 368 : index
      %swap3A_191 = tpu.vector_load %arg7[%swap3A_190] {strides = array<i32>} : memref<768xi32, #tpu.memory_space<vmem>>, vector<16xi32>,
      tpu.vector_store %arg7[%swap3A_190], %bitcast_convert_type3A_189 {strides = array<i32>} : memref<768xi32, #tpu.memory_space<vmem>>, vector<16xi32>,
      %swap3A_192 = arith.constant 384 : index
      %swap3A_193 = tpu.vector_load %arg8[%swap3A_192] {strides = array<i32>} : memref<768xf32, #tpu.memory_space<vmem>>, vector<16xf32>,
      tpu.vector_store %arg8[%swap3A_192], %broadcast_in_dim3A_3 {strides = array<i32>} : memref<768xf32, #tpu.memory_space<vmem>>, vector<16xf32>,
      %get3A_194 = arith.constant 384 : index
      %get3A_195 = tpu.vector_load %arg5[%get3A_194] {strides = array<i32>} : memref<768xf32, #tpu.memory_space<vmem>>, vector<16xf32>,
      %abs3A_196 = math.absf %get3A_195 : vector<16xf32>
      %bitcast_convert_type3A_197 = tpu.bitcast %abs3A_196 : vector<16xf32> -> vector<16xi32>
      %swap3A_198 = arith.constant 384 : index
      %swap3A_199 = tpu.vector_load %arg7[%swap3A_198] {strides = array<i32>} : memref<768xi32, #tpu.memory_space<vmem>>, vector<16xi32>,
      tpu.vector_store %arg7[%swap3A_198], %bitcast_convert_type3A_197 {strides = array<i32>} : memref<768xi32, #tpu.memory_space<vmem>>, vector<16xi32>,
      %swap3A_200 = arith.constant 400 : index
      %swap3A_201 = tpu.vector_load %arg8[%swap3A_200] {strides = array<i32>} : memref<768xf32, #tpu.memory_space<vmem>>, vector<16xf32>,
      tpu.vector_store %arg8[%swap3A_200], %broadcast_in_dim3A_3 {strides = array<i32>} : memref<768xf32, #tpu.memory_space<vmem>>, vector<16xf32>,
      %get3A_202 = arith.constant 400 : index
      %get3A_203 = tpu.vector_load %arg5[%get3A_202] {strides = array<i32>} : memref<768xf32, #tpu.memory_space<vmem>>, vector<16xf32>,
      %abs3A_204 = math.absf %get3A_203 : vector<16xf32>
      %bitcast_convert_type3A_205 = tpu.bitcast %abs3A_204 : vector<16xf32> -> vector<16xi32>
      %swap3A_206 = arith.constant 400 : index
      %swap3A_207 = tpu.vector_load %arg7[%swap3A_206] {strides = array<i32>} : memref<768xi32, #tpu.memory_space<vmem>>, vector<16xi32>,
      tpu.vector_store %arg7[%swap3A_206], %bitcast_convert_type3A_205 {strides = array<i32>} : memref<768xi32, #tpu.memory_space<vmem>>, vector<16xi32>,
      %swap3A_208 = arith.constant 416 : index
      %swap3A_209 = tpu.vector_load %arg8[%swap3A_208] {strides = array<i32>} : memref<768xf32, #tpu.memory_space<vmem>>, vector<16xf32>,
      tpu.vector_store %arg8[%swap3A_208], %broadcast_in_dim3A_3 {strides = array<i32>} : memref<768xf32, #tpu.memory_space<vmem>>, vector<16xf32>,
      %get3A_210 = arith.constant 416 : index
      %get3A_211 = tpu.vector_load %arg5[%get3A_210] {strides = array<i32>} : memref<768xf32, #tpu.memory_space<vmem>>, vector<16xf32>,
      %abs3A_212 = math.absf %get3A_211 : vector<16xf32>
      %bitcast_convert_type3A_213 = tpu.bitcast %abs3A_212 : vector<16xf32> -> vector<16xi32>
      %swap3A_214 = arith.constant 416 : index
      %swap3A_215 = tpu.vector_load %arg7[%swap3A_214] {strides = array<i32>} : memref<768xi32, #tpu.memory_space<vmem>>, vector<16xi32>,
      tpu.vector_store %arg7[%swap3A_214], %bitcast_convert_type3A_213 {strides = array<i32>} : memref<768xi32, #tpu.memory_space<vmem>>, vector<16xi32>,
      %swap3A_216 = arith.constant 432 : index
      %swap3A_217 = tpu.vector_load %arg8[%swap3A_216] {strides = array<i32>} : memref<768xf32, #tpu.memory_space<vmem>>, vector<16xf32>,
      tpu.vector_store %arg8[%swap3A_216], %broadcast_in_dim3A_3 {strides = array<i32>} : memref<768xf32, #tpu.memory_space<vmem>>, vector<16xf32>,
      %get3A_218 = arith.constant 432 : index
      %get3A_219 = tpu.vector_load %arg5[%get3A_218] {strides = array<i32>} : memref<768xf32, #tpu.memory_space<vmem>>, vector<16xf32>,
      %abs3A_220 = math.absf %get3A_219 : vector<16xf32>
      %bitcast_convert_type3A_221 = tpu.bitcast %abs3A_220 : vector<16xf32> -> vector<16xi32>
      %swap3A_222 = arith.constant 432 : index
      %swap3A_223 = tpu.vector_load %arg7[%swap3A_222] {strides = array<i32>} : memref<768xi32, #tpu.memory_space<vmem>>, vector<16xi32>,
      tpu.vector_store %arg7[%swap3A_222], %bitcast_convert_type3A_221 {strides = array<i32>} : memref<768xi32, #tpu.memory_space<vmem>>, vector<16xi32>,
      %swap3A_224 = arith.constant 448 : index
      %swap3A_225 = tpu.vector_load %arg8[%swap3A_224] {strides = array<i32>} : memref<768xf32, #tpu.memory_space<vmem>>, vector<16xf32>,
      tpu.vector_store %arg8[%swap3A_224], %broadcast_in_dim3A_3 {strides = array<i32>} : memref<768xf32, #tpu.memory_space<vmem>>, vector<16xf32>,
      %get3A_226 = arith.constant 448 : index
      %get3A_227 = tpu.vector_load %arg5[%get3A_226] {strides = array<i32>} : memref<768xf32, #tpu.memory_space<vmem>>, vector<16xf32>,
      %abs3A_228 = math.absf %get3A_227 : vector<16xf32>
      %bitcast_convert_type3A_229 = tpu.bitcast %abs3A_228 : vector<16xf32> -> vector<16xi32>
      %swap3A_230 = arith.constant 448 : index
      %swap3A_231 = tpu.vector_load %arg7[%swap3A_230] {strides = array<i32>} : memref<768xi32, #tpu.memory_space<vmem>>, vector<16xi32>,
      tpu.vector_store %arg7[%swap3A_230], %bitcast_convert_type3A_229 {strides = array<i32>} : memref<768xi32, #tpu.memory_space<vmem>>, vector<16xi32>,
      %swap3A_232 = arith.constant 464 : index
      %swap3A_233 = tpu.vector_load %arg8[%swap3A_232] {strides = array<i32>} : memref<768xf32, #tpu.memory_space<vmem>>, vector<16xf32>,
      tpu.vector_store %arg8[%swap3A_232], %broadcast_in_dim3A_3 {strides = array<i32>} : memref<768xf32, #tpu.memory_space<vmem>>, vector<16xf32>,
      %get3A_234 = arith.constant 464 : index
      %get3A_235 = tpu.vector_load %arg5[%get3A_234] {strides = array<i32>} : memref<768xf32, #tpu.memory_space<vmem>>, vector<16xf32>,
      %abs3A_236 = math.absf %get3A_235 : vector<16xf32>
      %bitcast_convert_type3A_237 = tpu.bitcast %abs3A_236 : vector<16xf32> -> vector<16xi32>
      %swap3A_238 = arith.constant 464 : index
      %swap3A_239 = tpu.vector_load %arg7[%swap3A_238] {strides = array<i32>} : memref<768xi32, #tpu.memory_space<vmem>>, vector<16xi32>,
      tpu.vector_store %arg7[%swap3A_238], %bitcast_convert_type3A_237 {strides = array<i32>} : memref<768xi32, #tpu.memory_space<vmem>>, vector<16xi32>,
      %swap3A_240 = arith.constant 480 : index
      %swap3A_241 = tpu.vector_load %arg8[%swap3A_240] {strides = array<i32>} : memref<768xf32, #tpu.memory_space<vmem>>, vector<16xf32>,
      tpu.vector_store %arg8[%swap3A_240], %broadcast_in_dim3A_3 {strides = array<i32>} : memref<768xf32, #tpu.memory_space<vmem>>, vector<16xf32>,
      %get3A_242 = arith.constant 480 : index
      %get3A_243 = tpu.vector_load %arg5[%get3A_242] {strides = array<i32>} : memref<768xf32, #tpu.memory_space<vmem>>, vector<16xf32>,
      %abs3A_244 = math.absf %get3A_243 : vector<16xf32>
      %bitcast_convert_type3A_245 = tpu.bitcast %abs3A_244 : vector<16xf32> -> vector<16xi32>
      %swap3A_246 = arith.constant 480 : index
      %swap3A_247 = tpu.vector_load %arg7[%swap3A_246] {strides = array<i32>} : memref<768xi32, #tpu.memory_space<vmem>>, vector<16xi32>,
      tpu.vector_store %arg7[%swap3A_246], %bitcast_convert_type3A_245 {strides = array<i32>} : memref<768xi32, #tpu.memory_space<vmem>>, vector<16xi32>,
      %swap3A_248 = arith.constant 496 : index
      %swap3A_249 = tpu.vector_load %arg8[%swap3A_248] {strides = array<i32>} : memref<768xf32, #tpu.memory_space<vmem>>, vector<16xf32>,
      tpu.vector_store %arg8[%swap3A_248], %broadcast_in_dim3A_3 {strides = array<i32>} : memref<768xf32, #tpu.memory_space<vmem>>, vector<16xf32>,
      %get3A_250 = arith.constant 496 : index
      %get3A_251 = tpu.vector_load %arg5[%get3A_250] {strides = array<i32>} : memref<768xf32, #tpu.memory_space<vmem>>, vector<16xf32>,
      %abs3A_252 = math.absf %get3A_251 : vector<16xf32>
      %bitcast_convert_type3A_253 = tpu.bitcast %abs3A_252 : vector<16xf32> -> vector<16xi32>
      %swap3A_254 = arith.constant 496 : index
      %swap3A_255 = tpu.vector_load %arg7[%swap3A_254] {strides = array<i32>} : memref<768xi32, #tpu.memory_space<vmem>>, vector<16xi32>,
      tpu.vector_store %arg7[%swap3A_254], %bitcast_convert_type3A_253 {strides = array<i32>} : memref<768xi32, #tpu.memory_space<vmem>>, vector<16xi32>,
      %swap3A_256 = arith.constant 512 : index
      %swap3A_257 = tpu.vector_load %arg8[%swap3A_256] {strides = array<i32>} : memref<768xf32, #tpu.memory_space<vmem>>, vector<16xf32>,
      tpu.vector_store %arg8[%swap3A_256], %broadcast_in_dim3A_3 {strides = array<i32>} : memref<768xf32, #tpu.memory_space<vmem>>, vector<16xf32>,
      %get3A_258 = arith.constant 512 : index
      %get3A_259 = tpu.vector_load %arg5[%get3A_258] {strides = array<i32>} : memref<768xf32, #tpu.memory_space<vmem>>, vector<16xf32>,
      %abs3A_260 = math.absf %get3A_259 : vector<16xf32>
      %bitcast_convert_type3A_261 = tpu.bitcast %abs3A_260 : vector<16xf32> -> vector<16xi32>
      %swap3A_262 = arith.constant 512 : index
      %swap3A_263 = tpu.vector_load %arg7[%swap3A_262] {strides = array<i32>} : memref<768xi32, #tpu.memory_space<vmem>>, vector<16xi32>,
      tpu.vector_store %arg7[%swap3A_262], %bitcast_convert_type3A_261 {strides = array<i32>} : memref<768xi32, #tpu.memory_space<vmem>>, vector<16xi32>,
      %swap3A_264 = arith.constant 528 : index
      %swap3A_265 = tpu.vector_load %arg8[%swap3A_264] {strides = array<i32>} : memref<768xf32, #tpu.memory_space<vmem>>, vector<16xf32>,
      tpu.vector_store %arg8[%swap3A_264], %broadcast_in_dim3A_3 {strides = array<i32>} : memref<768xf32, #tpu.memory_space<vmem>>, vector<16xf32>,
      %get3A_266 = arith.constant 528 : index
      %get3A_267 = tpu.vector_load %arg5[%get3A_266] {strides = array<i32>} : memref<768xf32, #tpu.memory_space<vmem>>, vector<16xf32>,
      %abs3A_268 = math.absf %get3A_267 : vector<16xf32>
      %bitcast_convert_type3A_269 = tpu.bitcast %abs3A_268 : vector<16xf32> -> vector<16xi32>
      %swap3A_270 = arith.constant 528 : index
      %swap3A_271 = tpu.vector_load %arg7[%swap3A_270] {strides = array<i32>} : memref<768xi32, #tpu.memory_space<vmem>>, vector<16xi32>,
      tpu.vector_store %arg7[%swap3A_270], %bitcast_convert_type3A_269 {strides = array<i32>} : memref<768xi32, #tpu.memory_space<vmem>>, vector<16xi32>,
      %swap3A_272 = arith.constant 544 : index
      %swap3A_273 = tpu.vector_load %arg8[%swap3A_272] {strides = array<i32>} : memref<768xf32, #tpu.memory_space<vmem>>, vector<16xf32>,
      tpu.vector_store %arg8[%swap3A_272], %broadcast_in_dim3A_3 {strides = array<i32>} : memref<768xf32, #tpu.memory_space<vmem>>, vector<16xf32>,
      %get3A_274 = arith.constant 544 : index
      %get3A_275 = tpu.vector_load %arg5[%get3A_274] {strides = array<i32>} : memref<768xf32, #tpu.memory_space<vmem>>, vector<16xf32>,
      %abs3A_276 = math.absf %get3A_275 : vector<16xf32>
      %bitcast_convert_type3A_277 = tpu.bitcast %abs3A_276 : vector<16xf32> -> vector<16xi32>
      %swap3A_278 = arith.constant 544 : index
      %swap3A_279 = tpu.vector_load %arg7[%swap3A_278] {strides = array<i32>} : memref<768xi32, #tpu.memory_space<vmem>>, vector<16xi32>,
      tpu.vector_store %arg7[%swap3A_278], %bitcast_convert_type3A_277 {strides = array<i32>} : memref<768xi32, #tpu.memory_space<vmem>>, vector<16xi32>,
      %swap3A_280 = arith.constant 560 : index
      %swap3A_281 = tpu.vector_load %arg8[%swap3A_280] {strides = array<i32>} : memref<768xf32, #tpu.memory_space<vmem>>, vector<16xf32>,
      tpu.vector_store %arg8[%swap3A_280], %broadcast_in_dim3A_3 {strides = array<i32>} : memref<768xf32, #tpu.memory_space<vmem>>, vector<16xf32>,
      %get3A_282 = arith.constant 560 : index
      %get3A_283 = tpu.vector_load %arg5[%get3A_282] {strides = array<i32>} : memref<768xf32, #tpu.memory_space<vmem>>, vector<16xf32>,
      %abs3A_284 = math.absf %get3A_283 : vector<16xf32>
      %bitcast_convert_type3A_285 = tpu.bitcast %abs3A_284 : vector<16xf32> -> vector<16xi32>
      %swap3A_286 = arith.constant 560 : index
      %swap3A_287 = tpu.vector_load %arg7[%swap3A_286] {strides = array<i32>} : memref<768xi32, #tpu.memory_space<vmem>>, vector<16xi32>,
      tpu.vector_store %arg7[%swap3A_286], %bitcast_convert_type3A_285 {strides = array<i32>} : memref<768xi32, #tpu.memory_space<vmem>>, vector<16xi32>,
      %swap3A_288 = arith.constant 576 : index
      %swap3A_289 = tpu.vector_load %arg8[%swap3A_288] {strides = array<i32>} : memref<768xf32, #tpu.memory_space<vmem>>, vector<16xf32>,
      tpu.vector_store %arg8[%swap3A_288], %broadcast_in_dim3A_3 {strides = array<i32>} : memref<768xf32, #tpu.memory_space<vmem>>, vector<16xf32>,
      %get3A_290 = arith.constant 576 : index
      %get3A_291 = tpu.vector_load %arg5[%get3A_290] {strides = array<i32>} : memref<768xf32, #tpu.memory_space<vmem>>, vector<16xf32>,
      %abs3A_292 = math.absf %get3A_291 : vector<16xf32>
      %bitcast_convert_type3A_293 = tpu.bitcast %abs3A_292 : vector<16xf32> -> vector<16xi32>
      %swap3A_294 = arith.constant 576 : index
      %swap3A_295 = tpu.vector_load %arg7[%swap3A_294] {strides = array<i32>} : memref<768xi32, #tpu.memory_space<vmem>>, vector<16xi32>,
      tpu.vector_store %arg7[%swap3A_294], %bitcast_convert_type3A_293 {strides = array<i32>} : memref<768xi32, #tpu.memory_space<vmem>>, vector<16xi32>,
      %swap3A_296 = arith.constant 592 : index
      %swap3A_297 = tpu.vector_load %arg8[%swap3A_296] {strides = array<i32>} : memref<768xf32, #tpu.memory_space<vmem>>, vector<16xf32>,
      tpu.vector_store %arg8[%swap3A_296], %broadcast_in_dim3A_3 {strides = array<i32>} : memref<768xf32, #tpu.memory_space<vmem>>, vector<16xf32>,
      %get3A_298 = arith.constant 592 : index
      %get3A_299 = tpu.vector_load %arg5[%get3A_298] {strides = array<i32>} : memref<768xf32, #tpu.memory_space<vmem>>, vector<16xf32>,
      %abs3A_300 = math.absf %get3A_299 : vector<16xf32>
      %bitcast_convert_type3A_301 = tpu.bitcast %abs3A_300 : vector<16xf32> -> vector<16xi32>
      %swap3A_302 = arith.constant 592 : index
      %swap3A_303 = tpu.vector_load %arg7[%swap3A_302] {strides = array<i32>} : memref<768xi32, #tpu.memory_space<vmem>>, vector<16xi32>,
      tpu.vector_store %arg7[%swap3A_302], %bitcast_convert_type3A_301 {strides = array<i32>} : memref<768xi32, #tpu.memory_space<vmem>>, vector<16xi32>,
      %swap3A_304 = arith.constant 608 : index
      %swap3A_305 = tpu.vector_load %arg8[%swap3A_304] {strides = array<i32>} : memref<768xf32, #tpu.memory_space<vmem>>, vector<16xf32>,
      tpu.vector_store %arg8[%swap3A_304], %broadcast_in_dim3A_3 {strides = array<i32>} : memref<768xf32, #tpu.memory_space<vmem>>, vector<16xf32>,
      %get3A_306 = arith.constant 608 : index
      %get3A_307 = tpu.vector_load %arg5[%get3A_306] {strides = array<i32>} : memref<768xf32, #tpu.memory_space<vmem>>, vector<16xf32>,
      %abs3A_308 = math.absf %get3A_307 : vector<16xf32>
      %bitcast_convert_type3A_309 = tpu.bitcast %abs3A_308 : vector<16xf32> -> vector<16xi32>
      %swap3A_310 = arith.constant 608 : index
      %swap3A_311 = tpu.vector_load %arg7[%swap3A_310] {strides = array<i32>} : memref<768xi32, #tpu.memory_space<vmem>>, vector<16xi32>,
      tpu.vector_store %arg7[%swap3A_310], %bitcast_convert_type3A_309 {strides = array<i32>} : memref<768xi32, #tpu.memory_space<vmem>>, vector<16xi32>,
      %swap3A_312 = arith.constant 624 : index
      %swap3A_313 = tpu.vector_load %arg8[%swap3A_312] {strides = array<i32>} : memref<768xf32, #tpu.memory_space<vmem>>, vector<16xf32>,
      tpu.vector_store %arg8[%swap3A_312], %broadcast_in_dim3A_3 {strides = array<i32>} : memref<768xf32, #tpu.memory_space<vmem>>, vector<16xf32>,
      %get3A_314 = arith.constant 624 : index
      %get3A_315 = tpu.vector_load %arg5[%get3A_314] {strides = array<i32>} : memref<768xf32, #tpu.memory_space<vmem>>, vector<16xf32>,
      %abs3A_316 = math.absf %get3A_315 : vector<16xf32>
      %bitcast_convert_type3A_317 = tpu.bitcast %abs3A_316 : vector<16xf32> -> vector<16xi32>
      %swap3A_318 = arith.constant 624 : index
      %swap3A_319 = tpu.vector_load %arg7[%swap3A_318] {strides = array<i32>} : memref<768xi32, #tpu.memory_space<vmem>>, vector<16xi32>,
      tpu.vector_store %arg7[%swap3A_318], %bitcast_convert_type3A_317 {strides = array<i32>} : memref<768xi32, #tpu.memory_space<vmem>>, vector<16xi32>,
      %swap3A_320 = arith.constant 640 : index
      %swap3A_321 = tpu.vector_load %arg8[%swap3A_320] {strides = array<i32>} : memref<768xf32, #tpu.memory_space<vmem>>, vector<16xf32>,
      tpu.vector_store %arg8[%swap3A_320], %broadcast_in_dim3A_3 {strides = array<i32>} : memref<768xf32, #tpu.memory_space<vmem>>, vector<16xf32>,
      %get3A_322 = arith.constant 640 : index
      %get3A_323 = tpu.vector_load %arg5[%get3A_322] {strides = array<i32>} : memref<768xf32, #tpu.memory_space<vmem>>, vector<16xf32>,
      %abs3A_324 = math.absf %get3A_323 : vector<16xf32>
      %bitcast_convert_type3A_325 = tpu.bitcast %abs3A_324 : vector<16xf32> -> vector<16xi32>
      %swap3A_326 = arith.constant 640 : index
      %swap3A_327 = tpu.vector_load %arg7[%swap3A_326] {strides = array<i32>} : memref<768xi32, #tpu.memory_space<vmem>>, vector<16xi32>,
      tpu.vector_store %arg7[%swap3A_326], %bitcast_convert_type3A_325 {strides = array<i32>} : memref<768xi32, #tpu.memory_space<vmem>>, vector<16xi32>,
      %swap3A_328 = arith.constant 656 : index
      %swap3A_329 = tpu.vector_load %arg8[%swap3A_328] {strides = array<i32>} : memref<768xf32, #tpu.memory_space<vmem>>, vector<16xf32>,
      tpu.vector_store %arg8[%swap3A_328], %broadcast_in_dim3A_3 {strides = array<i32>} : memref<768xf32, #tpu.memory_space<vmem>>, vector<16xf32>,
      %get3A_330 = arith.constant 656 : index
      %get3A_331 = tpu.vector_load %arg5[%get3A_330] {strides = array<i32>} : memref<768xf32, #tpu.memory_space<vmem>>, vector<16xf32>,
      %abs3A_332 = math.absf %get3A_331 : vector<16xf32>
      %bitcast_convert_type3A_333 = tpu.bitcast %abs3A_332 : vector<16xf32> -> vector<16xi32>
      %swap3A_334 = arith.constant 656 : index
      %swap3A_335 = tpu.vector_load %arg7[%swap3A_334] {strides = array<i32>} : memref<768xi32, #tpu.memory_space<vmem>>, vector<16xi32>,
      tpu.vector_store %arg7[%swap3A_334], %bitcast_convert_type3A_333 {strides = array<i32>} : memref<768xi32, #tpu.memory_space<vmem>>, vector<16xi32>,
      %swap3A_336 = arith.constant 672 : index
      %swap3A_337 = tpu.vector_load %arg8[%swap3A_336] {strides = array<i32>} : memref<768xf32, #tpu.memory_space<vmem>>, vector<16xf32>,
      tpu.vector_store %arg8[%swap3A_336], %broadcast_in_dim3A_3 {strides = array<i32>} : memref<768xf32, #tpu.memory_space<vmem>>, vector<16xf32>,
      %get3A_338 = arith.constant 672 : index
      %get3A_339 = tpu.vector_load %arg5[%get3A_338] {strides = array<i32>} : memref<768xf32, #tpu.memory_space<vmem>>, vector<16xf32>,
      %abs3A_340 = math.absf %get3A_339 : vector<16xf32>
      %bitcast_convert_type3A_341 = tpu.bitcast %abs3A_340 : vector<16xf32> -> vector<16xi32>
      %swap3A_342 = arith.constant 672 : index
      %swap3A_343 = tpu.vector_load %arg7[%swap3A_342] {strides = array<i32>} : memref<768xi32, #tpu.memory_space<vmem>>, vector<16xi32>,
      tpu.vector_store %arg7[%swap3A_342], %bitcast_convert_type3A_341 {strides = array<i32>} : memref<768xi32, #tpu.memory_space<vmem>>, vector<16xi32>,
      %swap3A_344 = arith.constant 688 : index
      %swap3A_345 = tpu.vector_load %arg8[%swap3A_344] {strides = array<i32>} : memref<768xf32, #tpu.memory_space<vmem>>, vector<16xf32>,
      tpu.vector_store %arg8[%swap3A_344], %broadcast_in_dim3A_3 {strides = array<i32>} : memref<768xf32, #tpu.memory_space<vmem>>, vector<16xf32>,
      %get3A_346 = arith.constant 688 : index
      %get3A_347 = tpu.vector_load %arg5[%get3A_346] {strides = array<i32>} : memref<768xf32, #tpu.memory_space<vmem>>, vector<16xf32>,
      %abs3A_348 = math.absf %get3A_347 : vector<16xf32>
      %bitcast_convert_type3A_349 = tpu.bitcast %abs3A_348 : vector<16xf32> -> vector<16xi32>
      %swap3A_350 = arith.constant 688 : index
      %swap3A_351 = tpu.vector_load %arg7[%swap3A_350] {strides = array<i32>} : memref<768xi32, #tpu.memory_space<vmem>>, vector<16xi32>,
      tpu.vector_store %arg7[%swap3A_350], %bitcast_convert_type3A_349 {strides = array<i32>} : memref<768xi32, #tpu.memory_space<vmem>>, vector<16xi32>,
      %swap3A_352 = arith.constant 704 : index
      %swap3A_353 = tpu.vector_load %arg8[%swap3A_352] {strides = array<i32>} : memref<768xf32, #tpu.memory_space<vmem>>, vector<16xf32>,
      tpu.vector_store %arg8[%swap3A_352], %broadcast_in_dim3A_3 {strides = array<i32>} : memref<768xf32, #tpu.memory_space<vmem>>, vector<16xf32>,
      %get3A_354 = arith.constant 704 : index
      %get3A_355 = tpu.vector_load %arg5[%get3A_354] {strides = array<i32>} : memref<768xf32, #tpu.memory_space<vmem>>, vector<16xf32>,
      %abs3A_356 = math.absf %get3A_355 : vector<16xf32>
      %bitcast_convert_type3A_357 = tpu.bitcast %abs3A_356 : vector<16xf32> -> vector<16xi32>
      %swap3A_358 = arith.constant 704 : index
      %swap3A_359 = tpu.vector_load %arg7[%swap3A_358] {strides = array<i32>} : memref<768xi32, #tpu.memory_space<vmem>>, vector<16xi32>,
      tpu.vector_store %arg7[%swap3A_358], %bitcast_convert_type3A_357 {strides = array<i32>} : memref<768xi32, #tpu.memory_space<vmem>>, vector<16xi32>,
      %swap3A_360 = arith.constant 720 : index
      %swap3A_361 = tpu.vector_load %arg8[%swap3A_360] {strides = array<i32>} : memref<768xf32, #tpu.memory_space<vmem>>, vector<16xf32>,
      tpu.vector_store %arg8[%swap3A_360], %broadcast_in_dim3A_3 {strides = array<i32>} : memref<768xf32, #tpu.memory_space<vmem>>, vector<16xf32>,
      %get3A_362 = arith.constant 720 : index
      %get3A_363 = tpu.vector_load %arg5[%get3A_362] {strides = array<i32>} : memref<768xf32, #tpu.memory_space<vmem>>, vector<16xf32>,
      %abs3A_364 = math.absf %get3A_363 : vector<16xf32>
      %bitcast_convert_type3A_365 = tpu.bitcast %abs3A_364 : vector<16xf32> -> vector<16xi32>
      %swap3A_366 = arith.constant 720 : index
      %swap3A_367 = tpu.vector_load %arg7[%swap3A_366] {strides = array<i32>} : memref<768xi32, #tpu.memory_space<vmem>>, vector<16xi32>,
      tpu.vector_store %arg7[%swap3A_366], %bitcast_convert_type3A_365 {strides = array<i32>} : memref<768xi32, #tpu.memory_space<vmem>>, vector<16xi32>,
      %swap3A_368 = arith.constant 736 : index
      %swap3A_369 = tpu.vector_load %arg8[%swap3A_368] {strides = array<i32>} : memref<768xf32, #tpu.memory_space<vmem>>, vector<16xf32>,
      tpu.vector_store %arg8[%swap3A_368], %broadcast_in_dim3A_3 {strides = array<i32>} : memref<768xf32, #tpu.memory_space<vmem>>, vector<16xf32>,
      %get3A_370 = arith.constant 736 : index
      %get3A_371 = tpu.vector_load %arg5[%get3A_370] {strides = array<i32>} : memref<768xf32, #tpu.memory_space<vmem>>, vector<16xf32>,
      %abs3A_372 = math.absf %get3A_371 : vector<16xf32>
      %bitcast_convert_type3A_373 = tpu.bitcast %abs3A_372 : vector<16xf32> -> vector<16xi32>
      %swap3A_374 = arith.constant 736 : index
      %swap3A_375 = tpu.vector_load %arg7[%swap3A_374] {strides = array<i32>} : memref<768xi32, #tpu.memory_space<vmem>>, vector<16xi32>,
      tpu.vector_store %arg7[%swap3A_374], %bitcast_convert_type3A_373 {strides = array<i32>} : memref<768xi32, #tpu.memory_space<vmem>>, vector<16xi32>,
      %swap3A_376 = arith.constant 752 : index
      %swap3A_377 = tpu.vector_load %arg8[%swap3A_376] {strides = array<i32>} : memref<768xf32, #tpu.memory_space<vmem>>, vector<16xf32>,
      tpu.vector_store %arg8[%swap3A_376], %broadcast_in_dim3A_3 {strides = array<i32>} : memref<768xf32, #tpu.memory_space<vmem>>, vector<16xf32>,
      %get3A_378 = arith.constant 752 : index
      %get3A_379 = tpu.vector_load %arg5[%get3A_378] {strides = array<i32>} : memref<768xf32, #tpu.memory_space<vmem>>, vector<16xf32>,
      %abs3A_380 = math.absf %get3A_379 : vector<16xf32>
      %bitcast_convert_type3A_381 = tpu.bitcast %abs3A_380 : vector<16xf32> -> vector<16xi32>
      %swap3A_382 = arith.constant 752 : index
      %swap3A_383 = tpu.vector_load %arg7[%swap3A_382] {strides = array<i32>} : memref<768xi32, #tpu.memory_space<vmem>>, vector<16xi32>,
      tpu.vector_store %arg7[%swap3A_382], %bitcast_convert_type3A_381 {strides = array<i32>} : memref<768xi32, #tpu.memory_space<vmem>>, vector<16xi32>,
      %get3A_384 = arith.constant 0 : index
      %get3A_385 = tpu.vector_load %arg7[%get3A_384] {strides = array<i32>} : memref<768xi32, #tpu.memory_space<vmem>>, vector<16xi32>,
      %get3A_386 = arith.constant 16 : index
      %get3A_387 = tpu.vector_load %arg7[%get3A_386] {strides = array<i32>} : memref<768xi32, #tpu.memory_space<vmem>>, vector<16xi32>,
      %get3A_388 = arith.constant 32 : index
      %get3A_389 = tpu.vector_load %arg7[%get3A_388] {strides = array<i32>} : memref<768xi32, #tpu.memory_space<vmem>>, vector<16xi32>,
      %get3A_390 = arith.constant 48 : index
      %get3A_391 = tpu.vector_load %arg7[%get3A_390] {strides = array<i32>} : memref<768xi32, #tpu.memory_space<vmem>>, vector<16xi32>,
      %get3A_392 = arith.constant 64 : index
      %get3A_393 = tpu.vector_load %arg7[%get3A_392] {strides = array<i32>} : memref<768xi32, #tpu.memory_space<vmem>>, vector<16xi32>,
      %get3A_394 = arith.constant 80 : index
      %get3A_395 = tpu.vector_load %arg7[%get3A_394] {strides = array<i32>} : memref<768xi32, #tpu.memory_space<vmem>>, vector<16xi32>,
      %get3A_396 = arith.constant 96 : index
      %get3A_397 = tpu.vector_load %arg7[%get3A_396] {strides = array<i32>} : memref<768xi32, #tpu.memory_space<vmem>>, vector<16xi32>,
      %get3A_398 = arith.constant 112 : index
      %get3A_399 = tpu.vector_load %arg7[%get3A_398] {strides = array<i32>} : memref<768xi32, #tpu.memory_space<vmem>>, vector<16xi32>,
      %get3A_400 = arith.constant 128 : index
      %get3A_401 = tpu.vector_load %arg7[%get3A_400] {strides = array<i32>} : memref<768xi32, #tpu.memory_space<vmem>>, vector<16xi32>,
      %get3A_402 = arith.constant 144 : index
      %get3A_403 = tpu.vector_load %arg7[%get3A_402] {strides = array<i32>} : memref<768xi32, #tpu.memory_space<vmem>>, vector<16xi32>,
      %get3A_404 = arith.constant 160 : index
      %get3A_405 = tpu.vector_load %arg7[%get3A_404] {strides = array<i32>} : memref<768xi32, #tpu.memory_space<vmem>>, vector<16xi32>,
      %get3A_406 = arith.constant 176 : index
      %get3A_407 = tpu.vector_load %arg7[%get3A_406] {strides = array<i32>} : memref<768xi32, #tpu.memory_space<vmem>>, vector<16xi32>,
      %get3A_408 = arith.constant 192 : index
      %get3A_409 = tpu.vector_load %arg7[%get3A_408] {strides = array<i32>} : memref<768xi32, #tpu.memory_space<vmem>>, vector<16xi32>,
      %get3A_410 = arith.constant 208 : index
      %get3A_411 = tpu.vector_load %arg7[%get3A_410] {strides = array<i32>} : memref<768xi32, #tpu.memory_space<vmem>>, vector<16xi32>,
      %get3A_412 = arith.constant 224 : index
      %get3A_413 = tpu.vector_load %arg7[%get3A_412] {strides = array<i32>} : memref<768xi32, #tpu.memory_space<vmem>>, vector<16xi32>,
      %get3A_414 = arith.constant 240 : index
      %get3A_415 = tpu.vector_load %arg7[%get3A_414] {strides = array<i32>} : memref<768xi32, #tpu.memory_space<vmem>>, vector<16xi32>,
      %get3A_416 = arith.constant 256 : index
      %get3A_417 = tpu.vector_load %arg7[%get3A_416] {strides = array<i32>} : memref<768xi32, #tpu.memory_space<vmem>>, vector<16xi32>,
      %get3A_418 = arith.constant 272 : index
      %get3A_419 = tpu.vector_load %arg7[%get3A_418] {strides = array<i32>} : memref<768xi32, #tpu.memory_space<vmem>>, vector<16xi32>,
      %get3A_420 = arith.constant 288 : index
      %get3A_421 = tpu.vector_load %arg7[%get3A_420] {strides = array<i32>} : memref<768xi32, #tpu.memory_space<vmem>>, vector<16xi32>,
      %get3A_422 = arith.constant 304 : index
      %get3A_423 = tpu.vector_load %arg7[%get3A_422] {strides = array<i32>} : memref<768xi32, #tpu.memory_space<vmem>>, vector<16xi32>,
      %get3A_424 = arith.constant 320 : index
      %get3A_425 = tpu.vector_load %arg7[%get3A_424] {strides = array<i32>} : memref<768xi32, #tpu.memory_space<vmem>>, vector<16xi32>,
      %get3A_426 = arith.constant 336 : index
      %get3A_427 = tpu.vector_load %arg7[%get3A_426] {strides = array<i32>} : memref<768xi32, #tpu.memory_space<vmem>>, vector<16xi32>,
      %get3A_428 = arith.constant 352 : index
      %get3A_429 = tpu.vector_load %arg7[%get3A_428] {strides = array<i32>} : memref<768xi32, #tpu.memory_space<vmem>>, vector<16xi32>,
      %get3A_430 = arith.constant 368 : index
      %get3A_431 = tpu.vector_load %arg7[%get3A_430] {strides = array<i32>} : memref<768xi32, #tpu.memory_space<vmem>>, vector<16xi32>,
      %get3A_432 = arith.constant 384 : index
      %get3A_433 = tpu.vector_load %arg7[%get3A_432] {strides = array<i32>} : memref<768xi32, #tpu.memory_space<vmem>>, vector<16xi32>,
      %get3A_434 = arith.constant 400 : index
      %get3A_435 = tpu.vector_load %arg7[%get3A_434] {strides = array<i32>} : memref<768xi32, #tpu.memory_space<vmem>>, vector<16xi32>,
      %get3A_436 = arith.constant 416 : index
      %get3A_437 = tpu.vector_load %arg7[%get3A_436] {strides = array<i32>} : memref<768xi32, #tpu.memory_space<vmem>>, vector<16xi32>,
      %get3A_438 = arith.constant 432 : index
      %get3A_439 = tpu.vector_load %arg7[%get3A_438] {strides = array<i32>} : memref<768xi32, #tpu.memory_space<vmem>>, vector<16xi32>,
      %get3A_440 = arith.constant 448 : index
      %get3A_441 = tpu.vector_load %arg7[%get3A_440] {strides = array<i32>} : memref<768xi32, #tpu.memory_space<vmem>>, vector<16xi32>,
      %get3A_442 = arith.constant 464 : index
      %get3A_443 = tpu.vector_load %arg7[%get3A_442] {strides = array<i32>} : memref<768xi32, #tpu.memory_space<vmem>>, vector<16xi32>,
      %get3A_444 = arith.constant 480 : index
      %get3A_445 = tpu.vector_load %arg7[%get3A_444] {strides = array<i32>} : memref<768xi32, #tpu.memory_space<vmem>>, vector<16xi32>,
      %get3A_446 = arith.constant 496 : index
      %get3A_447 = tpu.vector_load %arg7[%get3A_446] {strides = array<i32>} : memref<768xi32, #tpu.memory_space<vmem>>, vector<16xi32>,
      %get3A_448 = arith.constant 512 : index
      %get3A_449 = tpu.vector_load %arg7[%get3A_448] {strides = array<i32>} : memref<768xi32, #tpu.memory_space<vmem>>, vector<16xi32>,
      %get3A_450 = arith.constant 528 : index
      %get3A_451 = tpu.vector_load %arg7[%get3A_450] {strides = array<i32>} : memref<768xi32, #tpu.memory_space<vmem>>, vector<16xi32>,
      %get3A_452 = arith.constant 544 : index
      %get3A_453 = tpu.vector_load %arg7[%get3A_452] {strides = array<i32>} : memref<768xi32, #tpu.memory_space<vmem>>, vector<16xi32>,
      %get3A_454 = arith.constant 560 : index
      %get3A_455 = tpu.vector_load %arg7[%get3A_454] {strides = array<i32>} : memref<768xi32, #tpu.memory_space<vmem>>, vector<16xi32>,
      %get3A_456 = arith.constant 576 : index
      %get3A_457 = tpu.vector_load %arg7[%get3A_456] {strides = array<i32>} : memref<768xi32, #tpu.memory_space<vmem>>, vector<16xi32>,
      %get3A_458 = arith.constant 592 : index
      %get3A_459 = tpu.vector_load %arg7[%get3A_458] {strides = array<i32>} : memref<768xi32, #tpu.memory_space<vmem>>, vector<16xi32>,
      %get3A_460 = arith.constant 608 : index
      %get3A_461 = tpu.vector_load %arg7[%get3A_460] {strides = array<i32>} : memref<768xi32, #tpu.memory_space<vmem>>, vector<16xi32>,
      %get3A_462 = arith.constant 624 : index
      %get3A_463 = tpu.vector_load %arg7[%get3A_462] {strides = array<i32>} : memref<768xi32, #tpu.memory_space<vmem>>, vector<16xi32>,
      %get3A_464 = arith.constant 640 : index
      %get3A_465 = tpu.vector_load %arg7[%get3A_464] {strides = array<i32>} : memref<768xi32, #tpu.memory_space<vmem>>, vector<16xi32>,
      %get3A_466 = arith.constant 656 : index
      %get3A_467 = tpu.vector_load %arg7[%get3A_466] {strides = array<i32>} : memref<768xi32, #tpu.memory_space<vmem>>, vector<16xi32>,
      %get3A_468 = arith.constant 672 : index
      %get3A_469 = tpu.vector_load %arg7[%get3A_468] {strides = array<i32>} : memref<768xi32, #tpu.memory_space<vmem>>, vector<16xi32>,
      %get3A_470 = arith.constant 688 : index
      %get3A_471 = tpu.vector_load %arg7[%get3A_470] {strides = array<i32>} : memref<768xi32, #tpu.memory_space<vmem>>, vector<16xi32>,
      %get3A_472 = arith.constant 704 : index
      %get3A_473 = tpu.vector_load %arg7[%get3A_472] {strides = array<i32>} : memref<768xi32, #tpu.memory_space<vmem>>, vector<16xi32>,
      %get3A_474 = arith.constant 720 : index
      %get3A_475 = tpu.vector_load %arg7[%get3A_474] {strides = array<i32>} : memref<768xi32, #tpu.memory_space<vmem>>, vector<16xi32>,
      %get3A_476 = arith.constant 736 : index
      %get3A_477 = tpu.vector_load %arg7[%get3A_476] {strides = array<i32>} : memref<768xi32, #tpu.memory_space<vmem>>, vector<16xi32>,
      %get3A_478 = arith.constant 752 : index
      %get3A_479 = tpu.vector_load %arg7[%get3A_478] {strides = array<i32>} : memref<768xi32, #tpu.memory_space<vmem>>, vector<16xi32>,
      %broadcast_in_dim3A_480 = arith.constant 0 : i32
      %broadcast_in_dim3A_481 = vector.broadcast %broadcast_in_dim3A_480 : i32 to vector<16xi32>
      %broadcast_in_dim3A_482 = arith.constant 1 : i32
      %broadcast_in_dim3A_483 = vector.broadcast %broadcast_in_dim3A_482 : i32 to vector<16xi32>
      %iota3A = tpu.iota {dimensions = array<i32: 0>} : vector<16xi32>
      %broadcast_in_dim3A_484 = arith.constant 0 : i32
      %broadcast_in_dim3A_485 = vector.broadcast %broadcast_in_dim3A_484 : i32 to vector<16xi32>
      %scan3A = arith.constant 0 : i32
      %scan3A_486 = arith.constant 31 : i32
      %scan3A_487 = arith.addi %scan3A, %scan3A_486 : i32
      %scan3A_488 = arith.constant 1 : i32
      %scan3A_489 = scf.for %scan3A_1175 = %scan3A to %scan3A_487 step %scan3A_488 iter_args(%scan3A_1176 = %broadcast_in_dim3A_485) -> (vector<16xi32>)  : i32 {
        %sub3A = arith.constant 30 : i32
        %sub3A_1177 = arith.subi %sub3A, %scan3A_1175 : i32
        %shift_left3A = arith.constant 1 : i32
        %shift_left3A_1178 = arith.shli %shift_left3A, %sub3A_1177 : i32
        %or3A_1179 = vector.broadcast %shift_left3A_1178 : i32 to vector<16xi32>
        %or3A_1180 = arith.ori %scan3A_1176, %or3A_1179 : vector<16xi32>
        %ge3A_1181 = arith.cmpi sge, %get3A_385, %or3A_1180 : vector<16xi32>
        %select_n3A_1182 = arith.select %ge3A_1181, %broadcast_in_dim3A_483, %broadcast_in_dim3A_481 : vector<16xi1>, vector<16xi32>
        %add3A_1183 = arith.addi %broadcast_in_dim3A_481, %select_n3A_1182 : vector<16xi32>
        %ge3A_1184 = arith.cmpi sge, %get3A_387, %or3A_1180 : vector<16xi32>
        %select_n3A_1185 = arith.select %ge3A_1184, %broadcast_in_dim3A_483, %broadcast_in_dim3A_481 : vector<16xi1>, vector<16xi32>
        %add3A_1186 = arith.addi %broadcast_in_dim3A_481, %select_n3A_1185 : vector<16xi32>
        %ge3A_1187 = arith.cmpi sge, %get3A_389, %or3A_1180 : vector<16xi32>
        %select_n3A_1188 = arith.select %ge3A_1187, %broadcast_in_dim3A_483, %broadcast_in_dim3A_481 : vector<16xi1>, vector<16xi32>
        %add3A_1189 = arith.addi %broadcast_in_dim3A_481, %select_n3A_1188 : vector<16xi32>
        %ge3A_1190 = arith.cmpi sge, %get3A_391, %or3A_1180 : vector<16xi32>
        %select_n3A_1191 = arith.select %ge3A_1190, %broadcast_in_dim3A_483, %broadcast_in_dim3A_481 : vector<16xi1>, vector<16xi32>
        %add3A_1192 = arith.addi %broadcast_in_dim3A_481, %select_n3A_1191 : vector<16xi32>
        %ge3A_1193 = arith.cmpi sge, %get3A_393, %or3A_1180 : vector<16xi32>
        %select_n3A_1194 = arith.select %ge3A_1193, %broadcast_in_dim3A_483, %broadcast_in_dim3A_481 : vector<16xi1>, vector<16xi32>
        %add3A_1195 = arith.addi %add3A_1183, %select_n3A_1194 : vector<16xi32>
        %ge3A_1196 = arith.cmpi sge, %get3A_395, %or3A_1180 : vector<16xi32>
        %select_n3A_1197 = arith.select %ge3A_1196, %broadcast_in_dim3A_483, %broadcast_in_dim3A_481 : vector<16xi1>, vector<16xi32>
        %add3A_1198 = arith.addi %add3A_1186, %select_n3A_1197 : vector<16xi32>
        %ge3A_1199 = arith.cmpi sge, %get3A_397, %or3A_1180 : vector<16xi32>
        %select_n3A_1200 = arith.select %ge3A_1199, %broadcast_in_dim3A_483, %broadcast_in_dim3A_481 : vector<16xi1>, vector<16xi32>
        %add3A_1201 = arith.addi %add3A_1189, %select_n3A_1200 : vector<16xi32>
        %ge3A_1202 = arith.cmpi sge, %get3A_399, %or3A_1180 : vector<16xi32>
        %select_n3A_1203 = arith.select %ge3A_1202, %broadcast_in_dim3A_483, %broadcast_in_dim3A_481 : vector<16xi1>, vector<16xi32>
        %add3A_1204 = arith.addi %add3A_1192, %select_n3A_1203 : vector<16xi32>
        %ge3A_1205 = arith.cmpi sge, %get3A_401, %or3A_1180 : vector<16xi32>
        %select_n3A_1206 = arith.select %ge3A_1205, %broadcast_in_dim3A_483, %broadcast_in_dim3A_481 : vector<16xi1>, vector<16xi32>
        %add3A_1207 = arith.addi %add3A_1195, %select_n3A_1206 : vector<16xi32>
        %ge3A_1208 = arith.cmpi sge, %get3A_403, %or3A_1180 : vector<16xi32>
        %select_n3A_1209 = arith.select %ge3A_1208, %broadcast_in_dim3A_483, %broadcast_in_dim3A_481 : vector<16xi1>, vector<16xi32>
        %add3A_1210 = arith.addi %add3A_1198, %select_n3A_1209 : vector<16xi32>
        %ge3A_1211 = arith.cmpi sge, %get3A_405, %or3A_1180 : vector<16xi32>
        %select_n3A_1212 = arith.select %ge3A_1211, %broadcast_in_dim3A_483, %broadcast_in_dim3A_481 : vector<16xi1>, vector<16xi32>
        %add3A_1213 = arith.addi %add3A_1201, %select_n3A_1212 : vector<16xi32>
        %ge3A_1214 = arith.cmpi sge, %get3A_407, %or3A_1180 : vector<16xi32>
        %select_n3A_1215 = arith.select %ge3A_1214, %broadcast_in_dim3A_483, %broadcast_in_dim3A_481 : vector<16xi1>, vector<16xi32>
        %add3A_1216 = arith.addi %add3A_1204, %select_n3A_1215 : vector<16xi32>
        %ge3A_1217 = arith.cmpi sge, %get3A_409, %or3A_1180 : vector<16xi32>
        %select_n3A_1218 = arith.select %ge3A_1217, %broadcast_in_dim3A_483, %broadcast_in_dim3A_481 : vector<16xi1>, vector<16xi32>
        %add3A_1219 = arith.addi %add3A_1207, %select_n3A_1218 : vector<16xi32>
        %ge3A_1220 = arith.cmpi sge, %get3A_411, %or3A_1180 : vector<16xi32>
        %select_n3A_1221 = arith.select %ge3A_1220, %broadcast_in_dim3A_483, %broadcast_in_dim3A_481 : vector<16xi1>, vector<16xi32>
        %add3A_1222 = arith.addi %add3A_1210, %select_n3A_1221 : vector<16xi32>
        %ge3A_1223 = arith.cmpi sge, %get3A_413, %or3A_1180 : vector<16xi32>
        %select_n3A_1224 = arith.select %ge3A_1223, %broadcast_in_dim3A_483, %broadcast_in_dim3A_481 : vector<16xi1>, vector<16xi32>
        %add3A_1225 = arith.addi %add3A_1213, %select_n3A_1224 : vector<16xi32>
        %ge3A_1226 = arith.cmpi sge, %get3A_415, %or3A_1180 : vector<16xi32>
        %select_n3A_1227 = arith.select %ge3A_1226, %broadcast_in_dim3A_483, %broadcast_in_dim3A_481 : vector<16xi1>, vector<16xi32>
        %add3A_1228 = arith.addi %add3A_1216, %select_n3A_1227 : vector<16xi32>
        %ge3A_1229 = arith.cmpi sge, %get3A_417, %or3A_1180 : vector<16xi32>
        %select_n3A_1230 = arith.select %ge3A_1229, %broadcast_in_dim3A_483, %broadcast_in_dim3A_481 : vector<16xi1>, vector<16xi32>
        %add3A_1231 = arith.addi %add3A_1219, %select_n3A_1230 : vector<16xi32>
        %ge3A_1232 = arith.cmpi sge, %get3A_419, %or3A_1180 : vector<16xi32>
        %select_n3A_1233 = arith.select %ge3A_1232, %broadcast_in_dim3A_483, %broadcast_in_dim3A_481 : vector<16xi1>, vector<16xi32>
        %add3A_1234 = arith.addi %add3A_1222, %select_n3A_1233 : vector<16xi32>
        %ge3A_1235 = arith.cmpi sge, %get3A_421, %or3A_1180 : vector<16xi32>
        %select_n3A_1236 = arith.select %ge3A_1235, %broadcast_in_dim3A_483, %broadcast_in_dim3A_481 : vector<16xi1>, vector<16xi32>
        %add3A_1237 = arith.addi %add3A_1225, %select_n3A_1236 : vector<16xi32>
        %ge3A_1238 = arith.cmpi sge, %get3A_423, %or3A_1180 : vector<16xi32>
        %select_n3A_1239 = arith.select %ge3A_1238, %broadcast_in_dim3A_483, %broadcast_in_dim3A_481 : vector<16xi1>, vector<16xi32>
        %add3A_1240 = arith.addi %add3A_1228, %select_n3A_1239 : vector<16xi32>
        %ge3A_1241 = arith.cmpi sge, %get3A_425, %or3A_1180 : vector<16xi32>
        %select_n3A_1242 = arith.select %ge3A_1241, %broadcast_in_dim3A_483, %broadcast_in_dim3A_481 : vector<16xi1>, vector<16xi32>
        %add3A_1243 = arith.addi %add3A_1231, %select_n3A_1242 : vector<16xi32>
        %ge3A_1244 = arith.cmpi sge, %get3A_427, %or3A_1180 : vector<16xi32>
        %select_n3A_1245 = arith.select %ge3A_1244, %broadcast_in_dim3A_483, %broadcast_in_dim3A_481 : vector<16xi1>, vector<16xi32>
        %add3A_1246 = arith.addi %add3A_1234, %select_n3A_1245 : vector<16xi32>
        %ge3A_1247 = arith.cmpi sge, %get3A_429, %or3A_1180 : vector<16xi32>
        %select_n3A_1248 = arith.select %ge3A_1247, %broadcast_in_dim3A_483, %broadcast_in_dim3A_481 : vector<16xi1>, vector<16xi32>
        %add3A_1249 = arith.addi %add3A_1237, %select_n3A_1248 : vector<16xi32>
        %ge3A_1250 = arith.cmpi sge, %get3A_431, %or3A_1180 : vector<16xi32>
        %select_n3A_1251 = arith.select %ge3A_1250, %broadcast_in_dim3A_483, %broadcast_in_dim3A_481 : vector<16xi1>, vector<16xi32>
        %add3A_1252 = arith.addi %add3A_1240, %select_n3A_1251 : vector<16xi32>
        %ge3A_1253 = arith.cmpi sge, %get3A_433, %or3A_1180 : vector<16xi32>
        %select_n3A_1254 = arith.select %ge3A_1253, %broadcast_in_dim3A_483, %broadcast_in_dim3A_481 : vector<16xi1>, vector<16xi32>
        %add3A_1255 = arith.addi %add3A_1243, %select_n3A_1254 : vector<16xi32>
        %ge3A_1256 = arith.cmpi sge, %get3A_435, %or3A_1180 : vector<16xi32>
        %select_n3A_1257 = arith.select %ge3A_1256, %broadcast_in_dim3A_483, %broadcast_in_dim3A_481 : vector<16xi1>, vector<16xi32>
        %add3A_1258 = arith.addi %add3A_1246, %select_n3A_1257 : vector<16xi32>
        %ge3A_1259 = arith.cmpi sge, %get3A_437, %or3A_1180 : vector<16xi32>
        %select_n3A_1260 = arith.select %ge3A_1259, %broadcast_in_dim3A_483, %broadcast_in_dim3A_481 : vector<16xi1>, vector<16xi32>
        %add3A_1261 = arith.addi %add3A_1249, %select_n3A_1260 : vector<16xi32>
        %ge3A_1262 = arith.cmpi sge, %get3A_439, %or3A_1180 : vector<16xi32>
        %select_n3A_1263 = arith.select %ge3A_1262, %broadcast_in_dim3A_483, %broadcast_in_dim3A_481 : vector<16xi1>, vector<16xi32>
        %add3A_1264 = arith.addi %add3A_1252, %select_n3A_1263 : vector<16xi32>
        %ge3A_1265 = arith.cmpi sge, %get3A_441, %or3A_1180 : vector<16xi32>
        %select_n3A_1266 = arith.select %ge3A_1265, %broadcast_in_dim3A_483, %broadcast_in_dim3A_481 : vector<16xi1>, vector<16xi32>
        %add3A_1267 = arith.addi %add3A_1255, %select_n3A_1266 : vector<16xi32>
        %ge3A_1268 = arith.cmpi sge, %get3A_443, %or3A_1180 : vector<16xi32>
        %select_n3A_1269 = arith.select %ge3A_1268, %broadcast_in_dim3A_483, %broadcast_in_dim3A_481 : vector<16xi1>, vector<16xi32>
        %add3A_1270 = arith.addi %add3A_1258, %select_n3A_1269 : vector<16xi32>
        %ge3A_1271 = arith.cmpi sge, %get3A_445, %or3A_1180 : vector<16xi32>
        %select_n3A_1272 = arith.select %ge3A_1271, %broadcast_in_dim3A_483, %broadcast_in_dim3A_481 : vector<16xi1>, vector<16xi32>
        %add3A_1273 = arith.addi %add3A_1261, %select_n3A_1272 : vector<16xi32>
        %ge3A_1274 = arith.cmpi sge, %get3A_447, %or3A_1180 : vector<16xi32>
        %select_n3A_1275 = arith.select %ge3A_1274, %broadcast_in_dim3A_483, %broadcast_in_dim3A_481 : vector<16xi1>, vector<16xi32>
        %add3A_1276 = arith.addi %add3A_1264, %select_n3A_1275 : vector<16xi32>
        %ge3A_1277 = arith.cmpi sge, %get3A_449, %or3A_1180 : vector<16xi32>
        %select_n3A_1278 = arith.select %ge3A_1277, %broadcast_in_dim3A_483, %broadcast_in_dim3A_481 : vector<16xi1>, vector<16xi32>
        %add3A_1279 = arith.addi %add3A_1267, %select_n3A_1278 : vector<16xi32>
        %ge3A_1280 = arith.cmpi sge, %get3A_451, %or3A_1180 : vector<16xi32>
        %select_n3A_1281 = arith.select %ge3A_1280, %broadcast_in_dim3A_483, %broadcast_in_dim3A_481 : vector<16xi1>, vector<16xi32>
        %add3A_1282 = arith.addi %add3A_1270, %select_n3A_1281 : vector<16xi32>
        %ge3A_1283 = arith.cmpi sge, %get3A_453, %or3A_1180 : vector<16xi32>
        %select_n3A_1284 = arith.select %ge3A_1283, %broadcast_in_dim3A_483, %broadcast_in_dim3A_481 : vector<16xi1>, vector<16xi32>
        %add3A_1285 = arith.addi %add3A_1273, %select_n3A_1284 : vector<16xi32>
        %ge3A_1286 = arith.cmpi sge, %get3A_455, %or3A_1180 : vector<16xi32>
        %select_n3A_1287 = arith.select %ge3A_1286, %broadcast_in_dim3A_483, %broadcast_in_dim3A_481 : vector<16xi1>, vector<16xi32>
        %add3A_1288 = arith.addi %add3A_1276, %select_n3A_1287 : vector<16xi32>
        %ge3A_1289 = arith.cmpi sge, %get3A_457, %or3A_1180 : vector<16xi32>
        %select_n3A_1290 = arith.select %ge3A_1289, %broadcast_in_dim3A_483, %broadcast_in_dim3A_481 : vector<16xi1>, vector<16xi32>
        %add3A_1291 = arith.addi %add3A_1279, %select_n3A_1290 : vector<16xi32>
        %ge3A_1292 = arith.cmpi sge, %get3A_459, %or3A_1180 : vector<16xi32>
        %select_n3A_1293 = arith.select %ge3A_1292, %broadcast_in_dim3A_483, %broadcast_in_dim3A_481 : vector<16xi1>, vector<16xi32>
        %add3A_1294 = arith.addi %add3A_1282, %select_n3A_1293 : vector<16xi32>
        %ge3A_1295 = arith.cmpi sge, %get3A_461, %or3A_1180 : vector<16xi32>
        %select_n3A_1296 = arith.select %ge3A_1295, %broadcast_in_dim3A_483, %broadcast_in_dim3A_481 : vector<16xi1>, vector<16xi32>
        %add3A_1297 = arith.addi %add3A_1285, %select_n3A_1296 : vector<16xi32>
        %ge3A_1298 = arith.cmpi sge, %get3A_463, %or3A_1180 : vector<16xi32>
        %select_n3A_1299 = arith.select %ge3A_1298, %broadcast_in_dim3A_483, %broadcast_in_dim3A_481 : vector<16xi1>, vector<16xi32>
        %add3A_1300 = arith.addi %add3A_1288, %select_n3A_1299 : vector<16xi32>
        %ge3A_1301 = arith.cmpi sge, %get3A_465, %or3A_1180 : vector<16xi32>
        %select_n3A_1302 = arith.select %ge3A_1301, %broadcast_in_dim3A_483, %broadcast_in_dim3A_481 : vector<16xi1>, vector<16xi32>
        %add3A_1303 = arith.addi %add3A_1291, %select_n3A_1302 : vector<16xi32>
        %ge3A_1304 = arith.cmpi sge, %get3A_467, %or3A_1180 : vector<16xi32>
        %select_n3A_1305 = arith.select %ge3A_1304, %broadcast_in_dim3A_483, %broadcast_in_dim3A_481 : vector<16xi1>, vector<16xi32>
        %add3A_1306 = arith.addi %add3A_1294, %select_n3A_1305 : vector<16xi32>
        %ge3A_1307 = arith.cmpi sge, %get3A_469, %or3A_1180 : vector<16xi32>
        %select_n3A_1308 = arith.select %ge3A_1307, %broadcast_in_dim3A_483, %broadcast_in_dim3A_481 : vector<16xi1>, vector<16xi32>
        %add3A_1309 = arith.addi %add3A_1297, %select_n3A_1308 : vector<16xi32>
        %ge3A_1310 = arith.cmpi sge, %get3A_471, %or3A_1180 : vector<16xi32>
        %select_n3A_1311 = arith.select %ge3A_1310, %broadcast_in_dim3A_483, %broadcast_in_dim3A_481 : vector<16xi1>, vector<16xi32>
        %add3A_1312 = arith.addi %add3A_1300, %select_n3A_1311 : vector<16xi32>
        %ge3A_1313 = arith.cmpi sge, %get3A_473, %or3A_1180 : vector<16xi32>
        %select_n3A_1314 = arith.select %ge3A_1313, %broadcast_in_dim3A_483, %broadcast_in_dim3A_481 : vector<16xi1>, vector<16xi32>
        %add3A_1315 = arith.addi %add3A_1303, %select_n3A_1314 : vector<16xi32>
        %ge3A_1316 = arith.cmpi sge, %get3A_475, %or3A_1180 : vector<16xi32>
        %select_n3A_1317 = arith.select %ge3A_1316, %broadcast_in_dim3A_483, %broadcast_in_dim3A_481 : vector<16xi1>, vector<16xi32>
        %add3A_1318 = arith.addi %add3A_1306, %select_n3A_1317 : vector<16xi32>
        %ge3A_1319 = arith.cmpi sge, %get3A_477, %or3A_1180 : vector<16xi32>
        %select_n3A_1320 = arith.select %ge3A_1319, %broadcast_in_dim3A_483, %broadcast_in_dim3A_481 : vector<16xi1>, vector<16xi32>
        %add3A_1321 = arith.addi %add3A_1309, %select_n3A_1320 : vector<16xi32>
        %ge3A_1322 = arith.cmpi sge, %get3A_479, %or3A_1180 : vector<16xi32>
        %select_n3A_1323 = arith.select %ge3A_1322, %broadcast_in_dim3A_483, %broadcast_in_dim3A_481 : vector<16xi1>, vector<16xi32>
        %add3A_1324 = arith.addi %add3A_1312, %select_n3A_1323 : vector<16xi32>
        %add3A_1325 = arith.addi %add3A_1315, %add3A_1318 : vector<16xi32>
        %add3A_1326 = arith.addi %add3A_1321, %add3A_1324 : vector<16xi32>
        %add3A_1327 = arith.addi %add3A_1325, %add3A_1326 : vector<16xi32>
        %xor3A_1328 = arith.constant 1 : i32
        %xor3A_1329 = vector.broadcast %xor3A_1328 : i32 to vector<16xi32>
        %xor3A_1330 = arith.xori %iota3A, %xor3A_1329 : vector<16xi32>
        %lt3A_1331 = arith.constant 0 : i32
        %lt3A_1332 = vector.broadcast %lt3A_1331 : i32 to vector<16xi32>
        %lt3A_1333 = arith.cmpi slt, %xor3A_1330, %lt3A_1332 : vector<16xi32>
        %add3A_1334 = arith.constant 16 : i32
        %add3A_1335 = vector.broadcast %add3A_1334 : i32 to vector<16xi32>
        %add3A_1336 = arith.addi %xor3A_1330, %add3A_1335 : vector<16xi32>
        %select_n3A_1337 = arith.select %lt3A_1333, %add3A_1336, %xor3A_1330 : vector<16xi1>, vector<16xi32>
        %broadcast_in_dim3A_1338 = vector.shape_cast %select_n3A_1337 : vector<16xi32> to vector<16x1xi32>
        %gather3A_1339 = vector.shape_cast %broadcast_in_dim3A_1338 : vector<16x1xi32> to vector<16xi32>
        %gather3A_1340 = tpu.dynamic_gather %add3A_1327[%gather3A_1339] in [0] : vector<16xi32>, vector<16xi32> -> vector<16xi32>
        %add3A_1341 = arith.addi %add3A_1327, %gather3A_1340 : vector<16xi32>
        %xor3A_1342 = arith.constant 2 : i32
        %xor3A_1343 = vector.broadcast %xor3A_1342 : i32 to vector<16xi32>
        %xor3A_1344 = arith.xori %iota3A, %xor3A_1343 : vector<16xi32>
        %lt3A_1345 = arith.constant 0 : i32
        %lt3A_1346 = vector.broadcast %lt3A_1345 : i32 to vector<16xi32>
        %lt3A_1347 = arith.cmpi slt, %xor3A_1344, %lt3A_1346 : vector<16xi32>
        %add3A_1348 = arith.constant 16 : i32
        %add3A_1349 = vector.broadcast %add3A_1348 : i32 to vector<16xi32>
        %add3A_1350 = arith.addi %xor3A_1344, %add3A_1349 : vector<16xi32>
        %select_n3A_1351 = arith.select %lt3A_1347, %add3A_1350, %xor3A_1344 : vector<16xi1>, vector<16xi32>
        %broadcast_in_dim3A_1352 = vector.shape_cast %select_n3A_1351 : vector<16xi32> to vector<16x1xi32>
        %gather3A_1353 = vector.shape_cast %broadcast_in_dim3A_1352 : vector<16x1xi32> to vector<16xi32>
        %gather3A_1354 = tpu.dynamic_gather %add3A_1341[%gather3A_1353] in [0] : vector<16xi32>, vector<16xi32> -> vector<16xi32>
        %add3A_1355 = arith.addi %add3A_1341, %gather3A_1354 : vector<16xi32>
        %xor3A_1356 = arith.constant 4 : i32
        %xor3A_1357 = vector.broadcast %xor3A_1356 : i32 to vector<16xi32>
        %xor3A_1358 = arith.xori %iota3A, %xor3A_1357 : vector<16xi32>
        %lt3A_1359 = arith.constant 0 : i32
        %lt3A_1360 = vector.broadcast %lt3A_1359 : i32 to vector<16xi32>
        %lt3A_1361 = arith.cmpi slt, %xor3A_1358, %lt3A_1360 : vector<16xi32>
        %add3A_1362 = arith.constant 16 : i32
        %add3A_1363 = vector.broadcast %add3A_1362 : i32 to vector<16xi32>
        %add3A_1364 = arith.addi %xor3A_1358, %add3A_1363 : vector<16xi32>
        %select_n3A_1365 = arith.select %lt3A_1361, %add3A_1364, %xor3A_1358 : vector<16xi1>, vector<16xi32>
        %broadcast_in_dim3A_1366 = vector.shape_cast %select_n3A_1365 : vector<16xi32> to vector<16x1xi32>
        %gather3A_1367 = vector.shape_cast %broadcast_in_dim3A_1366 : vector<16x1xi32> to vector<16xi32>
        %gather3A_1368 = tpu.dynamic_gather %add3A_1355[%gather3A_1367] in [0] : vector<16xi32>, vector<16xi32> -> vector<16xi32>
        %add3A_1369 = arith.addi %add3A_1355, %gather3A_1368 : vector<16xi32>
        %xor3A_1370 = arith.constant 8 : i32
        %xor3A_1371 = vector.broadcast %xor3A_1370 : i32 to vector<16xi32>
        %xor3A_1372 = arith.xori %iota3A, %xor3A_1371 : vector<16xi32>
        %lt3A_1373 = arith.constant 0 : i32
        %lt3A_1374 = vector.broadcast %lt3A_1373 : i32 to vector<16xi32>
        %lt3A_1375 = arith.cmpi slt, %xor3A_1372, %lt3A_1374 : vector<16xi32>
        %add3A_1376 = arith.constant 16 : i32
        %add3A_1377 = vector.broadcast %add3A_1376 : i32 to vector<16xi32>
        %add3A_1378 = arith.addi %xor3A_1372, %add3A_1377 : vector<16xi32>
        %select_n3A_1379 = arith.select %lt3A_1375, %add3A_1378, %xor3A_1372 : vector<16xi1>, vector<16xi32>
        %broadcast_in_dim3A_1380 = vector.shape_cast %select_n3A_1379 : vector<16xi32> to vector<16x1xi32>
        %gather3A_1381 = vector.shape_cast %broadcast_in_dim3A_1380 : vector<16x1xi32> to vector<16xi32>
        %gather3A_1382 = tpu.dynamic_gather %add3A_1369[%gather3A_1381] in [0] : vector<16xi32>, vector<16xi32> -> vector<16xi32>
        %add3A_1383 = arith.addi %add3A_1369, %gather3A_1382 : vector<16xi32>
        %ge3A_1384 = arith.constant 64 : i32
        %ge3A_1385 = vector.broadcast %ge3A_1384 : i32 to vector<16xi32>
        %ge3A_1386 = arith.cmpi sge, %add3A_1383, %ge3A_1385 : vector<16xi32>
        %select_n3A_1387 = arith.select %ge3A_1386, %or3A_1180, %scan3A_1176 : vector<16xi1>, vector<16xi32>
        scf.yield %select_n3A_1387 : vector<16xi32>
      }
      %scan3A_490 = arith.constant 31 : i32
      %ge3A = arith.cmpi sge, %get3A_385, %scan3A_489 : vector<16xi32>
      %select_n3A = arith.select %ge3A, %broadcast_in_dim3A_483, %broadcast_in_dim3A_481 : vector<16xi1>, vector<16xi32>
      %add3A = arith.addi %broadcast_in_dim3A_481, %select_n3A : vector<16xi32>
      %ge3A_491 = arith.cmpi sge, %get3A_387, %scan3A_489 : vector<16xi32>
      %select_n3A_492 = arith.select %ge3A_491, %broadcast_in_dim3A_483, %broadcast_in_dim3A_481 : vector<16xi1>, vector<16xi32>
      %add3A_493 = arith.addi %broadcast_in_dim3A_481, %select_n3A_492 : vector<16xi32>
      %ge3A_494 = arith.cmpi sge, %get3A_389, %scan3A_489 : vector<16xi32>
      %select_n3A_495 = arith.select %ge3A_494, %broadcast_in_dim3A_483, %broadcast_in_dim3A_481 : vector<16xi1>, vector<16xi32>
      %add3A_496 = arith.addi %broadcast_in_dim3A_481, %select_n3A_495 : vector<16xi32>
      %ge3A_497 = arith.cmpi sge, %get3A_391, %scan3A_489 : vector<16xi32>
      %select_n3A_498 = arith.select %ge3A_497, %broadcast_in_dim3A_483, %broadcast_in_dim3A_481 : vector<16xi1>, vector<16xi32>
      %add3A_499 = arith.addi %broadcast_in_dim3A_481, %select_n3A_498 : vector<16xi32>
      %ge3A_500 = arith.cmpi sge, %get3A_393, %scan3A_489 : vector<16xi32>
      %select_n3A_501 = arith.select %ge3A_500, %broadcast_in_dim3A_483, %broadcast_in_dim3A_481 : vector<16xi1>, vector<16xi32>
      %add3A_502 = arith.addi %add3A, %select_n3A_501 : vector<16xi32>
      %ge3A_503 = arith.cmpi sge, %get3A_395, %scan3A_489 : vector<16xi32>
      %select_n3A_504 = arith.select %ge3A_503, %broadcast_in_dim3A_483, %broadcast_in_dim3A_481 : vector<16xi1>, vector<16xi32>
      %add3A_505 = arith.addi %add3A_493, %select_n3A_504 : vector<16xi32>
      %ge3A_506 = arith.cmpi sge, %get3A_397, %scan3A_489 : vector<16xi32>
      %select_n3A_507 = arith.select %ge3A_506, %broadcast_in_dim3A_483, %broadcast_in_dim3A_481 : vector<16xi1>, vector<16xi32>
      %add3A_508 = arith.addi %add3A_496, %select_n3A_507 : vector<16xi32>
      %ge3A_509 = arith.cmpi sge, %get3A_399, %scan3A_489 : vector<16xi32>
      %select_n3A_510 = arith.select %ge3A_509, %broadcast_in_dim3A_483, %broadcast_in_dim3A_481 : vector<16xi1>, vector<16xi32>
      %add3A_511 = arith.addi %add3A_499, %select_n3A_510 : vector<16xi32>
      %ge3A_512 = arith.cmpi sge, %get3A_401, %scan3A_489 : vector<16xi32>
      %select_n3A_513 = arith.select %ge3A_512, %broadcast_in_dim3A_483, %broadcast_in_dim3A_481 : vector<16xi1>, vector<16xi32>
      %add3A_514 = arith.addi %add3A_502, %select_n3A_513 : vector<16xi32>
      %ge3A_515 = arith.cmpi sge, %get3A_403, %scan3A_489 : vector<16xi32>
      %select_n3A_516 = arith.select %ge3A_515, %broadcast_in_dim3A_483, %broadcast_in_dim3A_481 : vector<16xi1>, vector<16xi32>
      %add3A_517 = arith.addi %add3A_505, %select_n3A_516 : vector<16xi32>
      %ge3A_518 = arith.cmpi sge, %get3A_405, %scan3A_489 : vector<16xi32>
      %select_n3A_519 = arith.select %ge3A_518, %broadcast_in_dim3A_483, %broadcast_in_dim3A_481 : vector<16xi1>, vector<16xi32>
      %add3A_520 = arith.addi %add3A_508, %select_n3A_519 : vector<16xi32>
      %ge3A_521 = arith.cmpi sge, %get3A_407, %scan3A_489 : vector<16xi32>
      %select_n3A_522 = arith.select %ge3A_521, %broadcast_in_dim3A_483, %broadcast_in_dim3A_481 : vector<16xi1>, vector<16xi32>
      %add3A_523 = arith.addi %add3A_511, %select_n3A_522 : vector<16xi32>
      %ge3A_524 = arith.cmpi sge, %get3A_409, %scan3A_489 : vector<16xi32>
      %select_n3A_525 = arith.select %ge3A_524, %broadcast_in_dim3A_483, %broadcast_in_dim3A_481 : vector<16xi1>, vector<16xi32>
      %add3A_526 = arith.addi %add3A_514, %select_n3A_525 : vector<16xi32>
      %ge3A_527 = arith.cmpi sge, %get3A_411, %scan3A_489 : vector<16xi32>
      %select_n3A_528 = arith.select %ge3A_527, %broadcast_in_dim3A_483, %broadcast_in_dim3A_481 : vector<16xi1>, vector<16xi32>
      %add3A_529 = arith.addi %add3A_517, %select_n3A_528 : vector<16xi32>
      %ge3A_530 = arith.cmpi sge, %get3A_413, %scan3A_489 : vector<16xi32>
      %select_n3A_531 = arith.select %ge3A_530, %broadcast_in_dim3A_483, %broadcast_in_dim3A_481 : vector<16xi1>, vector<16xi32>
      %add3A_532 = arith.addi %add3A_520, %select_n3A_531 : vector<16xi32>
      %ge3A_533 = arith.cmpi sge, %get3A_415, %scan3A_489 : vector<16xi32>
      %select_n3A_534 = arith.select %ge3A_533, %broadcast_in_dim3A_483, %broadcast_in_dim3A_481 : vector<16xi1>, vector<16xi32>
      %add3A_535 = arith.addi %add3A_523, %select_n3A_534 : vector<16xi32>
      %ge3A_536 = arith.cmpi sge, %get3A_417, %scan3A_489 : vector<16xi32>
      %select_n3A_537 = arith.select %ge3A_536, %broadcast_in_dim3A_483, %broadcast_in_dim3A_481 : vector<16xi1>, vector<16xi32>
      %add3A_538 = arith.addi %add3A_526, %select_n3A_537 : vector<16xi32>
      %ge3A_539 = arith.cmpi sge, %get3A_419, %scan3A_489 : vector<16xi32>
      %select_n3A_540 = arith.select %ge3A_539, %broadcast_in_dim3A_483, %broadcast_in_dim3A_481 : vector<16xi1>, vector<16xi32>
      %add3A_541 = arith.addi %add3A_529, %select_n3A_540 : vector<16xi32>
      %ge3A_542 = arith.cmpi sge, %get3A_421, %scan3A_489 : vector<16xi32>
      %select_n3A_543 = arith.select %ge3A_542, %broadcast_in_dim3A_483, %broadcast_in_dim3A_481 : vector<16xi1>, vector<16xi32>
      %add3A_544 = arith.addi %add3A_532, %select_n3A_543 : vector<16xi32>
      %ge3A_545 = arith.cmpi sge, %get3A_423, %scan3A_489 : vector<16xi32>
      %select_n3A_546 = arith.select %ge3A_545, %broadcast_in_dim3A_483, %broadcast_in_dim3A_481 : vector<16xi1>, vector<16xi32>
      %add3A_547 = arith.addi %add3A_535, %select_n3A_546 : vector<16xi32>
      %ge3A_548 = arith.cmpi sge, %get3A_425, %scan3A_489 : vector<16xi32>
      %select_n3A_549 = arith.select %ge3A_548, %broadcast_in_dim3A_483, %broadcast_in_dim3A_481 : vector<16xi1>, vector<16xi32>
      %add3A_550 = arith.addi %add3A_538, %select_n3A_549 : vector<16xi32>
      %ge3A_551 = arith.cmpi sge, %get3A_427, %scan3A_489 : vector<16xi32>
      %select_n3A_552 = arith.select %ge3A_551, %broadcast_in_dim3A_483, %broadcast_in_dim3A_481 : vector<16xi1>, vector<16xi32>
      %add3A_553 = arith.addi %add3A_541, %select_n3A_552 : vector<16xi32>
      %ge3A_554 = arith.cmpi sge, %get3A_429, %scan3A_489 : vector<16xi32>
      %select_n3A_555 = arith.select %ge3A_554, %broadcast_in_dim3A_483, %broadcast_in_dim3A_481 : vector<16xi1>, vector<16xi32>
      %add3A_556 = arith.addi %add3A_544, %select_n3A_555 : vector<16xi32>
      %ge3A_557 = arith.cmpi sge, %get3A_431, %scan3A_489 : vector<16xi32>
      %select_n3A_558 = arith.select %ge3A_557, %broadcast_in_dim3A_483, %broadcast_in_dim3A_481 : vector<16xi1>, vector<16xi32>
      %add3A_559 = arith.addi %add3A_547, %select_n3A_558 : vector<16xi32>
      %ge3A_560 = arith.cmpi sge, %get3A_433, %scan3A_489 : vector<16xi32>
      %select_n3A_561 = arith.select %ge3A_560, %broadcast_in_dim3A_483, %broadcast_in_dim3A_481 : vector<16xi1>, vector<16xi32>
      %add3A_562 = arith.addi %add3A_550, %select_n3A_561 : vector<16xi32>
      %ge3A_563 = arith.cmpi sge, %get3A_435, %scan3A_489 : vector<16xi32>
      %select_n3A_564 = arith.select %ge3A_563, %broadcast_in_dim3A_483, %broadcast_in_dim3A_481 : vector<16xi1>, vector<16xi32>
      %add3A_565 = arith.addi %add3A_553, %select_n3A_564 : vector<16xi32>
      %ge3A_566 = arith.cmpi sge, %get3A_437, %scan3A_489 : vector<16xi32>
      %select_n3A_567 = arith.select %ge3A_566, %broadcast_in_dim3A_483, %broadcast_in_dim3A_481 : vector<16xi1>, vector<16xi32>
      %add3A_568 = arith.addi %add3A_556, %select_n3A_567 : vector<16xi32>
      %ge3A_569 = arith.cmpi sge, %get3A_439, %scan3A_489 : vector<16xi32>
      %select_n3A_570 = arith.select %ge3A_569, %broadcast_in_dim3A_483, %broadcast_in_dim3A_481 : vector<16xi1>, vector<16xi32>
      %add3A_571 = arith.addi %add3A_559, %select_n3A_570 : vector<16xi32>
      %ge3A_572 = arith.cmpi sge, %get3A_441, %scan3A_489 : vector<16xi32>
      %select_n3A_573 = arith.select %ge3A_572, %broadcast_in_dim3A_483, %broadcast_in_dim3A_481 : vector<16xi1>, vector<16xi32>
      %add3A_574 = arith.addi %add3A_562, %select_n3A_573 : vector<16xi32>
      %ge3A_575 = arith.cmpi sge, %get3A_443, %scan3A_489 : vector<16xi32>
      %select_n3A_576 = arith.select %ge3A_575, %broadcast_in_dim3A_483, %broadcast_in_dim3A_481 : vector<16xi1>, vector<16xi32>
      %add3A_577 = arith.addi %add3A_565, %select_n3A_576 : vector<16xi32>
      %ge3A_578 = arith.cmpi sge, %get3A_445, %scan3A_489 : vector<16xi32>
      %select_n3A_579 = arith.select %ge3A_578, %broadcast_in_dim3A_483, %broadcast_in_dim3A_481 : vector<16xi1>, vector<16xi32>
      %add3A_580 = arith.addi %add3A_568, %select_n3A_579 : vector<16xi32>
      %ge3A_581 = arith.cmpi sge, %get3A_447, %scan3A_489 : vector<16xi32>
      %select_n3A_582 = arith.select %ge3A_581, %broadcast_in_dim3A_483, %broadcast_in_dim3A_481 : vector<16xi1>, vector<16xi32>
      %add3A_583 = arith.addi %add3A_571, %select_n3A_582 : vector<16xi32>
      %ge3A_584 = arith.cmpi sge, %get3A_449, %scan3A_489 : vector<16xi32>
      %select_n3A_585 = arith.select %ge3A_584, %broadcast_in_dim3A_483, %broadcast_in_dim3A_481 : vector<16xi1>, vector<16xi32>
      %add3A_586 = arith.addi %add3A_574, %select_n3A_585 : vector<16xi32>
      %ge3A_587 = arith.cmpi sge, %get3A_451, %scan3A_489 : vector<16xi32>
      %select_n3A_588 = arith.select %ge3A_587, %broadcast_in_dim3A_483, %broadcast_in_dim3A_481 : vector<16xi1>, vector<16xi32>
      %add3A_589 = arith.addi %add3A_577, %select_n3A_588 : vector<16xi32>
      %ge3A_590 = arith.cmpi sge, %get3A_453, %scan3A_489 : vector<16xi32>
      %select_n3A_591 = arith.select %ge3A_590, %broadcast_in_dim3A_483, %broadcast_in_dim3A_481 : vector<16xi1>, vector<16xi32>
      %add3A_592 = arith.addi %add3A_580, %select_n3A_591 : vector<16xi32>
      %ge3A_593 = arith.cmpi sge, %get3A_455, %scan3A_489 : vector<16xi32>
      %select_n3A_594 = arith.select %ge3A_593, %broadcast_in_dim3A_483, %broadcast_in_dim3A_481 : vector<16xi1>, vector<16xi32>
      %add3A_595 = arith.addi %add3A_583, %select_n3A_594 : vector<16xi32>
      %ge3A_596 = arith.cmpi sge, %get3A_457, %scan3A_489 : vector<16xi32>
      %select_n3A_597 = arith.select %ge3A_596, %broadcast_in_dim3A_483, %broadcast_in_dim3A_481 : vector<16xi1>, vector<16xi32>
      %add3A_598 = arith.addi %add3A_586, %select_n3A_597 : vector<16xi32>
      %ge3A_599 = arith.cmpi sge, %get3A_459, %scan3A_489 : vector<16xi32>
      %select_n3A_600 = arith.select %ge3A_599, %broadcast_in_dim3A_483, %broadcast_in_dim3A_481 : vector<16xi1>, vector<16xi32>
      %add3A_601 = arith.addi %add3A_589, %select_n3A_600 : vector<16xi32>
      %ge3A_602 = arith.cmpi sge, %get3A_461, %scan3A_489 : vector<16xi32>
      %select_n3A_603 = arith.select %ge3A_602, %broadcast_in_dim3A_483, %broadcast_in_dim3A_481 : vector<16xi1>, vector<16xi32>
      %add3A_604 = arith.addi %add3A_592, %select_n3A_603 : vector<16xi32>
      %ge3A_605 = arith.cmpi sge, %get3A_463, %scan3A_489 : vector<16xi32>
      %select_n3A_606 = arith.select %ge3A_605, %broadcast_in_dim3A_483, %broadcast_in_dim3A_481 : vector<16xi1>, vector<16xi32>
      %add3A_607 = arith.addi %add3A_595, %select_n3A_606 : vector<16xi32>
      %ge3A_608 = arith.cmpi sge, %get3A_465, %scan3A_489 : vector<16xi32>
      %select_n3A_609 = arith.select %ge3A_608, %broadcast_in_dim3A_483, %broadcast_in_dim3A_481 : vector<16xi1>, vector<16xi32>
      %add3A_610 = arith.addi %add3A_598, %select_n3A_609 : vector<16xi32>
      %ge3A_611 = arith.cmpi sge, %get3A_467, %scan3A_489 : vector<16xi32>
      %select_n3A_612 = arith.select %ge3A_611, %broadcast_in_dim3A_483, %broadcast_in_dim3A_481 : vector<16xi1>, vector<16xi32>
      %add3A_613 = arith.addi %add3A_601, %select_n3A_612 : vector<16xi32>
      %ge3A_614 = arith.cmpi sge, %get3A_469, %scan3A_489 : vector<16xi32>
      %select_n3A_615 = arith.select %ge3A_614, %broadcast_in_dim3A_483, %broadcast_in_dim3A_481 : vector<16xi1>, vector<16xi32>
      %add3A_616 = arith.addi %add3A_604, %select_n3A_615 : vector<16xi32>
      %ge3A_617 = arith.cmpi sge, %get3A_471, %scan3A_489 : vector<16xi32>
      %select_n3A_618 = arith.select %ge3A_617, %broadcast_in_dim3A_483, %broadcast_in_dim3A_481 : vector<16xi1>, vector<16xi32>
      %add3A_619 = arith.addi %add3A_607, %select_n3A_618 : vector<16xi32>
      %ge3A_620 = arith.cmpi sge, %get3A_473, %scan3A_489 : vector<16xi32>
      %select_n3A_621 = arith.select %ge3A_620, %broadcast_in_dim3A_483, %broadcast_in_dim3A_481 : vector<16xi1>, vector<16xi32>
      %add3A_622 = arith.addi %add3A_610, %select_n3A_621 : vector<16xi32>
      %ge3A_623 = arith.cmpi sge, %get3A_475, %scan3A_489 : vector<16xi32>
      %select_n3A_624 = arith.select %ge3A_623, %broadcast_in_dim3A_483, %broadcast_in_dim3A_481 : vector<16xi1>, vector<16xi32>
      %add3A_625 = arith.addi %add3A_613, %select_n3A_624 : vector<16xi32>
      %ge3A_626 = arith.cmpi sge, %get3A_477, %scan3A_489 : vector<16xi32>
      %select_n3A_627 = arith.select %ge3A_626, %broadcast_in_dim3A_483, %broadcast_in_dim3A_481 : vector<16xi1>, vector<16xi32>
      %add3A_628 = arith.addi %add3A_616, %select_n3A_627 : vector<16xi32>
      %ge3A_629 = arith.cmpi sge, %get3A_479, %scan3A_489 : vector<16xi32>
      %select_n3A_630 = arith.select %ge3A_629, %broadcast_in_dim3A_483, %broadcast_in_dim3A_481 : vector<16xi1>, vector<16xi32>
      %add3A_631 = arith.addi %add3A_619, %select_n3A_630 : vector<16xi32>
      %add3A_632 = arith.addi %add3A_622, %add3A_625 : vector<16xi32>
      %add3A_633 = arith.addi %add3A_628, %add3A_631 : vector<16xi32>
      %add3A_634 = arith.addi %add3A_632, %add3A_633 : vector<16xi32>
      %xor3A = arith.constant 1 : i32
      %xor3A_635 = vector.broadcast %xor3A : i32 to vector<16xi32>
      %xor3A_636 = arith.xori %iota3A, %xor3A_635 : vector<16xi32>
      %lt3A_637 = arith.constant 0 : i32
      %lt3A_638 = vector.broadcast %lt3A_637 : i32 to vector<16xi32>
      %lt3A_639 = arith.cmpi slt, %xor3A_636, %lt3A_638 : vector<16xi32>
      %add3A_640 = arith.constant 16 : i32
      %add3A_641 = vector.broadcast %add3A_640 : i32 to vector<16xi32>
      %add3A_642 = arith.addi %xor3A_636, %add3A_641 : vector<16xi32>
      %select_n3A_643 = arith.select %lt3A_639, %add3A_642, %xor3A_636 : vector<16xi1>, vector<16xi32>
      %broadcast_in_dim3A_644 = vector.shape_cast %select_n3A_643 : vector<16xi32> to vector<16x1xi32>
      %gather3A = vector.shape_cast %broadcast_in_dim3A_644 : vector<16x1xi32> to vector<16xi32>
      %gather3A_645 = tpu.dynamic_gather %add3A_634[%gather3A] in [0] : vector<16xi32>, vector<16xi32> -> vector<16xi32>
      %add3A_646 = arith.addi %add3A_634, %gather3A_645 : vector<16xi32>
      %xor3A_647 = arith.constant 2 : i32
      %xor3A_648 = vector.broadcast %xor3A_647 : i32 to vector<16xi32>
      %xor3A_649 = arith.xori %iota3A, %xor3A_648 : vector<16xi32>
      %lt3A_650 = arith.constant 0 : i32
      %lt3A_651 = vector.broadcast %lt3A_650 : i32 to vector<16xi32>
      %lt3A_652 = arith.cmpi slt, %xor3A_649, %lt3A_651 : vector<16xi32>
      %add3A_653 = arith.constant 16 : i32
      %add3A_654 = vector.broadcast %add3A_653 : i32 to vector<16xi32>
      %add3A_655 = arith.addi %xor3A_649, %add3A_654 : vector<16xi32>
      %select_n3A_656 = arith.select %lt3A_652, %add3A_655, %xor3A_649 : vector<16xi1>, vector<16xi32>
      %broadcast_in_dim3A_657 = vector.shape_cast %select_n3A_656 : vector<16xi32> to vector<16x1xi32>
      %gather3A_658 = vector.shape_cast %broadcast_in_dim3A_657 : vector<16x1xi32> to vector<16xi32>
      %gather3A_659 = tpu.dynamic_gather %add3A_646[%gather3A_658] in [0] : vector<16xi32>, vector<16xi32> -> vector<16xi32>
      %add3A_660 = arith.addi %add3A_646, %gather3A_659 : vector<16xi32>
      %xor3A_661 = arith.constant 4 : i32
      %xor3A_662 = vector.broadcast %xor3A_661 : i32 to vector<16xi32>
      %xor3A_663 = arith.xori %iota3A, %xor3A_662 : vector<16xi32>
      %lt3A_664 = arith.constant 0 : i32
      %lt3A_665 = vector.broadcast %lt3A_664 : i32 to vector<16xi32>
      %lt3A_666 = arith.cmpi slt, %xor3A_663, %lt3A_665 : vector<16xi32>
      %add3A_667 = arith.constant 16 : i32
      %add3A_668 = vector.broadcast %add3A_667 : i32 to vector<16xi32>
      %add3A_669 = arith.addi %xor3A_663, %add3A_668 : vector<16xi32>
      %select_n3A_670 = arith.select %lt3A_666, %add3A_669, %xor3A_663 : vector<16xi1>, vector<16xi32>
      %broadcast_in_dim3A_671 = vector.shape_cast %select_n3A_670 : vector<16xi32> to vector<16x1xi32>
      %gather3A_672 = vector.shape_cast %broadcast_in_dim3A_671 : vector<16x1xi32> to vector<16xi32>
      %gather3A_673 = tpu.dynamic_gather %add3A_660[%gather3A_672] in [0] : vector<16xi32>, vector<16xi32> -> vector<16xi32>
      %add3A_674 = arith.addi %add3A_660, %gather3A_673 : vector<16xi32>
      %xor3A_675 = arith.constant 8 : i32
      %xor3A_676 = vector.broadcast %xor3A_675 : i32 to vector<16xi32>
      %xor3A_677 = arith.xori %iota3A, %xor3A_676 : vector<16xi32>
      %lt3A_678 = arith.constant 0 : i32
      %lt3A_679 = vector.broadcast %lt3A_678 : i32 to vector<16xi32>
      %lt3A_680 = arith.cmpi slt, %xor3A_677, %lt3A_679 : vector<16xi32>
      %add3A_681 = arith.constant 16 : i32
      %add3A_682 = vector.broadcast %add3A_681 : i32 to vector<16xi32>
      %add3A_683 = arith.addi %xor3A_677, %add3A_682 : vector<16xi32>
      %select_n3A_684 = arith.select %lt3A_680, %add3A_683, %xor3A_677 : vector<16xi1>, vector<16xi32>
      %broadcast_in_dim3A_685 = vector.shape_cast %select_n3A_684 : vector<16xi32> to vector<16x1xi32>
      %gather3A_686 = vector.shape_cast %broadcast_in_dim3A_685 : vector<16x1xi32> to vector<16xi32>
      %gather3A_687 = tpu.dynamic_gather %add3A_674[%gather3A_686] in [0] : vector<16xi32>, vector<16xi32> -> vector<16xi32>
      %add3A_688 = arith.addi %add3A_674, %gather3A_687 : vector<16xi32>
      %slice3A = vector.extract_strided_slice %add3A_688 {offsets = [0], sizes = [1], strides = [1]} : vector<16xi32> to vector<1xi32>
      %squeeze3A = vector.extract %slice3A[0] : i32 from vector<1xi32>
      %eq3A_689 = arith.constant 64 : i32
      %eq3A_690 = arith.cmpi eq, %squeeze3A, %eq3A_689 : i32
      %convert_element_type3A_691 = arith.extui %eq3A_690 : i1 to i32
      %cond3A_692 = arith.constant 0 : i32
      %cond3A_693 = arith.constant 0 : i32
      %cond3A_694 = arith.cmpi ne, %convert_element_type3A_691, %cond3A_693 : i32
      %cond3A_695 = scf.if %cond3A_694 -> (vector<16xi32>) {
        %broadcast_in_dim3A_1175 = arith.constant 768 : i32
        %broadcast_in_dim3A_1176 = vector.broadcast %broadcast_in_dim3A_1175 : i32 to vector<16xi32>
        scf.yield %broadcast_in_dim3A_1176 : vector<16xi32>
      } else {
        %scan3A_1175 = arith.constant 0 : i32
        %scan3A_1176 = arith.constant 10 : i32
        %scan3A_1177 = arith.addi %scan3A_1175, %scan3A_1176 : i32
        %scan3A_1178 = arith.constant 1 : i32
        %scan3A_1179 = scf.for %scan3A_1728 = %scan3A_1175 to %scan3A_1177 step %scan3A_1178 iter_args(%scan3A_1729 = %broadcast_in_dim3A_481) -> (vector<16xi32>)  : i32 {
          %sub3A = arith.constant 9 : i32
          %sub3A_1730 = arith.subi %sub3A, %scan3A_1728 : i32
          %shift_left3A = arith.constant 1 : i32
          %shift_left3A_1731 = arith.shli %shift_left3A, %sub3A_1730 : i32
          %or3A_1732 = vector.broadcast %shift_left3A_1731 : i32 to vector<16xi32>
          %or3A_1733 = arith.ori %scan3A_1729, %or3A_1732 : vector<16xi32>
          %gt3A_1734 = arith.cmpi sgt, %get3A_385, %scan3A_489 : vector<16xi32>
          %eq3A_1735 = arith.cmpi eq, %get3A_385, %scan3A_489 : vector<16xi32>
          %add3A_1736 = arith.constant 0 : i32
          %add3A_1737 = vector.broadcast %add3A_1736 : i32 to vector<16xi32>
          %add3A_1738 = arith.addi %iota3A, %add3A_1737 : vector<16xi32>
          %le3A_1739 = arith.cmpi sle, %add3A_1738, %or3A_1733 : vector<16xi32>
          %and3A_1740 = arith.andi %eq3A_1735, %le3A_1739 : vector<16xi1>
          %or3A_1741 = arith.ori %gt3A_1734, %and3A_1740 : vector<16xi1>
          %select_n3A_1742 = arith.select %or3A_1741, %broadcast_in_dim3A_483, %broadcast_in_dim3A_481 : vector<16xi1>, vector<16xi32>
          %add3A_1743 = arith.addi %broadcast_in_dim3A_481, %select_n3A_1742 : vector<16xi32>
          %gt3A_1744 = arith.cmpi sgt, %get3A_387, %scan3A_489 : vector<16xi32>
          %eq3A_1745 = arith.cmpi eq, %get3A_387, %scan3A_489 : vector<16xi32>
          %add3A_1746 = arith.constant 16 : i32
          %add3A_1747 = vector.broadcast %add3A_1746 : i32 to vector<16xi32>
          %add3A_1748 = arith.addi %iota3A, %add3A_1747 : vector<16xi32>
          %le3A_1749 = arith.cmpi sle, %add3A_1748, %or3A_1733 : vector<16xi32>
          %and3A_1750 = arith.andi %eq3A_1745, %le3A_1749 : vector<16xi1>
          %or3A_1751 = arith.ori %gt3A_1744, %and3A_1750 : vector<16xi1>
          %select_n3A_1752 = arith.select %or3A_1751, %broadcast_in_dim3A_483, %broadcast_in_dim3A_481 : vector<16xi1>, vector<16xi32>
          %add3A_1753 = arith.addi %broadcast_in_dim3A_481, %select_n3A_1752 : vector<16xi32>
          %gt3A_1754 = arith.cmpi sgt, %get3A_389, %scan3A_489 : vector<16xi32>
          %eq3A_1755 = arith.cmpi eq, %get3A_389, %scan3A_489 : vector<16xi32>
          %add3A_1756 = arith.constant 32 : i32
          %add3A_1757 = vector.broadcast %add3A_1756 : i32 to vector<16xi32>
          %add3A_1758 = arith.addi %iota3A, %add3A_1757 : vector<16xi32>
          %le3A_1759 = arith.cmpi sle, %add3A_1758, %or3A_1733 : vector<16xi32>
          %and3A_1760 = arith.andi %eq3A_1755, %le3A_1759 : vector<16xi1>
          %or3A_1761 = arith.ori %gt3A_1754, %and3A_1760 : vector<16xi1>
          %select_n3A_1762 = arith.select %or3A_1761, %broadcast_in_dim3A_483, %broadcast_in_dim3A_481 : vector<16xi1>, vector<16xi32>
          %add3A_1763 = arith.addi %broadcast_in_dim3A_481, %select_n3A_1762 : vector<16xi32>
          %gt3A_1764 = arith.cmpi sgt, %get3A_391, %scan3A_489 : vector<16xi32>
          %eq3A_1765 = arith.cmpi eq, %get3A_391, %scan3A_489 : vector<16xi32>
          %add3A_1766 = arith.constant 48 : i32
          %add3A_1767 = vector.broadcast %add3A_1766 : i32 to vector<16xi32>
          %add3A_1768 = arith.addi %iota3A, %add3A_1767 : vector<16xi32>
          %le3A_1769 = arith.cmpi sle, %add3A_1768, %or3A_1733 : vector<16xi32>
          %and3A_1770 = arith.andi %eq3A_1765, %le3A_1769 : vector<16xi1>
          %or3A_1771 = arith.ori %gt3A_1764, %and3A_1770 : vector<16xi1>
          %select_n3A_1772 = arith.select %or3A_1771, %broadcast_in_dim3A_483, %broadcast_in_dim3A_481 : vector<16xi1>, vector<16xi32>
          %add3A_1773 = arith.addi %broadcast_in_dim3A_481, %select_n3A_1772 : vector<16xi32>
          %gt3A_1774 = arith.cmpi sgt, %get3A_393, %scan3A_489 : vector<16xi32>
          %eq3A_1775 = arith.cmpi eq, %get3A_393, %scan3A_489 : vector<16xi32>
          %add3A_1776 = arith.constant 64 : i32
          %add3A_1777 = vector.broadcast %add3A_1776 : i32 to vector<16xi32>
          %add3A_1778 = arith.addi %iota3A, %add3A_1777 : vector<16xi32>
          %le3A_1779 = arith.cmpi sle, %add3A_1778, %or3A_1733 : vector<16xi32>
          %and3A_1780 = arith.andi %eq3A_1775, %le3A_1779 : vector<16xi1>
          %or3A_1781 = arith.ori %gt3A_1774, %and3A_1780 : vector<16xi1>
          %select_n3A_1782 = arith.select %or3A_1781, %broadcast_in_dim3A_483, %broadcast_in_dim3A_481 : vector<16xi1>, vector<16xi32>
          %add3A_1783 = arith.addi %add3A_1743, %select_n3A_1782 : vector<16xi32>
          %gt3A_1784 = arith.cmpi sgt, %get3A_395, %scan3A_489 : vector<16xi32>
          %eq3A_1785 = arith.cmpi eq, %get3A_395, %scan3A_489 : vector<16xi32>
          %add3A_1786 = arith.constant 80 : i32
          %add3A_1787 = vector.broadcast %add3A_1786 : i32 to vector<16xi32>
          %add3A_1788 = arith.addi %iota3A, %add3A_1787 : vector<16xi32>
          %le3A_1789 = arith.cmpi sle, %add3A_1788, %or3A_1733 : vector<16xi32>
          %and3A_1790 = arith.andi %eq3A_1785, %le3A_1789 : vector<16xi1>
          %or3A_1791 = arith.ori %gt3A_1784, %and3A_1790 : vector<16xi1>
          %select_n3A_1792 = arith.select %or3A_1791, %broadcast_in_dim3A_483, %broadcast_in_dim3A_481 : vector<16xi1>, vector<16xi32>
          %add3A_1793 = arith.addi %add3A_1753, %select_n3A_1792 : vector<16xi32>
          %gt3A_1794 = arith.cmpi sgt, %get3A_397, %scan3A_489 : vector<16xi32>
          %eq3A_1795 = arith.cmpi eq, %get3A_397, %scan3A_489 : vector<16xi32>
          %add3A_1796 = arith.constant 96 : i32
          %add3A_1797 = vector.broadcast %add3A_1796 : i32 to vector<16xi32>
          %add3A_1798 = arith.addi %iota3A, %add3A_1797 : vector<16xi32>
          %le3A_1799 = arith.cmpi sle, %add3A_1798, %or3A_1733 : vector<16xi32>
          %and3A_1800 = arith.andi %eq3A_1795, %le3A_1799 : vector<16xi1>
          %or3A_1801 = arith.ori %gt3A_1794, %and3A_1800 : vector<16xi1>
          %select_n3A_1802 = arith.select %or3A_1801, %broadcast_in_dim3A_483, %broadcast_in_dim3A_481 : vector<16xi1>, vector<16xi32>
          %add3A_1803 = arith.addi %add3A_1763, %select_n3A_1802 : vector<16xi32>
          %gt3A_1804 = arith.cmpi sgt, %get3A_399, %scan3A_489 : vector<16xi32>
          %eq3A_1805 = arith.cmpi eq, %get3A_399, %scan3A_489 : vector<16xi32>
          %add3A_1806 = arith.constant 112 : i32
          %add3A_1807 = vector.broadcast %add3A_1806 : i32 to vector<16xi32>
          %add3A_1808 = arith.addi %iota3A, %add3A_1807 : vector<16xi32>
          %le3A_1809 = arith.cmpi sle, %add3A_1808, %or3A_1733 : vector<16xi32>
          %and3A_1810 = arith.andi %eq3A_1805, %le3A_1809 : vector<16xi1>
          %or3A_1811 = arith.ori %gt3A_1804, %and3A_1810 : vector<16xi1>
          %select_n3A_1812 = arith.select %or3A_1811, %broadcast_in_dim3A_483, %broadcast_in_dim3A_481 : vector<16xi1>, vector<16xi32>
          %add3A_1813 = arith.addi %add3A_1773, %select_n3A_1812 : vector<16xi32>
          %gt3A_1814 = arith.cmpi sgt, %get3A_401, %scan3A_489 : vector<16xi32>
          %eq3A_1815 = arith.cmpi eq, %get3A_401, %scan3A_489 : vector<16xi32>
          %add3A_1816 = arith.constant 128 : i32
          %add3A_1817 = vector.broadcast %add3A_1816 : i32 to vector<16xi32>
          %add3A_1818 = arith.addi %iota3A, %add3A_1817 : vector<16xi32>
          %le3A_1819 = arith.cmpi sle, %add3A_1818, %or3A_1733 : vector<16xi32>
          %and3A_1820 = arith.andi %eq3A_1815, %le3A_1819 : vector<16xi1>
          %or3A_1821 = arith.ori %gt3A_1814, %and3A_1820 : vector<16xi1>
          %select_n3A_1822 = arith.select %or3A_1821, %broadcast_in_dim3A_483, %broadcast_in_dim3A_481 : vector<16xi1>, vector<16xi32>
          %add3A_1823 = arith.addi %add3A_1783, %select_n3A_1822 : vector<16xi32>
          %gt3A_1824 = arith.cmpi sgt, %get3A_403, %scan3A_489 : vector<16xi32>
          %eq3A_1825 = arith.cmpi eq, %get3A_403, %scan3A_489 : vector<16xi32>
          %add3A_1826 = arith.constant 144 : i32
          %add3A_1827 = vector.broadcast %add3A_1826 : i32 to vector<16xi32>
          %add3A_1828 = arith.addi %iota3A, %add3A_1827 : vector<16xi32>
          %le3A_1829 = arith.cmpi sle, %add3A_1828, %or3A_1733 : vector<16xi32>
          %and3A_1830 = arith.andi %eq3A_1825, %le3A_1829 : vector<16xi1>
          %or3A_1831 = arith.ori %gt3A_1824, %and3A_1830 : vector<16xi1>
          %select_n3A_1832 = arith.select %or3A_1831, %broadcast_in_dim3A_483, %broadcast_in_dim3A_481 : vector<16xi1>, vector<16xi32>
          %add3A_1833 = arith.addi %add3A_1793, %select_n3A_1832 : vector<16xi32>
          %gt3A_1834 = arith.cmpi sgt, %get3A_405, %scan3A_489 : vector<16xi32>
          %eq3A_1835 = arith.cmpi eq, %get3A_405, %scan3A_489 : vector<16xi32>
          %add3A_1836 = arith.constant 160 : i32
          %add3A_1837 = vector.broadcast %add3A_1836 : i32 to vector<16xi32>
          %add3A_1838 = arith.addi %iota3A, %add3A_1837 : vector<16xi32>
          %le3A_1839 = arith.cmpi sle, %add3A_1838, %or3A_1733 : vector<16xi32>
          %and3A_1840 = arith.andi %eq3A_1835, %le3A_1839 : vector<16xi1>
          %or3A_1841 = arith.ori %gt3A_1834, %and3A_1840 : vector<16xi1>
          %select_n3A_1842 = arith.select %or3A_1841, %broadcast_in_dim3A_483, %broadcast_in_dim3A_481 : vector<16xi1>, vector<16xi32>
          %add3A_1843 = arith.addi %add3A_1803, %select_n3A_1842 : vector<16xi32>
          %gt3A_1844 = arith.cmpi sgt, %get3A_407, %scan3A_489 : vector<16xi32>
          %eq3A_1845 = arith.cmpi eq, %get3A_407, %scan3A_489 : vector<16xi32>
          %add3A_1846 = arith.constant 176 : i32
          %add3A_1847 = vector.broadcast %add3A_1846 : i32 to vector<16xi32>
          %add3A_1848 = arith.addi %iota3A, %add3A_1847 : vector<16xi32>
          %le3A_1849 = arith.cmpi sle, %add3A_1848, %or3A_1733 : vector<16xi32>
          %and3A_1850 = arith.andi %eq3A_1845, %le3A_1849 : vector<16xi1>
          %or3A_1851 = arith.ori %gt3A_1844, %and3A_1850 : vector<16xi1>
          %select_n3A_1852 = arith.select %or3A_1851, %broadcast_in_dim3A_483, %broadcast_in_dim3A_481 : vector<16xi1>, vector<16xi32>
          %add3A_1853 = arith.addi %add3A_1813, %select_n3A_1852 : vector<16xi32>
          %gt3A_1854 = arith.cmpi sgt, %get3A_409, %scan3A_489 : vector<16xi32>
          %eq3A_1855 = arith.cmpi eq, %get3A_409, %scan3A_489 : vector<16xi32>
          %add3A_1856 = arith.constant 192 : i32
          %add3A_1857 = vector.broadcast %add3A_1856 : i32 to vector<16xi32>
          %add3A_1858 = arith.addi %iota3A, %add3A_1857 : vector<16xi32>
          %le3A_1859 = arith.cmpi sle, %add3A_1858, %or3A_1733 : vector<16xi32>
          %and3A_1860 = arith.andi %eq3A_1855, %le3A_1859 : vector<16xi1>
          %or3A_1861 = arith.ori %gt3A_1854, %and3A_1860 : vector<16xi1>
          %select_n3A_1862 = arith.select %or3A_1861, %broadcast_in_dim3A_483, %broadcast_in_dim3A_481 : vector<16xi1>, vector<16xi32>
          %add3A_1863 = arith.addi %add3A_1823, %select_n3A_1862 : vector<16xi32>
          %gt3A_1864 = arith.cmpi sgt, %get3A_411, %scan3A_489 : vector<16xi32>
          %eq3A_1865 = arith.cmpi eq, %get3A_411, %scan3A_489 : vector<16xi32>
          %add3A_1866 = arith.constant 208 : i32
          %add3A_1867 = vector.broadcast %add3A_1866 : i32 to vector<16xi32>
          %add3A_1868 = arith.addi %iota3A, %add3A_1867 : vector<16xi32>
          %le3A_1869 = arith.cmpi sle, %add3A_1868, %or3A_1733 : vector<16xi32>
          %and3A_1870 = arith.andi %eq3A_1865, %le3A_1869 : vector<16xi1>
          %or3A_1871 = arith.ori %gt3A_1864, %and3A_1870 : vector<16xi1>
          %select_n3A_1872 = arith.select %or3A_1871, %broadcast_in_dim3A_483, %broadcast_in_dim3A_481 : vector<16xi1>, vector<16xi32>
          %add3A_1873 = arith.addi %add3A_1833, %select_n3A_1872 : vector<16xi32>
          %gt3A_1874 = arith.cmpi sgt, %get3A_413, %scan3A_489 : vector<16xi32>
          %eq3A_1875 = arith.cmpi eq, %get3A_413, %scan3A_489 : vector<16xi32>
          %add3A_1876 = arith.constant 224 : i32
          %add3A_1877 = vector.broadcast %add3A_1876 : i32 to vector<16xi32>
          %add3A_1878 = arith.addi %iota3A, %add3A_1877 : vector<16xi32>
          %le3A_1879 = arith.cmpi sle, %add3A_1878, %or3A_1733 : vector<16xi32>
          %and3A_1880 = arith.andi %eq3A_1875, %le3A_1879 : vector<16xi1>
          %or3A_1881 = arith.ori %gt3A_1874, %and3A_1880 : vector<16xi1>
          %select_n3A_1882 = arith.select %or3A_1881, %broadcast_in_dim3A_483, %broadcast_in_dim3A_481 : vector<16xi1>, vector<16xi32>
          %add3A_1883 = arith.addi %add3A_1843, %select_n3A_1882 : vector<16xi32>
          %gt3A_1884 = arith.cmpi sgt, %get3A_415, %scan3A_489 : vector<16xi32>
          %eq3A_1885 = arith.cmpi eq, %get3A_415, %scan3A_489 : vector<16xi32>
          %add3A_1886 = arith.constant 240 : i32
          %add3A_1887 = vector.broadcast %add3A_1886 : i32 to vector<16xi32>
          %add3A_1888 = arith.addi %iota3A, %add3A_1887 : vector<16xi32>
          %le3A_1889 = arith.cmpi sle, %add3A_1888, %or3A_1733 : vector<16xi32>
          %and3A_1890 = arith.andi %eq3A_1885, %le3A_1889 : vector<16xi1>
          %or3A_1891 = arith.ori %gt3A_1884, %and3A_1890 : vector<16xi1>
          %select_n3A_1892 = arith.select %or3A_1891, %broadcast_in_dim3A_483, %broadcast_in_dim3A_481 : vector<16xi1>, vector<16xi32>
          %add3A_1893 = arith.addi %add3A_1853, %select_n3A_1892 : vector<16xi32>
          %gt3A_1894 = arith.cmpi sgt, %get3A_417, %scan3A_489 : vector<16xi32>
          %eq3A_1895 = arith.cmpi eq, %get3A_417, %scan3A_489 : vector<16xi32>
          %add3A_1896 = arith.constant 256 : i32
          %add3A_1897 = vector.broadcast %add3A_1896 : i32 to vector<16xi32>
          %add3A_1898 = arith.addi %iota3A, %add3A_1897 : vector<16xi32>
          %le3A_1899 = arith.cmpi sle, %add3A_1898, %or3A_1733 : vector<16xi32>
          %and3A_1900 = arith.andi %eq3A_1895, %le3A_1899 : vector<16xi1>
          %or3A_1901 = arith.ori %gt3A_1894, %and3A_1900 : vector<16xi1>
          %select_n3A_1902 = arith.select %or3A_1901, %broadcast_in_dim3A_483, %broadcast_in_dim3A_481 : vector<16xi1>, vector<16xi32>
          %add3A_1903 = arith.addi %add3A_1863, %select_n3A_1902 : vector<16xi32>
          %gt3A_1904 = arith.cmpi sgt, %get3A_419, %scan3A_489 : vector<16xi32>
          %eq3A_1905 = arith.cmpi eq, %get3A_419, %scan3A_489 : vector<16xi32>
          %add3A_1906 = arith.constant 272 : i32
          %add3A_1907 = vector.broadcast %add3A_1906 : i32 to vector<16xi32>
          %add3A_1908 = arith.addi %iota3A, %add3A_1907 : vector<16xi32>
          %le3A_1909 = arith.cmpi sle, %add3A_1908, %or3A_1733 : vector<16xi32>
          %and3A_1910 = arith.andi %eq3A_1905, %le3A_1909 : vector<16xi1>
          %or3A_1911 = arith.ori %gt3A_1904, %and3A_1910 : vector<16xi1>
          %select_n3A_1912 = arith.select %or3A_1911, %broadcast_in_dim3A_483, %broadcast_in_dim3A_481 : vector<16xi1>, vector<16xi32>
          %add3A_1913 = arith.addi %add3A_1873, %select_n3A_1912 : vector<16xi32>
          %gt3A_1914 = arith.cmpi sgt, %get3A_421, %scan3A_489 : vector<16xi32>
          %eq3A_1915 = arith.cmpi eq, %get3A_421, %scan3A_489 : vector<16xi32>
          %add3A_1916 = arith.constant 288 : i32
          %add3A_1917 = vector.broadcast %add3A_1916 : i32 to vector<16xi32>
          %add3A_1918 = arith.addi %iota3A, %add3A_1917 : vector<16xi32>
          %le3A_1919 = arith.cmpi sle, %add3A_1918, %or3A_1733 : vector<16xi32>
          %and3A_1920 = arith.andi %eq3A_1915, %le3A_1919 : vector<16xi1>
          %or3A_1921 = arith.ori %gt3A_1914, %and3A_1920 : vector<16xi1>
          %select_n3A_1922 = arith.select %or3A_1921, %broadcast_in_dim3A_483, %broadcast_in_dim3A_481 : vector<16xi1>, vector<16xi32>
          %add3A_1923 = arith.addi %add3A_1883, %select_n3A_1922 : vector<16xi32>
          %gt3A_1924 = arith.cmpi sgt, %get3A_423, %scan3A_489 : vector<16xi32>
          %eq3A_1925 = arith.cmpi eq, %get3A_423, %scan3A_489 : vector<16xi32>
          %add3A_1926 = arith.constant 304 : i32
          %add3A_1927 = vector.broadcast %add3A_1926 : i32 to vector<16xi32>
          %add3A_1928 = arith.addi %iota3A, %add3A_1927 : vector<16xi32>
          %le3A_1929 = arith.cmpi sle, %add3A_1928, %or3A_1733 : vector<16xi32>
          %and3A_1930 = arith.andi %eq3A_1925, %le3A_1929 : vector<16xi1>
          %or3A_1931 = arith.ori %gt3A_1924, %and3A_1930 : vector<16xi1>
          %select_n3A_1932 = arith.select %or3A_1931, %broadcast_in_dim3A_483, %broadcast_in_dim3A_481 : vector<16xi1>, vector<16xi32>
          %add3A_1933 = arith.addi %add3A_1893, %select_n3A_1932 : vector<16xi32>
          %gt3A_1934 = arith.cmpi sgt, %get3A_425, %scan3A_489 : vector<16xi32>
          %eq3A_1935 = arith.cmpi eq, %get3A_425, %scan3A_489 : vector<16xi32>
          %add3A_1936 = arith.constant 320 : i32
          %add3A_1937 = vector.broadcast %add3A_1936 : i32 to vector<16xi32>
          %add3A_1938 = arith.addi %iota3A, %add3A_1937 : vector<16xi32>
          %le3A_1939 = arith.cmpi sle, %add3A_1938, %or3A_1733 : vector<16xi32>
          %and3A_1940 = arith.andi %eq3A_1935, %le3A_1939 : vector<16xi1>
          %or3A_1941 = arith.ori %gt3A_1934, %and3A_1940 : vector<16xi1>
          %select_n3A_1942 = arith.select %or3A_1941, %broadcast_in_dim3A_483, %broadcast_in_dim3A_481 : vector<16xi1>, vector<16xi32>
          %add3A_1943 = arith.addi %add3A_1903, %select_n3A_1942 : vector<16xi32>
          %gt3A_1944 = arith.cmpi sgt, %get3A_427, %scan3A_489 : vector<16xi32>
          %eq3A_1945 = arith.cmpi eq, %get3A_427, %scan3A_489 : vector<16xi32>
          %add3A_1946 = arith.constant 336 : i32
          %add3A_1947 = vector.broadcast %add3A_1946 : i32 to vector<16xi32>
          %add3A_1948 = arith.addi %iota3A, %add3A_1947 : vector<16xi32>
          %le3A_1949 = arith.cmpi sle, %add3A_1948, %or3A_1733 : vector<16xi32>
          %and3A_1950 = arith.andi %eq3A_1945, %le3A_1949 : vector<16xi1>
          %or3A_1951 = arith.ori %gt3A_1944, %and3A_1950 : vector<16xi1>
          %select_n3A_1952 = arith.select %or3A_1951, %broadcast_in_dim3A_483, %broadcast_in_dim3A_481 : vector<16xi1>, vector<16xi32>
          %add3A_1953 = arith.addi %add3A_1913, %select_n3A_1952 : vector<16xi32>
          %gt3A_1954 = arith.cmpi sgt, %get3A_429, %scan3A_489 : vector<16xi32>
          %eq3A_1955 = arith.cmpi eq, %get3A_429, %scan3A_489 : vector<16xi32>
          %add3A_1956 = arith.constant 352 : i32
          %add3A_1957 = vector.broadcast %add3A_1956 : i32 to vector<16xi32>
          %add3A_1958 = arith.addi %iota3A, %add3A_1957 : vector<16xi32>
          %le3A_1959 = arith.cmpi sle, %add3A_1958, %or3A_1733 : vector<16xi32>
          %and3A_1960 = arith.andi %eq3A_1955, %le3A_1959 : vector<16xi1>
          %or3A_1961 = arith.ori %gt3A_1954, %and3A_1960 : vector<16xi1>
          %select_n3A_1962 = arith.select %or3A_1961, %broadcast_in_dim3A_483, %broadcast_in_dim3A_481 : vector<16xi1>, vector<16xi32>
          %add3A_1963 = arith.addi %add3A_1923, %select_n3A_1962 : vector<16xi32>
          %gt3A_1964 = arith.cmpi sgt, %get3A_431, %scan3A_489 : vector<16xi32>
          %eq3A_1965 = arith.cmpi eq, %get3A_431, %scan3A_489 : vector<16xi32>
          %add3A_1966 = arith.constant 368 : i32
          %add3A_1967 = vector.broadcast %add3A_1966 : i32 to vector<16xi32>
          %add3A_1968 = arith.addi %iota3A, %add3A_1967 : vector<16xi32>
          %le3A_1969 = arith.cmpi sle, %add3A_1968, %or3A_1733 : vector<16xi32>
          %and3A_1970 = arith.andi %eq3A_1965, %le3A_1969 : vector<16xi1>
          %or3A_1971 = arith.ori %gt3A_1964, %and3A_1970 : vector<16xi1>
          %select_n3A_1972 = arith.select %or3A_1971, %broadcast_in_dim3A_483, %broadcast_in_dim3A_481 : vector<16xi1>, vector<16xi32>
          %add3A_1973 = arith.addi %add3A_1933, %select_n3A_1972 : vector<16xi32>
          %gt3A_1974 = arith.cmpi sgt, %get3A_433, %scan3A_489 : vector<16xi32>
          %eq3A_1975 = arith.cmpi eq, %get3A_433, %scan3A_489 : vector<16xi32>
          %add3A_1976 = arith.constant 384 : i32
          %add3A_1977 = vector.broadcast %add3A_1976 : i32 to vector<16xi32>
          %add3A_1978 = arith.addi %iota3A, %add3A_1977 : vector<16xi32>
          %le3A_1979 = arith.cmpi sle, %add3A_1978, %or3A_1733 : vector<16xi32>
          %and3A_1980 = arith.andi %eq3A_1975, %le3A_1979 : vector<16xi1>
          %or3A_1981 = arith.ori %gt3A_1974, %and3A_1980 : vector<16xi1>
          %select_n3A_1982 = arith.select %or3A_1981, %broadcast_in_dim3A_483, %broadcast_in_dim3A_481 : vector<16xi1>, vector<16xi32>
          %add3A_1983 = arith.addi %add3A_1943, %select_n3A_1982 : vector<16xi32>
          %gt3A_1984 = arith.cmpi sgt, %get3A_435, %scan3A_489 : vector<16xi32>
          %eq3A_1985 = arith.cmpi eq, %get3A_435, %scan3A_489 : vector<16xi32>
          %add3A_1986 = arith.constant 400 : i32
          %add3A_1987 = vector.broadcast %add3A_1986 : i32 to vector<16xi32>
          %add3A_1988 = arith.addi %iota3A, %add3A_1987 : vector<16xi32>
          %le3A_1989 = arith.cmpi sle, %add3A_1988, %or3A_1733 : vector<16xi32>
          %and3A_1990 = arith.andi %eq3A_1985, %le3A_1989 : vector<16xi1>
          %or3A_1991 = arith.ori %gt3A_1984, %and3A_1990 : vector<16xi1>
          %select_n3A_1992 = arith.select %or3A_1991, %broadcast_in_dim3A_483, %broadcast_in_dim3A_481 : vector<16xi1>, vector<16xi32>
          %add3A_1993 = arith.addi %add3A_1953, %select_n3A_1992 : vector<16xi32>
          %gt3A_1994 = arith.cmpi sgt, %get3A_437, %scan3A_489 : vector<16xi32>
          %eq3A_1995 = arith.cmpi eq, %get3A_437, %scan3A_489 : vector<16xi32>
          %add3A_1996 = arith.constant 416 : i32
          %add3A_1997 = vector.broadcast %add3A_1996 : i32 to vector<16xi32>
          %add3A_1998 = arith.addi %iota3A, %add3A_1997 : vector<16xi32>
          %le3A_1999 = arith.cmpi sle, %add3A_1998, %or3A_1733 : vector<16xi32>
          %and3A_2000 = arith.andi %eq3A_1995, %le3A_1999 : vector<16xi1>
          %or3A_2001 = arith.ori %gt3A_1994, %and3A_2000 : vector<16xi1>
          %select_n3A_2002 = arith.select %or3A_2001, %broadcast_in_dim3A_483, %broadcast_in_dim3A_481 : vector<16xi1>, vector<16xi32>
          %add3A_2003 = arith.addi %add3A_1963, %select_n3A_2002 : vector<16xi32>
          %gt3A_2004 = arith.cmpi sgt, %get3A_439, %scan3A_489 : vector<16xi32>
          %eq3A_2005 = arith.cmpi eq, %get3A_439, %scan3A_489 : vector<16xi32>
          %add3A_2006 = arith.constant 432 : i32
          %add3A_2007 = vector.broadcast %add3A_2006 : i32 to vector<16xi32>
          %add3A_2008 = arith.addi %iota3A, %add3A_2007 : vector<16xi32>
          %le3A_2009 = arith.cmpi sle, %add3A_2008, %or3A_1733 : vector<16xi32>
          %and3A_2010 = arith.andi %eq3A_2005, %le3A_2009 : vector<16xi1>
          %or3A_2011 = arith.ori %gt3A_2004, %and3A_2010 : vector<16xi1>
          %select_n3A_2012 = arith.select %or3A_2011, %broadcast_in_dim3A_483, %broadcast_in_dim3A_481 : vector<16xi1>, vector<16xi32>
          %add3A_2013 = arith.addi %add3A_1973, %select_n3A_2012 : vector<16xi32>
          %gt3A_2014 = arith.cmpi sgt, %get3A_441, %scan3A_489 : vector<16xi32>
          %eq3A_2015 = arith.cmpi eq, %get3A_441, %scan3A_489 : vector<16xi32>
          %add3A_2016 = arith.constant 448 : i32
          %add3A_2017 = vector.broadcast %add3A_2016 : i32 to vector<16xi32>
          %add3A_2018 = arith.addi %iota3A, %add3A_2017 : vector<16xi32>
          %le3A_2019 = arith.cmpi sle, %add3A_2018, %or3A_1733 : vector<16xi32>
          %and3A_2020 = arith.andi %eq3A_2015, %le3A_2019 : vector<16xi1>
          %or3A_2021 = arith.ori %gt3A_2014, %and3A_2020 : vector<16xi1>
          %select_n3A_2022 = arith.select %or3A_2021, %broadcast_in_dim3A_483, %broadcast_in_dim3A_481 : vector<16xi1>, vector<16xi32>
          %add3A_2023 = arith.addi %add3A_1983, %select_n3A_2022 : vector<16xi32>
          %gt3A_2024 = arith.cmpi sgt, %get3A_443, %scan3A_489 : vector<16xi32>
          %eq3A_2025 = arith.cmpi eq, %get3A_443, %scan3A_489 : vector<16xi32>
          %add3A_2026 = arith.constant 464 : i32
          %add3A_2027 = vector.broadcast %add3A_2026 : i32 to vector<16xi32>
          %add3A_2028 = arith.addi %iota3A, %add3A_2027 : vector<16xi32>
          %le3A_2029 = arith.cmpi sle, %add3A_2028, %or3A_1733 : vector<16xi32>
          %and3A_2030 = arith.andi %eq3A_2025, %le3A_2029 : vector<16xi1>
          %or3A_2031 = arith.ori %gt3A_2024, %and3A_2030 : vector<16xi1>
          %select_n3A_2032 = arith.select %or3A_2031, %broadcast_in_dim3A_483, %broadcast_in_dim3A_481 : vector<16xi1>, vector<16xi32>
          %add3A_2033 = arith.addi %add3A_1993, %select_n3A_2032 : vector<16xi32>
          %gt3A_2034 = arith.cmpi sgt, %get3A_445, %scan3A_489 : vector<16xi32>
          %eq3A_2035 = arith.cmpi eq, %get3A_445, %scan3A_489 : vector<16xi32>
          %add3A_2036 = arith.constant 480 : i32
          %add3A_2037 = vector.broadcast %add3A_2036 : i32 to vector<16xi32>
          %add3A_2038 = arith.addi %iota3A, %add3A_2037 : vector<16xi32>
          %le3A_2039 = arith.cmpi sle, %add3A_2038, %or3A_1733 : vector<16xi32>
          %and3A_2040 = arith.andi %eq3A_2035, %le3A_2039 : vector<16xi1>
          %or3A_2041 = arith.ori %gt3A_2034, %and3A_2040 : vector<16xi1>
          %select_n3A_2042 = arith.select %or3A_2041, %broadcast_in_dim3A_483, %broadcast_in_dim3A_481 : vector<16xi1>, vector<16xi32>
          %add3A_2043 = arith.addi %add3A_2003, %select_n3A_2042 : vector<16xi32>
          %gt3A_2044 = arith.cmpi sgt, %get3A_447, %scan3A_489 : vector<16xi32>
          %eq3A_2045 = arith.cmpi eq, %get3A_447, %scan3A_489 : vector<16xi32>
          %add3A_2046 = arith.constant 496 : i32
          %add3A_2047 = vector.broadcast %add3A_2046 : i32 to vector<16xi32>
          %add3A_2048 = arith.addi %iota3A, %add3A_2047 : vector<16xi32>
          %le3A_2049 = arith.cmpi sle, %add3A_2048, %or3A_1733 : vector<16xi32>
          %and3A_2050 = arith.andi %eq3A_2045, %le3A_2049 : vector<16xi1>
          %or3A_2051 = arith.ori %gt3A_2044, %and3A_2050 : vector<16xi1>
          %select_n3A_2052 = arith.select %or3A_2051, %broadcast_in_dim3A_483, %broadcast_in_dim3A_481 : vector<16xi1>, vector<16xi32>
          %add3A_2053 = arith.addi %add3A_2013, %select_n3A_2052 : vector<16xi32>
          %gt3A_2054 = arith.cmpi sgt, %get3A_449, %scan3A_489 : vector<16xi32>
          %eq3A_2055 = arith.cmpi eq, %get3A_449, %scan3A_489 : vector<16xi32>
          %add3A_2056 = arith.constant 512 : i32
          %add3A_2057 = vector.broadcast %add3A_2056 : i32 to vector<16xi32>
          %add3A_2058 = arith.addi %iota3A, %add3A_2057 : vector<16xi32>
          %le3A_2059 = arith.cmpi sle, %add3A_2058, %or3A_1733 : vector<16xi32>
          %and3A_2060 = arith.andi %eq3A_2055, %le3A_2059 : vector<16xi1>
          %or3A_2061 = arith.ori %gt3A_2054, %and3A_2060 : vector<16xi1>
          %select_n3A_2062 = arith.select %or3A_2061, %broadcast_in_dim3A_483, %broadcast_in_dim3A_481 : vector<16xi1>, vector<16xi32>
          %add3A_2063 = arith.addi %add3A_2023, %select_n3A_2062 : vector<16xi32>
          %gt3A_2064 = arith.cmpi sgt, %get3A_451, %scan3A_489 : vector<16xi32>
          %eq3A_2065 = arith.cmpi eq, %get3A_451, %scan3A_489 : vector<16xi32>
          %add3A_2066 = arith.constant 528 : i32
          %add3A_2067 = vector.broadcast %add3A_2066 : i32 to vector<16xi32>
          %add3A_2068 = arith.addi %iota3A, %add3A_2067 : vector<16xi32>
          %le3A_2069 = arith.cmpi sle, %add3A_2068, %or3A_1733 : vector<16xi32>
          %and3A_2070 = arith.andi %eq3A_2065, %le3A_2069 : vector<16xi1>
          %or3A_2071 = arith.ori %gt3A_2064, %and3A_2070 : vector<16xi1>
          %select_n3A_2072 = arith.select %or3A_2071, %broadcast_in_dim3A_483, %broadcast_in_dim3A_481 : vector<16xi1>, vector<16xi32>
          %add3A_2073 = arith.addi %add3A_2033, %select_n3A_2072 : vector<16xi32>
          %gt3A_2074 = arith.cmpi sgt, %get3A_453, %scan3A_489 : vector<16xi32>
          %eq3A_2075 = arith.cmpi eq, %get3A_453, %scan3A_489 : vector<16xi32>
          %add3A_2076 = arith.constant 544 : i32
          %add3A_2077 = vector.broadcast %add3A_2076 : i32 to vector<16xi32>
          %add3A_2078 = arith.addi %iota3A, %add3A_2077 : vector<16xi32>
          %le3A_2079 = arith.cmpi sle, %add3A_2078, %or3A_1733 : vector<16xi32>
          %and3A_2080 = arith.andi %eq3A_2075, %le3A_2079 : vector<16xi1>
          %or3A_2081 = arith.ori %gt3A_2074, %and3A_2080 : vector<16xi1>
          %select_n3A_2082 = arith.select %or3A_2081, %broadcast_in_dim3A_483, %broadcast_in_dim3A_481 : vector<16xi1>, vector<16xi32>
          %add3A_2083 = arith.addi %add3A_2043, %select_n3A_2082 : vector<16xi32>
          %gt3A_2084 = arith.cmpi sgt, %get3A_455, %scan3A_489 : vector<16xi32>
          %eq3A_2085 = arith.cmpi eq, %get3A_455, %scan3A_489 : vector<16xi32>
          %add3A_2086 = arith.constant 560 : i32
          %add3A_2087 = vector.broadcast %add3A_2086 : i32 to vector<16xi32>
          %add3A_2088 = arith.addi %iota3A, %add3A_2087 : vector<16xi32>
          %le3A_2089 = arith.cmpi sle, %add3A_2088, %or3A_1733 : vector<16xi32>
          %and3A_2090 = arith.andi %eq3A_2085, %le3A_2089 : vector<16xi1>
          %or3A_2091 = arith.ori %gt3A_2084, %and3A_2090 : vector<16xi1>
          %select_n3A_2092 = arith.select %or3A_2091, %broadcast_in_dim3A_483, %broadcast_in_dim3A_481 : vector<16xi1>, vector<16xi32>
          %add3A_2093 = arith.addi %add3A_2053, %select_n3A_2092 : vector<16xi32>
          %gt3A_2094 = arith.cmpi sgt, %get3A_457, %scan3A_489 : vector<16xi32>
          %eq3A_2095 = arith.cmpi eq, %get3A_457, %scan3A_489 : vector<16xi32>
          %add3A_2096 = arith.constant 576 : i32
          %add3A_2097 = vector.broadcast %add3A_2096 : i32 to vector<16xi32>
          %add3A_2098 = arith.addi %iota3A, %add3A_2097 : vector<16xi32>
          %le3A_2099 = arith.cmpi sle, %add3A_2098, %or3A_1733 : vector<16xi32>
          %and3A_2100 = arith.andi %eq3A_2095, %le3A_2099 : vector<16xi1>
          %or3A_2101 = arith.ori %gt3A_2094, %and3A_2100 : vector<16xi1>
          %select_n3A_2102 = arith.select %or3A_2101, %broadcast_in_dim3A_483, %broadcast_in_dim3A_481 : vector<16xi1>, vector<16xi32>
          %add3A_2103 = arith.addi %add3A_2063, %select_n3A_2102 : vector<16xi32>
          %gt3A_2104 = arith.cmpi sgt, %get3A_459, %scan3A_489 : vector<16xi32>
          %eq3A_2105 = arith.cmpi eq, %get3A_459, %scan3A_489 : vector<16xi32>
          %add3A_2106 = arith.constant 592 : i32
          %add3A_2107 = vector.broadcast %add3A_2106 : i32 to vector<16xi32>
          %add3A_2108 = arith.addi %iota3A, %add3A_2107 : vector<16xi32>
          %le3A_2109 = arith.cmpi sle, %add3A_2108, %or3A_1733 : vector<16xi32>
          %and3A_2110 = arith.andi %eq3A_2105, %le3A_2109 : vector<16xi1>
          %or3A_2111 = arith.ori %gt3A_2104, %and3A_2110 : vector<16xi1>
          %select_n3A_2112 = arith.select %or3A_2111, %broadcast_in_dim3A_483, %broadcast_in_dim3A_481 : vector<16xi1>, vector<16xi32>
          %add3A_2113 = arith.addi %add3A_2073, %select_n3A_2112 : vector<16xi32>
          %gt3A_2114 = arith.cmpi sgt, %get3A_461, %scan3A_489 : vector<16xi32>
          %eq3A_2115 = arith.cmpi eq, %get3A_461, %scan3A_489 : vector<16xi32>
          %add3A_2116 = arith.constant 608 : i32
          %add3A_2117 = vector.broadcast %add3A_2116 : i32 to vector<16xi32>
          %add3A_2118 = arith.addi %iota3A, %add3A_2117 : vector<16xi32>
          %le3A_2119 = arith.cmpi sle, %add3A_2118, %or3A_1733 : vector<16xi32>
          %and3A_2120 = arith.andi %eq3A_2115, %le3A_2119 : vector<16xi1>
          %or3A_2121 = arith.ori %gt3A_2114, %and3A_2120 : vector<16xi1>
          %select_n3A_2122 = arith.select %or3A_2121, %broadcast_in_dim3A_483, %broadcast_in_dim3A_481 : vector<16xi1>, vector<16xi32>
          %add3A_2123 = arith.addi %add3A_2083, %select_n3A_2122 : vector<16xi32>
          %gt3A_2124 = arith.cmpi sgt, %get3A_463, %scan3A_489 : vector<16xi32>
          %eq3A_2125 = arith.cmpi eq, %get3A_463, %scan3A_489 : vector<16xi32>
          %add3A_2126 = arith.constant 624 : i32
          %add3A_2127 = vector.broadcast %add3A_2126 : i32 to vector<16xi32>
          %add3A_2128 = arith.addi %iota3A, %add3A_2127 : vector<16xi32>
          %le3A_2129 = arith.cmpi sle, %add3A_2128, %or3A_1733 : vector<16xi32>
          %and3A_2130 = arith.andi %eq3A_2125, %le3A_2129 : vector<16xi1>
          %or3A_2131 = arith.ori %gt3A_2124, %and3A_2130 : vector<16xi1>
          %select_n3A_2132 = arith.select %or3A_2131, %broadcast_in_dim3A_483, %broadcast_in_dim3A_481 : vector<16xi1>, vector<16xi32>
          %add3A_2133 = arith.addi %add3A_2093, %select_n3A_2132 : vector<16xi32>
          %gt3A_2134 = arith.cmpi sgt, %get3A_465, %scan3A_489 : vector<16xi32>
          %eq3A_2135 = arith.cmpi eq, %get3A_465, %scan3A_489 : vector<16xi32>
          %add3A_2136 = arith.constant 640 : i32
          %add3A_2137 = vector.broadcast %add3A_2136 : i32 to vector<16xi32>
          %add3A_2138 = arith.addi %iota3A, %add3A_2137 : vector<16xi32>
          %le3A_2139 = arith.cmpi sle, %add3A_2138, %or3A_1733 : vector<16xi32>
          %and3A_2140 = arith.andi %eq3A_2135, %le3A_2139 : vector<16xi1>
          %or3A_2141 = arith.ori %gt3A_2134, %and3A_2140 : vector<16xi1>
          %select_n3A_2142 = arith.select %or3A_2141, %broadcast_in_dim3A_483, %broadcast_in_dim3A_481 : vector<16xi1>, vector<16xi32>
          %add3A_2143 = arith.addi %add3A_2103, %select_n3A_2142 : vector<16xi32>
          %gt3A_2144 = arith.cmpi sgt, %get3A_467, %scan3A_489 : vector<16xi32>
          %eq3A_2145 = arith.cmpi eq, %get3A_467, %scan3A_489 : vector<16xi32>
          %add3A_2146 = arith.constant 656 : i32
          %add3A_2147 = vector.broadcast %add3A_2146 : i32 to vector<16xi32>
          %add3A_2148 = arith.addi %iota3A, %add3A_2147 : vector<16xi32>
          %le3A_2149 = arith.cmpi sle, %add3A_2148, %or3A_1733 : vector<16xi32>
          %and3A_2150 = arith.andi %eq3A_2145, %le3A_2149 : vector<16xi1>
          %or3A_2151 = arith.ori %gt3A_2144, %and3A_2150 : vector<16xi1>
          %select_n3A_2152 = arith.select %or3A_2151, %broadcast_in_dim3A_483, %broadcast_in_dim3A_481 : vector<16xi1>, vector<16xi32>
          %add3A_2153 = arith.addi %add3A_2113, %select_n3A_2152 : vector<16xi32>
          %gt3A_2154 = arith.cmpi sgt, %get3A_469, %scan3A_489 : vector<16xi32>
          %eq3A_2155 = arith.cmpi eq, %get3A_469, %scan3A_489 : vector<16xi32>
          %add3A_2156 = arith.constant 672 : i32
          %add3A_2157 = vector.broadcast %add3A_2156 : i32 to vector<16xi32>
          %add3A_2158 = arith.addi %iota3A, %add3A_2157 : vector<16xi32>
          %le3A_2159 = arith.cmpi sle, %add3A_2158, %or3A_1733 : vector<16xi32>
          %and3A_2160 = arith.andi %eq3A_2155, %le3A_2159 : vector<16xi1>
          %or3A_2161 = arith.ori %gt3A_2154, %and3A_2160 : vector<16xi1>
          %select_n3A_2162 = arith.select %or3A_2161, %broadcast_in_dim3A_483, %broadcast_in_dim3A_481 : vector<16xi1>, vector<16xi32>
          %add3A_2163 = arith.addi %add3A_2123, %select_n3A_2162 : vector<16xi32>
          %gt3A_2164 = arith.cmpi sgt, %get3A_471, %scan3A_489 : vector<16xi32>
          %eq3A_2165 = arith.cmpi eq, %get3A_471, %scan3A_489 : vector<16xi32>
          %add3A_2166 = arith.constant 688 : i32
          %add3A_2167 = vector.broadcast %add3A_2166 : i32 to vector<16xi32>
          %add3A_2168 = arith.addi %iota3A, %add3A_2167 : vector<16xi32>
          %le3A_2169 = arith.cmpi sle, %add3A_2168, %or3A_1733 : vector<16xi32>
          %and3A_2170 = arith.andi %eq3A_2165, %le3A_2169 : vector<16xi1>
          %or3A_2171 = arith.ori %gt3A_2164, %and3A_2170 : vector<16xi1>
          %select_n3A_2172 = arith.select %or3A_2171, %broadcast_in_dim3A_483, %broadcast_in_dim3A_481 : vector<16xi1>, vector<16xi32>
          %add3A_2173 = arith.addi %add3A_2133, %select_n3A_2172 : vector<16xi32>
          %gt3A_2174 = arith.cmpi sgt, %get3A_473, %scan3A_489 : vector<16xi32>
          %eq3A_2175 = arith.cmpi eq, %get3A_473, %scan3A_489 : vector<16xi32>
          %add3A_2176 = arith.constant 704 : i32
          %add3A_2177 = vector.broadcast %add3A_2176 : i32 to vector<16xi32>
          %add3A_2178 = arith.addi %iota3A, %add3A_2177 : vector<16xi32>
          %le3A_2179 = arith.cmpi sle, %add3A_2178, %or3A_1733 : vector<16xi32>
          %and3A_2180 = arith.andi %eq3A_2175, %le3A_2179 : vector<16xi1>
          %or3A_2181 = arith.ori %gt3A_2174, %and3A_2180 : vector<16xi1>
          %select_n3A_2182 = arith.select %or3A_2181, %broadcast_in_dim3A_483, %broadcast_in_dim3A_481 : vector<16xi1>, vector<16xi32>
          %add3A_2183 = arith.addi %add3A_2143, %select_n3A_2182 : vector<16xi32>
          %gt3A_2184 = arith.cmpi sgt, %get3A_475, %scan3A_489 : vector<16xi32>
          %eq3A_2185 = arith.cmpi eq, %get3A_475, %scan3A_489 : vector<16xi32>
          %add3A_2186 = arith.constant 720 : i32
          %add3A_2187 = vector.broadcast %add3A_2186 : i32 to vector<16xi32>
          %add3A_2188 = arith.addi %iota3A, %add3A_2187 : vector<16xi32>
          %le3A_2189 = arith.cmpi sle, %add3A_2188, %or3A_1733 : vector<16xi32>
          %and3A_2190 = arith.andi %eq3A_2185, %le3A_2189 : vector<16xi1>
          %or3A_2191 = arith.ori %gt3A_2184, %and3A_2190 : vector<16xi1>
          %select_n3A_2192 = arith.select %or3A_2191, %broadcast_in_dim3A_483, %broadcast_in_dim3A_481 : vector<16xi1>, vector<16xi32>
          %add3A_2193 = arith.addi %add3A_2153, %select_n3A_2192 : vector<16xi32>
          %gt3A_2194 = arith.cmpi sgt, %get3A_477, %scan3A_489 : vector<16xi32>
          %eq3A_2195 = arith.cmpi eq, %get3A_477, %scan3A_489 : vector<16xi32>
          %add3A_2196 = arith.constant 736 : i32
          %add3A_2197 = vector.broadcast %add3A_2196 : i32 to vector<16xi32>
          %add3A_2198 = arith.addi %iota3A, %add3A_2197 : vector<16xi32>
          %le3A_2199 = arith.cmpi sle, %add3A_2198, %or3A_1733 : vector<16xi32>
          %and3A_2200 = arith.andi %eq3A_2195, %le3A_2199 : vector<16xi1>
          %or3A_2201 = arith.ori %gt3A_2194, %and3A_2200 : vector<16xi1>
          %select_n3A_2202 = arith.select %or3A_2201, %broadcast_in_dim3A_483, %broadcast_in_dim3A_481 : vector<16xi1>, vector<16xi32>
          %add3A_2203 = arith.addi %add3A_2163, %select_n3A_2202 : vector<16xi32>
          %gt3A_2204 = arith.cmpi sgt, %get3A_479, %scan3A_489 : vector<16xi32>
          %eq3A_2205 = arith.cmpi eq, %get3A_479, %scan3A_489 : vector<16xi32>
          %add3A_2206 = arith.constant 752 : i32
          %add3A_2207 = vector.broadcast %add3A_2206 : i32 to vector<16xi32>
          %add3A_2208 = arith.addi %iota3A, %add3A_2207 : vector<16xi32>
          %le3A_2209 = arith.cmpi sle, %add3A_2208, %or3A_1733 : vector<16xi32>
          %and3A_2210 = arith.andi %eq3A_2205, %le3A_2209 : vector<16xi1>
          %or3A_2211 = arith.ori %gt3A_2204, %and3A_2210 : vector<16xi1>
          %select_n3A_2212 = arith.select %or3A_2211, %broadcast_in_dim3A_483, %broadcast_in_dim3A_481 : vector<16xi1>, vector<16xi32>
          %add3A_2213 = arith.addi %add3A_2173, %select_n3A_2212 : vector<16xi32>
          %add3A_2214 = arith.addi %add3A_2183, %add3A_2193 : vector<16xi32>
          %add3A_2215 = arith.addi %add3A_2203, %add3A_2213 : vector<16xi32>
          %add3A_2216 = arith.addi %add3A_2214, %add3A_2215 : vector<16xi32>
          %xor3A_2217 = arith.constant 1 : i32
          %xor3A_2218 = vector.broadcast %xor3A_2217 : i32 to vector<16xi32>
          %xor3A_2219 = arith.xori %iota3A, %xor3A_2218 : vector<16xi32>
          %lt3A_2220 = arith.constant 0 : i32
          %lt3A_2221 = vector.broadcast %lt3A_2220 : i32 to vector<16xi32>
          %lt3A_2222 = arith.cmpi slt, %xor3A_2219, %lt3A_2221 : vector<16xi32>
          %add3A_2223 = arith.constant 16 : i32
          %add3A_2224 = vector.broadcast %add3A_2223 : i32 to vector<16xi32>
          %add3A_2225 = arith.addi %xor3A_2219, %add3A_2224 : vector<16xi32>
          %select_n3A_2226 = arith.select %lt3A_2222, %add3A_2225, %xor3A_2219 : vector<16xi1>, vector<16xi32>
          %broadcast_in_dim3A_2227 = vector.shape_cast %select_n3A_2226 : vector<16xi32> to vector<16x1xi32>
          %gather3A_2228 = vector.shape_cast %broadcast_in_dim3A_2227 : vector<16x1xi32> to vector<16xi32>
          %gather3A_2229 = tpu.dynamic_gather %add3A_2216[%gather3A_2228] in [0] : vector<16xi32>, vector<16xi32> -> vector<16xi32>
          %add3A_2230 = arith.addi %add3A_2216, %gather3A_2229 : vector<16xi32>
          %xor3A_2231 = arith.constant 2 : i32
          %xor3A_2232 = vector.broadcast %xor3A_2231 : i32 to vector<16xi32>
          %xor3A_2233 = arith.xori %iota3A, %xor3A_2232 : vector<16xi32>
          %lt3A_2234 = arith.constant 0 : i32
          %lt3A_2235 = vector.broadcast %lt3A_2234 : i32 to vector<16xi32>
          %lt3A_2236 = arith.cmpi slt, %xor3A_2233, %lt3A_2235 : vector<16xi32>
          %add3A_2237 = arith.constant 16 : i32
          %add3A_2238 = vector.broadcast %add3A_2237 : i32 to vector<16xi32>
          %add3A_2239 = arith.addi %xor3A_2233, %add3A_2238 : vector<16xi32>
          %select_n3A_2240 = arith.select %lt3A_2236, %add3A_2239, %xor3A_2233 : vector<16xi1>, vector<16xi32>
          %broadcast_in_dim3A_2241 = vector.shape_cast %select_n3A_2240 : vector<16xi32> to vector<16x1xi32>
          %gather3A_2242 = vector.shape_cast %broadcast_in_dim3A_2241 : vector<16x1xi32> to vector<16xi32>
          %gather3A_2243 = tpu.dynamic_gather %add3A_2230[%gather3A_2242] in [0] : vector<16xi32>, vector<16xi32> -> vector<16xi32>
          %add3A_2244 = arith.addi %add3A_2230, %gather3A_2243 : vector<16xi32>
          %xor3A_2245 = arith.constant 4 : i32
          %xor3A_2246 = vector.broadcast %xor3A_2245 : i32 to vector<16xi32>
          %xor3A_2247 = arith.xori %iota3A, %xor3A_2246 : vector<16xi32>
          %lt3A_2248 = arith.constant 0 : i32
          %lt3A_2249 = vector.broadcast %lt3A_2248 : i32 to vector<16xi32>
          %lt3A_2250 = arith.cmpi slt, %xor3A_2247, %lt3A_2249 : vector<16xi32>
          %add3A_2251 = arith.constant 16 : i32
          %add3A_2252 = vector.broadcast %add3A_2251 : i32 to vector<16xi32>
          %add3A_2253 = arith.addi %xor3A_2247, %add3A_2252 : vector<16xi32>
          %select_n3A_2254 = arith.select %lt3A_2250, %add3A_2253, %xor3A_2247 : vector<16xi1>, vector<16xi32>
          %broadcast_in_dim3A_2255 = vector.shape_cast %select_n3A_2254 : vector<16xi32> to vector<16x1xi32>
          %gather3A_2256 = vector.shape_cast %broadcast_in_dim3A_2255 : vector<16x1xi32> to vector<16xi32>
          %gather3A_2257 = tpu.dynamic_gather %add3A_2244[%gather3A_2256] in [0] : vector<16xi32>, vector<16xi32> -> vector<16xi32>
          %add3A_2258 = arith.addi %add3A_2244, %gather3A_2257 : vector<16xi32>
          %xor3A_2259 = arith.constant 8 : i32
          %xor3A_2260 = vector.broadcast %xor3A_2259 : i32 to vector<16xi32>
          %xor3A_2261 = arith.xori %iota3A, %xor3A_2260 : vector<16xi32>
          %lt3A_2262 = arith.constant 0 : i32
          %lt3A_2263 = vector.broadcast %lt3A_2262 : i32 to vector<16xi32>
          %lt3A_2264 = arith.cmpi slt, %xor3A_2261, %lt3A_2263 : vector<16xi32>
          %add3A_2265 = arith.constant 16 : i32
          %add3A_2266 = vector.broadcast %add3A_2265 : i32 to vector<16xi32>
          %add3A_2267 = arith.addi %xor3A_2261, %add3A_2266 : vector<16xi32>
          %select_n3A_2268 = arith.select %lt3A_2264, %add3A_2267, %xor3A_2261 : vector<16xi1>, vector<16xi32>
          %broadcast_in_dim3A_2269 = vector.shape_cast %select_n3A_2268 : vector<16xi32> to vector<16x1xi32>
          %gather3A_2270 = vector.shape_cast %broadcast_in_dim3A_2269 : vector<16x1xi32> to vector<16xi32>
          %gather3A_2271 = tpu.dynamic_gather %add3A_2258[%gather3A_2270] in [0] : vector<16xi32>, vector<16xi32> -> vector<16xi32>
          %add3A_2272 = arith.addi %add3A_2258, %gather3A_2271 : vector<16xi32>
          %lt3A_2273 = arith.constant 64 : i32
          %lt3A_2274 = vector.broadcast %lt3A_2273 : i32 to vector<16xi32>
          %lt3A_2275 = arith.cmpi slt, %add3A_2272, %lt3A_2274 : vector<16xi32>
          %select_n3A_2276 = arith.select %lt3A_2275, %or3A_1733, %scan3A_1729 : vector<16xi1>, vector<16xi32>
          scf.yield %select_n3A_2276 : vector<16xi32>
        }
        %scan3A_1180 = arith.constant 10 : i32
        %gt3A_1181 = arith.cmpi sgt, %get3A_385, %scan3A_489 : vector<16xi32>
        %eq3A_1182 = arith.cmpi eq, %get3A_385, %scan3A_489 : vector<16xi32>
        %add3A_1183 = arith.constant 0 : i32
        %add3A_1184 = vector.broadcast %add3A_1183 : i32 to vector<16xi32>
        %add3A_1185 = arith.addi %iota3A, %add3A_1184 : vector<16xi32>
        %le3A_1186 = arith.cmpi sle, %add3A_1185, %broadcast_in_dim3A_481 : vector<16xi32>
        %and3A_1187 = arith.andi %eq3A_1182, %le3A_1186 : vector<16xi1>
        %or3A_1188 = arith.ori %gt3A_1181, %and3A_1187 : vector<16xi1>
        %select_n3A_1189 = arith.select %or3A_1188, %broadcast_in_dim3A_483, %broadcast_in_dim3A_481 : vector<16xi1>, vector<16xi32>
        %add3A_1190 = arith.addi %broadcast_in_dim3A_481, %select_n3A_1189 : vector<16xi32>
        %gt3A_1191 = arith.cmpi sgt, %get3A_387, %scan3A_489 : vector<16xi32>
        %eq3A_1192 = arith.cmpi eq, %get3A_387, %scan3A_489 : vector<16xi32>
        %add3A_1193 = arith.constant 16 : i32
        %add3A_1194 = vector.broadcast %add3A_1193 : i32 to vector<16xi32>
        %add3A_1195 = arith.addi %iota3A, %add3A_1194 : vector<16xi32>
        %le3A_1196 = arith.cmpi sle, %add3A_1195, %broadcast_in_dim3A_481 : vector<16xi32>
        %and3A_1197 = arith.andi %eq3A_1192, %le3A_1196 : vector<16xi1>
        %or3A_1198 = arith.ori %gt3A_1191, %and3A_1197 : vector<16xi1>
        %select_n3A_1199 = arith.select %or3A_1198, %broadcast_in_dim3A_483, %broadcast_in_dim3A_481 : vector<16xi1>, vector<16xi32>
        %add3A_1200 = arith.addi %broadcast_in_dim3A_481, %select_n3A_1199 : vector<16xi32>
        %gt3A_1201 = arith.cmpi sgt, %get3A_389, %scan3A_489 : vector<16xi32>
        %eq3A_1202 = arith.cmpi eq, %get3A_389, %scan3A_489 : vector<16xi32>
        %add3A_1203 = arith.constant 32 : i32
        %add3A_1204 = vector.broadcast %add3A_1203 : i32 to vector<16xi32>
        %add3A_1205 = arith.addi %iota3A, %add3A_1204 : vector<16xi32>
        %le3A_1206 = arith.cmpi sle, %add3A_1205, %broadcast_in_dim3A_481 : vector<16xi32>
        %and3A_1207 = arith.andi %eq3A_1202, %le3A_1206 : vector<16xi1>
        %or3A_1208 = arith.ori %gt3A_1201, %and3A_1207 : vector<16xi1>
        %select_n3A_1209 = arith.select %or3A_1208, %broadcast_in_dim3A_483, %broadcast_in_dim3A_481 : vector<16xi1>, vector<16xi32>
        %add3A_1210 = arith.addi %broadcast_in_dim3A_481, %select_n3A_1209 : vector<16xi32>
        %gt3A_1211 = arith.cmpi sgt, %get3A_391, %scan3A_489 : vector<16xi32>
        %eq3A_1212 = arith.cmpi eq, %get3A_391, %scan3A_489 : vector<16xi32>
        %add3A_1213 = arith.constant 48 : i32
        %add3A_1214 = vector.broadcast %add3A_1213 : i32 to vector<16xi32>
        %add3A_1215 = arith.addi %iota3A, %add3A_1214 : vector<16xi32>
        %le3A_1216 = arith.cmpi sle, %add3A_1215, %broadcast_in_dim3A_481 : vector<16xi32>
        %and3A_1217 = arith.andi %eq3A_1212, %le3A_1216 : vector<16xi1>
        %or3A_1218 = arith.ori %gt3A_1211, %and3A_1217 : vector<16xi1>
        %select_n3A_1219 = arith.select %or3A_1218, %broadcast_in_dim3A_483, %broadcast_in_dim3A_481 : vector<16xi1>, vector<16xi32>
        %add3A_1220 = arith.addi %broadcast_in_dim3A_481, %select_n3A_1219 : vector<16xi32>
        %gt3A_1221 = arith.cmpi sgt, %get3A_393, %scan3A_489 : vector<16xi32>
        %eq3A_1222 = arith.cmpi eq, %get3A_393, %scan3A_489 : vector<16xi32>
        %add3A_1223 = arith.constant 64 : i32
        %add3A_1224 = vector.broadcast %add3A_1223 : i32 to vector<16xi32>
        %add3A_1225 = arith.addi %iota3A, %add3A_1224 : vector<16xi32>
        %le3A_1226 = arith.cmpi sle, %add3A_1225, %broadcast_in_dim3A_481 : vector<16xi32>
        %and3A_1227 = arith.andi %eq3A_1222, %le3A_1226 : vector<16xi1>
        %or3A_1228 = arith.ori %gt3A_1221, %and3A_1227 : vector<16xi1>
        %select_n3A_1229 = arith.select %or3A_1228, %broadcast_in_dim3A_483, %broadcast_in_dim3A_481 : vector<16xi1>, vector<16xi32>
        %add3A_1230 = arith.addi %add3A_1190, %select_n3A_1229 : vector<16xi32>
        %gt3A_1231 = arith.cmpi sgt, %get3A_395, %scan3A_489 : vector<16xi32>
        %eq3A_1232 = arith.cmpi eq, %get3A_395, %scan3A_489 : vector<16xi32>
        %add3A_1233 = arith.constant 80 : i32
        %add3A_1234 = vector.broadcast %add3A_1233 : i32 to vector<16xi32>
        %add3A_1235 = arith.addi %iota3A, %add3A_1234 : vector<16xi32>
        %le3A_1236 = arith.cmpi sle, %add3A_1235, %broadcast_in_dim3A_481 : vector<16xi32>
        %and3A_1237 = arith.andi %eq3A_1232, %le3A_1236 : vector<16xi1>
        %or3A_1238 = arith.ori %gt3A_1231, %and3A_1237 : vector<16xi1>
        %select_n3A_1239 = arith.select %or3A_1238, %broadcast_in_dim3A_483, %broadcast_in_dim3A_481 : vector<16xi1>, vector<16xi32>
        %add3A_1240 = arith.addi %add3A_1200, %select_n3A_1239 : vector<16xi32>
        %gt3A_1241 = arith.cmpi sgt, %get3A_397, %scan3A_489 : vector<16xi32>
        %eq3A_1242 = arith.cmpi eq, %get3A_397, %scan3A_489 : vector<16xi32>
        %add3A_1243 = arith.constant 96 : i32
        %add3A_1244 = vector.broadcast %add3A_1243 : i32 to vector<16xi32>
        %add3A_1245 = arith.addi %iota3A, %add3A_1244 : vector<16xi32>
        %le3A_1246 = arith.cmpi sle, %add3A_1245, %broadcast_in_dim3A_481 : vector<16xi32>
        %and3A_1247 = arith.andi %eq3A_1242, %le3A_1246 : vector<16xi1>
        %or3A_1248 = arith.ori %gt3A_1241, %and3A_1247 : vector<16xi1>
        %select_n3A_1249 = arith.select %or3A_1248, %broadcast_in_dim3A_483, %broadcast_in_dim3A_481 : vector<16xi1>, vector<16xi32>
        %add3A_1250 = arith.addi %add3A_1210, %select_n3A_1249 : vector<16xi32>
        %gt3A_1251 = arith.cmpi sgt, %get3A_399, %scan3A_489 : vector<16xi32>
        %eq3A_1252 = arith.cmpi eq, %get3A_399, %scan3A_489 : vector<16xi32>
        %add3A_1253 = arith.constant 112 : i32
        %add3A_1254 = vector.broadcast %add3A_1253 : i32 to vector<16xi32>
        %add3A_1255 = arith.addi %iota3A, %add3A_1254 : vector<16xi32>
        %le3A_1256 = arith.cmpi sle, %add3A_1255, %broadcast_in_dim3A_481 : vector<16xi32>
        %and3A_1257 = arith.andi %eq3A_1252, %le3A_1256 : vector<16xi1>
        %or3A_1258 = arith.ori %gt3A_1251, %and3A_1257 : vector<16xi1>
        %select_n3A_1259 = arith.select %or3A_1258, %broadcast_in_dim3A_483, %broadcast_in_dim3A_481 : vector<16xi1>, vector<16xi32>
        %add3A_1260 = arith.addi %add3A_1220, %select_n3A_1259 : vector<16xi32>
        %gt3A_1261 = arith.cmpi sgt, %get3A_401, %scan3A_489 : vector<16xi32>
        %eq3A_1262 = arith.cmpi eq, %get3A_401, %scan3A_489 : vector<16xi32>
        %add3A_1263 = arith.constant 128 : i32
        %add3A_1264 = vector.broadcast %add3A_1263 : i32 to vector<16xi32>
        %add3A_1265 = arith.addi %iota3A, %add3A_1264 : vector<16xi32>
        %le3A_1266 = arith.cmpi sle, %add3A_1265, %broadcast_in_dim3A_481 : vector<16xi32>
        %and3A_1267 = arith.andi %eq3A_1262, %le3A_1266 : vector<16xi1>
        %or3A_1268 = arith.ori %gt3A_1261, %and3A_1267 : vector<16xi1>
        %select_n3A_1269 = arith.select %or3A_1268, %broadcast_in_dim3A_483, %broadcast_in_dim3A_481 : vector<16xi1>, vector<16xi32>
        %add3A_1270 = arith.addi %add3A_1230, %select_n3A_1269 : vector<16xi32>
        %gt3A_1271 = arith.cmpi sgt, %get3A_403, %scan3A_489 : vector<16xi32>
        %eq3A_1272 = arith.cmpi eq, %get3A_403, %scan3A_489 : vector<16xi32>
        %add3A_1273 = arith.constant 144 : i32
        %add3A_1274 = vector.broadcast %add3A_1273 : i32 to vector<16xi32>
        %add3A_1275 = arith.addi %iota3A, %add3A_1274 : vector<16xi32>
        %le3A_1276 = arith.cmpi sle, %add3A_1275, %broadcast_in_dim3A_481 : vector<16xi32>
        %and3A_1277 = arith.andi %eq3A_1272, %le3A_1276 : vector<16xi1>
        %or3A_1278 = arith.ori %gt3A_1271, %and3A_1277 : vector<16xi1>
        %select_n3A_1279 = arith.select %or3A_1278, %broadcast_in_dim3A_483, %broadcast_in_dim3A_481 : vector<16xi1>, vector<16xi32>
        %add3A_1280 = arith.addi %add3A_1240, %select_n3A_1279 : vector<16xi32>
        %gt3A_1281 = arith.cmpi sgt, %get3A_405, %scan3A_489 : vector<16xi32>
        %eq3A_1282 = arith.cmpi eq, %get3A_405, %scan3A_489 : vector<16xi32>
        %add3A_1283 = arith.constant 160 : i32
        %add3A_1284 = vector.broadcast %add3A_1283 : i32 to vector<16xi32>
        %add3A_1285 = arith.addi %iota3A, %add3A_1284 : vector<16xi32>
        %le3A_1286 = arith.cmpi sle, %add3A_1285, %broadcast_in_dim3A_481 : vector<16xi32>
        %and3A_1287 = arith.andi %eq3A_1282, %le3A_1286 : vector<16xi1>
        %or3A_1288 = arith.ori %gt3A_1281, %and3A_1287 : vector<16xi1>
        %select_n3A_1289 = arith.select %or3A_1288, %broadcast_in_dim3A_483, %broadcast_in_dim3A_481 : vector<16xi1>, vector<16xi32>
        %add3A_1290 = arith.addi %add3A_1250, %select_n3A_1289 : vector<16xi32>
        %gt3A_1291 = arith.cmpi sgt, %get3A_407, %scan3A_489 : vector<16xi32>
        %eq3A_1292 = arith.cmpi eq, %get3A_407, %scan3A_489 : vector<16xi32>
        %add3A_1293 = arith.constant 176 : i32
        %add3A_1294 = vector.broadcast %add3A_1293 : i32 to vector<16xi32>
        %add3A_1295 = arith.addi %iota3A, %add3A_1294 : vector<16xi32>
        %le3A_1296 = arith.cmpi sle, %add3A_1295, %broadcast_in_dim3A_481 : vector<16xi32>
        %and3A_1297 = arith.andi %eq3A_1292, %le3A_1296 : vector<16xi1>
        %or3A_1298 = arith.ori %gt3A_1291, %and3A_1297 : vector<16xi1>
        %select_n3A_1299 = arith.select %or3A_1298, %broadcast_in_dim3A_483, %broadcast_in_dim3A_481 : vector<16xi1>, vector<16xi32>
        %add3A_1300 = arith.addi %add3A_1260, %select_n3A_1299 : vector<16xi32>
        %gt3A_1301 = arith.cmpi sgt, %get3A_409, %scan3A_489 : vector<16xi32>
        %eq3A_1302 = arith.cmpi eq, %get3A_409, %scan3A_489 : vector<16xi32>
        %add3A_1303 = arith.constant 192 : i32
        %add3A_1304 = vector.broadcast %add3A_1303 : i32 to vector<16xi32>
        %add3A_1305 = arith.addi %iota3A, %add3A_1304 : vector<16xi32>
        %le3A_1306 = arith.cmpi sle, %add3A_1305, %broadcast_in_dim3A_481 : vector<16xi32>
        %and3A_1307 = arith.andi %eq3A_1302, %le3A_1306 : vector<16xi1>
        %or3A_1308 = arith.ori %gt3A_1301, %and3A_1307 : vector<16xi1>
        %select_n3A_1309 = arith.select %or3A_1308, %broadcast_in_dim3A_483, %broadcast_in_dim3A_481 : vector<16xi1>, vector<16xi32>
        %add3A_1310 = arith.addi %add3A_1270, %select_n3A_1309 : vector<16xi32>
        %gt3A_1311 = arith.cmpi sgt, %get3A_411, %scan3A_489 : vector<16xi32>
        %eq3A_1312 = arith.cmpi eq, %get3A_411, %scan3A_489 : vector<16xi32>
        %add3A_1313 = arith.constant 208 : i32
        %add3A_1314 = vector.broadcast %add3A_1313 : i32 to vector<16xi32>
        %add3A_1315 = arith.addi %iota3A, %add3A_1314 : vector<16xi32>
        %le3A_1316 = arith.cmpi sle, %add3A_1315, %broadcast_in_dim3A_481 : vector<16xi32>
        %and3A_1317 = arith.andi %eq3A_1312, %le3A_1316 : vector<16xi1>
        %or3A_1318 = arith.ori %gt3A_1311, %and3A_1317 : vector<16xi1>
        %select_n3A_1319 = arith.select %or3A_1318, %broadcast_in_dim3A_483, %broadcast_in_dim3A_481 : vector<16xi1>, vector<16xi32>
        %add3A_1320 = arith.addi %add3A_1280, %select_n3A_1319 : vector<16xi32>
        %gt3A_1321 = arith.cmpi sgt, %get3A_413, %scan3A_489 : vector<16xi32>
        %eq3A_1322 = arith.cmpi eq, %get3A_413, %scan3A_489 : vector<16xi32>
        %add3A_1323 = arith.constant 224 : i32
        %add3A_1324 = vector.broadcast %add3A_1323 : i32 to vector<16xi32>
        %add3A_1325 = arith.addi %iota3A, %add3A_1324 : vector<16xi32>
        %le3A_1326 = arith.cmpi sle, %add3A_1325, %broadcast_in_dim3A_481 : vector<16xi32>
        %and3A_1327 = arith.andi %eq3A_1322, %le3A_1326 : vector<16xi1>
        %or3A_1328 = arith.ori %gt3A_1321, %and3A_1327 : vector<16xi1>
        %select_n3A_1329 = arith.select %or3A_1328, %broadcast_in_dim3A_483, %broadcast_in_dim3A_481 : vector<16xi1>, vector<16xi32>
        %add3A_1330 = arith.addi %add3A_1290, %select_n3A_1329 : vector<16xi32>
        %gt3A_1331 = arith.cmpi sgt, %get3A_415, %scan3A_489 : vector<16xi32>
        %eq3A_1332 = arith.cmpi eq, %get3A_415, %scan3A_489 : vector<16xi32>
        %add3A_1333 = arith.constant 240 : i32
        %add3A_1334 = vector.broadcast %add3A_1333 : i32 to vector<16xi32>
        %add3A_1335 = arith.addi %iota3A, %add3A_1334 : vector<16xi32>
        %le3A_1336 = arith.cmpi sle, %add3A_1335, %broadcast_in_dim3A_481 : vector<16xi32>
        %and3A_1337 = arith.andi %eq3A_1332, %le3A_1336 : vector<16xi1>
        %or3A_1338 = arith.ori %gt3A_1331, %and3A_1337 : vector<16xi1>
        %select_n3A_1339 = arith.select %or3A_1338, %broadcast_in_dim3A_483, %broadcast_in_dim3A_481 : vector<16xi1>, vector<16xi32>
        %add3A_1340 = arith.addi %add3A_1300, %select_n3A_1339 : vector<16xi32>
        %gt3A_1341 = arith.cmpi sgt, %get3A_417, %scan3A_489 : vector<16xi32>
        %eq3A_1342 = arith.cmpi eq, %get3A_417, %scan3A_489 : vector<16xi32>
        %add3A_1343 = arith.constant 256 : i32
        %add3A_1344 = vector.broadcast %add3A_1343 : i32 to vector<16xi32>
        %add3A_1345 = arith.addi %iota3A, %add3A_1344 : vector<16xi32>
        %le3A_1346 = arith.cmpi sle, %add3A_1345, %broadcast_in_dim3A_481 : vector<16xi32>
        %and3A_1347 = arith.andi %eq3A_1342, %le3A_1346 : vector<16xi1>
        %or3A_1348 = arith.ori %gt3A_1341, %and3A_1347 : vector<16xi1>
        %select_n3A_1349 = arith.select %or3A_1348, %broadcast_in_dim3A_483, %broadcast_in_dim3A_481 : vector<16xi1>, vector<16xi32>
        %add3A_1350 = arith.addi %add3A_1310, %select_n3A_1349 : vector<16xi32>
        %gt3A_1351 = arith.cmpi sgt, %get3A_419, %scan3A_489 : vector<16xi32>
        %eq3A_1352 = arith.cmpi eq, %get3A_419, %scan3A_489 : vector<16xi32>
        %add3A_1353 = arith.constant 272 : i32
        %add3A_1354 = vector.broadcast %add3A_1353 : i32 to vector<16xi32>
        %add3A_1355 = arith.addi %iota3A, %add3A_1354 : vector<16xi32>
        %le3A_1356 = arith.cmpi sle, %add3A_1355, %broadcast_in_dim3A_481 : vector<16xi32>
        %and3A_1357 = arith.andi %eq3A_1352, %le3A_1356 : vector<16xi1>
        %or3A_1358 = arith.ori %gt3A_1351, %and3A_1357 : vector<16xi1>
        %select_n3A_1359 = arith.select %or3A_1358, %broadcast_in_dim3A_483, %broadcast_in_dim3A_481 : vector<16xi1>, vector<16xi32>
        %add3A_1360 = arith.addi %add3A_1320, %select_n3A_1359 : vector<16xi32>
        %gt3A_1361 = arith.cmpi sgt, %get3A_421, %scan3A_489 : vector<16xi32>
        %eq3A_1362 = arith.cmpi eq, %get3A_421, %scan3A_489 : vector<16xi32>
        %add3A_1363 = arith.constant 288 : i32
        %add3A_1364 = vector.broadcast %add3A_1363 : i32 to vector<16xi32>
        %add3A_1365 = arith.addi %iota3A, %add3A_1364 : vector<16xi32>
        %le3A_1366 = arith.cmpi sle, %add3A_1365, %broadcast_in_dim3A_481 : vector<16xi32>
        %and3A_1367 = arith.andi %eq3A_1362, %le3A_1366 : vector<16xi1>
        %or3A_1368 = arith.ori %gt3A_1361, %and3A_1367 : vector<16xi1>
        %select_n3A_1369 = arith.select %or3A_1368, %broadcast_in_dim3A_483, %broadcast_in_dim3A_481 : vector<16xi1>, vector<16xi32>
        %add3A_1370 = arith.addi %add3A_1330, %select_n3A_1369 : vector<16xi32>
        %gt3A_1371 = arith.cmpi sgt, %get3A_423, %scan3A_489 : vector<16xi32>
        %eq3A_1372 = arith.cmpi eq, %get3A_423, %scan3A_489 : vector<16xi32>
        %add3A_1373 = arith.constant 304 : i32
        %add3A_1374 = vector.broadcast %add3A_1373 : i32 to vector<16xi32>
        %add3A_1375 = arith.addi %iota3A, %add3A_1374 : vector<16xi32>
        %le3A_1376 = arith.cmpi sle, %add3A_1375, %broadcast_in_dim3A_481 : vector<16xi32>
        %and3A_1377 = arith.andi %eq3A_1372, %le3A_1376 : vector<16xi1>
        %or3A_1378 = arith.ori %gt3A_1371, %and3A_1377 : vector<16xi1>
        %select_n3A_1379 = arith.select %or3A_1378, %broadcast_in_dim3A_483, %broadcast_in_dim3A_481 : vector<16xi1>, vector<16xi32>
        %add3A_1380 = arith.addi %add3A_1340, %select_n3A_1379 : vector<16xi32>
        %gt3A_1381 = arith.cmpi sgt, %get3A_425, %scan3A_489 : vector<16xi32>
        %eq3A_1382 = arith.cmpi eq, %get3A_425, %scan3A_489 : vector<16xi32>
        %add3A_1383 = arith.constant 320 : i32
        %add3A_1384 = vector.broadcast %add3A_1383 : i32 to vector<16xi32>
        %add3A_1385 = arith.addi %iota3A, %add3A_1384 : vector<16xi32>
        %le3A_1386 = arith.cmpi sle, %add3A_1385, %broadcast_in_dim3A_481 : vector<16xi32>
        %and3A_1387 = arith.andi %eq3A_1382, %le3A_1386 : vector<16xi1>
        %or3A_1388 = arith.ori %gt3A_1381, %and3A_1387 : vector<16xi1>
        %select_n3A_1389 = arith.select %or3A_1388, %broadcast_in_dim3A_483, %broadcast_in_dim3A_481 : vector<16xi1>, vector<16xi32>
        %add3A_1390 = arith.addi %add3A_1350, %select_n3A_1389 : vector<16xi32>
        %gt3A_1391 = arith.cmpi sgt, %get3A_427, %scan3A_489 : vector<16xi32>
        %eq3A_1392 = arith.cmpi eq, %get3A_427, %scan3A_489 : vector<16xi32>
        %add3A_1393 = arith.constant 336 : i32
        %add3A_1394 = vector.broadcast %add3A_1393 : i32 to vector<16xi32>
        %add3A_1395 = arith.addi %iota3A, %add3A_1394 : vector<16xi32>
        %le3A_1396 = arith.cmpi sle, %add3A_1395, %broadcast_in_dim3A_481 : vector<16xi32>
        %and3A_1397 = arith.andi %eq3A_1392, %le3A_1396 : vector<16xi1>
        %or3A_1398 = arith.ori %gt3A_1391, %and3A_1397 : vector<16xi1>
        %select_n3A_1399 = arith.select %or3A_1398, %broadcast_in_dim3A_483, %broadcast_in_dim3A_481 : vector<16xi1>, vector<16xi32>
        %add3A_1400 = arith.addi %add3A_1360, %select_n3A_1399 : vector<16xi32>
        %gt3A_1401 = arith.cmpi sgt, %get3A_429, %scan3A_489 : vector<16xi32>
        %eq3A_1402 = arith.cmpi eq, %get3A_429, %scan3A_489 : vector<16xi32>
        %add3A_1403 = arith.constant 352 : i32
        %add3A_1404 = vector.broadcast %add3A_1403 : i32 to vector<16xi32>
        %add3A_1405 = arith.addi %iota3A, %add3A_1404 : vector<16xi32>
        %le3A_1406 = arith.cmpi sle, %add3A_1405, %broadcast_in_dim3A_481 : vector<16xi32>
        %and3A_1407 = arith.andi %eq3A_1402, %le3A_1406 : vector<16xi1>
        %or3A_1408 = arith.ori %gt3A_1401, %and3A_1407 : vector<16xi1>
        %select_n3A_1409 = arith.select %or3A_1408, %broadcast_in_dim3A_483, %broadcast_in_dim3A_481 : vector<16xi1>, vector<16xi32>
        %add3A_1410 = arith.addi %add3A_1370, %select_n3A_1409 : vector<16xi32>
        %gt3A_1411 = arith.cmpi sgt, %get3A_431, %scan3A_489 : vector<16xi32>
        %eq3A_1412 = arith.cmpi eq, %get3A_431, %scan3A_489 : vector<16xi32>
        %add3A_1413 = arith.constant 368 : i32
        %add3A_1414 = vector.broadcast %add3A_1413 : i32 to vector<16xi32>
        %add3A_1415 = arith.addi %iota3A, %add3A_1414 : vector<16xi32>
        %le3A_1416 = arith.cmpi sle, %add3A_1415, %broadcast_in_dim3A_481 : vector<16xi32>
        %and3A_1417 = arith.andi %eq3A_1412, %le3A_1416 : vector<16xi1>
        %or3A_1418 = arith.ori %gt3A_1411, %and3A_1417 : vector<16xi1>
        %select_n3A_1419 = arith.select %or3A_1418, %broadcast_in_dim3A_483, %broadcast_in_dim3A_481 : vector<16xi1>, vector<16xi32>
        %add3A_1420 = arith.addi %add3A_1380, %select_n3A_1419 : vector<16xi32>
        %gt3A_1421 = arith.cmpi sgt, %get3A_433, %scan3A_489 : vector<16xi32>
        %eq3A_1422 = arith.cmpi eq, %get3A_433, %scan3A_489 : vector<16xi32>
        %add3A_1423 = arith.constant 384 : i32
        %add3A_1424 = vector.broadcast %add3A_1423 : i32 to vector<16xi32>
        %add3A_1425 = arith.addi %iota3A, %add3A_1424 : vector<16xi32>
        %le3A_1426 = arith.cmpi sle, %add3A_1425, %broadcast_in_dim3A_481 : vector<16xi32>
        %and3A_1427 = arith.andi %eq3A_1422, %le3A_1426 : vector<16xi1>
        %or3A_1428 = arith.ori %gt3A_1421, %and3A_1427 : vector<16xi1>
        %select_n3A_1429 = arith.select %or3A_1428, %broadcast_in_dim3A_483, %broadcast_in_dim3A_481 : vector<16xi1>, vector<16xi32>
        %add3A_1430 = arith.addi %add3A_1390, %select_n3A_1429 : vector<16xi32>
        %gt3A_1431 = arith.cmpi sgt, %get3A_435, %scan3A_489 : vector<16xi32>
        %eq3A_1432 = arith.cmpi eq, %get3A_435, %scan3A_489 : vector<16xi32>
        %add3A_1433 = arith.constant 400 : i32
        %add3A_1434 = vector.broadcast %add3A_1433 : i32 to vector<16xi32>
        %add3A_1435 = arith.addi %iota3A, %add3A_1434 : vector<16xi32>
        %le3A_1436 = arith.cmpi sle, %add3A_1435, %broadcast_in_dim3A_481 : vector<16xi32>
        %and3A_1437 = arith.andi %eq3A_1432, %le3A_1436 : vector<16xi1>
        %or3A_1438 = arith.ori %gt3A_1431, %and3A_1437 : vector<16xi1>
        %select_n3A_1439 = arith.select %or3A_1438, %broadcast_in_dim3A_483, %broadcast_in_dim3A_481 : vector<16xi1>, vector<16xi32>
        %add3A_1440 = arith.addi %add3A_1400, %select_n3A_1439 : vector<16xi32>
        %gt3A_1441 = arith.cmpi sgt, %get3A_437, %scan3A_489 : vector<16xi32>
        %eq3A_1442 = arith.cmpi eq, %get3A_437, %scan3A_489 : vector<16xi32>
        %add3A_1443 = arith.constant 416 : i32
        %add3A_1444 = vector.broadcast %add3A_1443 : i32 to vector<16xi32>
        %add3A_1445 = arith.addi %iota3A, %add3A_1444 : vector<16xi32>
        %le3A_1446 = arith.cmpi sle, %add3A_1445, %broadcast_in_dim3A_481 : vector<16xi32>
        %and3A_1447 = arith.andi %eq3A_1442, %le3A_1446 : vector<16xi1>
        %or3A_1448 = arith.ori %gt3A_1441, %and3A_1447 : vector<16xi1>
        %select_n3A_1449 = arith.select %or3A_1448, %broadcast_in_dim3A_483, %broadcast_in_dim3A_481 : vector<16xi1>, vector<16xi32>
        %add3A_1450 = arith.addi %add3A_1410, %select_n3A_1449 : vector<16xi32>
        %gt3A_1451 = arith.cmpi sgt, %get3A_439, %scan3A_489 : vector<16xi32>
        %eq3A_1452 = arith.cmpi eq, %get3A_439, %scan3A_489 : vector<16xi32>
        %add3A_1453 = arith.constant 432 : i32
        %add3A_1454 = vector.broadcast %add3A_1453 : i32 to vector<16xi32>
        %add3A_1455 = arith.addi %iota3A, %add3A_1454 : vector<16xi32>
        %le3A_1456 = arith.cmpi sle, %add3A_1455, %broadcast_in_dim3A_481 : vector<16xi32>
        %and3A_1457 = arith.andi %eq3A_1452, %le3A_1456 : vector<16xi1>
        %or3A_1458 = arith.ori %gt3A_1451, %and3A_1457 : vector<16xi1>
        %select_n3A_1459 = arith.select %or3A_1458, %broadcast_in_dim3A_483, %broadcast_in_dim3A_481 : vector<16xi1>, vector<16xi32>
        %add3A_1460 = arith.addi %add3A_1420, %select_n3A_1459 : vector<16xi32>
        %gt3A_1461 = arith.cmpi sgt, %get3A_441, %scan3A_489 : vector<16xi32>
        %eq3A_1462 = arith.cmpi eq, %get3A_441, %scan3A_489 : vector<16xi32>
        %add3A_1463 = arith.constant 448 : i32
        %add3A_1464 = vector.broadcast %add3A_1463 : i32 to vector<16xi32>
        %add3A_1465 = arith.addi %iota3A, %add3A_1464 : vector<16xi32>
        %le3A_1466 = arith.cmpi sle, %add3A_1465, %broadcast_in_dim3A_481 : vector<16xi32>
        %and3A_1467 = arith.andi %eq3A_1462, %le3A_1466 : vector<16xi1>
        %or3A_1468 = arith.ori %gt3A_1461, %and3A_1467 : vector<16xi1>
        %select_n3A_1469 = arith.select %or3A_1468, %broadcast_in_dim3A_483, %broadcast_in_dim3A_481 : vector<16xi1>, vector<16xi32>
        %add3A_1470 = arith.addi %add3A_1430, %select_n3A_1469 : vector<16xi32>
        %gt3A_1471 = arith.cmpi sgt, %get3A_443, %scan3A_489 : vector<16xi32>
        %eq3A_1472 = arith.cmpi eq, %get3A_443, %scan3A_489 : vector<16xi32>
        %add3A_1473 = arith.constant 464 : i32
        %add3A_1474 = vector.broadcast %add3A_1473 : i32 to vector<16xi32>
        %add3A_1475 = arith.addi %iota3A, %add3A_1474 : vector<16xi32>
        %le3A_1476 = arith.cmpi sle, %add3A_1475, %broadcast_in_dim3A_481 : vector<16xi32>
        %and3A_1477 = arith.andi %eq3A_1472, %le3A_1476 : vector<16xi1>
        %or3A_1478 = arith.ori %gt3A_1471, %and3A_1477 : vector<16xi1>
        %select_n3A_1479 = arith.select %or3A_1478, %broadcast_in_dim3A_483, %broadcast_in_dim3A_481 : vector<16xi1>, vector<16xi32>
        %add3A_1480 = arith.addi %add3A_1440, %select_n3A_1479 : vector<16xi32>
        %gt3A_1481 = arith.cmpi sgt, %get3A_445, %scan3A_489 : vector<16xi32>
        %eq3A_1482 = arith.cmpi eq, %get3A_445, %scan3A_489 : vector<16xi32>
        %add3A_1483 = arith.constant 480 : i32
        %add3A_1484 = vector.broadcast %add3A_1483 : i32 to vector<16xi32>
        %add3A_1485 = arith.addi %iota3A, %add3A_1484 : vector<16xi32>
        %le3A_1486 = arith.cmpi sle, %add3A_1485, %broadcast_in_dim3A_481 : vector<16xi32>
        %and3A_1487 = arith.andi %eq3A_1482, %le3A_1486 : vector<16xi1>
        %or3A_1488 = arith.ori %gt3A_1481, %and3A_1487 : vector<16xi1>
        %select_n3A_1489 = arith.select %or3A_1488, %broadcast_in_dim3A_483, %broadcast_in_dim3A_481 : vector<16xi1>, vector<16xi32>
        %add3A_1490 = arith.addi %add3A_1450, %select_n3A_1489 : vector<16xi32>
        %gt3A_1491 = arith.cmpi sgt, %get3A_447, %scan3A_489 : vector<16xi32>
        %eq3A_1492 = arith.cmpi eq, %get3A_447, %scan3A_489 : vector<16xi32>
        %add3A_1493 = arith.constant 496 : i32
        %add3A_1494 = vector.broadcast %add3A_1493 : i32 to vector<16xi32>
        %add3A_1495 = arith.addi %iota3A, %add3A_1494 : vector<16xi32>
        %le3A_1496 = arith.cmpi sle, %add3A_1495, %broadcast_in_dim3A_481 : vector<16xi32>
        %and3A_1497 = arith.andi %eq3A_1492, %le3A_1496 : vector<16xi1>
        %or3A_1498 = arith.ori %gt3A_1491, %and3A_1497 : vector<16xi1>
        %select_n3A_1499 = arith.select %or3A_1498, %broadcast_in_dim3A_483, %broadcast_in_dim3A_481 : vector<16xi1>, vector<16xi32>
        %add3A_1500 = arith.addi %add3A_1460, %select_n3A_1499 : vector<16xi32>
        %gt3A_1501 = arith.cmpi sgt, %get3A_449, %scan3A_489 : vector<16xi32>
        %eq3A_1502 = arith.cmpi eq, %get3A_449, %scan3A_489 : vector<16xi32>
        %add3A_1503 = arith.constant 512 : i32
        %add3A_1504 = vector.broadcast %add3A_1503 : i32 to vector<16xi32>
        %add3A_1505 = arith.addi %iota3A, %add3A_1504 : vector<16xi32>
        %le3A_1506 = arith.cmpi sle, %add3A_1505, %broadcast_in_dim3A_481 : vector<16xi32>
        %and3A_1507 = arith.andi %eq3A_1502, %le3A_1506 : vector<16xi1>
        %or3A_1508 = arith.ori %gt3A_1501, %and3A_1507 : vector<16xi1>
        %select_n3A_1509 = arith.select %or3A_1508, %broadcast_in_dim3A_483, %broadcast_in_dim3A_481 : vector<16xi1>, vector<16xi32>
        %add3A_1510 = arith.addi %add3A_1470, %select_n3A_1509 : vector<16xi32>
        %gt3A_1511 = arith.cmpi sgt, %get3A_451, %scan3A_489 : vector<16xi32>
        %eq3A_1512 = arith.cmpi eq, %get3A_451, %scan3A_489 : vector<16xi32>
        %add3A_1513 = arith.constant 528 : i32
        %add3A_1514 = vector.broadcast %add3A_1513 : i32 to vector<16xi32>
        %add3A_1515 = arith.addi %iota3A, %add3A_1514 : vector<16xi32>
        %le3A_1516 = arith.cmpi sle, %add3A_1515, %broadcast_in_dim3A_481 : vector<16xi32>
        %and3A_1517 = arith.andi %eq3A_1512, %le3A_1516 : vector<16xi1>
        %or3A_1518 = arith.ori %gt3A_1511, %and3A_1517 : vector<16xi1>
        %select_n3A_1519 = arith.select %or3A_1518, %broadcast_in_dim3A_483, %broadcast_in_dim3A_481 : vector<16xi1>, vector<16xi32>
        %add3A_1520 = arith.addi %add3A_1480, %select_n3A_1519 : vector<16xi32>
        %gt3A_1521 = arith.cmpi sgt, %get3A_453, %scan3A_489 : vector<16xi32>
        %eq3A_1522 = arith.cmpi eq, %get3A_453, %scan3A_489 : vector<16xi32>
        %add3A_1523 = arith.constant 544 : i32
        %add3A_1524 = vector.broadcast %add3A_1523 : i32 to vector<16xi32>
        %add3A_1525 = arith.addi %iota3A, %add3A_1524 : vector<16xi32>
        %le3A_1526 = arith.cmpi sle, %add3A_1525, %broadcast_in_dim3A_481 : vector<16xi32>
        %and3A_1527 = arith.andi %eq3A_1522, %le3A_1526 : vector<16xi1>
        %or3A_1528 = arith.ori %gt3A_1521, %and3A_1527 : vector<16xi1>
        %select_n3A_1529 = arith.select %or3A_1528, %broadcast_in_dim3A_483, %broadcast_in_dim3A_481 : vector<16xi1>, vector<16xi32>
        %add3A_1530 = arith.addi %add3A_1490, %select_n3A_1529 : vector<16xi32>
        %gt3A_1531 = arith.cmpi sgt, %get3A_455, %scan3A_489 : vector<16xi32>
        %eq3A_1532 = arith.cmpi eq, %get3A_455, %scan3A_489 : vector<16xi32>
        %add3A_1533 = arith.constant 560 : i32
        %add3A_1534 = vector.broadcast %add3A_1533 : i32 to vector<16xi32>
        %add3A_1535 = arith.addi %iota3A, %add3A_1534 : vector<16xi32>
        %le3A_1536 = arith.cmpi sle, %add3A_1535, %broadcast_in_dim3A_481 : vector<16xi32>
        %and3A_1537 = arith.andi %eq3A_1532, %le3A_1536 : vector<16xi1>
        %or3A_1538 = arith.ori %gt3A_1531, %and3A_1537 : vector<16xi1>
        %select_n3A_1539 = arith.select %or3A_1538, %broadcast_in_dim3A_483, %broadcast_in_dim3A_481 : vector<16xi1>, vector<16xi32>
        %add3A_1540 = arith.addi %add3A_1500, %select_n3A_1539 : vector<16xi32>
        %gt3A_1541 = arith.cmpi sgt, %get3A_457, %scan3A_489 : vector<16xi32>
        %eq3A_1542 = arith.cmpi eq, %get3A_457, %scan3A_489 : vector<16xi32>
        %add3A_1543 = arith.constant 576 : i32
        %add3A_1544 = vector.broadcast %add3A_1543 : i32 to vector<16xi32>
        %add3A_1545 = arith.addi %iota3A, %add3A_1544 : vector<16xi32>
        %le3A_1546 = arith.cmpi sle, %add3A_1545, %broadcast_in_dim3A_481 : vector<16xi32>
        %and3A_1547 = arith.andi %eq3A_1542, %le3A_1546 : vector<16xi1>
        %or3A_1548 = arith.ori %gt3A_1541, %and3A_1547 : vector<16xi1>
        %select_n3A_1549 = arith.select %or3A_1548, %broadcast_in_dim3A_483, %broadcast_in_dim3A_481 : vector<16xi1>, vector<16xi32>
        %add3A_1550 = arith.addi %add3A_1510, %select_n3A_1549 : vector<16xi32>
        %gt3A_1551 = arith.cmpi sgt, %get3A_459, %scan3A_489 : vector<16xi32>
        %eq3A_1552 = arith.cmpi eq, %get3A_459, %scan3A_489 : vector<16xi32>
        %add3A_1553 = arith.constant 592 : i32
        %add3A_1554 = vector.broadcast %add3A_1553 : i32 to vector<16xi32>
        %add3A_1555 = arith.addi %iota3A, %add3A_1554 : vector<16xi32>
        %le3A_1556 = arith.cmpi sle, %add3A_1555, %broadcast_in_dim3A_481 : vector<16xi32>
        %and3A_1557 = arith.andi %eq3A_1552, %le3A_1556 : vector<16xi1>
        %or3A_1558 = arith.ori %gt3A_1551, %and3A_1557 : vector<16xi1>
        %select_n3A_1559 = arith.select %or3A_1558, %broadcast_in_dim3A_483, %broadcast_in_dim3A_481 : vector<16xi1>, vector<16xi32>
        %add3A_1560 = arith.addi %add3A_1520, %select_n3A_1559 : vector<16xi32>
        %gt3A_1561 = arith.cmpi sgt, %get3A_461, %scan3A_489 : vector<16xi32>
        %eq3A_1562 = arith.cmpi eq, %get3A_461, %scan3A_489 : vector<16xi32>
        %add3A_1563 = arith.constant 608 : i32
        %add3A_1564 = vector.broadcast %add3A_1563 : i32 to vector<16xi32>
        %add3A_1565 = arith.addi %iota3A, %add3A_1564 : vector<16xi32>
        %le3A_1566 = arith.cmpi sle, %add3A_1565, %broadcast_in_dim3A_481 : vector<16xi32>
        %and3A_1567 = arith.andi %eq3A_1562, %le3A_1566 : vector<16xi1>
        %or3A_1568 = arith.ori %gt3A_1561, %and3A_1567 : vector<16xi1>
        %select_n3A_1569 = arith.select %or3A_1568, %broadcast_in_dim3A_483, %broadcast_in_dim3A_481 : vector<16xi1>, vector<16xi32>
        %add3A_1570 = arith.addi %add3A_1530, %select_n3A_1569 : vector<16xi32>
        %gt3A_1571 = arith.cmpi sgt, %get3A_463, %scan3A_489 : vector<16xi32>
        %eq3A_1572 = arith.cmpi eq, %get3A_463, %scan3A_489 : vector<16xi32>
        %add3A_1573 = arith.constant 624 : i32
        %add3A_1574 = vector.broadcast %add3A_1573 : i32 to vector<16xi32>
        %add3A_1575 = arith.addi %iota3A, %add3A_1574 : vector<16xi32>
        %le3A_1576 = arith.cmpi sle, %add3A_1575, %broadcast_in_dim3A_481 : vector<16xi32>
        %and3A_1577 = arith.andi %eq3A_1572, %le3A_1576 : vector<16xi1>
        %or3A_1578 = arith.ori %gt3A_1571, %and3A_1577 : vector<16xi1>
        %select_n3A_1579 = arith.select %or3A_1578, %broadcast_in_dim3A_483, %broadcast_in_dim3A_481 : vector<16xi1>, vector<16xi32>
        %add3A_1580 = arith.addi %add3A_1540, %select_n3A_1579 : vector<16xi32>
        %gt3A_1581 = arith.cmpi sgt, %get3A_465, %scan3A_489 : vector<16xi32>
        %eq3A_1582 = arith.cmpi eq, %get3A_465, %scan3A_489 : vector<16xi32>
        %add3A_1583 = arith.constant 640 : i32
        %add3A_1584 = vector.broadcast %add3A_1583 : i32 to vector<16xi32>
        %add3A_1585 = arith.addi %iota3A, %add3A_1584 : vector<16xi32>
        %le3A_1586 = arith.cmpi sle, %add3A_1585, %broadcast_in_dim3A_481 : vector<16xi32>
        %and3A_1587 = arith.andi %eq3A_1582, %le3A_1586 : vector<16xi1>
        %or3A_1588 = arith.ori %gt3A_1581, %and3A_1587 : vector<16xi1>
        %select_n3A_1589 = arith.select %or3A_1588, %broadcast_in_dim3A_483, %broadcast_in_dim3A_481 : vector<16xi1>, vector<16xi32>
        %add3A_1590 = arith.addi %add3A_1550, %select_n3A_1589 : vector<16xi32>
        %gt3A_1591 = arith.cmpi sgt, %get3A_467, %scan3A_489 : vector<16xi32>
        %eq3A_1592 = arith.cmpi eq, %get3A_467, %scan3A_489 : vector<16xi32>
        %add3A_1593 = arith.constant 656 : i32
        %add3A_1594 = vector.broadcast %add3A_1593 : i32 to vector<16xi32>
        %add3A_1595 = arith.addi %iota3A, %add3A_1594 : vector<16xi32>
        %le3A_1596 = arith.cmpi sle, %add3A_1595, %broadcast_in_dim3A_481 : vector<16xi32>
        %and3A_1597 = arith.andi %eq3A_1592, %le3A_1596 : vector<16xi1>
        %or3A_1598 = arith.ori %gt3A_1591, %and3A_1597 : vector<16xi1>
        %select_n3A_1599 = arith.select %or3A_1598, %broadcast_in_dim3A_483, %broadcast_in_dim3A_481 : vector<16xi1>, vector<16xi32>
        %add3A_1600 = arith.addi %add3A_1560, %select_n3A_1599 : vector<16xi32>
        %gt3A_1601 = arith.cmpi sgt, %get3A_469, %scan3A_489 : vector<16xi32>
        %eq3A_1602 = arith.cmpi eq, %get3A_469, %scan3A_489 : vector<16xi32>
        %add3A_1603 = arith.constant 672 : i32
        %add3A_1604 = vector.broadcast %add3A_1603 : i32 to vector<16xi32>
        %add3A_1605 = arith.addi %iota3A, %add3A_1604 : vector<16xi32>
        %le3A_1606 = arith.cmpi sle, %add3A_1605, %broadcast_in_dim3A_481 : vector<16xi32>
        %and3A_1607 = arith.andi %eq3A_1602, %le3A_1606 : vector<16xi1>
        %or3A_1608 = arith.ori %gt3A_1601, %and3A_1607 : vector<16xi1>
        %select_n3A_1609 = arith.select %or3A_1608, %broadcast_in_dim3A_483, %broadcast_in_dim3A_481 : vector<16xi1>, vector<16xi32>
        %add3A_1610 = arith.addi %add3A_1570, %select_n3A_1609 : vector<16xi32>
        %gt3A_1611 = arith.cmpi sgt, %get3A_471, %scan3A_489 : vector<16xi32>
        %eq3A_1612 = arith.cmpi eq, %get3A_471, %scan3A_489 : vector<16xi32>
        %add3A_1613 = arith.constant 688 : i32
        %add3A_1614 = vector.broadcast %add3A_1613 : i32 to vector<16xi32>
        %add3A_1615 = arith.addi %iota3A, %add3A_1614 : vector<16xi32>
        %le3A_1616 = arith.cmpi sle, %add3A_1615, %broadcast_in_dim3A_481 : vector<16xi32>
        %and3A_1617 = arith.andi %eq3A_1612, %le3A_1616 : vector<16xi1>
        %or3A_1618 = arith.ori %gt3A_1611, %and3A_1617 : vector<16xi1>
        %select_n3A_1619 = arith.select %or3A_1618, %broadcast_in_dim3A_483, %broadcast_in_dim3A_481 : vector<16xi1>, vector<16xi32>
        %add3A_1620 = arith.addi %add3A_1580, %select_n3A_1619 : vector<16xi32>
        %gt3A_1621 = arith.cmpi sgt, %get3A_473, %scan3A_489 : vector<16xi32>
        %eq3A_1622 = arith.cmpi eq, %get3A_473, %scan3A_489 : vector<16xi32>
        %add3A_1623 = arith.constant 704 : i32
        %add3A_1624 = vector.broadcast %add3A_1623 : i32 to vector<16xi32>
        %add3A_1625 = arith.addi %iota3A, %add3A_1624 : vector<16xi32>
        %le3A_1626 = arith.cmpi sle, %add3A_1625, %broadcast_in_dim3A_481 : vector<16xi32>
        %and3A_1627 = arith.andi %eq3A_1622, %le3A_1626 : vector<16xi1>
        %or3A_1628 = arith.ori %gt3A_1621, %and3A_1627 : vector<16xi1>
        %select_n3A_1629 = arith.select %or3A_1628, %broadcast_in_dim3A_483, %broadcast_in_dim3A_481 : vector<16xi1>, vector<16xi32>
        %add3A_1630 = arith.addi %add3A_1590, %select_n3A_1629 : vector<16xi32>
        %gt3A_1631 = arith.cmpi sgt, %get3A_475, %scan3A_489 : vector<16xi32>
        %eq3A_1632 = arith.cmpi eq, %get3A_475, %scan3A_489 : vector<16xi32>
        %add3A_1633 = arith.constant 720 : i32
        %add3A_1634 = vector.broadcast %add3A_1633 : i32 to vector<16xi32>
        %add3A_1635 = arith.addi %iota3A, %add3A_1634 : vector<16xi32>
        %le3A_1636 = arith.cmpi sle, %add3A_1635, %broadcast_in_dim3A_481 : vector<16xi32>
        %and3A_1637 = arith.andi %eq3A_1632, %le3A_1636 : vector<16xi1>
        %or3A_1638 = arith.ori %gt3A_1631, %and3A_1637 : vector<16xi1>
        %select_n3A_1639 = arith.select %or3A_1638, %broadcast_in_dim3A_483, %broadcast_in_dim3A_481 : vector<16xi1>, vector<16xi32>
        %add3A_1640 = arith.addi %add3A_1600, %select_n3A_1639 : vector<16xi32>
        %gt3A_1641 = arith.cmpi sgt, %get3A_477, %scan3A_489 : vector<16xi32>
        %eq3A_1642 = arith.cmpi eq, %get3A_477, %scan3A_489 : vector<16xi32>
        %add3A_1643 = arith.constant 736 : i32
        %add3A_1644 = vector.broadcast %add3A_1643 : i32 to vector<16xi32>
        %add3A_1645 = arith.addi %iota3A, %add3A_1644 : vector<16xi32>
        %le3A_1646 = arith.cmpi sle, %add3A_1645, %broadcast_in_dim3A_481 : vector<16xi32>
        %and3A_1647 = arith.andi %eq3A_1642, %le3A_1646 : vector<16xi1>
        %or3A_1648 = arith.ori %gt3A_1641, %and3A_1647 : vector<16xi1>
        %select_n3A_1649 = arith.select %or3A_1648, %broadcast_in_dim3A_483, %broadcast_in_dim3A_481 : vector<16xi1>, vector<16xi32>
        %add3A_1650 = arith.addi %add3A_1610, %select_n3A_1649 : vector<16xi32>
        %gt3A_1651 = arith.cmpi sgt, %get3A_479, %scan3A_489 : vector<16xi32>
        %eq3A_1652 = arith.cmpi eq, %get3A_479, %scan3A_489 : vector<16xi32>
        %add3A_1653 = arith.constant 752 : i32
        %add3A_1654 = vector.broadcast %add3A_1653 : i32 to vector<16xi32>
        %add3A_1655 = arith.addi %iota3A, %add3A_1654 : vector<16xi32>
        %le3A_1656 = arith.cmpi sle, %add3A_1655, %broadcast_in_dim3A_481 : vector<16xi32>
        %and3A_1657 = arith.andi %eq3A_1652, %le3A_1656 : vector<16xi1>
        %or3A_1658 = arith.ori %gt3A_1651, %and3A_1657 : vector<16xi1>
        %select_n3A_1659 = arith.select %or3A_1658, %broadcast_in_dim3A_483, %broadcast_in_dim3A_481 : vector<16xi1>, vector<16xi32>
        %add3A_1660 = arith.addi %add3A_1620, %select_n3A_1659 : vector<16xi32>
        %add3A_1661 = arith.addi %add3A_1630, %add3A_1640 : vector<16xi32>
        %add3A_1662 = arith.addi %add3A_1650, %add3A_1660 : vector<16xi32>
        %add3A_1663 = arith.addi %add3A_1661, %add3A_1662 : vector<16xi32>
        %xor3A_1664 = arith.constant 1 : i32
        %xor3A_1665 = vector.broadcast %xor3A_1664 : i32 to vector<16xi32>
        %xor3A_1666 = arith.xori %iota3A, %xor3A_1665 : vector<16xi32>
        %lt3A_1667 = arith.constant 0 : i32
        %lt3A_1668 = vector.broadcast %lt3A_1667 : i32 to vector<16xi32>
        %lt3A_1669 = arith.cmpi slt, %xor3A_1666, %lt3A_1668 : vector<16xi32>
        %add3A_1670 = arith.constant 16 : i32
        %add3A_1671 = vector.broadcast %add3A_1670 : i32 to vector<16xi32>
        %add3A_1672 = arith.addi %xor3A_1666, %add3A_1671 : vector<16xi32>
        %select_n3A_1673 = arith.select %lt3A_1669, %add3A_1672, %xor3A_1666 : vector<16xi1>, vector<16xi32>
        %broadcast_in_dim3A_1674 = vector.shape_cast %select_n3A_1673 : vector<16xi32> to vector<16x1xi32>
        %gather3A_1675 = vector.shape_cast %broadcast_in_dim3A_1674 : vector<16x1xi32> to vector<16xi32>
        %gather3A_1676 = tpu.dynamic_gather %add3A_1663[%gather3A_1675] in [0] : vector<16xi32>, vector<16xi32> -> vector<16xi32>
        %add3A_1677 = arith.addi %add3A_1663, %gather3A_1676 : vector<16xi32>
        %xor3A_1678 = arith.constant 2 : i32
        %xor3A_1679 = vector.broadcast %xor3A_1678 : i32 to vector<16xi32>
        %xor3A_1680 = arith.xori %iota3A, %xor3A_1679 : vector<16xi32>
        %lt3A_1681 = arith.constant 0 : i32
        %lt3A_1682 = vector.broadcast %lt3A_1681 : i32 to vector<16xi32>
        %lt3A_1683 = arith.cmpi slt, %xor3A_1680, %lt3A_1682 : vector<16xi32>
        %add3A_1684 = arith.constant 16 : i32
        %add3A_1685 = vector.broadcast %add3A_1684 : i32 to vector<16xi32>
        %add3A_1686 = arith.addi %xor3A_1680, %add3A_1685 : vector<16xi32>
        %select_n3A_1687 = arith.select %lt3A_1683, %add3A_1686, %xor3A_1680 : vector<16xi1>, vector<16xi32>
        %broadcast_in_dim3A_1688 = vector.shape_cast %select_n3A_1687 : vector<16xi32> to vector<16x1xi32>
        %gather3A_1689 = vector.shape_cast %broadcast_in_dim3A_1688 : vector<16x1xi32> to vector<16xi32>
        %gather3A_1690 = tpu.dynamic_gather %add3A_1677[%gather3A_1689] in [0] : vector<16xi32>, vector<16xi32> -> vector<16xi32>
        %add3A_1691 = arith.addi %add3A_1677, %gather3A_1690 : vector<16xi32>
        %xor3A_1692 = arith.constant 4 : i32
        %xor3A_1693 = vector.broadcast %xor3A_1692 : i32 to vector<16xi32>
        %xor3A_1694 = arith.xori %iota3A, %xor3A_1693 : vector<16xi32>
        %lt3A_1695 = arith.constant 0 : i32
        %lt3A_1696 = vector.broadcast %lt3A_1695 : i32 to vector<16xi32>
        %lt3A_1697 = arith.cmpi slt, %xor3A_1694, %lt3A_1696 : vector<16xi32>
        %add3A_1698 = arith.constant 16 : i32
        %add3A_1699 = vector.broadcast %add3A_1698 : i32 to vector<16xi32>
        %add3A_1700 = arith.addi %xor3A_1694, %add3A_1699 : vector<16xi32>
        %select_n3A_1701 = arith.select %lt3A_1697, %add3A_1700, %xor3A_1694 : vector<16xi1>, vector<16xi32>
        %broadcast_in_dim3A_1702 = vector.shape_cast %select_n3A_1701 : vector<16xi32> to vector<16x1xi32>
        %gather3A_1703 = vector.shape_cast %broadcast_in_dim3A_1702 : vector<16x1xi32> to vector<16xi32>
        %gather3A_1704 = tpu.dynamic_gather %add3A_1691[%gather3A_1703] in [0] : vector<16xi32>, vector<16xi32> -> vector<16xi32>
        %add3A_1705 = arith.addi %add3A_1691, %gather3A_1704 : vector<16xi32>
        %xor3A_1706 = arith.constant 8 : i32
        %xor3A_1707 = vector.broadcast %xor3A_1706 : i32 to vector<16xi32>
        %xor3A_1708 = arith.xori %iota3A, %xor3A_1707 : vector<16xi32>
        %lt3A_1709 = arith.constant 0 : i32
        %lt3A_1710 = vector.broadcast %lt3A_1709 : i32 to vector<16xi32>
        %lt3A_1711 = arith.cmpi slt, %xor3A_1708, %lt3A_1710 : vector<16xi32>
        %add3A_1712 = arith.constant 16 : i32
        %add3A_1713 = vector.broadcast %add3A_1712 : i32 to vector<16xi32>
        %add3A_1714 = arith.addi %xor3A_1708, %add3A_1713 : vector<16xi32>
        %select_n3A_1715 = arith.select %lt3A_1711, %add3A_1714, %xor3A_1708 : vector<16xi1>, vector<16xi32>
        %broadcast_in_dim3A_1716 = vector.shape_cast %select_n3A_1715 : vector<16xi32> to vector<16x1xi32>
        %gather3A_1717 = vector.shape_cast %broadcast_in_dim3A_1716 : vector<16x1xi32> to vector<16xi32>
        %gather3A_1718 = tpu.dynamic_gather %add3A_1705[%gather3A_1717] in [0] : vector<16xi32>, vector<16xi32> -> vector<16xi32>
        %add3A_1719 = arith.addi %add3A_1705, %gather3A_1718 : vector<16xi32>
        %lt3A_1720 = arith.constant 64 : i32
        %lt3A_1721 = vector.broadcast %lt3A_1720 : i32 to vector<16xi32>
        %lt3A_1722 = arith.cmpi slt, %add3A_1719, %lt3A_1721 : vector<16xi32>
        %add3A_1723 = arith.constant 1 : i32
        %add3A_1724 = vector.broadcast %add3A_1723 : i32 to vector<16xi32>
        %add3A_1725 = arith.addi %scan3A_1179, %add3A_1724 : vector<16xi32>
        %jit3A = arith.constant 0 : i32
        %broadcast_in_dim3A_1726 = vector.broadcast %jit3A : i32 to vector<16xi32>
        %select_n3A_1727 = arith.select %lt3A_1722, %add3A_1725, %broadcast_in_dim3A_1726 : vector<16xi1>, vector<16xi32>
        scf.yield %select_n3A_1727 : vector<16xi32>
      }
      %broadcast_in_dim3A_696 = arith.constant 1.000000e+00 : f32
      %broadcast_in_dim3A_697 = vector.broadcast %broadcast_in_dim3A_696 : f32 to vector<16xf32>
      %gt3A = arith.cmpi sgt, %get3A_385, %scan3A_489 : vector<16xi32>
      %eq3A_698 = arith.cmpi eq, %get3A_385, %scan3A_489 : vector<16xi32>
      %add3A_699 = arith.constant 0 : i32
      %add3A_700 = vector.broadcast %add3A_699 : i32 to vector<16xi32>
      %add3A_701 = arith.addi %iota3A, %add3A_700 : vector<16xi32>
      %le3A = arith.cmpi sle, %add3A_701, %cond3A_695 : vector<16xi32>
      %and3A_702 = arith.andi %eq3A_698, %le3A : vector<16xi1>
      %or3A = arith.ori %gt3A, %and3A_702 : vector<16xi1>
      %get3A_703 = arith.constant 0 : index
      %get3A_704 = tpu.vector_load %arg6[%get3A_703] {strides = array<i32>} : memref<768xi32, #tpu.memory_space<vmem>>, vector<16xi32>,
      tpu.vector_store_idx %arg8[%get3A_704], %broadcast_in_dim3A_697 masked %or3A : memref<768xf32, #tpu.memory_space<vmem>>[vector<16xi32>], vector<16xf32>, vector<16xi1>
      %gt3A_705 = arith.cmpi sgt, %get3A_387, %scan3A_489 : vector<16xi32>
      %eq3A_706 = arith.cmpi eq, %get3A_387, %scan3A_489 : vector<16xi32>
      %add3A_707 = arith.constant 16 : i32
      %add3A_708 = vector.broadcast %add3A_707 : i32 to vector<16xi32>
      %add3A_709 = arith.addi %iota3A, %add3A_708 : vector<16xi32>
      %le3A_710 = arith.cmpi sle, %add3A_709, %cond3A_695 : vector<16xi32>
      %and3A_711 = arith.andi %eq3A_706, %le3A_710 : vector<16xi1>
      %or3A_712 = arith.ori %gt3A_705, %and3A_711 : vector<16xi1>
      %get3A_713 = arith.constant 16 : index
      %get3A_714 = tpu.vector_load %arg6[%get3A_713] {strides = array<i32>} : memref<768xi32, #tpu.memory_space<vmem>>, vector<16xi32>,
      tpu.vector_store_idx %arg8[%get3A_714], %broadcast_in_dim3A_697 masked %or3A_712 : memref<768xf32, #tpu.memory_space<vmem>>[vector<16xi32>], vector<16xf32>, vector<16xi1>
      %gt3A_715 = arith.cmpi sgt, %get3A_389, %scan3A_489 : vector<16xi32>
      %eq3A_716 = arith.cmpi eq, %get3A_389, %scan3A_489 : vector<16xi32>
      %add3A_717 = arith.constant 32 : i32
      %add3A_718 = vector.broadcast %add3A_717 : i32 to vector<16xi32>
      %add3A_719 = arith.addi %iota3A, %add3A_718 : vector<16xi32>
      %le3A_720 = arith.cmpi sle, %add3A_719, %cond3A_695 : vector<16xi32>
      %and3A_721 = arith.andi %eq3A_716, %le3A_720 : vector<16xi1>
      %or3A_722 = arith.ori %gt3A_715, %and3A_721 : vector<16xi1>
      %get3A_723 = arith.constant 32 : index
      %get3A_724 = tpu.vector_load %arg6[%get3A_723] {strides = array<i32>} : memref<768xi32, #tpu.memory_space<vmem>>, vector<16xi32>,
      tpu.vector_store_idx %arg8[%get3A_724], %broadcast_in_dim3A_697 masked %or3A_722 : memref<768xf32, #tpu.memory_space<vmem>>[vector<16xi32>], vector<16xf32>, vector<16xi1>
      %gt3A_725 = arith.cmpi sgt, %get3A_391, %scan3A_489 : vector<16xi32>
      %eq3A_726 = arith.cmpi eq, %get3A_391, %scan3A_489 : vector<16xi32>
      %add3A_727 = arith.constant 48 : i32
      %add3A_728 = vector.broadcast %add3A_727 : i32 to vector<16xi32>
      %add3A_729 = arith.addi %iota3A, %add3A_728 : vector<16xi32>
      %le3A_730 = arith.cmpi sle, %add3A_729, %cond3A_695 : vector<16xi32>
      %and3A_731 = arith.andi %eq3A_726, %le3A_730 : vector<16xi1>
      %or3A_732 = arith.ori %gt3A_725, %and3A_731 : vector<16xi1>
      %get3A_733 = arith.constant 48 : index
      %get3A_734 = tpu.vector_load %arg6[%get3A_733] {strides = array<i32>} : memref<768xi32, #tpu.memory_space<vmem>>, vector<16xi32>,
      tpu.vector_store_idx %arg8[%get3A_734], %broadcast_in_dim3A_697 masked %or3A_732 : memref<768xf32, #tpu.memory_space<vmem>>[vector<16xi32>], vector<16xf32>, vector<16xi1>
      %gt3A_735 = arith.cmpi sgt, %get3A_393, %scan3A_489 : vector<16xi32>
      %eq3A_736 = arith.cmpi eq, %get3A_393, %scan3A_489 : vector<16xi32>
      %add3A_737 = arith.constant 64 : i32
      %add3A_738 = vector.broadcast %add3A_737 : i32 to vector<16xi32>
      %add3A_739 = arith.addi %iota3A, %add3A_738 : vector<16xi32>
      %le3A_740 = arith.cmpi sle, %add3A_739, %cond3A_695 : vector<16xi32>
      %and3A_741 = arith.andi %eq3A_736, %le3A_740 : vector<16xi1>
      %or3A_742 = arith.ori %gt3A_735, %and3A_741 : vector<16xi1>
      %get3A_743 = arith.constant 64 : index
      %get3A_744 = tpu.vector_load %arg6[%get3A_743] {strides = array<i32>} : memref<768xi32, #tpu.memory_space<vmem>>, vector<16xi32>,
      tpu.vector_store_idx %arg8[%get3A_744], %broadcast_in_dim3A_697 masked %or3A_742 : memref<768xf32, #tpu.memory_space<vmem>>[vector<16xi32>], vector<16xf32>, vector<16xi1>
      %gt3A_745 = arith.cmpi sgt, %get3A_395, %scan3A_489 : vector<16xi32>
      %eq3A_746 = arith.cmpi eq, %get3A_395, %scan3A_489 : vector<16xi32>
      %add3A_747 = arith.constant 80 : i32
      %add3A_748 = vector.broadcast %add3A_747 : i32 to vector<16xi32>
      %add3A_749 = arith.addi %iota3A, %add3A_748 : vector<16xi32>
      %le3A_750 = arith.cmpi sle, %add3A_749, %cond3A_695 : vector<16xi32>
      %and3A_751 = arith.andi %eq3A_746, %le3A_750 : vector<16xi1>
      %or3A_752 = arith.ori %gt3A_745, %and3A_751 : vector<16xi1>
      %get3A_753 = arith.constant 80 : index
      %get3A_754 = tpu.vector_load %arg6[%get3A_753] {strides = array<i32>} : memref<768xi32, #tpu.memory_space<vmem>>, vector<16xi32>,
      tpu.vector_store_idx %arg8[%get3A_754], %broadcast_in_dim3A_697 masked %or3A_752 : memref<768xf32, #tpu.memory_space<vmem>>[vector<16xi32>], vector<16xf32>, vector<16xi1>
      %gt3A_755 = arith.cmpi sgt, %get3A_397, %scan3A_489 : vector<16xi32>
      %eq3A_756 = arith.cmpi eq, %get3A_397, %scan3A_489 : vector<16xi32>
      %add3A_757 = arith.constant 96 : i32
      %add3A_758 = vector.broadcast %add3A_757 : i32 to vector<16xi32>
      %add3A_759 = arith.addi %iota3A, %add3A_758 : vector<16xi32>
      %le3A_760 = arith.cmpi sle, %add3A_759, %cond3A_695 : vector<16xi32>
      %and3A_761 = arith.andi %eq3A_756, %le3A_760 : vector<16xi1>
      %or3A_762 = arith.ori %gt3A_755, %and3A_761 : vector<16xi1>
      %get3A_763 = arith.constant 96 : index
      %get3A_764 = tpu.vector_load %arg6[%get3A_763] {strides = array<i32>} : memref<768xi32, #tpu.memory_space<vmem>>, vector<16xi32>,
      tpu.vector_store_idx %arg8[%get3A_764], %broadcast_in_dim3A_697 masked %or3A_762 : memref<768xf32, #tpu.memory_space<vmem>>[vector<16xi32>], vector<16xf32>, vector<16xi1>
      %gt3A_765 = arith.cmpi sgt, %get3A_399, %scan3A_489 : vector<16xi32>
      %eq3A_766 = arith.cmpi eq, %get3A_399, %scan3A_489 : vector<16xi32>
      %add3A_767 = arith.constant 112 : i32
      %add3A_768 = vector.broadcast %add3A_767 : i32 to vector<16xi32>
      %add3A_769 = arith.addi %iota3A, %add3A_768 : vector<16xi32>
      %le3A_770 = arith.cmpi sle, %add3A_769, %cond3A_695 : vector<16xi32>
      %and3A_771 = arith.andi %eq3A_766, %le3A_770 : vector<16xi1>
      %or3A_772 = arith.ori %gt3A_765, %and3A_771 : vector<16xi1>
      %get3A_773 = arith.constant 112 : index
      %get3A_774 = tpu.vector_load %arg6[%get3A_773] {strides = array<i32>} : memref<768xi32, #tpu.memory_space<vmem>>, vector<16xi32>,
      tpu.vector_store_idx %arg8[%get3A_774], %broadcast_in_dim3A_697 masked %or3A_772 : memref<768xf32, #tpu.memory_space<vmem>>[vector<16xi32>], vector<16xf32>, vector<16xi1>
      %gt3A_775 = arith.cmpi sgt, %get3A_401, %scan3A_489 : vector<16xi32>
      %eq3A_776 = arith.cmpi eq, %get3A_401, %scan3A_489 : vector<16xi32>
      %add3A_777 = arith.constant 128 : i32
      %add3A_778 = vector.broadcast %add3A_777 : i32 to vector<16xi32>
      %add3A_779 = arith.addi %iota3A, %add3A_778 : vector<16xi32>
      %le3A_780 = arith.cmpi sle, %add3A_779, %cond3A_695 : vector<16xi32>
      %and3A_781 = arith.andi %eq3A_776, %le3A_780 : vector<16xi1>
      %or3A_782 = arith.ori %gt3A_775, %and3A_781 : vector<16xi1>
      %get3A_783 = arith.constant 128 : index
      %get3A_784 = tpu.vector_load %arg6[%get3A_783] {strides = array<i32>} : memref<768xi32, #tpu.memory_space<vmem>>, vector<16xi32>,
      tpu.vector_store_idx %arg8[%get3A_784], %broadcast_in_dim3A_697 masked %or3A_782 : memref<768xf32, #tpu.memory_space<vmem>>[vector<16xi32>], vector<16xf32>, vector<16xi1>
      %gt3A_785 = arith.cmpi sgt, %get3A_403, %scan3A_489 : vector<16xi32>
      %eq3A_786 = arith.cmpi eq, %get3A_403, %scan3A_489 : vector<16xi32>
      %add3A_787 = arith.constant 144 : i32
      %add3A_788 = vector.broadcast %add3A_787 : i32 to vector<16xi32>
      %add3A_789 = arith.addi %iota3A, %add3A_788 : vector<16xi32>
      %le3A_790 = arith.cmpi sle, %add3A_789, %cond3A_695 : vector<16xi32>
      %and3A_791 = arith.andi %eq3A_786, %le3A_790 : vector<16xi1>
      %or3A_792 = arith.ori %gt3A_785, %and3A_791 : vector<16xi1>
      %get3A_793 = arith.constant 144 : index
      %get3A_794 = tpu.vector_load %arg6[%get3A_793] {strides = array<i32>} : memref<768xi32, #tpu.memory_space<vmem>>, vector<16xi32>,
      tpu.vector_store_idx %arg8[%get3A_794], %broadcast_in_dim3A_697 masked %or3A_792 : memref<768xf32, #tpu.memory_space<vmem>>[vector<16xi32>], vector<16xf32>, vector<16xi1>
      %gt3A_795 = arith.cmpi sgt, %get3A_405, %scan3A_489 : vector<16xi32>
      %eq3A_796 = arith.cmpi eq, %get3A_405, %scan3A_489 : vector<16xi32>
      %add3A_797 = arith.constant 160 : i32
      %add3A_798 = vector.broadcast %add3A_797 : i32 to vector<16xi32>
      %add3A_799 = arith.addi %iota3A, %add3A_798 : vector<16xi32>
      %le3A_800 = arith.cmpi sle, %add3A_799, %cond3A_695 : vector<16xi32>
      %and3A_801 = arith.andi %eq3A_796, %le3A_800 : vector<16xi1>
      %or3A_802 = arith.ori %gt3A_795, %and3A_801 : vector<16xi1>
      %get3A_803 = arith.constant 160 : index
      %get3A_804 = tpu.vector_load %arg6[%get3A_803] {strides = array<i32>} : memref<768xi32, #tpu.memory_space<vmem>>, vector<16xi32>,
      tpu.vector_store_idx %arg8[%get3A_804], %broadcast_in_dim3A_697 masked %or3A_802 : memref<768xf32, #tpu.memory_space<vmem>>[vector<16xi32>], vector<16xf32>, vector<16xi1>
      %gt3A_805 = arith.cmpi sgt, %get3A_407, %scan3A_489 : vector<16xi32>
      %eq3A_806 = arith.cmpi eq, %get3A_407, %scan3A_489 : vector<16xi32>
      %add3A_807 = arith.constant 176 : i32
      %add3A_808 = vector.broadcast %add3A_807 : i32 to vector<16xi32>
      %add3A_809 = arith.addi %iota3A, %add3A_808 : vector<16xi32>
      %le3A_810 = arith.cmpi sle, %add3A_809, %cond3A_695 : vector<16xi32>
      %and3A_811 = arith.andi %eq3A_806, %le3A_810 : vector<16xi1>
      %or3A_812 = arith.ori %gt3A_805, %and3A_811 : vector<16xi1>
      %get3A_813 = arith.constant 176 : index
      %get3A_814 = tpu.vector_load %arg6[%get3A_813] {strides = array<i32>} : memref<768xi32, #tpu.memory_space<vmem>>, vector<16xi32>,
      tpu.vector_store_idx %arg8[%get3A_814], %broadcast_in_dim3A_697 masked %or3A_812 : memref<768xf32, #tpu.memory_space<vmem>>[vector<16xi32>], vector<16xf32>, vector<16xi1>
      %gt3A_815 = arith.cmpi sgt, %get3A_409, %scan3A_489 : vector<16xi32>
      %eq3A_816 = arith.cmpi eq, %get3A_409, %scan3A_489 : vector<16xi32>
      %add3A_817 = arith.constant 192 : i32
      %add3A_818 = vector.broadcast %add3A_817 : i32 to vector<16xi32>
      %add3A_819 = arith.addi %iota3A, %add3A_818 : vector<16xi32>
      %le3A_820 = arith.cmpi sle, %add3A_819, %cond3A_695 : vector<16xi32>
      %and3A_821 = arith.andi %eq3A_816, %le3A_820 : vector<16xi1>
      %or3A_822 = arith.ori %gt3A_815, %and3A_821 : vector<16xi1>
      %get3A_823 = arith.constant 192 : index
      %get3A_824 = tpu.vector_load %arg6[%get3A_823] {strides = array<i32>} : memref<768xi32, #tpu.memory_space<vmem>>, vector<16xi32>,
      tpu.vector_store_idx %arg8[%get3A_824], %broadcast_in_dim3A_697 masked %or3A_822 : memref<768xf32, #tpu.memory_space<vmem>>[vector<16xi32>], vector<16xf32>, vector<16xi1>
      %gt3A_825 = arith.cmpi sgt, %get3A_411, %scan3A_489 : vector<16xi32>
      %eq3A_826 = arith.cmpi eq, %get3A_411, %scan3A_489 : vector<16xi32>
      %add3A_827 = arith.constant 208 : i32
      %add3A_828 = vector.broadcast %add3A_827 : i32 to vector<16xi32>
      %add3A_829 = arith.addi %iota3A, %add3A_828 : vector<16xi32>
      %le3A_830 = arith.cmpi sle, %add3A_829, %cond3A_695 : vector<16xi32>
      %and3A_831 = arith.andi %eq3A_826, %le3A_830 : vector<16xi1>
      %or3A_832 = arith.ori %gt3A_825, %and3A_831 : vector<16xi1>
      %get3A_833 = arith.constant 208 : index
      %get3A_834 = tpu.vector_load %arg6[%get3A_833] {strides = array<i32>} : memref<768xi32, #tpu.memory_space<vmem>>, vector<16xi32>,
      tpu.vector_store_idx %arg8[%get3A_834], %broadcast_in_dim3A_697 masked %or3A_832 : memref<768xf32, #tpu.memory_space<vmem>>[vector<16xi32>], vector<16xf32>, vector<16xi1>
      %gt3A_835 = arith.cmpi sgt, %get3A_413, %scan3A_489 : vector<16xi32>
      %eq3A_836 = arith.cmpi eq, %get3A_413, %scan3A_489 : vector<16xi32>
      %add3A_837 = arith.constant 224 : i32
      %add3A_838 = vector.broadcast %add3A_837 : i32 to vector<16xi32>
      %add3A_839 = arith.addi %iota3A, %add3A_838 : vector<16xi32>
      %le3A_840 = arith.cmpi sle, %add3A_839, %cond3A_695 : vector<16xi32>
      %and3A_841 = arith.andi %eq3A_836, %le3A_840 : vector<16xi1>
      %or3A_842 = arith.ori %gt3A_835, %and3A_841 : vector<16xi1>
      %get3A_843 = arith.constant 224 : index
      %get3A_844 = tpu.vector_load %arg6[%get3A_843] {strides = array<i32>} : memref<768xi32, #tpu.memory_space<vmem>>, vector<16xi32>,
      tpu.vector_store_idx %arg8[%get3A_844], %broadcast_in_dim3A_697 masked %or3A_842 : memref<768xf32, #tpu.memory_space<vmem>>[vector<16xi32>], vector<16xf32>, vector<16xi1>
      %gt3A_845 = arith.cmpi sgt, %get3A_415, %scan3A_489 : vector<16xi32>
      %eq3A_846 = arith.cmpi eq, %get3A_415, %scan3A_489 : vector<16xi32>
      %add3A_847 = arith.constant 240 : i32
      %add3A_848 = vector.broadcast %add3A_847 : i32 to vector<16xi32>
      %add3A_849 = arith.addi %iota3A, %add3A_848 : vector<16xi32>
      %le3A_850 = arith.cmpi sle, %add3A_849, %cond3A_695 : vector<16xi32>
      %and3A_851 = arith.andi %eq3A_846, %le3A_850 : vector<16xi1>
      %or3A_852 = arith.ori %gt3A_845, %and3A_851 : vector<16xi1>
      %get3A_853 = arith.constant 240 : index
      %get3A_854 = tpu.vector_load %arg6[%get3A_853] {strides = array<i32>} : memref<768xi32, #tpu.memory_space<vmem>>, vector<16xi32>,
      tpu.vector_store_idx %arg8[%get3A_854], %broadcast_in_dim3A_697 masked %or3A_852 : memref<768xf32, #tpu.memory_space<vmem>>[vector<16xi32>], vector<16xf32>, vector<16xi1>
      %gt3A_855 = arith.cmpi sgt, %get3A_417, %scan3A_489 : vector<16xi32>
      %eq3A_856 = arith.cmpi eq, %get3A_417, %scan3A_489 : vector<16xi32>
      %add3A_857 = arith.constant 256 : i32
      %add3A_858 = vector.broadcast %add3A_857 : i32 to vector<16xi32>
      %add3A_859 = arith.addi %iota3A, %add3A_858 : vector<16xi32>
      %le3A_860 = arith.cmpi sle, %add3A_859, %cond3A_695 : vector<16xi32>
      %and3A_861 = arith.andi %eq3A_856, %le3A_860 : vector<16xi1>
      %or3A_862 = arith.ori %gt3A_855, %and3A_861 : vector<16xi1>
      %get3A_863 = arith.constant 256 : index
      %get3A_864 = tpu.vector_load %arg6[%get3A_863] {strides = array<i32>} : memref<768xi32, #tpu.memory_space<vmem>>, vector<16xi32>,
      tpu.vector_store_idx %arg8[%get3A_864], %broadcast_in_dim3A_697 masked %or3A_862 : memref<768xf32, #tpu.memory_space<vmem>>[vector<16xi32>], vector<16xf32>, vector<16xi1>
      %gt3A_865 = arith.cmpi sgt, %get3A_419, %scan3A_489 : vector<16xi32>
      %eq3A_866 = arith.cmpi eq, %get3A_419, %scan3A_489 : vector<16xi32>
      %add3A_867 = arith.constant 272 : i32
      %add3A_868 = vector.broadcast %add3A_867 : i32 to vector<16xi32>
      %add3A_869 = arith.addi %iota3A, %add3A_868 : vector<16xi32>
      %le3A_870 = arith.cmpi sle, %add3A_869, %cond3A_695 : vector<16xi32>
      %and3A_871 = arith.andi %eq3A_866, %le3A_870 : vector<16xi1>
      %or3A_872 = arith.ori %gt3A_865, %and3A_871 : vector<16xi1>
      %get3A_873 = arith.constant 272 : index
      %get3A_874 = tpu.vector_load %arg6[%get3A_873] {strides = array<i32>} : memref<768xi32, #tpu.memory_space<vmem>>, vector<16xi32>,
      tpu.vector_store_idx %arg8[%get3A_874], %broadcast_in_dim3A_697 masked %or3A_872 : memref<768xf32, #tpu.memory_space<vmem>>[vector<16xi32>], vector<16xf32>, vector<16xi1>
      %gt3A_875 = arith.cmpi sgt, %get3A_421, %scan3A_489 : vector<16xi32>
      %eq3A_876 = arith.cmpi eq, %get3A_421, %scan3A_489 : vector<16xi32>
      %add3A_877 = arith.constant 288 : i32
      %add3A_878 = vector.broadcast %add3A_877 : i32 to vector<16xi32>
      %add3A_879 = arith.addi %iota3A, %add3A_878 : vector<16xi32>
      %le3A_880 = arith.cmpi sle, %add3A_879, %cond3A_695 : vector<16xi32>
      %and3A_881 = arith.andi %eq3A_876, %le3A_880 : vector<16xi1>
      %or3A_882 = arith.ori %gt3A_875, %and3A_881 : vector<16xi1>
      %get3A_883 = arith.constant 288 : index
      %get3A_884 = tpu.vector_load %arg6[%get3A_883] {strides = array<i32>} : memref<768xi32, #tpu.memory_space<vmem>>, vector<16xi32>,
      tpu.vector_store_idx %arg8[%get3A_884], %broadcast_in_dim3A_697 masked %or3A_882 : memref<768xf32, #tpu.memory_space<vmem>>[vector<16xi32>], vector<16xf32>, vector<16xi1>
      %gt3A_885 = arith.cmpi sgt, %get3A_423, %scan3A_489 : vector<16xi32>
      %eq3A_886 = arith.cmpi eq, %get3A_423, %scan3A_489 : vector<16xi32>
      %add3A_887 = arith.constant 304 : i32
      %add3A_888 = vector.broadcast %add3A_887 : i32 to vector<16xi32>
      %add3A_889 = arith.addi %iota3A, %add3A_888 : vector<16xi32>
      %le3A_890 = arith.cmpi sle, %add3A_889, %cond3A_695 : vector<16xi32>
      %and3A_891 = arith.andi %eq3A_886, %le3A_890 : vector<16xi1>
      %or3A_892 = arith.ori %gt3A_885, %and3A_891 : vector<16xi1>
      %get3A_893 = arith.constant 304 : index
      %get3A_894 = tpu.vector_load %arg6[%get3A_893] {strides = array<i32>} : memref<768xi32, #tpu.memory_space<vmem>>, vector<16xi32>,
      tpu.vector_store_idx %arg8[%get3A_894], %broadcast_in_dim3A_697 masked %or3A_892 : memref<768xf32, #tpu.memory_space<vmem>>[vector<16xi32>], vector<16xf32>, vector<16xi1>
      %gt3A_895 = arith.cmpi sgt, %get3A_425, %scan3A_489 : vector<16xi32>
      %eq3A_896 = arith.cmpi eq, %get3A_425, %scan3A_489 : vector<16xi32>
      %add3A_897 = arith.constant 320 : i32
      %add3A_898 = vector.broadcast %add3A_897 : i32 to vector<16xi32>
      %add3A_899 = arith.addi %iota3A, %add3A_898 : vector<16xi32>
      %le3A_900 = arith.cmpi sle, %add3A_899, %cond3A_695 : vector<16xi32>
      %and3A_901 = arith.andi %eq3A_896, %le3A_900 : vector<16xi1>
      %or3A_902 = arith.ori %gt3A_895, %and3A_901 : vector<16xi1>
      %get3A_903 = arith.constant 320 : index
      %get3A_904 = tpu.vector_load %arg6[%get3A_903] {strides = array<i32>} : memref<768xi32, #tpu.memory_space<vmem>>, vector<16xi32>,
      tpu.vector_store_idx %arg8[%get3A_904], %broadcast_in_dim3A_697 masked %or3A_902 : memref<768xf32, #tpu.memory_space<vmem>>[vector<16xi32>], vector<16xf32>, vector<16xi1>
      %gt3A_905 = arith.cmpi sgt, %get3A_427, %scan3A_489 : vector<16xi32>
      %eq3A_906 = arith.cmpi eq, %get3A_427, %scan3A_489 : vector<16xi32>
      %add3A_907 = arith.constant 336 : i32
      %add3A_908 = vector.broadcast %add3A_907 : i32 to vector<16xi32>
      %add3A_909 = arith.addi %iota3A, %add3A_908 : vector<16xi32>
      %le3A_910 = arith.cmpi sle, %add3A_909, %cond3A_695 : vector<16xi32>
      %and3A_911 = arith.andi %eq3A_906, %le3A_910 : vector<16xi1>
      %or3A_912 = arith.ori %gt3A_905, %and3A_911 : vector<16xi1>
      %get3A_913 = arith.constant 336 : index
      %get3A_914 = tpu.vector_load %arg6[%get3A_913] {strides = array<i32>} : memref<768xi32, #tpu.memory_space<vmem>>, vector<16xi32>,
      tpu.vector_store_idx %arg8[%get3A_914], %broadcast_in_dim3A_697 masked %or3A_912 : memref<768xf32, #tpu.memory_space<vmem>>[vector<16xi32>], vector<16xf32>, vector<16xi1>
      %gt3A_915 = arith.cmpi sgt, %get3A_429, %scan3A_489 : vector<16xi32>
      %eq3A_916 = arith.cmpi eq, %get3A_429, %scan3A_489 : vector<16xi32>
      %add3A_917 = arith.constant 352 : i32
      %add3A_918 = vector.broadcast %add3A_917 : i32 to vector<16xi32>
      %add3A_919 = arith.addi %iota3A, %add3A_918 : vector<16xi32>
      %le3A_920 = arith.cmpi sle, %add3A_919, %cond3A_695 : vector<16xi32>
      %and3A_921 = arith.andi %eq3A_916, %le3A_920 : vector<16xi1>
      %or3A_922 = arith.ori %gt3A_915, %and3A_921 : vector<16xi1>
      %get3A_923 = arith.constant 352 : index
      %get3A_924 = tpu.vector_load %arg6[%get3A_923] {strides = array<i32>} : memref<768xi32, #tpu.memory_space<vmem>>, vector<16xi32>,
      tpu.vector_store_idx %arg8[%get3A_924], %broadcast_in_dim3A_697 masked %or3A_922 : memref<768xf32, #tpu.memory_space<vmem>>[vector<16xi32>], vector<16xf32>, vector<16xi1>
      %gt3A_925 = arith.cmpi sgt, %get3A_431, %scan3A_489 : vector<16xi32>
      %eq3A_926 = arith.cmpi eq, %get3A_431, %scan3A_489 : vector<16xi32>
      %add3A_927 = arith.constant 368 : i32
      %add3A_928 = vector.broadcast %add3A_927 : i32 to vector<16xi32>
      %add3A_929 = arith.addi %iota3A, %add3A_928 : vector<16xi32>
      %le3A_930 = arith.cmpi sle, %add3A_929, %cond3A_695 : vector<16xi32>
      %and3A_931 = arith.andi %eq3A_926, %le3A_930 : vector<16xi1>
      %or3A_932 = arith.ori %gt3A_925, %and3A_931 : vector<16xi1>
      %get3A_933 = arith.constant 368 : index
      %get3A_934 = tpu.vector_load %arg6[%get3A_933] {strides = array<i32>} : memref<768xi32, #tpu.memory_space<vmem>>, vector<16xi32>,
      tpu.vector_store_idx %arg8[%get3A_934], %broadcast_in_dim3A_697 masked %or3A_932 : memref<768xf32, #tpu.memory_space<vmem>>[vector<16xi32>], vector<16xf32>, vector<16xi1>
      %gt3A_935 = arith.cmpi sgt, %get3A_433, %scan3A_489 : vector<16xi32>
      %eq3A_936 = arith.cmpi eq, %get3A_433, %scan3A_489 : vector<16xi32>
      %add3A_937 = arith.constant 384 : i32
      %add3A_938 = vector.broadcast %add3A_937 : i32 to vector<16xi32>
      %add3A_939 = arith.addi %iota3A, %add3A_938 : vector<16xi32>
      %le3A_940 = arith.cmpi sle, %add3A_939, %cond3A_695 : vector<16xi32>
      %and3A_941 = arith.andi %eq3A_936, %le3A_940 : vector<16xi1>
      %or3A_942 = arith.ori %gt3A_935, %and3A_941 : vector<16xi1>
      %get3A_943 = arith.constant 384 : index
      %get3A_944 = tpu.vector_load %arg6[%get3A_943] {strides = array<i32>} : memref<768xi32, #tpu.memory_space<vmem>>, vector<16xi32>,
      tpu.vector_store_idx %arg8[%get3A_944], %broadcast_in_dim3A_697 masked %or3A_942 : memref<768xf32, #tpu.memory_space<vmem>>[vector<16xi32>], vector<16xf32>, vector<16xi1>
      %gt3A_945 = arith.cmpi sgt, %get3A_435, %scan3A_489 : vector<16xi32>
      %eq3A_946 = arith.cmpi eq, %get3A_435, %scan3A_489 : vector<16xi32>
      %add3A_947 = arith.constant 400 : i32
      %add3A_948 = vector.broadcast %add3A_947 : i32 to vector<16xi32>
      %add3A_949 = arith.addi %iota3A, %add3A_948 : vector<16xi32>
      %le3A_950 = arith.cmpi sle, %add3A_949, %cond3A_695 : vector<16xi32>
      %and3A_951 = arith.andi %eq3A_946, %le3A_950 : vector<16xi1>
      %or3A_952 = arith.ori %gt3A_945, %and3A_951 : vector<16xi1>
      %get3A_953 = arith.constant 400 : index
      %get3A_954 = tpu.vector_load %arg6[%get3A_953] {strides = array<i32>} : memref<768xi32, #tpu.memory_space<vmem>>, vector<16xi32>,
      tpu.vector_store_idx %arg8[%get3A_954], %broadcast_in_dim3A_697 masked %or3A_952 : memref<768xf32, #tpu.memory_space<vmem>>[vector<16xi32>], vector<16xf32>, vector<16xi1>
      %gt3A_955 = arith.cmpi sgt, %get3A_437, %scan3A_489 : vector<16xi32>
      %eq3A_956 = arith.cmpi eq, %get3A_437, %scan3A_489 : vector<16xi32>
      %add3A_957 = arith.constant 416 : i32
      %add3A_958 = vector.broadcast %add3A_957 : i32 to vector<16xi32>
      %add3A_959 = arith.addi %iota3A, %add3A_958 : vector<16xi32>
      %le3A_960 = arith.cmpi sle, %add3A_959, %cond3A_695 : vector<16xi32>
      %and3A_961 = arith.andi %eq3A_956, %le3A_960 : vector<16xi1>
      %or3A_962 = arith.ori %gt3A_955, %and3A_961 : vector<16xi1>
      %get3A_963 = arith.constant 416 : index
      %get3A_964 = tpu.vector_load %arg6[%get3A_963] {strides = array<i32>} : memref<768xi32, #tpu.memory_space<vmem>>, vector<16xi32>,
      tpu.vector_store_idx %arg8[%get3A_964], %broadcast_in_dim3A_697 masked %or3A_962 : memref<768xf32, #tpu.memory_space<vmem>>[vector<16xi32>], vector<16xf32>, vector<16xi1>
      %gt3A_965 = arith.cmpi sgt, %get3A_439, %scan3A_489 : vector<16xi32>
      %eq3A_966 = arith.cmpi eq, %get3A_439, %scan3A_489 : vector<16xi32>
      %add3A_967 = arith.constant 432 : i32
      %add3A_968 = vector.broadcast %add3A_967 : i32 to vector<16xi32>
      %add3A_969 = arith.addi %iota3A, %add3A_968 : vector<16xi32>
      %le3A_970 = arith.cmpi sle, %add3A_969, %cond3A_695 : vector<16xi32>
      %and3A_971 = arith.andi %eq3A_966, %le3A_970 : vector<16xi1>
      %or3A_972 = arith.ori %gt3A_965, %and3A_971 : vector<16xi1>
      %get3A_973 = arith.constant 432 : index
      %get3A_974 = tpu.vector_load %arg6[%get3A_973] {strides = array<i32>} : memref<768xi32, #tpu.memory_space<vmem>>, vector<16xi32>,
      tpu.vector_store_idx %arg8[%get3A_974], %broadcast_in_dim3A_697 masked %or3A_972 : memref<768xf32, #tpu.memory_space<vmem>>[vector<16xi32>], vector<16xf32>, vector<16xi1>
      %gt3A_975 = arith.cmpi sgt, %get3A_441, %scan3A_489 : vector<16xi32>
      %eq3A_976 = arith.cmpi eq, %get3A_441, %scan3A_489 : vector<16xi32>
      %add3A_977 = arith.constant 448 : i32
      %add3A_978 = vector.broadcast %add3A_977 : i32 to vector<16xi32>
      %add3A_979 = arith.addi %iota3A, %add3A_978 : vector<16xi32>
      %le3A_980 = arith.cmpi sle, %add3A_979, %cond3A_695 : vector<16xi32>
      %and3A_981 = arith.andi %eq3A_976, %le3A_980 : vector<16xi1>
      %or3A_982 = arith.ori %gt3A_975, %and3A_981 : vector<16xi1>
      %get3A_983 = arith.constant 448 : index
      %get3A_984 = tpu.vector_load %arg6[%get3A_983] {strides = array<i32>} : memref<768xi32, #tpu.memory_space<vmem>>, vector<16xi32>,
      tpu.vector_store_idx %arg8[%get3A_984], %broadcast_in_dim3A_697 masked %or3A_982 : memref<768xf32, #tpu.memory_space<vmem>>[vector<16xi32>], vector<16xf32>, vector<16xi1>
      %gt3A_985 = arith.cmpi sgt, %get3A_443, %scan3A_489 : vector<16xi32>
      %eq3A_986 = arith.cmpi eq, %get3A_443, %scan3A_489 : vector<16xi32>
      %add3A_987 = arith.constant 464 : i32
      %add3A_988 = vector.broadcast %add3A_987 : i32 to vector<16xi32>
      %add3A_989 = arith.addi %iota3A, %add3A_988 : vector<16xi32>
      %le3A_990 = arith.cmpi sle, %add3A_989, %cond3A_695 : vector<16xi32>
      %and3A_991 = arith.andi %eq3A_986, %le3A_990 : vector<16xi1>
      %or3A_992 = arith.ori %gt3A_985, %and3A_991 : vector<16xi1>
      %get3A_993 = arith.constant 464 : index
      %get3A_994 = tpu.vector_load %arg6[%get3A_993] {strides = array<i32>} : memref<768xi32, #tpu.memory_space<vmem>>, vector<16xi32>,
      tpu.vector_store_idx %arg8[%get3A_994], %broadcast_in_dim3A_697 masked %or3A_992 : memref<768xf32, #tpu.memory_space<vmem>>[vector<16xi32>], vector<16xf32>, vector<16xi1>
      %gt3A_995 = arith.cmpi sgt, %get3A_445, %scan3A_489 : vector<16xi32>
      %eq3A_996 = arith.cmpi eq, %get3A_445, %scan3A_489 : vector<16xi32>
      %add3A_997 = arith.constant 480 : i32
      %add3A_998 = vector.broadcast %add3A_997 : i32 to vector<16xi32>
      %add3A_999 = arith.addi %iota3A, %add3A_998 : vector<16xi32>
      %le3A_1000 = arith.cmpi sle, %add3A_999, %cond3A_695 : vector<16xi32>
      %and3A_1001 = arith.andi %eq3A_996, %le3A_1000 : vector<16xi1>
      %or3A_1002 = arith.ori %gt3A_995, %and3A_1001 : vector<16xi1>
      %get3A_1003 = arith.constant 480 : index
      %get3A_1004 = tpu.vector_load %arg6[%get3A_1003] {strides = array<i32>} : memref<768xi32, #tpu.memory_space<vmem>>, vector<16xi32>,
      tpu.vector_store_idx %arg8[%get3A_1004], %broadcast_in_dim3A_697 masked %or3A_1002 : memref<768xf32, #tpu.memory_space<vmem>>[vector<16xi32>], vector<16xf32>, vector<16xi1>
      %gt3A_1005 = arith.cmpi sgt, %get3A_447, %scan3A_489 : vector<16xi32>
      %eq3A_1006 = arith.cmpi eq, %get3A_447, %scan3A_489 : vector<16xi32>
      %add3A_1007 = arith.constant 496 : i32
      %add3A_1008 = vector.broadcast %add3A_1007 : i32 to vector<16xi32>
      %add3A_1009 = arith.addi %iota3A, %add3A_1008 : vector<16xi32>
      %le3A_1010 = arith.cmpi sle, %add3A_1009, %cond3A_695 : vector<16xi32>
      %and3A_1011 = arith.andi %eq3A_1006, %le3A_1010 : vector<16xi1>
      %or3A_1012 = arith.ori %gt3A_1005, %and3A_1011 : vector<16xi1>
      %get3A_1013 = arith.constant 496 : index
      %get3A_1014 = tpu.vector_load %arg6[%get3A_1013] {strides = array<i32>} : memref<768xi32, #tpu.memory_space<vmem>>, vector<16xi32>,
      tpu.vector_store_idx %arg8[%get3A_1014], %broadcast_in_dim3A_697 masked %or3A_1012 : memref<768xf32, #tpu.memory_space<vmem>>[vector<16xi32>], vector<16xf32>, vector<16xi1>
      %gt3A_1015 = arith.cmpi sgt, %get3A_449, %scan3A_489 : vector<16xi32>
      %eq3A_1016 = arith.cmpi eq, %get3A_449, %scan3A_489 : vector<16xi32>
      %add3A_1017 = arith.constant 512 : i32
      %add3A_1018 = vector.broadcast %add3A_1017 : i32 to vector<16xi32>
      %add3A_1019 = arith.addi %iota3A, %add3A_1018 : vector<16xi32>
      %le3A_1020 = arith.cmpi sle, %add3A_1019, %cond3A_695 : vector<16xi32>
      %and3A_1021 = arith.andi %eq3A_1016, %le3A_1020 : vector<16xi1>
      %or3A_1022 = arith.ori %gt3A_1015, %and3A_1021 : vector<16xi1>
      %get3A_1023 = arith.constant 512 : index
      %get3A_1024 = tpu.vector_load %arg6[%get3A_1023] {strides = array<i32>} : memref<768xi32, #tpu.memory_space<vmem>>, vector<16xi32>,
      tpu.vector_store_idx %arg8[%get3A_1024], %broadcast_in_dim3A_697 masked %or3A_1022 : memref<768xf32, #tpu.memory_space<vmem>>[vector<16xi32>], vector<16xf32>, vector<16xi1>
      %gt3A_1025 = arith.cmpi sgt, %get3A_451, %scan3A_489 : vector<16xi32>
      %eq3A_1026 = arith.cmpi eq, %get3A_451, %scan3A_489 : vector<16xi32>
      %add3A_1027 = arith.constant 528 : i32
      %add3A_1028 = vector.broadcast %add3A_1027 : i32 to vector<16xi32>
      %add3A_1029 = arith.addi %iota3A, %add3A_1028 : vector<16xi32>
      %le3A_1030 = arith.cmpi sle, %add3A_1029, %cond3A_695 : vector<16xi32>
      %and3A_1031 = arith.andi %eq3A_1026, %le3A_1030 : vector<16xi1>
      %or3A_1032 = arith.ori %gt3A_1025, %and3A_1031 : vector<16xi1>
      %get3A_1033 = arith.constant 528 : index
      %get3A_1034 = tpu.vector_load %arg6[%get3A_1033] {strides = array<i32>} : memref<768xi32, #tpu.memory_space<vmem>>, vector<16xi32>,
      tpu.vector_store_idx %arg8[%get3A_1034], %broadcast_in_dim3A_697 masked %or3A_1032 : memref<768xf32, #tpu.memory_space<vmem>>[vector<16xi32>], vector<16xf32>, vector<16xi1>
      %gt3A_1035 = arith.cmpi sgt, %get3A_453, %scan3A_489 : vector<16xi32>
      %eq3A_1036 = arith.cmpi eq, %get3A_453, %scan3A_489 : vector<16xi32>
      %add3A_1037 = arith.constant 544 : i32
      %add3A_1038 = vector.broadcast %add3A_1037 : i32 to vector<16xi32>
      %add3A_1039 = arith.addi %iota3A, %add3A_1038 : vector<16xi32>
      %le3A_1040 = arith.cmpi sle, %add3A_1039, %cond3A_695 : vector<16xi32>
      %and3A_1041 = arith.andi %eq3A_1036, %le3A_1040 : vector<16xi1>
      %or3A_1042 = arith.ori %gt3A_1035, %and3A_1041 : vector<16xi1>
      %get3A_1043 = arith.constant 544 : index
      %get3A_1044 = tpu.vector_load %arg6[%get3A_1043] {strides = array<i32>} : memref<768xi32, #tpu.memory_space<vmem>>, vector<16xi32>,
      tpu.vector_store_idx %arg8[%get3A_1044], %broadcast_in_dim3A_697 masked %or3A_1042 : memref<768xf32, #tpu.memory_space<vmem>>[vector<16xi32>], vector<16xf32>, vector<16xi1>
      %gt3A_1045 = arith.cmpi sgt, %get3A_455, %scan3A_489 : vector<16xi32>
      %eq3A_1046 = arith.cmpi eq, %get3A_455, %scan3A_489 : vector<16xi32>
      %add3A_1047 = arith.constant 560 : i32
      %add3A_1048 = vector.broadcast %add3A_1047 : i32 to vector<16xi32>
      %add3A_1049 = arith.addi %iota3A, %add3A_1048 : vector<16xi32>
      %le3A_1050 = arith.cmpi sle, %add3A_1049, %cond3A_695 : vector<16xi32>
      %and3A_1051 = arith.andi %eq3A_1046, %le3A_1050 : vector<16xi1>
      %or3A_1052 = arith.ori %gt3A_1045, %and3A_1051 : vector<16xi1>
      %get3A_1053 = arith.constant 560 : index
      %get3A_1054 = tpu.vector_load %arg6[%get3A_1053] {strides = array<i32>} : memref<768xi32, #tpu.memory_space<vmem>>, vector<16xi32>,
      tpu.vector_store_idx %arg8[%get3A_1054], %broadcast_in_dim3A_697 masked %or3A_1052 : memref<768xf32, #tpu.memory_space<vmem>>[vector<16xi32>], vector<16xf32>, vector<16xi1>
      %gt3A_1055 = arith.cmpi sgt, %get3A_457, %scan3A_489 : vector<16xi32>
      %eq3A_1056 = arith.cmpi eq, %get3A_457, %scan3A_489 : vector<16xi32>
      %add3A_1057 = arith.constant 576 : i32
      %add3A_1058 = vector.broadcast %add3A_1057 : i32 to vector<16xi32>
      %add3A_1059 = arith.addi %iota3A, %add3A_1058 : vector<16xi32>
      %le3A_1060 = arith.cmpi sle, %add3A_1059, %cond3A_695 : vector<16xi32>
      %and3A_1061 = arith.andi %eq3A_1056, %le3A_1060 : vector<16xi1>
      %or3A_1062 = arith.ori %gt3A_1055, %and3A_1061 : vector<16xi1>
      %get3A_1063 = arith.constant 576 : index
      %get3A_1064 = tpu.vector_load %arg6[%get3A_1063] {strides = array<i32>} : memref<768xi32, #tpu.memory_space<vmem>>, vector<16xi32>,
      tpu.vector_store_idx %arg8[%get3A_1064], %broadcast_in_dim3A_697 masked %or3A_1062 : memref<768xf32, #tpu.memory_space<vmem>>[vector<16xi32>], vector<16xf32>, vector<16xi1>
      %gt3A_1065 = arith.cmpi sgt, %get3A_459, %scan3A_489 : vector<16xi32>
      %eq3A_1066 = arith.cmpi eq, %get3A_459, %scan3A_489 : vector<16xi32>
      %add3A_1067 = arith.constant 592 : i32
      %add3A_1068 = vector.broadcast %add3A_1067 : i32 to vector<16xi32>
      %add3A_1069 = arith.addi %iota3A, %add3A_1068 : vector<16xi32>
      %le3A_1070 = arith.cmpi sle, %add3A_1069, %cond3A_695 : vector<16xi32>
      %and3A_1071 = arith.andi %eq3A_1066, %le3A_1070 : vector<16xi1>
      %or3A_1072 = arith.ori %gt3A_1065, %and3A_1071 : vector<16xi1>
      %get3A_1073 = arith.constant 592 : index
      %get3A_1074 = tpu.vector_load %arg6[%get3A_1073] {strides = array<i32>} : memref<768xi32, #tpu.memory_space<vmem>>, vector<16xi32>,
      tpu.vector_store_idx %arg8[%get3A_1074], %broadcast_in_dim3A_697 masked %or3A_1072 : memref<768xf32, #tpu.memory_space<vmem>>[vector<16xi32>], vector<16xf32>, vector<16xi1>
      %gt3A_1075 = arith.cmpi sgt, %get3A_461, %scan3A_489 : vector<16xi32>
      %eq3A_1076 = arith.cmpi eq, %get3A_461, %scan3A_489 : vector<16xi32>
      %add3A_1077 = arith.constant 608 : i32
      %add3A_1078 = vector.broadcast %add3A_1077 : i32 to vector<16xi32>
      %add3A_1079 = arith.addi %iota3A, %add3A_1078 : vector<16xi32>
      %le3A_1080 = arith.cmpi sle, %add3A_1079, %cond3A_695 : vector<16xi32>
      %and3A_1081 = arith.andi %eq3A_1076, %le3A_1080 : vector<16xi1>
      %or3A_1082 = arith.ori %gt3A_1075, %and3A_1081 : vector<16xi1>
      %get3A_1083 = arith.constant 608 : index
      %get3A_1084 = tpu.vector_load %arg6[%get3A_1083] {strides = array<i32>} : memref<768xi32, #tpu.memory_space<vmem>>, vector<16xi32>,
      tpu.vector_store_idx %arg8[%get3A_1084], %broadcast_in_dim3A_697 masked %or3A_1082 : memref<768xf32, #tpu.memory_space<vmem>>[vector<16xi32>], vector<16xf32>, vector<16xi1>
      %gt3A_1085 = arith.cmpi sgt, %get3A_463, %scan3A_489 : vector<16xi32>
      %eq3A_1086 = arith.cmpi eq, %get3A_463, %scan3A_489 : vector<16xi32>
      %add3A_1087 = arith.constant 624 : i32
      %add3A_1088 = vector.broadcast %add3A_1087 : i32 to vector<16xi32>
      %add3A_1089 = arith.addi %iota3A, %add3A_1088 : vector<16xi32>
      %le3A_1090 = arith.cmpi sle, %add3A_1089, %cond3A_695 : vector<16xi32>
      %and3A_1091 = arith.andi %eq3A_1086, %le3A_1090 : vector<16xi1>
      %or3A_1092 = arith.ori %gt3A_1085, %and3A_1091 : vector<16xi1>
      %get3A_1093 = arith.constant 624 : index
      %get3A_1094 = tpu.vector_load %arg6[%get3A_1093] {strides = array<i32>} : memref<768xi32, #tpu.memory_space<vmem>>, vector<16xi32>,
      tpu.vector_store_idx %arg8[%get3A_1094], %broadcast_in_dim3A_697 masked %or3A_1092 : memref<768xf32, #tpu.memory_space<vmem>>[vector<16xi32>], vector<16xf32>, vector<16xi1>
      %gt3A_1095 = arith.cmpi sgt, %get3A_465, %scan3A_489 : vector<16xi32>
      %eq3A_1096 = arith.cmpi eq, %get3A_465, %scan3A_489 : vector<16xi32>
      %add3A_1097 = arith.constant 640 : i32
      %add3A_1098 = vector.broadcast %add3A_1097 : i32 to vector<16xi32>
      %add3A_1099 = arith.addi %iota3A, %add3A_1098 : vector<16xi32>
      %le3A_1100 = arith.cmpi sle, %add3A_1099, %cond3A_695 : vector<16xi32>
      %and3A_1101 = arith.andi %eq3A_1096, %le3A_1100 : vector<16xi1>
      %or3A_1102 = arith.ori %gt3A_1095, %and3A_1101 : vector<16xi1>
      %get3A_1103 = arith.constant 640 : index
      %get3A_1104 = tpu.vector_load %arg6[%get3A_1103] {strides = array<i32>} : memref<768xi32, #tpu.memory_space<vmem>>, vector<16xi32>,
      tpu.vector_store_idx %arg8[%get3A_1104], %broadcast_in_dim3A_697 masked %or3A_1102 : memref<768xf32, #tpu.memory_space<vmem>>[vector<16xi32>], vector<16xf32>, vector<16xi1>
      %gt3A_1105 = arith.cmpi sgt, %get3A_467, %scan3A_489 : vector<16xi32>
      %eq3A_1106 = arith.cmpi eq, %get3A_467, %scan3A_489 : vector<16xi32>
      %add3A_1107 = arith.constant 656 : i32
      %add3A_1108 = vector.broadcast %add3A_1107 : i32 to vector<16xi32>
      %add3A_1109 = arith.addi %iota3A, %add3A_1108 : vector<16xi32>
      %le3A_1110 = arith.cmpi sle, %add3A_1109, %cond3A_695 : vector<16xi32>
      %and3A_1111 = arith.andi %eq3A_1106, %le3A_1110 : vector<16xi1>
      %or3A_1112 = arith.ori %gt3A_1105, %and3A_1111 : vector<16xi1>
      %get3A_1113 = arith.constant 656 : index
      %get3A_1114 = tpu.vector_load %arg6[%get3A_1113] {strides = array<i32>} : memref<768xi32, #tpu.memory_space<vmem>>, vector<16xi32>,
      tpu.vector_store_idx %arg8[%get3A_1114], %broadcast_in_dim3A_697 masked %or3A_1112 : memref<768xf32, #tpu.memory_space<vmem>>[vector<16xi32>], vector<16xf32>, vector<16xi1>
      %gt3A_1115 = arith.cmpi sgt, %get3A_469, %scan3A_489 : vector<16xi32>
      %eq3A_1116 = arith.cmpi eq, %get3A_469, %scan3A_489 : vector<16xi32>
      %add3A_1117 = arith.constant 672 : i32
      %add3A_1118 = vector.broadcast %add3A_1117 : i32 to vector<16xi32>
      %add3A_1119 = arith.addi %iota3A, %add3A_1118 : vector<16xi32>
      %le3A_1120 = arith.cmpi sle, %add3A_1119, %cond3A_695 : vector<16xi32>
      %and3A_1121 = arith.andi %eq3A_1116, %le3A_1120 : vector<16xi1>
      %or3A_1122 = arith.ori %gt3A_1115, %and3A_1121 : vector<16xi1>
      %get3A_1123 = arith.constant 672 : index
      %get3A_1124 = tpu.vector_load %arg6[%get3A_1123] {strides = array<i32>} : memref<768xi32, #tpu.memory_space<vmem>>, vector<16xi32>,
      tpu.vector_store_idx %arg8[%get3A_1124], %broadcast_in_dim3A_697 masked %or3A_1122 : memref<768xf32, #tpu.memory_space<vmem>>[vector<16xi32>], vector<16xf32>, vector<16xi1>
      %gt3A_1125 = arith.cmpi sgt, %get3A_471, %scan3A_489 : vector<16xi32>
      %eq3A_1126 = arith.cmpi eq, %get3A_471, %scan3A_489 : vector<16xi32>
      %add3A_1127 = arith.constant 688 : i32
      %add3A_1128 = vector.broadcast %add3A_1127 : i32 to vector<16xi32>
      %add3A_1129 = arith.addi %iota3A, %add3A_1128 : vector<16xi32>
      %le3A_1130 = arith.cmpi sle, %add3A_1129, %cond3A_695 : vector<16xi32>
      %and3A_1131 = arith.andi %eq3A_1126, %le3A_1130 : vector<16xi1>
      %or3A_1132 = arith.ori %gt3A_1125, %and3A_1131 : vector<16xi1>
      %get3A_1133 = arith.constant 688 : index
      %get3A_1134 = tpu.vector_load %arg6[%get3A_1133] {strides = array<i32>} : memref<768xi32, #tpu.memory_space<vmem>>, vector<16xi32>,
      tpu.vector_store_idx %arg8[%get3A_1134], %broadcast_in_dim3A_697 masked %or3A_1132 : memref<768xf32, #tpu.memory_space<vmem>>[vector<16xi32>], vector<16xf32>, vector<16xi1>
      %gt3A_1135 = arith.cmpi sgt, %get3A_473, %scan3A_489 : vector<16xi32>
      %eq3A_1136 = arith.cmpi eq, %get3A_473, %scan3A_489 : vector<16xi32>
      %add3A_1137 = arith.constant 704 : i32
      %add3A_1138 = vector.broadcast %add3A_1137 : i32 to vector<16xi32>
      %add3A_1139 = arith.addi %iota3A, %add3A_1138 : vector<16xi32>
      %le3A_1140 = arith.cmpi sle, %add3A_1139, %cond3A_695 : vector<16xi32>
      %and3A_1141 = arith.andi %eq3A_1136, %le3A_1140 : vector<16xi1>
      %or3A_1142 = arith.ori %gt3A_1135, %and3A_1141 : vector<16xi1>
      %get3A_1143 = arith.constant 704 : index
      %get3A_1144 = tpu.vector_load %arg6[%get3A_1143] {strides = array<i32>} : memref<768xi32, #tpu.memory_space<vmem>>, vector<16xi32>,
      tpu.vector_store_idx %arg8[%get3A_1144], %broadcast_in_dim3A_697 masked %or3A_1142 : memref<768xf32, #tpu.memory_space<vmem>>[vector<16xi32>], vector<16xf32>, vector<16xi1>
      %gt3A_1145 = arith.cmpi sgt, %get3A_475, %scan3A_489 : vector<16xi32>
      %eq3A_1146 = arith.cmpi eq, %get3A_475, %scan3A_489 : vector<16xi32>
      %add3A_1147 = arith.constant 720 : i32
      %add3A_1148 = vector.broadcast %add3A_1147 : i32 to vector<16xi32>
      %add3A_1149 = arith.addi %iota3A, %add3A_1148 : vector<16xi32>
      %le3A_1150 = arith.cmpi sle, %add3A_1149, %cond3A_695 : vector<16xi32>
      %and3A_1151 = arith.andi %eq3A_1146, %le3A_1150 : vector<16xi1>
      %or3A_1152 = arith.ori %gt3A_1145, %and3A_1151 : vector<16xi1>
      %get3A_1153 = arith.constant 720 : index
      %get3A_1154 = tpu.vector_load %arg6[%get3A_1153] {strides = array<i32>} : memref<768xi32, #tpu.memory_space<vmem>>, vector<16xi32>,
      tpu.vector_store_idx %arg8[%get3A_1154], %broadcast_in_dim3A_697 masked %or3A_1152 : memref<768xf32, #tpu.memory_space<vmem>>[vector<16xi32>], vector<16xf32>, vector<16xi1>
      %gt3A_1155 = arith.cmpi sgt, %get3A_477, %scan3A_489 : vector<16xi32>
      %eq3A_1156 = arith.cmpi eq, %get3A_477, %scan3A_489 : vector<16xi32>
      %add3A_1157 = arith.constant 736 : i32
      %add3A_1158 = vector.broadcast %add3A_1157 : i32 to vector<16xi32>
      %add3A_1159 = arith.addi %iota3A, %add3A_1158 : vector<16xi32>
      %le3A_1160 = arith.cmpi sle, %add3A_1159, %cond3A_695 : vector<16xi32>
      %and3A_1161 = arith.andi %eq3A_1156, %le3A_1160 : vector<16xi1>
      %or3A_1162 = arith.ori %gt3A_1155, %and3A_1161 : vector<16xi1>
      %get3A_1163 = arith.constant 736 : index
      %get3A_1164 = tpu.vector_load %arg6[%get3A_1163] {strides = array<i32>} : memref<768xi32, #tpu.memory_space<vmem>>, vector<16xi32>,
      tpu.vector_store_idx %arg8[%get3A_1164], %broadcast_in_dim3A_697 masked %or3A_1162 : memref<768xf32, #tpu.memory_space<vmem>>[vector<16xi32>], vector<16xf32>, vector<16xi1>
      %gt3A_1165 = arith.cmpi sgt, %get3A_479, %scan3A_489 : vector<16xi32>
      %eq3A_1166 = arith.cmpi eq, %get3A_479, %scan3A_489 : vector<16xi32>
      %add3A_1167 = arith.constant 752 : i32
      %add3A_1168 = vector.broadcast %add3A_1167 : i32 to vector<16xi32>
      %add3A_1169 = arith.addi %iota3A, %add3A_1168 : vector<16xi32>
      %le3A_1170 = arith.cmpi sle, %add3A_1169, %cond3A_695 : vector<16xi32>
      %and3A_1171 = arith.andi %eq3A_1166, %le3A_1170 : vector<16xi1>
      %or3A_1172 = arith.ori %gt3A_1165, %and3A_1171 : vector<16xi1>
      %get3A_1173 = arith.constant 752 : index
      %get3A_1174 = tpu.vector_load %arg6[%get3A_1173] {strides = array<i32>} : memref<768xi32, #tpu.memory_space<vmem>>, vector<16xi32>,
      tpu.vector_store_idx %arg8[%get3A_1174], %broadcast_in_dim3A_697 masked %or3A_1172 : memref<768xf32, #tpu.memory_space<vmem>>[vector<16xi32>], vector<16xf32>, vector<16xi1>
      "tpu.region"() ({
        %run_scoped3A = tpu.sem_alloc : memref<!tpu.dma_semaphore, #tpu.memory_space<semaphore_mem>>
        %dma_start3A = arith.constant 0 : i32
        %dma_start3A_1175 = tpu.memref_slice %arg4[%arg1, %dma_start3A] : memref<4x768xf32, #tpu.memory_space<hbm>> -> memref<1x768xf32, #tpu.memory_space<hbm>>
        %dma_start3A_1176 = tpu.memref_squeeze %dma_start3A_1175 : memref<1x768xf32, #tpu.memory_space<hbm>> -> memref<768xf32, #tpu.memory_space<hbm>>
        %dma_start3A_1177 = arith.constant 0 : i32
        %dma_start3A_1178 = tpu.memref_slice %arg4[%arg1, %dma_start3A_1177] : memref<4x768xf32, #tpu.memory_space<hbm>> -> memref<1x768xf32, #tpu.memory_space<hbm>>
        %dma_start3A_1179 = tpu.memref_squeeze %dma_start3A_1178 : memref<1x768xf32, #tpu.memory_space<hbm>> -> memref<768xf32, #tpu.memory_space<hbm>>
        tpu.enqueue_dma source(%arg8 : memref<768xf32, #tpu.memory_space<vmem>>) target(%dma_start3A_1179 : memref<768xf32, #tpu.memory_space<hbm>>) target_semaphore(%run_scoped3A : memref<!tpu.dma_semaphore, #tpu.memory_space<semaphore_mem>>)
        %dma_wait3A = arith.constant 0 : i32
        %dma_wait3A_1180 = tpu.memref_slice %arg4[%arg1, %dma_wait3A] : memref<4x768xf32, #tpu.memory_space<hbm>> -> memref<1x768xf32, #tpu.memory_space<hbm>>
        %dma_wait3A_1181 = tpu.memref_squeeze %dma_wait3A_1180 : memref<1x768xf32, #tpu.memory_space<hbm>> -> memref<768xf32, #tpu.memory_space<hbm>>
        %dma_wait3A_1182 = arith.constant 0 : i32
        %dma_wait3A_1183 = tpu.memref_slice %arg4[%arg1, %dma_wait3A_1182] : memref<4x768xf32, #tpu.memory_space<hbm>> -> memref<1x768xf32, #tpu.memory_space<hbm>>
        %dma_wait3A_1184 = tpu.memref_squeeze %dma_wait3A_1183 : memref<1x768xf32, #tpu.memory_space<hbm>> -> memref<768xf32, #tpu.memory_space<hbm>>
        tpu.wait_dma2 semaphore(%run_scoped3A : memref<!tpu.dma_semaphore, #tpu.memory_space<semaphore_mem>>) src(%arg8 : memref<768xf32, #tpu.memory_space<vmem>>) dst(%dma_wait3A_1184 : memref<768xf32, #tpu.memory_space<hbm>>)
        tpu.yield
      }) : () -> ()
    } else {
    }
    return
  }
}

module attributes {stable_mosaic.version = 14 : i64} {
  func.func @_tc_matmul_kernel(%arg0: i32, %arg1: i32, %arg2: memref<4x768xf32, #tpu.memory_space<vmem>>, %arg3: memref<768x768xf32, #tpu.memory_space<vmem>>, %arg4: memref<768x768xf32, #tpu.memory_space<vmem>>, %arg5: memref<1x2048x768xf32, #tpu.memory_space<vmem>>, %arg6: memref<1x2048x768xf32, #tpu.memory_space<vmem>>, %arg7: memref<768x768xbf16, #tpu.memory_space<vmem>>) attributes {dimension_semantics = [#tpu.dimension_semantics<arbitrary>, #tpu.dimension_semantics<arbitrary>], iteration_bounds = array<i64: 4, 2>, scalar_prefetch = 0 : i64, scratch_operands = 1 : i64, tpu.core_type = #tpu.core_type<tc>, window_params = [{pipeline_mode = #tpu.pipeline_mode<synchronous>, transform_indices = @transform_0, window_bounds = array<i64: 4, 768>}, {pipeline_mode = #tpu.pipeline_mode<synchronous>, transform_indices = @transform_1, window_bounds = array<i64: 768, 768>}, {pipeline_mode = #tpu.pipeline_mode<synchronous>, transform_indices = @transform_2, window_bounds = array<i64: 768, 768>}, {transform_indices = @transform_3, window_bounds = array<i64: 1, 2048, 768>}, {transform_indices = @transform_4, window_bounds = array<i64: 1, 2048, 768>}]} {
    %eq3A = arith.constant 0 : i32
    %eq3A_0 = arith.cmpi eq, %arg1, %eq3A : i32
    %convert_element_type3A = arith.extui %eq3A_0 : i1 to i32
    %cond3A = arith.constant 0 : i32
    %cond3A_1 = arith.cmpi ne, %convert_element_type3A, %cond3A : i32
    scf.if %cond3A_1 {
      %get3A_16 = arith.constant 0 : index
      %get3A_17 = arith.constant 0 : index
      %get3A_18 = vector.load %arg3[%get3A_16, %get3A_17] : memref<768x768xf32, #tpu.memory_space<vmem>>, vector<768x768xf32>
      %get3A_19 = arith.index_cast %arg0 : i32 to index
      %get3A_20 = arith.constant 0 : index
      %get3A_21 = vector.load %arg2[%get3A_19, %get3A_20] : memref<4x768xf32, #tpu.memory_space<vmem>>, vector<1x768xf32>
      %get3A_22 = arith.constant 0 : index
      %get3A_23 = arith.constant 0 : index
      %get3A_24 = vector.load %arg4[%get3A_22, %get3A_23] : memref<768x768xf32, #tpu.memory_space<vmem>>, vector<768x768xf32>
      %mul3A = vector.broadcast %get3A_21 : vector<1x768xf32> to vector<768x768xf32>
      %mul3A_25 = arith.mulf %mul3A, %get3A_24 : vector<768x768xf32>
      %add3A = arith.addf %get3A_18, %mul3A_25 : vector<768x768xf32>
      %convert_element_type3A_26 = arith.truncf %add3A : vector<768x768xf32> to vector<768x768xbf16>
      %swap3A_27 = arith.constant 0 : index
      %swap3A_28 = arith.constant 0 : index
      %swap3A_29 = vector.load %arg7[%swap3A_27, %swap3A_28] : memref<768x768xbf16, #tpu.memory_space<vmem>>, vector<768x768xbf16>
      tpu.vector_store %arg7[%swap3A_27, %swap3A_28], %convert_element_type3A_26 {strides = array<i32>} : memref<768x768xbf16, #tpu.memory_space<vmem>>, vector<768x768xbf16>,
    } else {
    }
    %get3A = arith.constant 0 : index
    %get3A_2 = arith.constant 0 : index
    %get3A_3 = arith.constant 0 : index
    %get3A_4 = vector.load %arg5[%get3A, %get3A_2, %get3A_3] : memref<1x2048x768xf32, #tpu.memory_space<vmem>>, vector<1x2048x768xf32>
    %get3A_5 = vector.shape_cast %get3A_4 : vector<1x2048x768xf32> to vector<2048x768xf32>
    %convert_element_type3A_6 = arith.truncf %get3A_5 : vector<2048x768xf32> to vector<2048x768xbf16>
    %get3A_7 = arith.constant 0 : index
    %get3A_8 = arith.constant 0 : index
    %get3A_9 = vector.load %arg7[%get3A_7, %get3A_8] : memref<768x768xbf16, #tpu.memory_space<vmem>>, vector<768x768xbf16>
    %dot_general3A = arith.constant dense<0.000000e+00> : vector<2048x768xf32>
    %dot_general3A_10 = tpu.matmul %convert_element_type3A_6, %get3A_9, %dot_general3A {dimension_numbers = #tpu.dot_dimension_numbers<[1], [1], [0], [0], [0, 0, 1, 0], [], []>, transpose_lhs_hint = false} : vector<2048x768xbf16>, vector<768x768xbf16>, vector<2048x768xf32> -> vector<2048x768xf32>
    %swap3A = arith.constant 0 : index
    %swap3A_11 = arith.constant 0 : index
    %swap3A_12 = arith.constant 0 : index
    %swap3A_13 = vector.load %arg6[%swap3A, %swap3A_11, %swap3A_12] : memref<1x2048x768xf32, #tpu.memory_space<vmem>>, vector<1x2048x768xf32>
    %swap3A_14 = vector.shape_cast %swap3A_13 : vector<1x2048x768xf32> to vector<2048x768xf32>
    %swap3A_15 = vector.shape_cast %dot_general3A_10 : vector<2048x768xf32> to vector<1x2048x768xf32>
    tpu.vector_store %arg6[%swap3A, %swap3A_11, %swap3A_12], %swap3A_15 {strides = array<i32>} : memref<1x2048x768xf32, #tpu.memory_space<vmem>>, vector<1x2048x768xf32>,
    return
  }
  func.func @transform_0(%arg0: i32, %arg1: i32) -> (i32, i32) {
    %c0_i32 = arith.constant 0 : i32
    %c0_i32_0 = arith.constant 0 : i32
    %c0_i32_1 = arith.constant 0 : i32
    return %c0_i32, %c0_i32_0 : i32, i32
  }
  func.func @transform_1(%arg0: i32, %arg1: i32) -> (i32, i32) {
    %c0_i32 = arith.constant 0 : i32
    %c0_i32_0 = arith.constant 0 : i32
    %c0_i32_1 = arith.constant 0 : i32
    return %c0_i32, %c0_i32_0 : i32, i32
  }
  func.func @transform_2(%arg0: i32, %arg1: i32) -> (i32, i32) {
    %c0_i32 = arith.constant 0 : i32
    %c0_i32_0 = arith.constant 0 : i32
    %c0_i32_1 = arith.constant 0 : i32
    return %c0_i32, %c0_i32_0 : i32, i32
  }
  func.func @transform_3(%arg0: i32, %arg1: i32) -> (i32, i32, i32) {
    %c0_i32 = arith.constant 0 : i32
    %c0_i32_0 = arith.constant 0 : i32
    return %arg0, %arg1, %c0_i32 : i32, i32, i32
  }
  func.func @transform_4(%arg0: i32, %arg1: i32) -> (i32, i32, i32) {
    %c0_i32 = arith.constant 0 : i32
    %c0_i32_0 = arith.constant 0 : i32
    return %arg0, %arg1, %c0_i32 : i32, i32, i32
  }
}

</mosaic_0001>

<sc_bundles>
// kernel: kernel.4.cloned.1.call-start
scs
__scs_entry_jumppad:
0x0: {  	(pc) =	sbr.rel $0x88, $3  }
0x1: {  	(tag) =	ssettag $0x0;
	lr =	simm.s32 $0x1  }
0x2: {  	[smem:$0x3F9C] =	sst lr;
	_ =	strace $0xD0000000  }
0x3: {  	_ = 	snop  }
0x4: {  	_ = 	snop  }
0x5: {  	_ = 	snop  }
0x6: {  	_ = 	snop  }
0x7: {  	_ = 	snop  }
__scs_overlays_trampoline_lowered:
0x8: {  	[smem:$0x3FAB] =	sst s0  }
0x9: {  	[smem:$0x3FAC] =	sst s1  }
0xa: {  	[smem:$0x3FAD] =	sst s2  }
0xb: {  	[smem:$0x3FAE] =	sst s3  }
0xc: {  	[smem:$0x3FAF] =	sst s4  }
0xd: {  	[smem:$0x3FB0] =	sst s5  }
0xe: {  	[smem:$0x3FB1] =	sst s6  }
0xf: {  	[smem:$0x3FB2] =	sst s7  }
0x10: {  	[smem:$0x3FB3] =	sst s8  }
0x11: {  	[smem:$0x3FB4] =	sst s9;
	s0 =	simm.s32 @!p0 $0x0  }
0x12: {  	s1 =	sld [smem:$0x3F9A];
	s0 =	simm.s32 @p0 $0x1  }
0x13: {  	[smem:$0x3FB5] =	sst s0;
	s0 =	simm.s32 @!p1 $0x0  }
0x14: {  	s2 =	sld [smem:$0x3F99];
	s0 =	simm.s32 @p1 $0x1  }
0x15: {  	[smem:$0x3FB6] =	sst s0;
	s0 =	simm.s32 @!p2 $0x0  }
0x16: {  	s3 =	sld [smem:$0x3FDB];
	s0 =	simm.s32 @p2 $0x1  }
0x17: {  	s4 =	simm.s32 $0x1BF5;
	[smem:$0x3FB8] =	sst s0  }
0x18: {  	s0 =	sld [smem:$0x3F9B];
	_ =	swait.ge [sflag:s4], $0x0  }
0x19: {  	s7 =	sld [smem:$0x3F9C]  }
0x1a: {  	s8 =	sadd.s32 $0xFFFFE003, lr  }
0x1b: {  	s9 =	sadd.s32 $0xFFFFFEF7, lr;
	s5 =	simm.s32 $0xFFFFFFFF;
	p2 =	slt.u32 s8, $0xFFFFF086  }
0x1c: {  	p1 =	slt.u32 s9, $0xF7A;
	s5 =	simm.s32 @!p2 $0x0  }
0x1d: {  	s5 =	simm.s32 @p1 $0x1;
	p0 =	seq.s32 s7, s2  }
0x1e: {  	s7 =	smul.u32 @!p0 $0xF7A, s2;
	p2 =	seq.s32 @!p0 s5, $0x0  }
0x1f: {  	s9 =	smul.u32 $0xF7A, s1;
	s8 =	simm.s32 @!p0 $0x1BF5;
	p2 =	por !p2, p0  }
0x20: {  	[sflag:s8] =	ssyncset.s32 @!p0 $0xFFFFF086;
	s6 =	sadd.s32 @!p0 s3, s7;
	s7 =	simm.s32 @!p0 $0x108  }
0x21: {  	s3 =	sadd.s32 s3, s9;
	s6 =	sadd.s32 @!p0 $0x88, s6;
	s7 =	simm.s32 @p2 $0x1082  }
0x22: {  	[simem:s7], [sflag:s8] =	dma.local @!p0 [hbm:s6], $0xF7A  }
0x23: {  	s9 =	sor.u32 $0xD0000000, s2;
	s6 =	simm.s32 $0x108;
	_ =	swait.ge @!p0 [sflag:s8], $0x0  }
0x24: {  	s3 =	sadd.s32 $0x88, s3;
	s6 =	simm.s32 @!p1 $0x1082;
	[sflag:s4] =	ssyncset.s32 $0xFFFFF086  }
0x25: {  	[simem:s6], [sflag:s4] =	dma.local [hbm:s3], $0xF7A  }
0x26: {  	[smem:$0x3F9C] =	sst s1;
	(tag) =	ssettag s2;
	_ =	strace s9  }
0x27: {  	s1 =	sld [smem:$0x3FAC]  }
0x28: {  	s2 =	sld [smem:$0x3FAD]  }
0x29: {  	s4 =	sld [smem:$0x3FAF]  }
0x2a: {  	p0 =	seq.s32 s5, $0x0;
	s5 =	sld [smem:$0x3FB0]  }
0x2b: {  	s6 =	sld [smem:$0x3FB1]  }
0x2c: {  	s7 =	sld [smem:$0x3FB2]  }
0x2d: {  	s3 =	simm.s32 $0x108;
	s8 =	sld [smem:$0x3FB3]  }
0x2e: {  	s3 =	simm.s32 @!p0 $0x1082;
	s9 =	sld [smem:$0x3FB4]  }
0x2f: {  	lr =	sadd.s32 s0, s3;
	s0 =	sld [smem:$0x3FAB]  }
0x30: {  	s3 =	sld [smem:$0x3FAE]  }
0x31: {  	[smem:$0x3FB7] =	sst s10  }
0x32: {  	s10 =	sld [smem:$0x3FB5];
	_ =	sdelay $0x3  }
0x33: {  	p0 =	seq.s32 s10, $0x1;
	s10 =	sld [smem:$0x3FB7];
	_ =	sdelay $0x3  }
0x34: {  	[smem:$0x3FB7] =	sst s10  }
0x35: {  	s10 =	sld [smem:$0x3FB6];
	_ =	sdelay $0x3  }
0x36: {  	p1 =	seq.s32 s10, $0x1;
	s10 =	sld [smem:$0x3FB7];
	_ =	sdelay $0x3  }
0x37: {  	[smem:$0x3FB7] =	sst s10  }
0x38: {  	s10 =	sld [smem:$0x3FB8]  }
0x39: {  	_ = 	snop;
	(pc) =	sbr.ind lr, $3  }
0x3a: {  	_ = 	snop  }
0x3b: {  	_ = 	snop  }
0x3c: {  	p2 =	seq.s32 s10, $0x1;
	s10 =	sld [smem:$0x3FB7]  }
0x3d: {  	_ =	shalt  }
0x3e: {  	_ =	shalt  }
0x3f: {  	_ =	shalt  }
0x40: {  	_ =	shalt  }
0x41: {  	_ =	shalt  }
0x42: {  	_ =	shalt  }
0x43: {  	_ =	shalt  }
0x44: {  	_ =	shalt  }
0x45: {  	_ =	shalt  }
0x46: {  	_ =	shalt  }
0x47: {  	_ =	shalt  }
0x48: {  	_ =	shalt  }
0x49: {  	_ =	shalt  }
0x4a: {  	_ =	shalt  }
0x4b: {  	_ =	shalt  }
0x4c: {  	_ =	shalt  }
0x4d: {  	_ =	shalt  }
0x4e: {  	_ =	shalt  }
0x4f: {  	_ =	shalt  }
0x50: {  	_ =	shalt  }
0x51: {  	_ =	shalt  }
0x52: {  	_ =	shalt  }
0x53: {  	_ =	shalt  }
0x54: {  	_ =	shalt  }
0x55: {  	_ =	shalt  }
0x56: {  	_ =	shalt  }
0x57: {  	_ =	shalt  }
0x58: {  	_ =	shalt  }
0x59: {  	_ =	shalt  }
0x5a: {  	_ =	shalt  }
0x5b: {  	_ =	shalt  }
0x5c: {  	_ =	shalt  }
0x5d: {  	_ =	shalt  }
0x5e: {  	_ =	shalt  }
0x5f: {  	_ =	shalt  }
0x60: {  	_ =	shalt  }
0x61: {  	_ =	shalt  }
0x62: {  	_ =	shalt  }
0x63: {  	_ =	shalt  }
0x64: {  	_ =	shalt  }
0x65: {  	_ =	shalt  }
0x66: {  	_ =	shalt  }
0x67: {  	_ =	shalt  }
0x68: {  	_ =	shalt  }
0x69: {  	_ =	shalt  }
0x6a: {  	_ =	shalt  }
0x6b: {  	_ =	shalt  }
0x6c: {  	_ =	shalt  }
0x6d: {  	_ =	shalt  }
0x6e: {  	_ =	shalt  }
0x6f: {  	_ =	shalt  }
0x70: {  	_ =	shalt  }
0x71: {  	_ =	shalt  }
0x72: {  	_ =	shalt  }
0x73: {  	_ =	shalt  }
0x74: {  	_ =	shalt  }
0x75: {  	_ =	shalt  }
0x76: {  	_ =	shalt  }
0x77: {  	_ =	shalt  }
0x78: {  	_ =	shalt  }
0x79: {  	_ =	shalt  }
0x7a: {  	_ =	shalt  }
0x7b: {  	_ =	shalt  }
0x7c: {  	_ =	shalt  }
0x7d: {  	_ =	shalt  }
0x7e: {  	_ =	shalt  }
0x7f: {  	_ =	shalt  }
0x80: {  	_ =	shalt  }
0x81: {  	_ =	shalt  }
0x82: {  	_ =	shalt  }
0x83: {  	_ =	shalt  }
0x84: {  	_ =	shalt  }
0x85: {  	_ =	shalt  }
0x86: {  	_ =	shalt  }
0x87: {  	_ =	shalt  }
.Lfunc_end0:
.L_simem_size_0:
called_computation_lowered:
.L_overlay_start_0:
0x88: {  	s0 =	sld [smem:$0x3FD9]  }
0x89: {  	s1 =	sld [smem:$0x3FFE];
	_ =	sdelay $0x3  }
0x8a: {  	s0 =	sadd.s32 s1, s0  }
0x8b: {  	[smem:$0x3FC3] =	sst s0  }
0x8c: {  	_ = 	snop  }
0x8d: {  	s0 =	sld [smem:$0x3FC6]  }
0x8e: {  	s16 =	sld [smem:$0x3FD0];
	(tm) =	ssettm $0x1  }
0x8f: {  	s2 =	sld [smem:$0x3FFB];
	_ =	sdelay $0x3  }
0x90: {  	_ =	strace s2  }
0x91: {  	s2 =	sld [smem:$0x3FFC];
	_ =	sdelay $0x3  }
0x92: {  	_ =	strace s2  }
0x93: {  	s2 =	sld [smem:$0x3FFD];
	_ =	sdelay $0x3  }
0x94: {  	_ =	strace s2  }
0x95: {  	_ =	strace $0x8FFFFFFF  }
0x96: {  	s17 =	sld [smem:$0x3FDB];
	_ =	sdelay $0x1  }
0x97: {  	s3 =	simm.s32 $_scs_section_size  }
0x98: {  	s4 =	simm.s32 $_size__tile_overlayer_lowered;
	s5 =	simm.s32 $_tile_overlayer_lowered  }
0x99: {  	s20 =	simm.s32 $0x1BFF;
	s19 =	sshll.u32 s5, $0x1;
	s2 =	sadd.s32 s3, s17  }
0x9a: {  	s6 =	simm.s32 $0x0;
	s18 =	sshll.u32 s4, $0x1;
	s4 =	sadd.s32 s19, s2  }
0x9b: {  	[timem:s6], [sflag:s20] =	dma.local [hbm:s4], s18  }
0x9c: {  	_ =	swait.ge [sflag:s20], s18  }
0x9d: {  	s3 =	ssub.s32 $0x0, s18;
	[sflag:s20] =	ssyncset.done $0x0  }
0x9e: {  	[sflag:s20] =	ssyncadd.s32 s3;
	_ =	sdelay $0x1  }
0x9f: {  	s21 =	simm.s32 $0x1B8B  }
0xa0: {  	_ =	swait.ge [sflag:s21], $0x1  }
0xa1: {  	[sflag:s21] =	ssyncset.done $0x0  }
0xa2: {  	s23 =	simm.s32 $0x1B8E;
	s22 =	sld [smem:$0x3FFE];
	[sflag:s21] =	ssyncadd.s32 $0xFFFFFFFF  }
0xa3: {  	s24 =	simm.s32 $execute0_lowered;
	[smem:$0x3FD2] =	sst s23  }
0xa4: {  	s4 =	sshll.u32 s24, $0x1;
	_ =	strace $0x80000046;
	[dreg:$0x1] =	wrdreg $0xFFFFFFFF  }
0xa5: {  	s25 =	simm.s32 $_size_execute0_lowered;
	s2 =	sadd.s32 s2, s4;
	[dreg:$0x0] =	wrdreg $0x0  }
0xa6: {  	s4 =	sshll.u32 s25, $0x1;
	[dreg:$0x2] =	wrdreg s2  }
0xa7: {  	[dreg:$0x3] =	wrdreg s4  }
0xa8: {  	[dreg:$0x4] =	wrdreg $0xC0  }
0xa9: {  	_ =	task [dreg:s6], $0x5FFFF  }
0xaa: {  	[dreg:$0x1] =	wrdreg $0xFFFFFFFF  }
0xab: {  	[dreg:$0x0] =	wrdreg $0x60  }
0xac: {  	[dreg:$0x2] =	wrdreg s16  }
0xad: {  	[dreg:$0x3] =	wrdreg s0  }
0xae: {  	[dreg:$0x4] =	wrdreg s22  }
0xaf: {  	[dreg:$0x5] =	wrdreg $0x9  }
0xb0: {  	_ =	task.clear_ibuf [dreg:s6], $0x6FFFF;
	_ =	strace $0x90000046  }
0xb1: {  	s26 =	simm.s32 $0x9;
	_ =	strace $0x80000048  }
0xb2: {  	_ =	swait.ge [sflag:s26], $0x1  }
0xb3: {  	[sflag:s26] =	ssyncadd.s32 $0xFFFFFFFF  }
0xb4: {  	_ =	strace $0x90000048  }
0xb5: {  	_ =	sfence  }
0xb6: {  	s28 =	sld [smem:$0x0];
	_ =	sdelay $0x1  }
0xb7: {  	s29 =	srdreg.scid  }
0xb8: {  	s30 =	sshll.u32 s29, $0xD;
	s31 =	sshrl.u32 s29, $0x2  }
0xb9: {  	s1 =	sand.u32 $0x1, s29;
	s2 =	sand.u32 $0x4000, s30;
	s0 =	sadd.s32 s31, s28  }
0xba: {  	s1 =	sor.u32 s2, s1;
	s0 =	sshll.u32 s0, $0x11  }
0xbb: {  	s0 =	sor.u32 s0, s1  }
0xbc: {  	s0 =	sadd.s32 $0x8F2B, s0  }
0xbd: {  	[sflag:s0] =	ssyncadd.remote.s32 $0x1  }
0xbe: {  	_ =	sfence.sel $0xFFFF  }
0xbf: {  	[dreg:$0x0] =	wrdreg $0xFFFFFFFF;
	(pc) =	sbr.abs _section_cstart, $3  }
0xc0: {  	[dreg:$0x1] =	wrdreg $0xFFFFFFFF  }
0xc1: {  	_ =	task.clear_ibuf [dreg:s6], $0x2FFFF;
	_ =	strace $0x9FFFFFFF  }
0xc2: {  	(tm) =	ssettm $0x7FFFFFFF  }
0xc3: {  	_ =	shalt  }
tec
execute0_lowered:
.L_overlay_start_1:
0x0: {  	(tag) =	ssettag $0x1  }
0x1: {  	s1 =	stileid.u32  }
0x2: {  	p0 =	sgt.u32 s1, $0x3  }
.Ltmp0:
0x3: {  	s6 =	rddreg [dreg:$0x0];
	(pc) =	sbr.rel @p0 .LBB2_8-.Ltmp0, $4  }
0x4: {  	s4 =	rddreg [dreg:$0x1]  }
0x5: {  	s2 =	rddreg [dreg:$0x2];
	s5 =	simm.s32 $0x0  }
0x6: {  	[smem:$0x7FF] =	sst s5  }
0x7: {  	s0 =	rddreg [dreg:$0x3];
	_ =	strace $0x80000047  }
0x8: {  	s3 =	sshll.u32 s1, $0x4;
	s7 =	simm.s32 $0x80  }
0x9: {  	s8 =	simm.s32 $0x200;
	s30 =	simm.s32 $0x1;
	s6 =	sadd.s32 s6, s3  }
0xa: {  	[tilespmem:s5], [sflag:$0x1] =	stream.strided.gather [hbm4b:s6+s7], $0x300, s8, s7, $0x38;
	[tilespmem:$0xC00] =	vst v63  }
0xb: {  	_ =	swait.ge [sflag:s30], $0x300  }
0xc: {  	[sflag:s30] =	ssyncset.done $0x0  }
0xd: {  	s31 =	simm.s32 $0x300;
	[sflag:s30] =	ssyncadd.s32 $0xFFFFFD00  }
0xe: {  	[tilespmem:s31], [sflag:$0x1] =	stream.linear.gather [hbm4b:s4+s5], $0x300, $0x38;
	[tilespmem:$0xC00] =	vst v63  }
0xf: {  	_ =	swait.ge [sflag:s30], $0x300  }
0x10: {  	[sflag:s30] =	ssyncset.done $0x0  }
0x11: {  	v1 =	vimm.f32 $0.0e+00;
	[sflag:s30] =	ssyncadd.s32 $0xFFFFFD00  }
0x12: {  	[tilespmem:$0x900] =	vst v1  }
0x13: {  	v0 =	vld [tilespmem:$0x0];
	[tilespmem:$0x910] =	vst v1  }
0x14: {  	v2 =	vld [tilespmem:$0x10];
	[tilespmem:$0x920] =	vst v1  }
0x15: {  	v3 =	vld [tilespmem:$0x20];
	[tilespmem:$0x930] =	vst v1  }
0x16: {  	[tilespmem:$0x940] =	vst v1;
	v4 =	vld [tilespmem:$0x70]  }
0x17: {  	[tilespmem:$0x950] =	vst v1;
	v5 =	vld [tilespmem:$0x90]  }
0x18: {  	[tilespmem:$0x960] =	vst v1;
	v6 =	vld [tilespmem:$0xB0]  }
0x19: {  	[tilespmem:$0x970] =	vst v1;
	v7 =	vld [tilespmem:$0xD0]  }
0x1a: {  	[tilespmem:$0x980] =	vst v1;
	v8 =	vld [tilespmem:$0xF0]  }
0x1b: {  	[tilespmem:$0x990] =	vst v1;
	v9 =	vld [tilespmem:$0x110]  }
0x1c: {  	[tilespmem:$0x9A0] =	vst v1;
	v10 =	vld [tilespmem:$0x130]  }
0x1d: {  	[tilespmem:$0x9B0] =	vst v1;
	v11 =	vld [tilespmem:$0x150]  }
0x1e: {  	[tilespmem:$0x9C0] =	vst v1;
	v12 =	vld [tilespmem:$0x170]  }
0x1f: {  	[tilespmem:$0x9D0] =	vst v1;
	v13 =	vld [tilespmem:$0x190]  }
0x20: {  	[tilespmem:$0x9E0] =	vst v1;
	v14 =	vld [tilespmem:$0x1B0]  }
0x21: {  	[tilespmem:$0x9F0] =	vst v1;
	v15 =	vld [tilespmem:$0x1D0]  }
0x22: {  	[tilespmem:$0xA00] =	vst v1;
	v16 =	vld [tilespmem:$0x1F0]  }
0x23: {  	[tilespmem:$0xA10] =	vst v1;
	v17 =	vld [tilespmem:$0x210]  }
0x24: {  	[tilespmem:$0xA20] =	vst v1;
	v18 =	vld [tilespmem:$0x230]  }
0x25: {  	[tilespmem:$0xA30] =	vst v1;
	v19 =	vld [tilespmem:$0x250]  }
0x26: {  	[tilespmem:$0xA40] =	vst v1;
	v20 =	vld [tilespmem:$0x270]  }
0x27: {  	[tilespmem:$0xA50] =	vst v1;
	v21 =	vld [tilespmem:$0x290]  }
0x28: {  	[tilespmem:$0xA60] =	vst v1;
	v22 =	vld [tilespmem:$0x2B0]  }
0x29: {  	[tilespmem:$0xA70] =	vst v1;
	v23 =	vld [tilespmem:$0x2D0]  }
0x2a: {  	[tilespmem:$0xA80] =	vst v1;
	v24 =	vld [tilespmem:$0x2F0];
	v0 =	vand.u32 $0x7FFFFFFF, v0  }
0x2b: {  	v2 =	vand.u32 $0x7FFFFFFF, v2;
	[tilespmem:$0x600] =	vst v0;
	v0 =	vld [tilespmem:$0x30]  }
0x2c: {  	v3 =	vand.u32 $0x7FFFFFFF, v3;
	[tilespmem:$0x610] =	vst v2;
	v2 =	vld [tilespmem:$0x40]  }
0x2d: {  	v4 =	vand.u32 $0x7FFFFFFF, v4;
	[tilespmem:$0x620] =	vst v3;
	v3 =	vld [tilespmem:$0x50]  }
0x2e: {  	v5 =	vand.u32 $0x7FFFFFFF, v5;
	[tilespmem:$0x670] =	vst v4;
	v4 =	vld [tilespmem:$0xE0]  }
0x2f: {  	v6 =	vand.u32 $0x7FFFFFFF, v6;
	[tilespmem:$0x690] =	vst v5;
	v5 =	vld [tilespmem:$0x120]  }
0x30: {  	v7 =	vand.u32 $0x7FFFFFFF, v7;
	[tilespmem:$0x6B0] =	vst v6;
	v6 =	vld [tilespmem:$0x160]  }
0x31: {  	v8 =	vand.u32 $0x7FFFFFFF, v8;
	[tilespmem:$0x6D0] =	vst v7;
	v7 =	vld [tilespmem:$0x1A0]  }
0x32: {  	v9 =	vand.u32 $0x7FFFFFFF, v9;
	[tilespmem:$0x6F0] =	vst v8;
	v8 =	vld [tilespmem:$0x1E0]  }
0x33: {  	v10 =	vand.u32 $0x7FFFFFFF, v10;
	[tilespmem:$0x710] =	vst v9;
	v9 =	vld [tilespmem:$0x220]  }
0x34: {  	v11 =	vand.u32 $0x7FFFFFFF, v11;
	[tilespmem:$0x730] =	vst v10;
	v10 =	vld [tilespmem:$0x260]  }
0x35: {  	v12 =	vand.u32 $0x7FFFFFFF, v12;
	[tilespmem:$0x750] =	vst v11;
	v11 =	vld [tilespmem:$0x2A0]  }
0x36: {  	[tilespmem:$0x770] =	vst v12;
	v12 =	vld [tilespmem:$0x2E0]  }
0x37: {  	[tilespmem:$0xA90] =	vst v1;
	v47 =	vld [tilespmem:$0x600]  }
0x38: {  	[tilespmem:$0xAA0] =	vst v1;
	v46 =	vld [tilespmem:$0x610]  }
0x39: {  	[tilespmem:$0xAB0] =	vst v1;
	v45 =	vld [tilespmem:$0x620]  }
0x3a: {  	[tilespmem:$0xAC0] =	vst v1;
	v44 =	vld [tilespmem:$0x670]  }
0x3b: {  	[tilespmem:$0xAD0] =	vst v1;
	v42 =	vld [tilespmem:$0x690]  }
0x3c: {  	[tilespmem:$0xAE0] =	vst v1;
	v61 =	vld [tilespmem:$0x6B0]  }
0x3d: {  	[tilespmem:$0xAF0] =	vst v1;
	v59 =	vld [tilespmem:$0x6D0]  }
0x3e: {  	[tilespmem:$0xB00] =	vst v1;
	v57 =	vld [tilespmem:$0x6F0]  }
0x3f: {  	[tilespmem:$0xB10] =	vst v1;
	v54 =	vld [tilespmem:$0x710]  }
0x40: {  	[tilespmem:$0xB20] =	vst v1;
	v51 =	vld [tilespmem:$0x730]  }
0x41: {  	[tilespmem:$0xB30] =	vst v1;
	v48 =	vld [tilespmem:$0x750];
	v0 =	vand.u32 $0x7FFFFFFF, v0  }
0x42: {  	[tilespmem:$0x630] =	vst v0;
	v0 =	vld [tilespmem:$0x60]  }
0x43: {  	[tilespmem:$0xB40] =	vst v1;
	v49 =	vld [tilespmem:$0x770];
	v2 =	vand.u32 $0x7FFFFFFF, v2  }
0x44: {  	v3 =	vand.u32 $0x7FFFFFFF, v3;
	[tilespmem:$0x640] =	vst v2;
	v2 =	vld [tilespmem:$0x80]  }
0x45: {  	v4 =	vand.u32 $0x7FFFFFFF, v4;
	[tilespmem:$0x650] =	vst v3;
	v3 =	vld [tilespmem:$0xA0]  }
0x46: {  	v5 =	vand.u32 $0x7FFFFFFF, v5;
	[tilespmem:$0x6E0] =	vst v4;
	v4 =	vld [tilespmem:$0x1C0]  }
0x47: {  	[tilespmem:$0x720] =	vst v5;
	v5 =	vld [tilespmem:$0x240];
	v0 =	vand.u32 $0x7FFFFFFF, v0  }
0x48: {  	v6 =	vand.u32 $0x7FFFFFFF, v6;
	[tilespmem:$0x660] =	vst v0;
	v0 =	vld [tilespmem:$0xC0]  }
0x49: {  	[tilespmem:$0x760] =	vst v6;
	v6 =	vld [tilespmem:$0x2C0]  }
0x4a: {  	[tilespmem:$0xB50] =	vst v1;
	v40 =	vld [tilespmem:$0x630]  }
0x4b: {  	[tilespmem:$0xB60] =	vst v1;
	v39 =	vld [tilespmem:$0x640];
	v2 =	vand.u32 $0x7FFFFFFF, v2  }
0x4c: {  	v3 =	vand.u32 $0x7FFFFFFF, v3;
	[tilespmem:$0x680] =	vst v2;
	v2 =	vld [tilespmem:$0x100]  }
0x4d: {  	[tilespmem:$0x6A0] =	vst v3;
	v3 =	vld [tilespmem:$0x140];
	v0 =	vand.u32 $0x7FFFFFFF, v0  }
0x4e: {  	[tilespmem:$0x6C0] =	vst v0;
	v0 =	vld [tilespmem:$0x180]  }
0x4f: {  	[tilespmem:$0xB70] =	vst v1;
	v38 =	vld [tilespmem:$0x650]  }
0x50: {  	[tilespmem:$0xB80] =	vst v1;
	v58 =	vld [tilespmem:$0x6E0]  }
0x51: {  	[tilespmem:$0xB90] =	vst v1;
	v52 =	vld [tilespmem:$0x720];
	v2 =	vand.u32 $0x7FFFFFFF, v2  }
0x52: {  	v34 =	vld [tilespmem:$0x760];
	v3 =	vand.u32 $0x7FFFFFFF, v3;
	[tilespmem:$0x700] =	vst v2  }
0x53: {  	v41 =	vld [tilespmem:$0x660];
	[tilespmem:$0x740] =	vst v3;
	v0 =	vand.u32 $0x7FFFFFFF, v0  }
0x54: {  	v43 =	vld [tilespmem:$0x680];
	[tilespmem:$0x780] =	vst v0;
	v0 =	vand.u32 $0x7FFFFFFF, v13  }
0x55: {  	v62 =	vld [tilespmem:$0x6A0];
	[tilespmem:$0x790] =	vst v0;
	v0 =	vand.u32 $0x7FFFFFFF, v7  }
0x56: {  	v2 =	vld [tilespmem:$0x200];
	[tilespmem:$0x7A0] =	vst v0;
	v0 =	vand.u32 $0x7FFFFFFF, v14  }
0x57: {  	v3 =	vld [tilespmem:$0x280];
	[tilespmem:$0x7B0] =	vst v0;
	v0 =	vand.u32 $0x7FFFFFFF, v4  }
0x58: {  	v60 =	vld [tilespmem:$0x6C0];
	v4 =	vand.u32 $0x7FFFFFFF, v6;
	[tilespmem:$0x7C0] =	vst v0  }
0x59: {  	v56 =	vld [tilespmem:$0x700];
	v0 =	vand.u32 $0x7FFFFFFF, v15;
	[tilespmem:$0x8C0] =	vst v4  }
0x5a: {  	v50 =	vld [tilespmem:$0x740];
	[tilespmem:$0x7D0] =	vst v0;
	v0 =	vand.u32 $0x7FFFFFFF, v8  }
0x5b: {  	v33 =	vld [tilespmem:$0x780];
	[tilespmem:$0x7E0] =	vst v0;
	v0 =	vand.u32 $0x7FFFFFFF, v16  }
0x5c: {  	v32 =	vld [tilespmem:$0x790];
	[tilespmem:$0x7F0] =	vst v0;
	v0 =	vand.u32 $0x7FFFFFFF, v2  }
0x5d: {  	v31 =	vld [tilespmem:$0x7A0];
	[tilespmem:$0x800] =	vst v0;
	v0 =	vand.u32 $0x7FFFFFFF, v17  }
0x5e: {  	v30 =	vld [tilespmem:$0x7B0];
	[tilespmem:$0x810] =	vst v0;
	v0 =	vand.u32 $0x7FFFFFFF, v9  }
0x5f: {  	v29 =	vld [tilespmem:$0x7C0];
	[tilespmem:$0x820] =	vst v0;
	v0 =	vand.u32 $0x7FFFFFFF, v18  }
0x60: {  	v55 =	vld [tilespmem:$0x8C0];
	[tilespmem:$0x830] =	vst v0;
	v0 =	vand.u32 $0x7FFFFFFF, v5  }
0x61: {  	v28 =	vld [tilespmem:$0x7D0];
	[tilespmem:$0x840] =	vst v0;
	v0 =	vand.u32 $0x7FFFFFFF, v19  }
0x62: {  	v27 =	vld [tilespmem:$0x7E0];
	[tilespmem:$0x850] =	vst v0;
	v0 =	vand.u32 $0x7FFFFFFF, v10  }
0x63: {  	v26 =	vld [tilespmem:$0x7F0];
	[tilespmem:$0x860] =	vst v0;
	v0 =	vand.u32 $0x7FFFFFFF, v20  }
0x64: {  	v25 =	vld [tilespmem:$0x800];
	[tilespmem:$0x870] =	vst v0;
	v0 =	vand.u32 $0x7FFFFFFF, v3  }
0x65: {  	v2 =	vimm.s32 $0x67452301;
	v19 =	vld [tilespmem:$0x820];
	[tilespmem:$0x880] =	vst v0;
	v0 =	vand.u32 $0x7FFFFFFF, v21  }
0x66: {  	v5 =	vand.u32 $0x7FFFFFFF, v23;
	v18 =	vld [tilespmem:$0x830];
	[tilespmem:$0x890] =	vst v0;
	v0 =	vimm.s32 $0xEFCDAB89  }
0x67: {  	v7 =	vimm.s32 $0xFEDCBA98;
	v2 =	vunpack.c.l.s4.s8 v2;
	[tilespmem:$0x8D0] =	vst v5;
	v17 =	vld [tilespmem:$0x840];
	v0 =	vunpack.c.l.s4.s8 v0  }
0x68: {  	[tilespmem:$0xBA0] =	vst v1;
	v35 =	vand.u32 $0x7FFFFFFF, v24;
	v7 =	vunpack.c.l.s4.s8 v7;
	v6 =	vimm.s32 $0xDCFE98BA;
	v37 =	vld [tilespmem:$0x8D0]  }
0x69: {  	[tilespmem:$0xBB0] =	vst v1;
	v8 =	vimm.s32 $0x32107654;
	v2 =	vunpack.c.0.s8.s32 v2;
	v20 =	vld [tilespmem:$0x810];
	v0 =	vunpack.c.0.s8.s32 v0  }
0x6a: {  	[tilespmem:$0xBC0] =	vst v1;
	v7 =	vunpack.c.0.s8.s32 v7;
	v9 =	vimm.s32 $0x76543210;
	v16 =	vld [tilespmem:$0x850];
	v3 =	vand.u32 $0x7FFFFFFF, v11  }
0x6b: {  	[tilespmem:$0xBD0] =	vst v1;
	v15 =	vld [tilespmem:$0x860];
	v0 =	vcombine.low v2, v0;
	v2 =	vunpack.c.l.s4.s8 v6;
	v6 =	vimm.s32 $0x54761032  }
0x6c: {  	[tilespmem:$0x8A0] =	vst v3;
	v3 =	vand.u32 $0x7FFFFFFF, v22;
	v14 =	vld [tilespmem:$0x870];
	v4 =	vunpack.c.l.s4.s8 v6;
	v6 =	vimm.s32 $0xBA98FEDC  }
0x6d: {  	[tilespmem:$0xBE0] =	vst v1;
	v13 =	vld [tilespmem:$0x880];
	v5 =	vunpack.c.l.s4.s8 v6;
	v6 =	vunpack.c.l.s4.s8 v8;
	v8 =	vunpack.c.l.s4.s8 v9  }
0x6e: {  	[tilespmem:$0x8B0] =	vst v3;
	v3 =	vand.u32 $0x7FFFFFFF, v12;
	v11 =	vld [tilespmem:$0x8A0];
	v2 =	vunpack.c.0.s8.s32 v2;
	v4 =	vunpack.c.0.s8.s32 v4  }
0x6f: {  	v12 =	vld [tilespmem:$0x890];
	[tilespmem:$0x8E0] =	vst v3;
	v3 =	vunpack.c.0.s8.s32 v5;
	v6 =	vunpack.c.0.s8.s32 v6;
	v8 =	vunpack.c.0.s8.s32 v8  }
0x70: {  	s2 =	sadd.s32 s3, s2;
	s3 =	simm.s32 $0x40000000;
	[tilespmem:$0xBF0] =	vst v1;
	v10 =	vld [tilespmem:$0x8B0];
	v5 =	vimm.s32 $0x0;
	v1 =	vcombine.low v4, v2;
	v4 =	vand.u32 $0xF, v7  }
0x71: {  	s2 =	sadd.s32 $0xA00, s2;
	s5 =	simm.s32 $0x40000000;
	s4 =	simm.s32 $0x1;
	[tilespmem:$0x8F0] =	vst v35;
	v36 =	vld [tilespmem:$0x8E0];
	v2 =	vcombine.low v6, v3;
	v3 =	vcombine.low v4, v8;
	v4 =	vimm.s32 $0x0  }
.LBB2_2:
0x72: {  	p0 =	sne.s32 s4, $0x1E;
	v6 =	vor.u32 s5, v4  }
0x73: {  	vm0 =	vge.s32 v47, v6;
	vm1 =	vge.s32 v39, v6  }
0x74: {  	v7 =	vsel vm0, $0x1, v5;
	v8 =	vsel vm1, $0x1, v5;
	vm0 =	vge.s32 v43, v6  }
0x75: {  	v9 =	vsel vm0, $0x1, v5;
	vm0 =	vge.s32 v60, v6;
	v7 =	vadd.s32 v8, v7  }
0x76: {  	v8 =	vsel vm0, $0x1, v5;
	vm0 =	vge.s32 v56, v6;
	v7 =	vadd.s32 v9, v7  }
0x77: {  	v9 =	vsel vm0, $0x1, v5;
	vm0 =	vge.s32 v50, v6;
	v7 =	vadd.s32 v8, v7  }
0x78: {  	v8 =	vsel vm0, $0x1, v5;
	vm0 =	vge.s32 v33, v6;
	v7 =	vadd.s32 v9, v7  }
0x79: {  	v9 =	vsel vm0, $0x1, v5;
	vm0 =	vge.s32 v29, v6;
	v7 =	vadd.s32 v8, v7  }
0x7a: {  	v8 =	vsel vm0, $0x1, v5;
	vm0 =	vge.s32 v25, v6;
	v7 =	vadd.s32 v9, v7  }
0x7b: {  	v9 =	vsel vm0, $0x1, v5;
	vm0 =	vge.s32 v17, v6;
	v7 =	vadd.s32 v8, v7  }
0x7c: {  	v8 =	vsel vm0, $0x1, v5;
	vm0 =	vge.s32 v13, v6;
	v7 =	vadd.s32 v9, v7  }
0x7d: {  	v9 =	vsel vm0, $0x1, v5;
	vm0 =	vge.s32 v55, v6;
	v7 =	vadd.s32 v8, v7  }
0x7e: {  	vm1 =	vge.s32 v38, v6;
	v8 =	vsel vm0, $0x1, v5;
	v7 =	vadd.s32 v9, v7  }
0x7f: {  	vm0 =	vge.s32 v46, v6;
	v9 =	vsel vm1, $0x1, v5;
	v7 =	vadd.s32 v8, v7  }
0x80: {  	v8 =	vsel vm0, $0x1, v5;
	vm0 =	vge.s32 v42, v6;
	v7 =	vadd.s32 v9, v7  }
0x81: {  	v9 =	vsel vm0, $0x1, v5;
	vm0 =	vge.s32 v59, v6;
	v7 =	vadd.s32 v8, v7  }
0x82: {  	v8 =	vsel vm0, $0x1, v5;
	vm0 =	vge.s32 v54, v6;
	v7 =	vadd.s32 v9, v7  }
0x83: {  	v9 =	vsel vm0, $0x1, v5;
	vm0 =	vge.s32 v48, v6;
	v7 =	vadd.s32 v8, v7  }
0x84: {  	v8 =	vsel vm0, $0x1, v5;
	vm0 =	vge.s32 v32, v6;
	v7 =	vadd.s32 v9, v7  }
0x85: {  	v9 =	vsel vm0, $0x1, v5;
	vm0 =	vge.s32 v28, v6;
	v7 =	vadd.s32 v8, v7  }
0x86: {  	v8 =	vsel vm0, $0x1, v5;
	vm0 =	vge.s32 v20, v6;
	v7 =	vadd.s32 v9, v7  }
0x87: {  	v9 =	vsel vm0, $0x1, v5;
	vm0 =	vge.s32 v16, v6;
	v7 =	vadd.s32 v8, v7  }
0x88: {  	v8 =	vsel vm0, $0x1, v5;
	vm0 =	vge.s32 v12, v6;
	v7 =	vadd.s32 v9, v7  }
0x89: {  	v9 =	vsel vm0, $0x1, v5;
	vm0 =	vge.s32 v37, v6;
	v7 =	vadd.s32 v8, v7  }
0x8a: {  	vm1 =	vge.s32 v41, v6;
	v8 =	vsel vm0, $0x1, v5;
	v7 =	vadd.s32 v9, v7  }
0x8b: {  	vm0 =	vge.s32 v45, v6;
	v9 =	vsel vm1, $0x1, v5;
	v7 =	vadd.s32 v8, v7  }
0x8c: {  	v8 =	vsel vm0, $0x1, v5;
	vm0 =	vge.s32 v62, v6;
	v7 =	vadd.s32 v9, v7  }
0x8d: {  	v9 =	vsel vm0, $0x1, v5;
	vm0 =	vge.s32 v58, v6;
	v7 =	vadd.s32 v8, v7  }
0x8e: {  	v8 =	vsel vm0, $0x1, v5;
	vm0 =	vge.s32 v52, v6;
	v7 =	vadd.s32 v9, v7  }
0x8f: {  	v9 =	vsel vm0, $0x1, v5;
	vm0 =	vge.s32 v34, v6;
	v7 =	vadd.s32 v8, v7  }
0x90: {  	v8 =	vsel vm0, $0x1, v5;
	vm0 =	vge.s32 v31, v6;
	v7 =	vadd.s32 v9, v7  }
0x91: {  	v9 =	vsel vm0, $0x1, v5;
	vm0 =	vge.s32 v27, v6;
	v7 =	vadd.s32 v8, v7  }
0x92: {  	v8 =	vsel vm0, $0x1, v5;
	vm0 =	vge.s32 v19, v6;
	v7 =	vadd.s32 v9, v7  }
0x93: {  	v9 =	vsel vm0, $0x1, v5;
	vm0 =	vge.s32 v15, v6;
	v7 =	vadd.s32 v8, v7  }
0x94: {  	v8 =	vsel vm0, $0x1, v5;
	vm0 =	vge.s32 v11, v6;
	v7 =	vadd.s32 v9, v7  }
0x95: {  	v9 =	vsel vm0, $0x1, v5;
	vm0 =	vge.s32 v36, v6;
	v7 =	vadd.s32 v8, v7  }
0x96: {  	vm1 =	vge.s32 v44, v6;
	v8 =	vsel vm0, $0x1, v5;
	v7 =	vadd.s32 v9, v7  }
0x97: {  	vm0 =	vge.s32 v40, v6;
	v9 =	vsel vm1, $0x1, v5;
	v7 =	vadd.s32 v8, v7  }
0x98: {  	v8 =	vsel vm0, $0x1, v5;
	vm0 =	vge.s32 v61, v6;
	v7 =	vadd.s32 v9, v7  }
0x99: {  	v9 =	vsel vm0, $0x1, v5;
	vm0 =	vge.s32 v57, v6;
	v7 =	vadd.s32 v8, v7  }
0x9a: {  	v8 =	vsel vm0, $0x1, v5;
	vm0 =	vge.s32 v51, v6;
	v7 =	vadd.s32 v9, v7  }
0x9b: {  	v9 =	vsel vm0, $0x1, v5;
	vm0 =	vge.s32 v49, v6;
	v7 =	vadd.s32 v8, v7  }
0x9c: {  	v8 =	vsel vm0, $0x1, v5;
	vm0 =	vge.s32 v30, v6;
	v7 =	vadd.s32 v9, v7  }
0x9d: {  	v9 =	vsel vm0, $0x1, v5;
	vm0 =	vge.s32 v26, v6;
	v7 =	vadd.s32 v8, v7  }
0x9e: {  	v8 =	vsel vm0, $0x1, v5;
	vm0 =	vge.s32 v18, v6;
	v7 =	vadd.s32 v9, v7  }
0x9f: {  	v9 =	vsel vm0, $0x1, v5;
	vm0 =	vge.s32 v14, v6;
	v7 =	vadd.s32 v8, v7  }
0xa0: {  	v8 =	vsel vm0, $0x1, v5;
	vm0 =	vge.s32 v10, v6;
	v7 =	vadd.s32 v9, v7  }
0xa1: {  	v9 =	vsel vm0, $0x1, v5;
	vm0 =	vle.s32 v6, v35;
	v7 =	vadd.s32 v8, v7  }
0xa2: {  	v8 =	vsel vm0, $0x1, v5;
	v7 =	vadd.s32 v9, v7  }
0xa3: {  	v7 =	vadd.s32 v8, v7  }
0xa4: {  	v8 =	vperm.xlane v7, v0;
	_ =	sdelay $0x1  }
0xa5: {  	v7 =	vadd.s32 v7, v8  }
0xa6: {  	v8 =	vperm.xlane v7, v1;
	_ =	sdelay $0x1  }
0xa7: {  	v7 =	vadd.s32 v8, v7  }
0xa8: {  	v8 =	vperm.xlane v7, v2;
	_ =	sdelay $0x1  }
0xa9: {  	v7 =	vadd.s32 v8, v7  }
.Ltmp1:
0xaa: {  	v8 =	vperm.xlane v7, v3;
	(pc) =	sbr.rel @p0 .LBB2_2-.Ltmp1, $4  }
0xab: {  	_ = 	snop  }
0xac: {  	v7 =	vadd.s32 v8, v7  }
0xad: {  	vm0 =	vgt.s32 v7, $0x3F  }
0xae: {  	s5 =	sshrl.u32 s3, s4;
	s4 =	sadd.s32 $0x1, s4;
	v4 =	vsel vm0, v6, v4  }
0xaf: {  	v6 =	vor.u32 s5, v4  }
0xb0: {  	vm0 =	vge.s32 v47, v6;
	vm1 =	vge.s32 v39, v6  }
0xb1: {  	vm6 =	vge.s32 v43, v6;
	v7 =	vsel vm0, $0x1, v5;
	v8 =	vsel vm1, $0x1, v5  }
0xb2: {  	vm7 =	vge.s32 v60, v6;
	v9 =	vsel vm6, $0x1, v5;
	v7 =	vadd.s32 v8, v7  }
0xb3: {  	vm8 =	vge.s32 v56, v6;
	v8 =	vsel vm7, $0x1, v5;
	v7 =	vadd.s32 v9, v7  }
0xb4: {  	vm9 =	vge.s32 v50, v6;
	v9 =	vsel vm8, $0x1, v5;
	v7 =	vadd.s32 v8, v7  }
0xb5: {  	vm10 =	vge.s32 v33, v6;
	v8 =	vsel vm9, $0x1, v5;
	v7 =	vadd.s32 v9, v7  }
0xb6: {  	vm11 =	vge.s32 v29, v6;
	v9 =	vsel vm10, $0x1, v5;
	v7 =	vadd.s32 v8, v7  }
0xb7: {  	vm12 =	vge.s32 v25, v6;
	v8 =	vsel vm11, $0x1, v5;
	v7 =	vadd.s32 v9, v7  }
0xb8: {  	vm13 =	vge.s32 v17, v6;
	v9 =	vsel vm12, $0x1, v5;
	v7 =	vadd.s32 v8, v7  }
0xb9: {  	vm14 =	vge.s32 v13, v6;
	v8 =	vsel vm13, $0x1, v5;
	v7 =	vadd.s32 v9, v7  }
0xba: {  	vm15 =	vge.s32 v55, v6;
	v9 =	vsel vm14, $0x1, v5;
	v7 =	vadd.s32 v8, v7  }
0xbb: {  	vm4 =	vge.s32 v38, v6;
	v8 =	vsel vm15, $0x1, v5;
	v7 =	vadd.s32 v9, v7  }
0xbc: {  	vm5 =	vge.s32 v46, v6;
	v7 =	vadd.s32 v8, v7;
	v8 =	vsel vm4, $0x1, v5  }
0xbd: {  	vm6 =	vge.s32 v42, v6;
	v9 =	vsel vm5, $0x1, v5;
	v7 =	vadd.s32 v8, v7  }
0xbe: {  	vm7 =	vge.s32 v59, v6;
	v8 =	vsel vm6, $0x1, v5;
	v7 =	vadd.s32 v9, v7  }
0xbf: {  	vm8 =	vge.s32 v54, v6;
	v9 =	vsel vm7, $0x1, v5;
	v7 =	vadd.s32 v8, v7  }
0xc0: {  	vm9 =	vge.s32 v48, v6;
	v8 =	vsel vm8, $0x1, v5;
	v7 =	vadd.s32 v9, v7  }
0xc1: {  	vm10 =	vge.s32 v32, v6;
	v9 =	vsel vm9, $0x1, v5;
	v7 =	vadd.s32 v8, v7  }
0xc2: {  	vm11 =	vge.s32 v28, v6;
	v8 =	vsel vm10, $0x1, v5;
	v7 =	vadd.s32 v9, v7  }
0xc3: {  	vm12 =	vge.s32 v20, v6;
	v9 =	vsel vm11, $0x1, v5;
	v7 =	vadd.s32 v8, v7  }
0xc4: {  	vm13 =	vge.s32 v16, v6;
	v8 =	vsel vm12, $0x1, v5;
	v7 =	vadd.s32 v9, v7  }
0xc5: {  	vm14 =	vge.s32 v12, v6;
	v9 =	vsel vm13, $0x1, v5;
	v7 =	vadd.s32 v8, v7  }
0xc6: {  	vm15 =	vge.s32 v37, v6;
	v8 =	vsel vm14, $0x1, v5;
	v7 =	vadd.s32 v9, v7  }
0xc7: {  	vm4 =	vge.s32 v41, v6;
	v7 =	vadd.s32 v8, v7;
	v8 =	vsel vm15, $0x1, v5  }
0xc8: {  	vm5 =	vge.s32 v45, v6;
	v7 =	vadd.s32 v8, v7;
	v8 =	vsel vm4, $0x1, v5  }
0xc9: {  	vm6 =	vge.s32 v62, v6;
	v9 =	vsel vm5, $0x1, v5;
	v7 =	vadd.s32 v8, v7  }
0xca: {  	vm7 =	vge.s32 v58, v6;
	v8 =	vsel vm6, $0x1, v5;
	v7 =	vadd.s32 v9, v7  }
0xcb: {  	vm8 =	vge.s32 v52, v6;
	v9 =	vsel vm7, $0x1, v5;
	v7 =	vadd.s32 v8, v7  }
0xcc: {  	vm9 =	vge.s32 v34, v6;
	v8 =	vsel vm8, $0x1, v5;
	v7 =	vadd.s32 v9, v7  }
0xcd: {  	vm10 =	vge.s32 v31, v6;
	v9 =	vsel vm9, $0x1, v5;
	v7 =	vadd.s32 v8, v7  }
0xce: {  	vm11 =	vge.s32 v27, v6;
	v8 =	vsel vm10, $0x1, v5;
	v7 =	vadd.s32 v9, v7  }
0xcf: {  	vm12 =	vge.s32 v19, v6;
	v9 =	vsel vm11, $0x1, v5;
	v7 =	vadd.s32 v8, v7  }
0xd0: {  	vm13 =	vge.s32 v15, v6;
	v8 =	vsel vm12, $0x1, v5;
	v7 =	vadd.s32 v9, v7  }
0xd1: {  	vm14 =	vge.s32 v11, v6;
	v9 =	vsel vm13, $0x1, v5;
	v7 =	vadd.s32 v8, v7  }
0xd2: {  	vm15 =	vge.s32 v36, v6;
	v8 =	vsel vm14, $0x1, v5;
	v7 =	vadd.s32 v9, v7  }
0xd3: {  	vm4 =	vge.s32 v44, v6;
	v7 =	vadd.s32 v8, v7;
	v8 =	vsel vm15, $0x1, v5  }
0xd4: {  	vm5 =	vge.s32 v40, v6;
	v7 =	vadd.s32 v8, v7;
	v8 =	vsel vm4, $0x1, v5  }
0xd5: {  	vm6 =	vge.s32 v61, v6;
	v9 =	vsel vm5, $0x1, v5;
	v7 =	vadd.s32 v8, v7  }
0xd6: {  	vm7 =	vge.s32 v57, v6;
	v8 =	vsel vm6, $0x1, v5;
	v7 =	vadd.s32 v9, v7  }
0xd7: {  	vm8 =	vge.s32 v51, v6;
	v9 =	vsel vm7, $0x1, v5;
	v7 =	vadd.s32 v8, v7  }
0xd8: {  	vm9 =	vge.s32 v49, v6;
	v8 =	vsel vm8, $0x1, v5;
	v7 =	vadd.s32 v9, v7  }
0xd9: {  	vm10 =	vge.s32 v30, v6;
	v9 =	vsel vm9, $0x1, v5;
	v7 =	vadd.s32 v8, v7  }
0xda: {  	vm11 =	vge.s32 v26, v6;
	v8 =	vsel vm10, $0x1, v5;
	v7 =	vadd.s32 v9, v7  }
0xdb: {  	vm12 =	vge.s32 v18, v6;
	v9 =	vsel vm11, $0x1, v5;
	v7 =	vadd.s32 v8, v7  }
0xdc: {  	vm13 =	vge.s32 v14, v6;
	v8 =	vsel vm12, $0x1, v5;
	v7 =	vadd.s32 v9, v7  }
0xdd: {  	vm14 =	vge.s32 v10, v6;
	v9 =	vsel vm13, $0x1, v5;
	v7 =	vadd.s32 v8, v7  }
0xde: {  	vm15 =	vle.s32 v6, v35;
	v8 =	vsel vm14, $0x1, v5;
	v7 =	vadd.s32 v9, v7  }
0xdf: {  	v5 =	vsel vm15, $0x1, v5;
	v7 =	vadd.s32 v8, v7  }
0xe0: {  	v5 =	vadd.s32 v5, v7  }
0xe1: {  	v0 =	vperm.xlane v5, v0;
	_ =	sdelay $0x1  }
0xe2: {  	v0 =	vadd.s32 v5, v0  }
0xe3: {  	v1 =	vperm.xlane v0, v1;
	_ =	sdelay $0x1  }
0xe4: {  	v0 =	vadd.s32 v1, v0  }
0xe5: {  	v1 =	vperm.xlane v0, v2;
	_ =	sdelay $0x1  }
0xe6: {  	v0 =	vadd.s32 v1, v0  }
0xe7: {  	v1 =	vperm.xlane v0, v3;
	_ =	sdelay $0x1  }
0xe8: {  	v0 =	vadd.s32 v1, v0  }
0xe9: {  	vm4 =	vgt.s32 v0, $0x3F  }
0xea: {  	v6 =	vsel vm4, v6, v4  }
0xeb: {  	v53 =	vimm.s32 $0x0;
	vm0 =	vge.s32 v47, v6;
	vm5 =	vge.s32 v46, v6  }
0xec: {  	vm6 =	vge.s32 v45, v6;
	vm7 =	vge.s32 v40, v6;
	vm8 =	vge.s32 v39, v6  }
0xed: {  	vm9 =	vge.s32 v43, v6;
	vm10 =	vge.s32 v60, v6;
	vm11 =	vge.s32 v56, v6  }
0xee: {  	vm12 =	vge.s32 v50, v6;
	v0 =	vsel vm0, $0x1, v53;
	v4 =	vsel vm8, $0x1, v53  }
0xef: {  	vm13 =	vge.s32 v33, v6;
	v5 =	vsel vm9, $0x1, v53;
	v0 =	vadd.s32 v4, v0  }
0xf0: {  	vm14 =	vge.s32 v29, v6;
	v4 =	vsel vm10, $0x1, v53;
	v0 =	vadd.s32 v5, v0  }
0xf1: {  	vm15 =	vge.s32 v25, v6;
	v5 =	vsel vm11, $0x1, v53;
	v0 =	vadd.s32 v4, v0  }
0xf2: {  	vm4 =	vge.s32 v17, v6;
	v4 =	vsel vm12, $0x1, v53;
	v0 =	vadd.s32 v5, v0  }
0xf3: {  	v1 =	vsel vm5, $0x1, v53;
	v5 =	vsel vm13, $0x1, v53;
	v0 =	vadd.s32 v4, v0  }
0xf4: {  	v2 =	vsel vm6, $0x1, v53;
	v4 =	vsel vm14, $0x1, v53;
	v0 =	vadd.s32 v5, v0  }
0xf5: {  	v3 =	vsel vm7, $0x1, v53;
	v5 =	vsel vm15, $0x1, v53;
	v0 =	vadd.s32 v4, v0  }
0xf6: {  	vm5 =	vge.s32 v13, v6;
	v4 =	vsel vm4, $0x1, v53;
	v0 =	vadd.s32 v5, v0  }
0xf7: {  	vm6 =	vge.s32 v55, v6;
	v5 =	vsel vm5, $0x1, v53;
	v0 =	vadd.s32 v4, v0  }
0xf8: {  	vm7 =	vge.s32 v38, v6;
	v4 =	vsel vm6, $0x1, v53;
	v0 =	vadd.s32 v5, v0  }
0xf9: {  	v5 =	vsel vm7, $0x1, v53;
	v0 =	vadd.s32 v4, v0  }
0xfa: {  	vm8 =	vge.s32 v41, v6;
	vm9 =	vge.s32 v42, v6;
	v0 =	vadd.s32 v5, v0  }
0xfb: {  	vm10 =	vge.s32 v59, v6;
	v5 =	vsel vm9, $0x1, v53;
	v0 =	vadd.s32 v1, v0  }
0xfc: {  	vm11 =	vge.s32 v54, v6;
	v1 =	vsel vm10, $0x1, v53;
	v0 =	vadd.s32 v5, v0  }
0xfd: {  	vm12 =	vge.s32 v48, v6;
	v5 =	vsel vm11, $0x1, v53;
	v0 =	vadd.s32 v1, v0  }
0xfe: {  	vm13 =	vge.s32 v32, v6;
	v1 =	vsel vm12, $0x1, v53;
	v0 =	vadd.s32 v5, v0  }
0xff: {  	vm14 =	vge.s32 v28, v6;
	v5 =	vsel vm13, $0x1, v53;
	v0 =	vadd.s32 v1, v0  }
0x100: {  	vm15 =	vge.s32 v20, v6;
	v1 =	vsel vm14, $0x1, v53;
	v0 =	vadd.s32 v5, v0  }
0x101: {  	vm4 =	vge.s32 v16, v6;
	v5 =	vsel vm15, $0x1, v53;
	v0 =	vadd.s32 v1, v0  }
0x102: {  	vm5 =	vge.s32 v12, v6;
	v1 =	vsel vm4, $0x1, v53;
	v0 =	vadd.s32 v5, v0  }
0x103: {  	vm6 =	vge.s32 v37, v6;
	v5 =	vsel vm5, $0x1, v53;
	v0 =	vadd.s32 v1, v0  }
0x104: {  	vm7 =	vge.s32 v44, v6;
	v1 =	vsel vm6, $0x1, v53;
	v0 =	vadd.s32 v5, v0  }
0x105: {  	v4 =	vsel vm8, $0x1, v53;
	vm8 =	vge.s32 v62, v6;
	v0 =	vadd.s32 v1, v0  }
0x106: {  	vm9 =	vge.s32 v61, v6;
	vm10 =	vge.s32 v58, v6;
	v0 =	vadd.s32 v4, v0  }
0x107: {  	vm11 =	vge.s32 v52, v6;
	v1 =	vsel vm8, $0x1, v53;
	v0 =	vadd.s32 v2, v0  }
0x108: {  	vm12 =	vge.s32 v34, v6;
	v2 =	vsel vm10, $0x1, v53;
	v0 =	vadd.s32 v1, v0  }
0x109: {  	vm13 =	vge.s32 v31, v6;
	v1 =	vsel vm11, $0x1, v53;
	v0 =	vadd.s32 v2, v0  }
0x10a: {  	vm14 =	vge.s32 v27, v6;
	v2 =	vsel vm12, $0x1, v53;
	v0 =	vadd.s32 v1, v0  }
0x10b: {  	vm15 =	vge.s32 v19, v6;
	v1 =	vsel vm13, $0x1, v53;
	v0 =	vadd.s32 v2, v0  }
0x10c: {  	vm4 =	vge.s32 v15, v6;
	v2 =	vsel vm14, $0x1, v53;
	v0 =	vadd.s32 v1, v0  }
0x10d: {  	vm5 =	vge.s32 v11, v6;
	v1 =	vsel vm15, $0x1, v53;
	v0 =	vadd.s32 v2, v0  }
0x10e: {  	vm6 =	vge.s32 v36, v6;
	v2 =	vsel vm4, $0x1, v53;
	v0 =	vadd.s32 v1, v0  }
0x10f: {  	v5 =	vsel vm7, $0x1, v53;
	v1 =	vsel vm5, $0x1, v53;
	v0 =	vadd.s32 v2, v0  }
0x110: {  	vm7 =	vge.s32 v57, v6;
	v2 =	vsel vm6, $0x1, v53;
	v0 =	vadd.s32 v1, v0  }
0x111: {  	vm8 =	vge.s32 v51, v6;
	v4 =	vsel vm9, $0x1, v53;
	v0 =	vadd.s32 v2, v0  }
0x112: {  	vm9 =	vge.s32 v49, v6;
	vm10 =	vge.s32 v30, v6;
	v0 =	vadd.s32 v5, v0  }
0x113: {  	vm11 =	vge.s32 v26, v6;
	vm12 =	vge.s32 v18, v6;
	v0 =	vadd.s32 v3, v0  }
0x114: {  	vm13 =	vge.s32 v14, v6;
	v1 =	vsel vm7, $0x1, v53;
	v0 =	vadd.s32 v4, v0  }
0x115: {  	vm14 =	vge.s32 v10, v6;
	v2 =	vsel vm8, $0x1, v53;
	v0 =	vadd.s32 v1, v0  }
0x116: {  	v5 =	vsel vm9, $0x1, v53;
	v3 =	vsel vm10, $0x1, v53;
	v0 =	vadd.s32 v2, v0  }
0x117: {  	v4 =	vsel vm11, $0x1, v53;
	v1 =	vsel vm12, $0x1, v53;
	v0 =	vadd.s32 v5, v0  }
0x118: {  	v5 =	vimm.s32 $0x67452301;
	v0 =	vadd.s32 v3, v0;
	v3 =	vimm.s32 $0xEFCDAB89  }
0x119: {  	v0 =	vadd.s32 v4, v0;
	v3 =	vunpack.c.l.s4.s8 v3;
	v4 =	vunpack.c.l.s4.s8 v5  }
0x11a: {  	vm15 =	vle.s32 v6, v35;
	v2 =	vsel vm13, $0x1, v53;
	v0 =	vadd.s32 v1, v0  }
0x11b: {  	v0 =	vadd.s32 v2, v0;
	v1 =	vunpack.c.0.s8.s32 v3;
	v2 =	vunpack.c.0.s8.s32 v4  }
0x11c: {  	v5 =	vsel vm14, $0x1, v53;
	v3 =	vsel vm15, $0x1, v53;
	v4 =	vimm.s32 $0xDCFE98BA  }
0x11d: {  	v0 =	vadd.s32 v5, v0;
	v9 =	vcombine.low v2, v1;
	v2 =	vimm.s32 $0x54761032  }
0x11e: {  	v1 =	vunpack.c.l.s4.s8 v4;
	v0 =	vadd.s32 v3, v0;
	v2 =	vunpack.c.l.s4.s8 v2  }
0x11f: {  	v5 =	vimm.s32 $0x32107654;
	v4 =	vimm.s32 $0xBA98FEDC;
	v3 =	vperm.xlane v0, v9  }
0x120: {  	v4 =	vunpack.c.l.s4.s8 v4;
	v1 =	vunpack.c.0.s8.s32 v1;
	v2 =	vunpack.c.0.s8.s32 v2  }
0x121: {  	v0 =	vadd.s32 v0, v3;
	v3 =	vunpack.c.l.s4.s8 v5  }
0x122: {  	v8 =	vcombine.low v2, v1;
	v1 =	vunpack.c.0.s8.s32 v4;
	v2 =	vimm.s32 $0xFEDCBA98  }
0x123: {  	v4 =	vimm.s32 $0x76543210;
	v3 =	vunpack.c.0.s8.s32 v3;
	v2 =	vunpack.c.l.s4.s8 v2  }
0x124: {  	v4 =	vunpack.c.l.s4.s8 v4;
	v5 =	vperm.xlane v0, v8  }
0x125: {  	v7 =	vcombine.low v3, v1;
	v1 =	vunpack.c.0.s8.s32 v2  }
0x126: {  	v2 =	vunpack.c.0.s8.s32 v4;
	v0 =	vadd.s32 v5, v0  }
0x127: {  	v3 =	vperm.xlane v0, v7;
	v1 =	vand.u32 $0xF, v1  }
0x128: {  	v2 =	vcombine.low v1, v2  }
0x129: {  	v0 =	vadd.s32 v3, v0  }
0x12a: {  	v1 =	vperm.xlane v0, v2;
	_ =	sdelay $0x1  }
0x12b: {  	v0 =	vadd.s32 v1, v0  }
0x12c: {  	(v2sf) =	vpush v0, $0x0;
	_ =	sdelay $0xe  }
0x12d: {  	s3 =	spop (v2sf)  }
0x12e: {  	p0 =	seq.s32 s3, $0x40  }
.Ltmp2:
0x12f: {  	_ = 	snop;
	(pc) =	sbr.rel @p0 .LBB2_7-.Ltmp2, $2  }
0x130: {  	_ =	sdelay $0x2  }
0x131: {  	v0 =	vimm.s32 $0x300  }
0x132: {  	[tilespmem:$0x1FD10] =	vst v34  }
0x133: {  	[tilespmem:$0x1FF20] =	vst v56  }
0x134: {  	[tilespmem:$0x1FC60] =	vst v57  }
0x135: {  	[tilespmem:$0x1FD50] =	vst v58  }
0x136: {  	[tilespmem:$0x1FE30] =	vst v59  }
0x137: {  	[tilespmem:$0x1FF50] =	vst v60  }
0x138: {  	[tilespmem:$0x1FC80] =	vst v61  }
0x139: {  	[tilespmem:$0x1FD70] =	vst v62  }
0x13a: {  	[tilespmem:$0x1FDF0] =	vst v48  }
0x13b: {  	[tilespmem:$0x1F4C0] =	vst v2  }
0x13c: {  	[tilespmem:$0x1FC20] =	vst v49  }
0x13d: {  	[tilespmem:$0x1FEF0] =	vst v50  }
0x13e: {  	[tilespmem:$0x1F610] =	vst v6  }
0x13f: {  	[tilespmem:$0x1F4D0] =	vst v7  }
0x140: {  	[tilespmem:$0x1F4E0] =	vst v8  }
0x141: {  	[tilespmem:$0x1FC40] =	vst v51  }
0x142: {  	[tilespmem:$0x1F4F0] =	vst v9  }
0x143: {  	[tilespmem:$0x1FA50] =	vst v10  }
0x144: {  	[tilespmem:$0x1FD30] =	vst v52  }
0x145: {  	[tilespmem:$0x1FA70] =	vst v11  }
0x146: {  	[tilespmem:$0x1FA90] =	vst v12  }
0x147: {  	[tilespmem:$0x1F990] =	vst v13  }
0x148: {  	[tilespmem:$0x1FAC0] =	vst v14  }
0x149: {  	[tilespmem:$0x1FAE0] =	vst v15  }
0x14a: {  	[tilespmem:$0x1FB00] =	vst v16  }
0x14b: {  	[tilespmem:$0x1FB20] =	vst v17  }
0x14c: {  	[tilespmem:$0x1FB50] =	vst v18  }
0x14d: {  	[tilespmem:$0x1FB70] =	vst v19  }
0x14e: {  	[tilespmem:$0x1FB90] =	vst v20  }
0x14f: {  	[tilespmem:$0x1FBB0] =	vst v25  }
0x150: {  	[tilespmem:$0x1FBE0] =	vst v26  }
0x151: {  	[tilespmem:$0x1FCD0] =	vst v27  }
0x152: {  	[tilespmem:$0x1FDB0] =	vst v28  }
0x153: {  	[tilespmem:$0x1FE90] =	vst v29  }
0x154: {  	[tilespmem:$0x1FC00] =	vst v30  }
0x155: {  	[tilespmem:$0x1FCF0] =	vst v31  }
0x156: {  	[tilespmem:$0x1FDD0] =	vst v32  }
0x157: {  	v34 =	vlaneseq.u32;
	[tilespmem:$0x1FE10] =	vst v54  }
0x158: {  	[tilespmem:$0x1FEC0] =	vst v33;
	v5 =	vadd.s32 $0xAF, v34  }
0x159: {  	vm9 =	veq.s32 v10, v6;
	[tilespmem:$0x1F5F0] =	vst v5;
	v5 =	vimm.s32 $0x0  }
0x15a: {  	v5 =	vsel vm9, $0xFFFFFFFF, v5  }
0x15b: {  	[tilespmem:$0x1F500] =	vst v5  }
0x15c: {  	v5 =	vld [tilespmem:$0x1F5F0];
	_ =	sdelay $0x1  }
0x15d: {  	s3 =	simm.s32 $0x200  }
0x15e: {  	v62 =	vadd.s32 $0x2AF, v34;
	v54 =	vor.u32 s3, v53  }
0x15f: {  	vm0 =	vgt.s32 v54, v62  }
0x160: {  	vm0 =	vmand vm9, vm0;
	[tilespmem:$0x1F5F0] =	vst v5;
	v5 =	vimm.s32 $0x0  }
0x161: {  	v5 =	vsel vm0, $0xFFFFFFFF, v5  }
0x162: {  	[tilespmem:$0x1F510] =	vst v5  }
0x163: {  	v5 =	vld [tilespmem:$0x1F5F0];
	_ =	sdelay $0x4  }
0x164: {  	vm8 =	veq.s32 v6, v35;
	[tilespmem:$0x1F5F0] =	vst v5;
	v5 =	vimm.s32 $0x0  }
0x165: {  	v5 =	vsel vm8, $0xFFFFFFFF, v5  }
0x166: {  	[tilespmem:$0x1F520] =	vst v5  }
0x167: {  	v5 =	vld [tilespmem:$0x1F5F0];
	_ =	sdelay $0x2  }
0x168: {  	v63 =	vadd.s32 $0x2EF, v34  }
0x169: {  	vm1 =	vgt.s32 v54, v63  }
0x16a: {  	vm0 =	vmand vm8, vm1;
	[tilespmem:$0x1F5F0] =	vst v5;
	v5 =	vimm.s32 $0x0  }
0x16b: {  	v5 =	vsel vm0, $0xFFFFFFFF, v5  }
0x16c: {  	[tilespmem:$0x1F530] =	vst v5  }
0x16d: {  	v5 =	vld [tilespmem:$0x1F5F0];
	_ =	sdelay $0x4  }
0x16e: {  	vm12 =	veq.s32 v26, v6;
	[tilespmem:$0x1F5F0] =	vst v5;
	v5 =	vimm.s32 $0x0  }
0x16f: {  	v5 =	vsel vm12, $0xFFFFFFFF, v5  }
0x170: {  	[tilespmem:$0x1F540] =	vst v5  }
0x171: {  	v5 =	vld [tilespmem:$0x1F5F0];
	_ =	sdelay $0x2  }
0x172: {  	v1 =	vadd.s32 $0x1EF, v34  }
0x173: {  	vm2 =	vgt.s32 v54, v1  }
0x174: {  	vm0 =	vmand vm12, vm2;
	[tilespmem:$0x1F5F0] =	vst v5;
	v5 =	vimm.s32 $0x0  }
0x175: {  	v5 =	vsel vm0, $0xFFFFFFFF, v5  }
0x176: {  	[tilespmem:$0x1F550] =	vst v5  }
0x177: {  	v5 =	vld [tilespmem:$0x1F5F0];
	_ =	sdelay $0x4  }
0x178: {  	vm11 =	veq.s32 v18, v6;
	[tilespmem:$0x1F5F0] =	vst v5;
	v5 =	vimm.s32 $0x0  }
0x179: {  	v5 =	vsel vm11, $0xFFFFFFFF, v5  }
0x17a: {  	[tilespmem:$0x1F560] =	vst v5  }
0x17b: {  	v5 =	vld [tilespmem:$0x1F5F0];
	_ =	sdelay $0x2  }
0x17c: {  	v0 =	vadd.s32 $0x22F, v34  }
0x17d: {  	vm3 =	vgt.s32 v54, v0  }
0x17e: {  	vm0 =	vmand vm11, vm3;
	[tilespmem:$0x1F5F0] =	vst v5;
	v5 =	vimm.s32 $0x0  }
0x17f: {  	v5 =	vsel vm0, $0xFFFFFFFF, v5  }
0x180: {  	[tilespmem:$0x1F570] =	vst v5  }
0x181: {  	v5 =	vld [tilespmem:$0x1F5F0];
	_ =	sdelay $0x4  }
0x182: {  	vm10 =	veq.s32 v14, v6;
	[tilespmem:$0x1F5F0] =	vst v5;
	v5 =	vimm.s32 $0x0  }
0x183: {  	v5 =	vsel vm10, $0xFFFFFFFF, v5  }
0x184: {  	[tilespmem:$0x1F580] =	vst v5  }
0x185: {  	v5 =	vld [tilespmem:$0x1F5F0];
	_ =	sdelay $0x2  }
0x186: {  	v48 =	vadd.s32 $0x26F, v34  }
0x187: {  	vm4 =	vgt.s32 v54, v48  }
0x188: {  	vm0 =	vmand vm10, vm4;
	[tilespmem:$0x1F5F0] =	vst v5;
	v5 =	vimm.s32 $0x0  }
0x189: {  	v5 =	vsel vm0, $0xFFFFFFFF, v5  }
0x18a: {  	[tilespmem:$0x1F590] =	vst v5  }
0x18b: {  	v5 =	vld [tilespmem:$0x1F5F0];
	_ =	sdelay $0x4  }
0x18c: {  	vm15 =	veq.s32 v51, v6;
	[tilespmem:$0x1F5F0] =	vst v5;
	v5 =	vimm.s32 $0x0  }
0x18d: {  	v5 =	vsel vm15, $0xFFFFFFFF, v5  }
0x18e: {  	[tilespmem:$0x1F5A0] =	vst v5  }
0x18f: {  	v5 =	vld [tilespmem:$0x1F5F0];
	_ =	sdelay $0x2  }
0x190: {  	v4 =	vadd.s32 $0x12F, v34  }
0x191: {  	vm5 =	vgt.s32 v54, v4  }
0x192: {  	vm0 =	vmand vm15, vm5;
	[tilespmem:$0x1F5F0] =	vst v5;
	v5 =	vimm.s32 $0x0  }
0x193: {  	v5 =	vsel vm0, $0xFFFFFFFF, v5  }
0x194: {  	[tilespmem:$0x1F5B0] =	vst v5  }
0x195: {  	v5 =	vld [tilespmem:$0x1F5F0];
	_ =	sdelay $0x4  }
0x196: {  	vm14 =	veq.s32 v49, v6;
	[tilespmem:$0x1F5F0] =	vst v5;
	v5 =	vimm.s32 $0x0  }
0x197: {  	v3 =	vadd.s32 $0x16F, v34;
	v5 =	vsel vm14, $0xFFFFFFFF, v5  }
0x198: {  	vm6 =	vgt.s32 v54, v3;
	[tilespmem:$0x1F5C0] =	vst v5  }
0x199: {  	vm0 =	vmand vm14, vm6;
	v5 =	vld [tilespmem:$0x1F5F0];
	[tilespmem:$0x1F5F0] =	vst v0;
	v0 =	vimm.s32 $0x0  }
0x19a: {  	v0 =	vsel vm0, $0xFFFFFFFF, v0  }
0x19b: {  	[tilespmem:$0x1F5D0] =	vst v0  }
0x19c: {  	v0 =	vld [tilespmem:$0x1F5F0];
	_ =	sdelay $0x4  }
0x19d: {  	vm13 =	veq.s32 v30, v6;
	[tilespmem:$0x1F5F0] =	vst v0;
	v0 =	vimm.s32 $0x0  }
0x19e: {  	v0 =	vsel vm13, $0xFFFFFFFF, v0  }
0x19f: {  	[tilespmem:$0x1F5E0] =	vst v0  }
0x1a0: {  	v0 =	vld [tilespmem:$0x1F5F0];
	_ =	sdelay $0x2  }
0x1a1: {  	v2 =	vadd.s32 $0x1AF, v34  }
0x1a2: {  	vm7 =	vgt.s32 v54, v2  }
0x1a3: {  	vm0 =	vmand vm13, vm7;
	[tilespmem:$0x1F5F0] =	vst v0;
	v0 =	vimm.s32 $0x0  }
0x1a4: {  	v0 =	vsel vm0, $0xFFFFFFFF, v0  }
0x1a5: {  	[tilespmem:$0x1F600] =	vst v0  }
0x1a6: {  	v0 =	vld [tilespmem:$0x1F5F0]  }
0x1a7: {  	[tilespmem:$0x1FFA0] =	vst v39;
	v39 =	vld [tilespmem:$0x1FC60]  }
0x1a8: {  	[tilespmem:$0x1FCA0] =	vst v40;
	v40 =	vld [tilespmem:$0x1F610];
	_ =	sdelay $0x4  }
0x1a9: {  	vm3 =	veq.s32 v39, v40;
	v39 =	vld [tilespmem:$0x1FC80]  }
0x1aa: {  	v40 =	vld [tilespmem:$0x1F610];
	_ =	sdelay $0x4  }
0x1ab: {  	vm4 =	veq.s32 v39, v40;
	v39 =	vld [tilespmem:$0x1F610]  }
0x1ac: {  	v40 =	vld [tilespmem:$0x1FCA0];
	_ =	sdelay $0x4  }
0x1ad: {  	v59 =	vadd.s32 $0x2F, v34;
	vm5 =	veq.s32 v40, v39;
	v40 =	vimm.s32 $0x0  }
0x1ae: {  	vm0 =	vgt.s32 v54, v59;
	v40 =	vsel vm5, $0xFFFFFFFF, v40  }
0x1af: {  	vm0 =	vmand vm5, vm0;
	[tilespmem:$0x1F620] =	vst v40;
	v40 =	vimm.s32 $0x0  }
0x1b0: {  	v40 =	vsel vm0, $0xFFFFFFFF, v40  }
0x1b1: {  	[tilespmem:$0x1F630] =	vst v40;
	v40 =	vimm.s32 $0x0  }
0x1b2: {  	vm1 =	vgt.s32 v54, v5;
	v40 =	vsel vm4, $0xFFFFFFFF, v40  }
0x1b3: {  	vm0 =	vmand vm4, vm1;
	[tilespmem:$0x1F640] =	vst v40;
	v40 =	vimm.s32 $0x0  }
0x1b4: {  	v40 =	vsel vm0, $0xFFFFFFFF, v40  }
0x1b5: {  	v49 =	vadd.s32 $0xEF, v34;
	[tilespmem:$0x1F650] =	vst v40;
	v40 =	vimm.s32 $0x0  }
0x1b6: {  	vm2 =	vgt.s32 v54, v49;
	v40 =	vsel vm3, $0xFFFFFFFF, v40  }
0x1b7: {  	vm0 =	vmand vm3, vm2;
	[tilespmem:$0x1F660] =	vst v40;
	v40 =	vimm.s32 $0x0  }
0x1b8: {  	v40 =	vsel vm0, $0xFFFFFFFF, v40;
	_ =	sdelay $0x2  }
0x1b9: {  	vm3 =	veq.s32 v36, v39;
	[tilespmem:$0x1F670] =	vst v40;
	v40 =	vmov v39;
	v39 =	vld [tilespmem:$0x1FA70];
	_ =	sdelay $0x3  }
0x1ba: {  	v50 =	vadd.s32 $0x6F, v34  }
0x1bb: {  	vm5 =	veq.s32 v44, v40;
	vm4 =	veq.s32 v39, v40;
	v39 =	vimm.s32 $0x0  }
0x1bc: {  	vm0 =	vgt.s32 v54, v50;
	v39 =	vsel vm5, $0xFFFFFFFF, v39  }
0x1bd: {  	vm0 =	vmand vm5, vm0;
	[tilespmem:$0x1F680] =	vst v39;
	v39 =	vimm.s32 $0x0  }
0x1be: {  	v39 =	vsel vm0, $0xFFFFFFFF, v39  }
0x1bf: {  	v7 =	vadd.s32 $0x29F, v34;
	[tilespmem:$0x1F690] =	vst v39;
	v39 =	vimm.s32 $0x0  }
0x1c0: {  	vm1 =	vgt.s32 v54, v7;
	v39 =	vsel vm4, $0xFFFFFFFF, v39  }
0x1c1: {  	vm0 =	vmand vm4, vm1;
	[tilespmem:$0x1F6A0] =	vst v39;
	v39 =	vimm.s32 $0x0  }
0x1c2: {  	v39 =	vsel vm0, $0xFFFFFFFF, v39  }
0x1c3: {  	v6 =	vadd.s32 $0x2DF, v34;
	[tilespmem:$0x1F6B0] =	vst v39;
	v39 =	vimm.s32 $0x0  }
0x1c4: {  	vm2 =	vgt.s32 v54, v6;
	v39 =	vsel vm3, $0xFFFFFFFF, v39  }
0x1c5: {  	vm0 =	vmand vm3, vm2;
	[tilespmem:$0x1F6C0] =	vst v39;
	v39 =	vimm.s32 $0x0  }
0x1c6: {  	v39 =	vsel vm0, $0xFFFFFFFF, v39  }
0x1c7: {  	[tilespmem:$0x1F6D0] =	vst v39;
	v39 =	vld [tilespmem:$0x1FAE0];
	_ =	sdelay $0x4  }
0x1c8: {  	vm3 =	veq.s32 v39, v40;
	v39 =	vld [tilespmem:$0x1FB70];
	_ =	sdelay $0x4  }
0x1c9: {  	vm4 =	veq.s32 v39, v40;
	v39 =	vld [tilespmem:$0x1FCD0];
	_ =	sdelay $0x4  }
0x1ca: {  	v9 =	vadd.s32 $0x1DF, v34;
	[tilespmem:$0x1FF80] =	vst v43;
	v43 =	vld [tilespmem:$0x1FD10];
	vm5 =	veq.s32 v39, v40;
	v39 =	vimm.s32 $0x0  }
0x1cb: {  	vm0 =	vgt.s32 v54, v9;
	v39 =	vsel vm5, $0xFFFFFFFF, v39  }
0x1cc: {  	vm0 =	vmand vm5, vm0;
	[tilespmem:$0x1F6E0] =	vst v39;
	v39 =	vimm.s32 $0x0  }
0x1cd: {  	v51 =	vadd.s32 $0x21F, v34;
	v39 =	vsel vm0, $0xFFFFFFFF, v39  }
0x1ce: {  	vm1 =	vgt.s32 v54, v51;
	[tilespmem:$0x1F6F0] =	vst v39;
	v39 =	vimm.s32 $0x0  }
0x1cf: {  	vm0 =	vmand vm4, vm1;
	v39 =	vsel vm4, $0xFFFFFFFF, v39;
	vm4 =	veq.s32 v43, v40;
	v43 =	vld [tilespmem:$0x1FD30]  }
0x1d0: {  	[tilespmem:$0x1F700] =	vst v39;
	v39 =	vimm.s32 $0x0  }
0x1d1: {  	v8 =	vadd.s32 $0x25F, v34;
	v39 =	vsel vm0, $0xFFFFFFFF, v39  }
0x1d2: {  	vm2 =	vgt.s32 v54, v8;
	[tilespmem:$0x1F710] =	vst v39;
	v39 =	vimm.s32 $0x0  }
0x1d3: {  	v11 =	vadd.s32 $0x11F, v34;
	vm0 =	vmand vm3, vm2;
	v39 =	vsel vm3, $0xFFFFFFFF, v39  }
0x1d4: {  	[tilespmem:$0x1F720] =	vst v39;
	v39 =	vimm.s32 $0x0;
	vm5 =	veq.s32 v43, v40;
	v43 =	vimm.s32 $0x0  }
0x1d5: {  	v39 =	vsel vm0, $0xFFFFFFFF, v39;
	vm0 =	vgt.s32 v54, v11;
	v43 =	vsel vm5, $0xFFFFFFFF, v43  }
0x1d6: {  	[tilespmem:$0x1F740] =	vst v43;
	vm0 =	vmand vm5, vm0;
	v43 =	vimm.s32 $0x0  }
0x1d7: {  	[tilespmem:$0x1F730] =	vst v39;
	v39 =	vld [tilespmem:$0x1FCF0];
	v43 =	vsel vm0, $0xFFFFFFFF, v43  }
0x1d8: {  	v52 =	vadd.s32 $0x15F, v34;
	[tilespmem:$0x1F750] =	vst v43;
	v43 =	vimm.s32 $0x0  }
0x1d9: {  	vm1 =	vgt.s32 v54, v52;
	v43 =	vsel vm4, $0xFFFFFFFF, v43  }
0x1da: {  	vm0 =	vmand vm4, vm1;
	[tilespmem:$0x1F760] =	vst v43;
	v43 =	vimm.s32 $0x0  }
0x1db: {  	v43 =	vsel vm0, $0xFFFFFFFF, v43  }
0x1dc: {  	v10 =	vadd.s32 $0x19F, v34;
	vm3 =	veq.s32 v39, v40;
	[tilespmem:$0x1F770] =	vst v43;
	v43 =	vimm.s32 $0x0  }
0x1dd: {  	vm2 =	vgt.s32 v54, v10;
	v43 =	vsel vm3, $0xFFFFFFFF, v43  }
0x1de: {  	vm0 =	vmand vm3, vm2;
	[tilespmem:$0x1F780] =	vst v43;
	v43 =	vimm.s32 $0x0  }
0x1df: {  	v43 =	vsel vm0, $0xFFFFFFFF, v43  }
0x1e0: {  	[tilespmem:$0x1F790] =	vst v43;
	v43 =	vld [tilespmem:$0x1FD70];
	_ =	sdelay $0x2  }
0x1e1: {  	v58 =	vadd.s32 $0x1F, v34;
	v13 =	vadd.s32 $0x9F, v34  }
0x1e2: {  	v12 =	vadd.s32 $0xDF, v34;
	[tilespmem:$0x1F7A0] =	vst v41;
	v41 =	vld [tilespmem:$0x1FD50];
	vm5 =	veq.s32 v45, v40;
	vm1 =	vgt.s32 v54, v13  }
0x1e3: {  	vm0 =	vgt.s32 v54, v58;
	vm4 =	veq.s32 v43, v40;
	v43 =	vimm.s32 $0x0  }
0x1e4: {  	[tilespmem:$0x1FE50] =	vst v38;
	vm0 =	vmand vm5, vm0;
	v38 =	vsel vm5, $0xFFFFFFFF, v43;
	v43 =	vimm.s32 $0x0  }
0x1e5: {  	vm2 =	vgt.s32 v54, v12;
	[tilespmem:$0x1F7B0] =	vst v38;
	v38 =	vsel vm0, $0xFFFFFFFF, v43;
	v43 =	vimm.s32 $0x0  }
0x1e6: {  	vm0 =	vmand vm4, vm1;
	[tilespmem:$0x1F7C0] =	vst v38;
	v38 =	vsel vm4, $0xFFFFFFFF, v43;
	v43 =	vimm.s32 $0x0  }
0x1e7: {  	vm3 =	veq.s32 v41, v40;
	[tilespmem:$0x1F7D0] =	vst v38;
	v38 =	vsel vm0, $0xFFFFFFFF, v43;
	v43 =	vimm.s32 $0x0  }
0x1e8: {  	v41 =	vld [tilespmem:$0x1F7A0];
	vm0 =	vmand vm3, vm2;
	[tilespmem:$0x1F7E0] =	vst v38;
	v38 =	vsel vm3, $0xFFFFFFFF, v43;
	v43 =	vimm.s32 $0x0  }
0x1e9: {  	[tilespmem:$0x1F7F0] =	vst v38;
	v38 =	vsel vm0, $0xFFFFFFFF, v43;
	v43 =	vld [tilespmem:$0x1FA90];
	_ =	sdelay $0x2  }
0x1ea: {  	v14 =	vadd.s32 $0x5F, v34;
	v17 =	vadd.s32 $0x28F, v34  }
0x1eb: {  	v15 =	vadd.s32 $0x2CF, v34;
	vm5 =	veq.s32 v41, v40;
	vm1 =	vgt.s32 v54, v17  }
0x1ec: {  	vm0 =	vgt.s32 v54, v14;
	vm4 =	veq.s32 v43, v40;
	v43 =	vimm.s32 $0x0  }
0x1ed: {  	[tilespmem:$0x1F800] =	vst v38;
	vm0 =	vmand vm5, vm0;
	v38 =	vsel vm5, $0xFFFFFFFF, v43;
	v43 =	vimm.s32 $0x0  }
0x1ee: {  	vm2 =	vgt.s32 v54, v15;
	[tilespmem:$0x1F810] =	vst v38;
	v38 =	vsel vm0, $0xFFFFFFFF, v43;
	v43 =	vimm.s32 $0x0  }
0x1ef: {  	vm0 =	vmand vm4, vm1;
	[tilespmem:$0x1F820] =	vst v38;
	v38 =	vsel vm4, $0xFFFFFFFF, v43;
	v43 =	vimm.s32 $0x0  }
0x1f0: {  	vm3 =	veq.s32 v37, v40;
	[tilespmem:$0x1F830] =	vst v38;
	v38 =	vsel vm0, $0xFFFFFFFF, v43;
	v43 =	vimm.s32 $0x0  }
0x1f1: {  	vm0 =	vmand vm3, vm2;
	[tilespmem:$0x1F840] =	vst v38;
	v38 =	vsel vm3, $0xFFFFFFFF, v43;
	v43 =	vimm.s32 $0x0  }
0x1f2: {  	[tilespmem:$0x1F850] =	vst v38;
	v38 =	vsel vm0, $0xFFFFFFFF, v43;
	v43 =	vld [tilespmem:$0x1FB00];
	_ =	sdelay $0x4  }
0x1f3: {  	vm3 =	veq.s32 v43, v40;
	v43 =	vld [tilespmem:$0x1FB90];
	_ =	sdelay $0x4  }
0x1f4: {  	vm4 =	veq.s32 v43, v40;
	v43 =	vld [tilespmem:$0x1FDB0];
	_ =	sdelay $0x3  }
0x1f5: {  	v16 =	vadd.s32 $0x24F, v34;
	v18 =	vadd.s32 $0x20F, v34;
	v19 =	vadd.s32 $0x1CF, v34  }
0x1f6: {  	[tilespmem:$0x1F8D0] =	vst v44;
	vm0 =	vgt.s32 v54, v19;
	vm5 =	veq.s32 v43, v40;
	v43 =	vimm.s32 $0x0  }
0x1f7: {  	[tilespmem:$0x1F860] =	vst v38;
	v38 =	vsel vm5, $0xFFFFFFFF, v43;
	vm0 =	vmand vm5, vm0;
	v43 =	vimm.s32 $0x0  }
0x1f8: {  	vm1 =	vgt.s32 v54, v18;
	[tilespmem:$0x1F870] =	vst v38;
	v38 =	vsel vm0, $0xFFFFFFFF, v43;
	v43 =	vimm.s32 $0x0  }
0x1f9: {  	vm0 =	vmand vm4, vm1;
	[tilespmem:$0x1F880] =	vst v38;
	v38 =	vsel vm4, $0xFFFFFFFF, v43;
	v43 =	vimm.s32 $0x0  }
0x1fa: {  	vm2 =	vgt.s32 v54, v16;
	[tilespmem:$0x1F890] =	vst v38;
	v38 =	vsel vm0, $0xFFFFFFFF, v43;
	v43 =	vimm.s32 $0x0  }
0x1fb: {  	v44 =	vld [tilespmem:$0x1FE10];
	vm0 =	vmand vm3, vm2;
	[tilespmem:$0x1F8A0] =	vst v38;
	v38 =	vsel vm3, $0xFFFFFFFF, v43;
	v43 =	vimm.s32 $0x0  }
0x1fc: {  	[tilespmem:$0x1F8B0] =	vst v38;
	v38 =	vsel vm0, $0xFFFFFFFF, v43;
	v43 =	vld [tilespmem:$0x1FDD0]  }
0x1fd: {  	[tilespmem:$0x1F8C0] =	vst v38;
	v38 =	vld [tilespmem:$0x1FDF0];
	_ =	sdelay $0x1  }
0x1fe: {  	v21 =	vadd.s32 $0x14F, v34;
	v39 =	vmov v40  }
0x1ff: {  	v22 =	vadd.s32 $0x10F, v34;
	vm5 =	veq.s32 v44, v39;
	v44 =	vimm.s32 $0x0  }
0x200: {  	vm0 =	vgt.s32 v54, v22;
	vm3 =	veq.s32 v43, v40;
	v43 =	vimm.s32 $0x0  }
0x201: {  	vm0 =	vmand vm5, vm0;
	vm4 =	veq.s32 v38, v39;
	v38 =	vsel vm5, $0xFFFFFFFF, v43  }
0x202: {  	vm1 =	vgt.s32 v54, v21;
	v43 =	vimm.s32 $0x0;
	[tilespmem:$0x1F8E0] =	vst v38;
	v38 =	vsel vm0, $0xFFFFFFFF, v44  }
0x203: {  	vm0 =	vmand vm4, vm1;
	v44 =	vimm.s32 $0x0;
	[tilespmem:$0x1F8F0] =	vst v38;
	v38 =	vsel vm4, $0xFFFFFFFF, v43  }
0x204: {  	v43 =	vimm.s32 $0x0;
	[tilespmem:$0x1F900] =	vst v38;
	v38 =	vsel vm0, $0xFFFFFFFF, v44  }
0x205: {  	[tilespmem:$0x1F910] =	vst v38;
	v38 =	vsel vm3, $0xFFFFFFFF, v43;
	v43 =	vld [tilespmem:$0x1FE30];
	_ =	sdelay $0x2  }
0x206: {  	v20 =	vadd.s32 $0x18F, v34  }
0x207: {  	[tilespmem:$0x1F940] =	vst v42;
	vm2 =	vgt.s32 v54, v20  }
0x208: {  	vm0 =	vmand vm3, vm2;
	vm3 =	veq.s32 v43, v39;
	v43 =	vld [tilespmem:$0x1F940];
	_ =	sdelay $0x1  }
0x209: {  	v57 =	vadd.s32 $0xF, v34;
	v23 =	vadd.s32 $0xCF, v34  }
0x20a: {  	v42 =	vimm.s32 $0x0;
	vm5 =	veq.s32 v46, v39;
	v44 =	vimm.s32 $0x0  }
0x20b: {  	vm2 =	vgt.s32 v54, v23;
	[tilespmem:$0x1F920] =	vst v38;
	v38 =	vsel vm0, $0xFFFFFFFF, v44;
	v44 =	vimm.s32 $0x0  }
0x20c: {  	vm0 =	vgt.s32 v54, v57;
	[tilespmem:$0x1F930] =	vst v38;
	v38 =	vsel vm5, $0xFFFFFFFF, v44;
	vm4 =	veq.s32 v43, v39  }
0x20d: {  	vm7 =	vmand vm5, vm0;
	v44 =	vimm.s32 $0x0;
	[tilespmem:$0x1F950] =	vst v38;
	v38 =	vsel vm4, $0xFFFFFFFF, v42  }
0x20e: {  	vm0 =	vmand vm3, vm2;
	v42 =	vimm.s32 $0x0;
	[tilespmem:$0x1F960] =	vst v38;
	v38 =	vsel vm3, $0xFFFFFFFF, v44  }
0x20f: {  	[tilespmem:$0x1F970] =	vst v38;
	v38 =	vsel vm0, $0xFFFFFFFF, v42;
	v42 =	vld [tilespmem:$0x1FE50]  }
0x210: {  	[tilespmem:$0x1F980] =	vst v38;
	v38 =	vld [tilespmem:$0x1F990]  }
0x211: {  	v24 =	vadd.s32 $0x8F, v34  }
0x212: {  	vm1 =	vgt.s32 v54, v24  }
0x213: {  	v61 =	vadd.s32 $0x4F, v34;
	vm12 =	vmand vm4, vm1  }
0x214: {  	[tilespmem:$0x1F9D0] =	vst v35;
	v44 =	vimm.s32 $0x0;
	vm5 =	veq.s32 v42, v39;
	v42 =	vimm.s32 $0x0  }
0x215: {  	[tilespmem:$0x1F9F0] =	vst v36;
	vm0 =	vgt.s32 v54, v61;
	vm4 =	veq.s32 v38, v39;
	v42 =	vsel vm5, $0xFFFFFFFF, v42  }
0x216: {  	vm5 =	vmand vm5, vm0;
	vm0 =	vlt.s32 v39, v35;
	[tilespmem:$0x1F9A0] =	vst v42;
	v42 =	vimm.s32 $0x0  }
0x217: {  	[tilespmem:$0x1FA10] =	vst v37;
	v35 =	vsel vm0, $0xFFFFFFFF, v44;
	vm0 =	vgt.s32 v36, v39;
	v36 =	vimm.s32 $0x0  }
0x218: {  	vm3 =	veq.s32 v55, v39;
	v42 =	vsel vm4, $0xFFFFFFFF, v42;
	[tilespmem:$0x1F9E0] =	vst v35;
	v35 =	vsel vm0, $0xFFFFFFFF, v36  }
0x219: {  	vm0 =	vgt.s32 v37, v39;
	v37 =	vimm.s32 $0x0;
	[tilespmem:$0x1F9B0] =	vst v42;
	v42 =	vimm.s32 $0x0  }
0x21a: {  	[tilespmem:$0x1FA00] =	vst v35;
	v35 =	vsel vm0, $0xFFFFFFFF, v37;
	v37 =	vld [tilespmem:$0x1FA50];
	v42 =	vsel vm3, $0xFFFFFFFF, v42;
	_ =	sdelay $0x2  }
0x21b: {  	[tilespmem:$0x1F9C0] =	vst v42;
	v42 =	vmov v55  }
0x21c: {  	v44 =	vimm.s32 $0x0;
	[tilespmem:$0x1FA20] =	vst v35;
	vm0 =	vgt.s32 v42, v39  }
0x21d: {  	[tilespmem:$0x1FA30] =	vst v42;
	v42 =	vimm.s32 $0x0;
	v35 =	vsel vm0, $0xFFFFFFFF, v44;
	vm0 =	vgt.s32 v37, v39;
	v44 =	vld [tilespmem:$0x1FA70]  }
0x21e: {  	[tilespmem:$0x1FA40] =	vst v35;
	v35 =	vsel vm0, $0xFFFFFFFF, v42;
	v42 =	vld [tilespmem:$0x1FA90];
	_ =	sdelay $0x3  }
0x21f: {  	v37 =	vimm.s32 $0x0;
	vm0 =	vgt.s32 v44, v39  }
0x220: {  	[tilespmem:$0x1FA60] =	vst v35;
	v44 =	vimm.s32 $0x0;
	v35 =	vsel vm0, $0xFFFFFFFF, v37;
	vm0 =	vgt.s32 v42, v39  }
0x221: {  	[tilespmem:$0x1FA80] =	vst v35;
	v35 =	vsel vm0, $0xFFFFFFFF, v44;
	vm0 =	vgt.s32 v38, v39;
	v38 =	vld [tilespmem:$0x1FAC0]  }
0x222: {  	v44 =	vld [tilespmem:$0x1FAE0];
	_ =	sdelay $0x2  }
0x223: {  	v37 =	vimm.s32 $0x0  }
0x224: {  	v42 =	vimm.s32 $0x0;
	[tilespmem:$0x1FAA0] =	vst v35;
	v35 =	vsel vm0, $0xFFFFFFFF, v37;
	vm0 =	vgt.s32 v38, v39;
	v38 =	vld [tilespmem:$0x1FB00]  }
0x225: {  	[tilespmem:$0x1FAB0] =	vst v35;
	v35 =	vsel vm0, $0xFFFFFFFF, v42;
	vm0 =	vgt.s32 v44, v39;
	v44 =	vld [tilespmem:$0x1FB20];
	_ =	sdelay $0x2  }
0x226: {  	v37 =	vimm.s32 $0x0  }
0x227: {  	v42 =	vimm.s32 $0x0;
	[tilespmem:$0x1FAD0] =	vst v35;
	v35 =	vsel vm0, $0xFFFFFFFF, v37;
	vm0 =	vgt.s32 v38, v39  }
0x228: {  	[tilespmem:$0x1FAF0] =	vst v35;
	v35 =	vsel vm0, $0xFFFFFFFF, v42;
	vm0 =	veq.s32 v44, v39;
	v42 =	vimm.s32 $0x0  }
0x229: {  	v37 =	vsel vm0, $0xFFFFFFFF, v42  }
0x22a: {  	[tilespmem:$0x1FB30] =	vst v37;
	v37 =	vld [tilespmem:$0x1FB50]  }
0x22b: {  	v42 =	vld [tilespmem:$0x1FB70];
	_ =	sdelay $0x2  }
0x22c: {  	vm0 =	vgt.s32 v44, v39;
	v44 =	vimm.s32 $0x0  }
0x22d: {  	v38 =	vimm.s32 $0x0;
	[tilespmem:$0x1FB10] =	vst v35;
	v35 =	vsel vm0, $0xFFFFFFFF, v44;
	vm0 =	vgt.s32 v37, v39;
	v37 =	vld [tilespmem:$0x1FB90]  }
0x22e: {  	[tilespmem:$0x1FB40] =	vst v35;
	v35 =	vsel vm0, $0xFFFFFFFF, v38;
	vm0 =	vgt.s32 v42, v39;
	v42 =	vld [tilespmem:$0x1FBB0];
	_ =	sdelay $0x2  }
0x22f: {  	v44 =	vimm.s32 $0x0  }
0x230: {  	v38 =	vimm.s32 $0x0;
	[tilespmem:$0x1FB60] =	vst v35;
	v35 =	vsel vm0, $0xFFFFFFFF, v44;
	vm0 =	vgt.s32 v37, v39  }
0x231: {  	v44 =	vimm.s32 $0x0;
	[tilespmem:$0x1FB80] =	vst v35;
	v35 =	vsel vm0, $0xFFFFFFFF, v38;
	vm0 =	veq.s32 v42, v39  }
0x232: {  	v37 =	vsel vm0, $0xFFFFFFFF, v44;
	v44 =	vld [tilespmem:$0x1FBE0];
	_ =	sdelay $0x3  }
0x233: {  	v38 =	vld [tilespmem:$0x1FC00];
	vm0 =	vgt.s32 v42, v39;
	v42 =	vimm.s32 $0x0  }
0x234: {  	[tilespmem:$0x1FBA0] =	vst v35;
	v35 =	vsel vm0, $0xFFFFFFFF, v42;
	vm0 =	vgt.s32 v44, v39;
	v44 =	vld [tilespmem:$0x1FC20];
	_ =	sdelay $0x2  }
0x235: {  	[tilespmem:$0x1FBC0] =	vst v37;
	v37 =	vimm.s32 $0x0  }
0x236: {  	v42 =	vimm.s32 $0x0;
	[tilespmem:$0x1FBD0] =	vst v35;
	v35 =	vsel vm0, $0xFFFFFFFF, v37;
	vm0 =	vgt.s32 v38, v39;
	v38 =	vld [tilespmem:$0x1FC40]  }
0x237: {  	[tilespmem:$0x1FBF0] =	vst v35;
	v35 =	vsel vm0, $0xFFFFFFFF, v42;
	vm0 =	vgt.s32 v44, v39;
	v44 =	vld [tilespmem:$0x1FC60];
	_ =	sdelay $0x2  }
0x238: {  	v37 =	vimm.s32 $0x0  }
0x239: {  	v42 =	vimm.s32 $0x0;
	[tilespmem:$0x1FC10] =	vst v35;
	v35 =	vsel vm0, $0xFFFFFFFF, v37;
	vm0 =	vgt.s32 v38, v39;
	v38 =	vld [tilespmem:$0x1FC80]  }
0x23a: {  	[tilespmem:$0x1FC30] =	vst v35;
	v35 =	vsel vm0, $0xFFFFFFFF, v42;
	vm0 =	vgt.s32 v44, v39;
	v44 =	vld [tilespmem:$0x1FCA0]  }
0x23b: {  	v40 =	vld [tilespmem:$0x1F8D0];
	_ =	sdelay $0x1  }
0x23c: {  	v37 =	vimm.s32 $0x0  }
0x23d: {  	v42 =	vimm.s32 $0x0;
	[tilespmem:$0x1FC50] =	vst v35;
	v35 =	vsel vm0, $0xFFFFFFFF, v37;
	vm0 =	vgt.s32 v38, v39  }
0x23e: {  	v37 =	vimm.s32 $0x0;
	[tilespmem:$0x1FC70] =	vst v35;
	v35 =	vsel vm0, $0xFFFFFFFF, v42;
	vm0 =	vgt.s32 v44, v39  }
0x23f: {  	[tilespmem:$0x1FC90] =	vst v35;
	v44 =	vmov v40;
	v35 =	vsel vm0, $0xFFFFFFFF, v37;
	vm0 =	vgt.s32 v40, v39;
	v40 =	vld [tilespmem:$0x1FCD0]  }
0x240: {  	v37 =	vld [tilespmem:$0x1FCF0];
	_ =	sdelay $0x2  }
0x241: {  	v38 =	vimm.s32 $0x0  }
0x242: {  	v42 =	vimm.s32 $0x0;
	[tilespmem:$0x1FCB0] =	vst v35;
	v35 =	vsel vm0, $0xFFFFFFFF, v38;
	vm0 =	vgt.s32 v40, v39;
	v40 =	vld [tilespmem:$0x1FD10]  }
0x243: {  	[tilespmem:$0x1FCC0] =	vst v35;
	v35 =	vsel vm0, $0xFFFFFFFF, v42;
	vm0 =	vgt.s32 v37, v39;
	v37 =	vld [tilespmem:$0x1FD30];
	_ =	sdelay $0x2  }
0x244: {  	v38 =	vimm.s32 $0x0  }
0x245: {  	v42 =	vimm.s32 $0x0;
	[tilespmem:$0x1FCE0] =	vst v35;
	v35 =	vsel vm0, $0xFFFFFFFF, v38;
	vm0 =	vgt.s32 v40, v39;
	v40 =	vld [tilespmem:$0x1FD50]  }
0x246: {  	[tilespmem:$0x1FD00] =	vst v35;
	v35 =	vsel vm0, $0xFFFFFFFF, v42;
	vm0 =	vgt.s32 v37, v39;
	v37 =	vld [tilespmem:$0x1FD70];
	_ =	sdelay $0x2  }
0x247: {  	v38 =	vimm.s32 $0x0  }
0x248: {  	v42 =	vimm.s32 $0x0;
	[tilespmem:$0x1FD20] =	vst v35;
	v35 =	vsel vm0, $0xFFFFFFFF, v38;
	vm0 =	vgt.s32 v40, v39  }
0x249: {  	[tilespmem:$0x1FD40] =	vst v35;
	v35 =	vsel vm0, $0xFFFFFFFF, v42;
	vm0 =	vgt.s32 v37, v39;
	v37 =	vld [tilespmem:$0x1FDB0];
	_ =	sdelay $0x1  }
0x24a: {  	v38 =	vimm.s32 $0x0  }
0x24b: {  	v40 =	vimm.s32 $0x0;
	[tilespmem:$0x1FD60] =	vst v35;
	v35 =	vsel vm0, $0xFFFFFFFF, v38;
	vm0 =	vgt.s32 v45, v39  }
0x24c: {  	v42 =	vimm.s32 $0x0;
	[tilespmem:$0x1FD80] =	vst v35;
	v35 =	vsel vm0, $0xFFFFFFFF, v40;
	vm0 =	vgt.s32 v41, v39;
	v40 =	vld [tilespmem:$0x1FDD0]  }
0x24d: {  	[tilespmem:$0x1FD90] =	vst v35;
	v35 =	vsel vm0, $0xFFFFFFFF, v42;
	vm0 =	vgt.s32 v37, v39;
	v37 =	vld [tilespmem:$0x1FDF0];
	_ =	sdelay $0x2  }
0x24e: {  	v38 =	vimm.s32 $0x0  }
0x24f: {  	v42 =	vimm.s32 $0x0;
	[tilespmem:$0x1FDA0] =	vst v35;
	v35 =	vsel vm0, $0xFFFFFFFF, v38;
	vm0 =	vgt.s32 v40, v39;
	v40 =	vld [tilespmem:$0x1FE10]  }
0x250: {  	[tilespmem:$0x1FDC0] =	vst v35;
	v35 =	vsel vm0, $0xFFFFFFFF, v42;
	vm0 =	vgt.s32 v37, v39;
	v37 =	vld [tilespmem:$0x1FE30];
	_ =	sdelay $0x2  }
0x251: {  	v38 =	vimm.s32 $0x0  }
0x252: {  	v42 =	vimm.s32 $0x0;
	[tilespmem:$0x1FDE0] =	vst v35;
	v35 =	vsel vm0, $0xFFFFFFFF, v38;
	vm0 =	vgt.s32 v40, v39  }
0x253: {  	v38 =	vimm.s32 $0x0;
	[tilespmem:$0x1FE00] =	vst v35;
	v35 =	vsel vm0, $0xFFFFFFFF, v42;
	vm0 =	vgt.s32 v37, v39  }
0x254: {  	v40 =	vimm.s32 $0x0;
	[tilespmem:$0x1FE20] =	vst v35;
	v35 =	vsel vm0, $0xFFFFFFFF, v38;
	vm0 =	vgt.s32 v43, v39;
	v38 =	vld [tilespmem:$0x1FE50]  }
0x255: {  	[tilespmem:$0x1FE40] =	vst v35;
	v35 =	vsel vm0, $0xFFFFFFFF, v40;
	v40 =	vld [tilespmem:$0x1FE90];
	_ =	sdelay $0x2  }
0x256: {  	v42 =	vmov v43;
	v43 =	vimm.s32 $0x0;
	vm0 =	vgt.s32 v46, v39  }
0x257: {  	v37 =	vimm.s32 $0x0;
	[tilespmem:$0x1FE60] =	vst v35;
	v35 =	vsel vm0, $0xFFFFFFFF, v43;
	vm0 =	vgt.s32 v38, v39  }
0x258: {  	v43 =	vimm.s32 $0x0;
	[tilespmem:$0x1FE70] =	vst v35;
	v35 =	vsel vm0, $0xFFFFFFFF, v37;
	vm0 =	veq.s32 v40, v39  }
0x259: {  	v37 =	vsel vm0, $0xFFFFFFFF, v43;
	vm0 =	vgt.s32 v40, v39;
	v40 =	vld [tilespmem:$0x1FEC0];
	_ =	sdelay $0x3  }
0x25a: {  	[tilespmem:$0x1FEA0] =	vst v37;
	v37 =	vimm.s32 $0x0  }
0x25b: {  	[tilespmem:$0x1FE80] =	vst v35;
	v43 =	vimm.s32 $0x0;
	v35 =	vsel vm0, $0xFFFFFFFF, v37;
	vm0 =	veq.s32 v40, v39  }
0x25c: {  	v37 =	vsel vm0, $0xFFFFFFFF, v43;
	vm0 =	vgt.s32 v40, v39;
	v40 =	vld [tilespmem:$0x1FEF0];
	_ =	sdelay $0x3  }
0x25d: {  	[tilespmem:$0x1FED0] =	vst v37;
	v37 =	vimm.s32 $0x0  }
0x25e: {  	[tilespmem:$0x1FEB0] =	vst v35;
	v43 =	vimm.s32 $0x0;
	v35 =	vsel vm0, $0xFFFFFFFF, v37;
	vm0 =	veq.s32 v40, v39  }
0x25f: {  	v37 =	vsel vm0, $0xFFFFFFFF, v43;
	vm0 =	vgt.s32 v40, v39;
	v40 =	vld [tilespmem:$0x1FF20];
	_ =	sdelay $0x3  }
0x260: {  	[tilespmem:$0x1FF00] =	vst v37;
	v37 =	vimm.s32 $0x0  }
0x261: {  	[tilespmem:$0x1FEE0] =	vst v35;
	v43 =	vimm.s32 $0x0;
	v35 =	vsel vm0, $0xFFFFFFFF, v37;
	vm0 =	veq.s32 v40, v39  }
0x262: {  	v37 =	vsel vm0, $0xFFFFFFFF, v43;
	vm0 =	vgt.s32 v40, v39;
	v40 =	vld [tilespmem:$0x1FF50];
	_ =	sdelay $0x3  }
0x263: {  	[tilespmem:$0x1FF30] =	vst v37;
	v37 =	vimm.s32 $0x0  }
0x264: {  	[tilespmem:$0x1FF10] =	vst v35;
	v43 =	vimm.s32 $0x0;
	v35 =	vsel vm0, $0xFFFFFFFF, v37;
	vm0 =	veq.s32 v40, v39  }
0x265: {  	v37 =	vsel vm0, $0xFFFFFFFF, v43;
	vm0 =	vgt.s32 v40, v39;
	v40 =	vimm.s32 $0x0  }
0x266: {  	[tilespmem:$0x1FF40] =	vst v35;
	v35 =	vsel vm0, $0xFFFFFFFF, v40  }
0x267: {  	[tilespmem:$0x1FF70] =	vst v35;
	v35 =	vld [tilespmem:$0x1FF80];
	_ =	sdelay $0x1  }
0x268: {  	v56 =	vadd.s32 $0xFFFFFFFF, v34;
	v60 =	vadd.s32 $0x3F, v34;
	v25 =	vadd.s32 $0x27F, v34  }
0x269: {  	v26 =	vadd.s32 $0x2BF, v34;
	v27 =	vadd.s32 $0x23F, v34;
	v28 =	vadd.s32 $0x1FF, v34  }
0x26a: {  	v29 =	vadd.s32 $0x1BF, v34;
	v30 =	vadd.s32 $0x17F, v34;
	v31 =	vadd.s32 $0x13F, v34  }
0x26b: {  	v32 =	vadd.s32 $0xFF, v34;
	v43 =	vimm.s32 $0x0;
	vm0 =	veq.s32 v35, v39  }
0x26c: {  	v33 =	vadd.s32 $0xBF, v34;
	v36 =	vmovc v39;
	[tilespmem:$0x1FF60] =	vst v37;
	v37 =	vsel vm0, $0xFFFFFFFF, v43;
	vm0 =	vgt.s32 v35, v39;
	v39 =	vld [tilespmem:$0x1FFA0]  }
0x26d: {  	v34 =	vadd.s32 $0x7F, v34;
	vm9 =	vgt.s32 v54, v29;
	vm8 =	vgt.s32 v54, v30  }
0x26e: {  	vm15 =	vgt.s32 v54, v60;
	vm6 =	vgt.s32 v54, v34;
	vm14 =	vgt.s32 v54, v28  }
0x26f: {  	vm13 =	vgt.s32 v54, v56;
	vm2 =	vgt.s32 v54, v26;
	vm1 =	vgt.s32 v54, v25  }
0x270: {  	vm10 =	vmand vm3, vm2;
	vm2 =	vgt.s32 v54, v31;
	v40 =	vimm.s32 $0x0  }
0x271: {  	v43 =	vmovc v35;
	[tilespmem:$0x1FF90] =	vst v37;
	v35 =	vsel vm0, $0xFFFFFFFF, v40;
	v37 =	vimm.s32 $0x0;
	vm0 =	vgt.s32 v39, v36  }
0x272: {  	v40 =	vimm.s32 $0x0;
	[tilespmem:$0x1FFB0] =	vst v35;
	v35 =	vsel vm0, $0xFFFFFFFF, v37;
	vm0 =	vgt.s32 v47, v36  }
0x273: {  	v37 =	vimm.s32 $0x0;
	[tilespmem:$0x1FFC0] =	vst v35;
	v35 =	vsel vm0, $0xFFFFFFFF, v40;
	vm0 =	veq.s32 v39, v36  }
0x274: {  	v40 =	vimm.s32 $0x0;
	[tilespmem:$0x1FFD0] =	vst v35;
	v35 =	vsel vm0, $0xFFFFFFFF, v37;
	vm0 =	veq.s32 v47, v36  }
0x275: {  	vm4 =	vmand vm4, vm1;
	vm1 =	vgt.s32 v54, v32;
	[tilespmem:$0x1FFE0] =	vst v35;
	v35 =	vsel vm0, $0xFFFFFFFF, v40  }
0x276: {  	s4 =	simm.s32 $0x1;
	s3 =	simm.s32 $0x200;
	vm3 =	vgt.s32 v54, v33;
	v55 =	vimm.s32 $0x0;
	vm0 =	vgt.s32 v54, v27;
	[tilespmem:$0x1FFF0] =	vst v35  }
.LBB2_5:
0x277: {  	v35 =	vld [tilespmem:$0x1FEA0]  }
0x278: {  	v36 =	vld [tilespmem:$0x1FBC0]  }
0x279: {  	v37 =	vld [tilespmem:$0x1FB30];
	_ =	sdelay $0x2  }
0x27a: {  	v40 =	vld [tilespmem:$0x1FF30];
	vm11 =	vnez.u8 v35  }
0x27b: {  	vm11 =	vmand vm11, vm9;
	vm9 =	vnez.u8 v36;
	v36 =	vld [tilespmem:$0x1FF00]  }
0x27c: {  	vm9 =	vmand vm9, vm14;
	vm14 =	vnez.u8 v37;
	v37 =	vld [tilespmem:$0x1FED0];
	_ =	sdelay $0x2  }
0x27d: {  	vm0 =	vmand vm14, vm0;
	vm14 =	vnez.u8 v40;
	v40 =	vld [tilespmem:$0x1FFF0]  }
0x27e: {  	vm1 =	vmand vm14, vm1;
	vm14 =	vnez.u8 v36;
	v36 =	vld [tilespmem:$0x1FFE0]  }
0x27f: {  	vm2 =	vmand vm14, vm2;
	vm14 =	vnez.u8 v37;
	v37 =	vld [tilespmem:$0x1FF60];
	_ =	sdelay $0x2  }
0x280: {  	vm8 =	vmand vm14, vm8;
	vm14 =	vnez.u8 v40;
	v40 =	vld [tilespmem:$0x1FFD0]  }
0x281: {  	vm13 =	vmand vm14, vm13;
	vm14 =	vnez.u8 v36;
	v36 =	vld [tilespmem:$0x1FFC0]  }
0x282: {  	vm14 =	vmand vm14, vm15;
	vm15 =	vnez.u8 v37;
	v37 =	vld [tilespmem:$0x1FF90];
	_ =	sdelay $0x2  }
0x283: {  	vm3 =	vmand vm15, vm3;
	vm15 =	vnez.u8 v40  }
0x284: {  	vm13 =	vmor vm15, vm13;
	vm15 =	vnez.u8 v36  }
0x285: {  	vm14 =	vmor vm15, vm14;
	vm15 =	vnez.u8 v37;
	v37 =	vld [tilespmem:$0x1FFB0];
	_ =	sdelay $0x1  }
0x286: {  	v40 =	vld [tilespmem:$0x1FF70];
	_ =	sdelay $0x2  }
0x287: {  	v35 =	vsel vm13, $0x1, v53;
	vm6 =	vmand vm15, vm6;
	vm13 =	vnez.u8 v37  }
0x288: {  	vm6 =	vmor vm13, vm6  }
0x289: {  	v37 =	vsel vm6, $0x1, v53;
	vm6 =	vnez.u8 v40;
	v40 =	vld [tilespmem:$0x1FF40];
	_ =	sdelay $0x3  }
0x28a: {  	v36 =	vsel vm14, $0x1, v53;
	vm3 =	vmor vm6, vm3  }
0x28b: {  	v35 =	vadd.s32 v36, v35;
	v36 =	vsel vm3, $0x1, v53;
	vm3 =	vnez.u8 v40;
	v40 =	vld [tilespmem:$0x1FF10];
	_ =	sdelay $0x3  }
0x28c: {  	vm1 =	vmor vm3, vm1  }
0x28d: {  	v35 =	vadd.s32 v37, v35;
	v37 =	vsel vm1, $0x1, v53;
	vm1 =	vnez.u8 v40;
	v40 =	vld [tilespmem:$0x1FEE0];
	_ =	sdelay $0x3  }
0x28e: {  	vm1 =	vmor vm1, vm2  }
0x28f: {  	v35 =	vadd.s32 v36, v35;
	v36 =	vsel vm1, $0x1, v53;
	vm1 =	vnez.u8 v40;
	v40 =	vld [tilespmem:$0x1FEB0];
	_ =	sdelay $0x3  }
0x290: {  	vm1 =	vmor vm1, vm8  }
0x291: {  	v35 =	vadd.s32 v37, v35;
	v37 =	vsel vm1, $0x1, v53;
	vm1 =	vnez.u8 v40;
	v40 =	vld [tilespmem:$0x1FBD0];
	_ =	sdelay $0x3  }
0x292: {  	vm1 =	vmor vm1, vm11  }
0x293: {  	v35 =	vadd.s32 v36, v35;
	v36 =	vsel vm1, $0x1, v53;
	vm1 =	vnez.u8 v40;
	v40 =	vld [tilespmem:$0x1FB40];
	_ =	sdelay $0x3  }
0x294: {  	vm1 =	vmor vm1, vm9  }
0x295: {  	v35 =	vadd.s32 v37, v35;
	v37 =	vsel vm1, $0x1, v53;
	vm1 =	vnez.u8 v40;
	v40 =	vld [tilespmem:$0x1FAB0];
	_ =	sdelay $0x3  }
0x296: {  	vm0 =	vmor vm1, vm0  }
0x297: {  	v35 =	vadd.s32 v36, v35;
	v36 =	vsel vm0, $0x1, v53;
	vm0 =	vnez.u8 v40;
	v40 =	vld [tilespmem:$0x1FA40];
	_ =	sdelay $0x3  }
0x298: {  	vm0 =	vmor vm0, vm4  }
0x299: {  	v35 =	vadd.s32 v37, v35;
	v37 =	vsel vm0, $0x1, v53;
	vm0 =	vnez.u8 v40;
	v40 =	vld [tilespmem:$0x1FE80];
	_ =	sdelay $0x4  }
0x29a: {  	vm1 =	vnez.u8 v40;
	v40 =	vld [tilespmem:$0x1FE70];
	_ =	sdelay $0x3  }
0x29b: {  	vm0 =	vmor vm0, vm10  }
0x29c: {  	v35 =	vadd.s32 v36, v35;
	v36 =	vsel vm0, $0x1, v53;
	vm0 =	vnez.u8 v40;
	v40 =	vld [tilespmem:$0x1FE60];
	_ =	sdelay $0x3  }
0x29d: {  	v35 =	vadd.s32 v37, v35;
	vm0 =	vmor vm0, vm7  }
0x29e: {  	v35 =	vadd.s32 v36, v35;
	v36 =	vsel vm0, $0x1, v53;
	vm0 =	vnez.u8 v40;
	v40 =	vld [tilespmem:$0x1FE40];
	_ =	sdelay $0x2  }
0x29f: {  	vm1 =	vmor vm1, vm5  }
0x2a0: {  	v37 =	vsel vm1, $0x1, v53;
	vm0 =	vmor vm0, vm12  }
0x2a1: {  	v35 =	vadd.s32 v37, v35;
	v37 =	vsel vm0, $0x1, v53;
	vm0 =	vnez.u8 v40;
	v40 =	vld [tilespmem:$0x1F980];
	_ =	sdelay $0x4  }
0x2a2: {  	vm1 =	vnez.u8 v40;
	v40 =	vld [tilespmem:$0x1FE20];
	_ =	sdelay $0x3  }
0x2a3: {  	vm0 =	vmor vm0, vm1  }
0x2a4: {  	v35 =	vadd.s32 v36, v35;
	v36 =	vsel vm0, $0x1, v53;
	vm0 =	vnez.u8 v40;
	v40 =	vld [tilespmem:$0x1F8F0];
	_ =	sdelay $0x4  }
0x2a5: {  	vm1 =	vnez.u8 v40;
	v40 =	vld [tilespmem:$0x1FE00];
	_ =	sdelay $0x3  }
0x2a6: {  	vm0 =	vmor vm0, vm1  }
0x2a7: {  	v35 =	vadd.s32 v37, v35;
	v37 =	vsel vm0, $0x1, v53;
	vm0 =	vnez.u8 v40;
	v40 =	vld [tilespmem:$0x1F910];
	_ =	sdelay $0x4  }
0x2a8: {  	vm1 =	vnez.u8 v40;
	v40 =	vld [tilespmem:$0x1FDE0];
	_ =	sdelay $0x3  }
0x2a9: {  	vm0 =	vmor vm0, vm1  }
0x2aa: {  	v35 =	vadd.s32 v36, v35;
	v36 =	vsel vm0, $0x1, v53;
	vm0 =	vnez.u8 v40;
	v40 =	vld [tilespmem:$0x1F930];
	_ =	sdelay $0x4  }
0x2ab: {  	vm1 =	vnez.u8 v40;
	v40 =	vld [tilespmem:$0x1FDC0];
	_ =	sdelay $0x3  }
0x2ac: {  	vm0 =	vmor vm0, vm1  }
0x2ad: {  	v35 =	vadd.s32 v37, v35;
	v37 =	vsel vm0, $0x1, v53;
	vm0 =	vnez.u8 v40;
	v40 =	vld [tilespmem:$0x1F880];
	_ =	sdelay $0x4  }
0x2ae: {  	vm1 =	vnez.u8 v40;
	v40 =	vld [tilespmem:$0x1FBA0];
	_ =	sdelay $0x3  }
0x2af: {  	vm0 =	vmor vm0, vm1  }
0x2b0: {  	v35 =	vadd.s32 v36, v35;
	v36 =	vsel vm0, $0x1, v53;
	vm0 =	vnez.u8 v40;
	v40 =	vld [tilespmem:$0x1F8A0];
	_ =	sdelay $0x4  }
0x2b1: {  	vm1 =	vnez.u8 v40;
	v40 =	vld [tilespmem:$0x1FB10];
	_ =	sdelay $0x3  }
0x2b2: {  	vm0 =	vmor vm0, vm1  }
0x2b3: {  	v35 =	vadd.s32 v37, v35;
	v37 =	vsel vm0, $0x1, v53;
	vm0 =	vnez.u8 v40;
	v40 =	vld [tilespmem:$0x1F8C0];
	_ =	sdelay $0x4  }
0x2b4: {  	vm1 =	vnez.u8 v40;
	v40 =	vld [tilespmem:$0x1FAA0];
	_ =	sdelay $0x3  }
0x2b5: {  	vm0 =	vmor vm0, vm1  }
0x2b6: {  	v35 =	vadd.s32 v36, v35;
	v36 =	vsel vm0, $0x1, v53;
	vm0 =	vnez.u8 v40;
	v40 =	vld [tilespmem:$0x1F840];
	_ =	sdelay $0x4  }
0x2b7: {  	vm1 =	vnez.u8 v40;
	v40 =	vld [tilespmem:$0x1FA20];
	_ =	sdelay $0x3  }
0x2b8: {  	vm0 =	vmor vm0, vm1  }
0x2b9: {  	v35 =	vadd.s32 v37, v35;
	v37 =	vsel vm0, $0x1, v53;
	vm0 =	vnez.u8 v40;
	v40 =	vld [tilespmem:$0x1F860];
	_ =	sdelay $0x4  }
0x2ba: {  	vm1 =	vnez.u8 v40;
	v40 =	vld [tilespmem:$0x1FDA0];
	_ =	sdelay $0x4  }
0x2bb: {  	vm0 =	vmor vm0, vm1;
	vm1 =	vnez.u8 v40;
	v40 =	vld [tilespmem:$0x1F820];
	_ =	sdelay $0x4  }
0x2bc: {  	vm2 =	vnez.u8 v40;
	v40 =	vld [tilespmem:$0x1FD90];
	_ =	sdelay $0x4  }
0x2bd: {  	v35 =	vadd.s32 v36, v35;
	v36 =	vsel vm0, $0x1, v53;
	vm0 =	vnez.u8 v40;
	v40 =	vld [tilespmem:$0x1F7C0];
	_ =	sdelay $0x4  }
0x2be: {  	vm1 =	vmor vm1, vm2;
	vm2 =	vnez.u8 v40;
	v40 =	vld [tilespmem:$0x1FD80];
	_ =	sdelay $0x3  }
0x2bf: {  	v35 =	vadd.s32 v37, v35;
	vm0 =	vmor vm0, vm2  }
0x2c0: {  	v35 =	vadd.s32 v36, v35;
	v36 =	vsel vm0, $0x1, v53;
	vm0 =	vnez.u8 v40;
	v40 =	vld [tilespmem:$0x1F7E0];
	_ =	sdelay $0x4  }
0x2c1: {  	v37 =	vsel vm1, $0x1, v53;
	vm1 =	vnez.u8 v40;
	v40 =	vld [tilespmem:$0x1FD60];
	_ =	sdelay $0x3  }
0x2c2: {  	vm0 =	vmor vm0, vm1  }
0x2c3: {  	v35 =	vadd.s32 v37, v35;
	v37 =	vsel vm0, $0x1, v53;
	vm0 =	vnez.u8 v40;
	v40 =	vld [tilespmem:$0x1F800];
	_ =	sdelay $0x4  }
0x2c4: {  	vm1 =	vnez.u8 v40;
	v40 =	vld [tilespmem:$0x1FD40];
	_ =	sdelay $0x3  }
0x2c5: {  	vm0 =	vmor vm0, vm1  }
0x2c6: {  	v35 =	vadd.s32 v36, v35;
	v36 =	vsel vm0, $0x1, v53;
	vm0 =	vnez.u8 v40;
	v40 =	vld [tilespmem:$0x1F750];
	_ =	sdelay $0x4  }
0x2c7: {  	vm1 =	vnez.u8 v40;
	v40 =	vld [tilespmem:$0x1FD20];
	_ =	sdelay $0x3  }
0x2c8: {  	vm0 =	vmor vm0, vm1  }
0x2c9: {  	v35 =	vadd.s32 v37, v35;
	v37 =	vsel vm0, $0x1, v53;
	vm0 =	vnez.u8 v40;
	v40 =	vld [tilespmem:$0x1F770];
	_ =	sdelay $0x4  }
0x2ca: {  	vm1 =	vnez.u8 v40;
	v40 =	vld [tilespmem:$0x1FD00];
	_ =	sdelay $0x3  }
0x2cb: {  	vm0 =	vmor vm0, vm1  }
0x2cc: {  	v35 =	vadd.s32 v36, v35;
	v36 =	vsel vm0, $0x1, v53;
	vm0 =	vnez.u8 v40;
	v40 =	vld [tilespmem:$0x1F790];
	_ =	sdelay $0x4  }
0x2cd: {  	vm1 =	vnez.u8 v40;
	v40 =	vld [tilespmem:$0x1FCE0];
	_ =	sdelay $0x3  }
0x2ce: {  	vm0 =	vmor vm0, vm1  }
0x2cf: {  	v35 =	vadd.s32 v37, v35;
	v37 =	vsel vm0, $0x1, v53;
	vm0 =	vnez.u8 v40;
	v40 =	vld [tilespmem:$0x1F6F0];
	_ =	sdelay $0x4  }
0x2d0: {  	vm1 =	vnez.u8 v40;
	v40 =	vld [tilespmem:$0x1FB80];
	_ =	sdelay $0x3  }
0x2d1: {  	vm0 =	vmor vm0, vm1  }
0x2d2: {  	v35 =	vadd.s32 v36, v35;
	v36 =	vsel vm0, $0x1, v53;
	vm0 =	vnez.u8 v40;
	v40 =	vld [tilespmem:$0x1F710];
	_ =	sdelay $0x4  }
0x2d3: {  	vm1 =	vnez.u8 v40;
	v40 =	vld [tilespmem:$0x1FAF0];
	_ =	sdelay $0x3  }
0x2d4: {  	vm0 =	vmor vm0, vm1  }
0x2d5: {  	v35 =	vadd.s32 v37, v35;
	v37 =	vsel vm0, $0x1, v53;
	vm0 =	vnez.u8 v40;
	v40 =	vld [tilespmem:$0x1F730];
	_ =	sdelay $0x4  }
0x2d6: {  	vm1 =	vnez.u8 v40;
	v40 =	vld [tilespmem:$0x1FA80];
	_ =	sdelay $0x3  }
0x2d7: {  	vm0 =	vmor vm0, vm1  }
0x2d8: {  	v35 =	vadd.s32 v36, v35;
	v36 =	vsel vm0, $0x1, v53;
	vm0 =	vnez.u8 v40;
	v40 =	vld [tilespmem:$0x1F6B0];
	_ =	sdelay $0x4  }
0x2d9: {  	vm1 =	vnez.u8 v40;
	v40 =	vld [tilespmem:$0x1FA00];
	_ =	sdelay $0x3  }
0x2da: {  	vm0 =	vmor vm0, vm1  }
0x2db: {  	v35 =	vadd.s32 v37, v35;
	v37 =	vsel vm0, $0x1, v53;
	vm0 =	vnez.u8 v40;
	v40 =	vld [tilespmem:$0x1F6D0];
	_ =	sdelay $0x4  }
0x2dc: {  	vm1 =	vnez.u8 v40;
	v40 =	vld [tilespmem:$0x1FCC0];
	_ =	sdelay $0x4  }
0x2dd: {  	vm0 =	vmor vm0, vm1;
	vm1 =	vnez.u8 v40;
	v40 =	vld [tilespmem:$0x1F690];
	_ =	sdelay $0x4  }
0x2de: {  	vm2 =	vnez.u8 v40;
	v40 =	vld [tilespmem:$0x1FCB0];
	_ =	sdelay $0x4  }
0x2df: {  	v35 =	vadd.s32 v36, v35;
	v36 =	vsel vm0, $0x1, v53;
	vm0 =	vnez.u8 v40;
	v40 =	vld [tilespmem:$0x1F630];
	_ =	sdelay $0x4  }
0x2e0: {  	vm1 =	vmor vm1, vm2;
	vm2 =	vnez.u8 v40;
	v40 =	vld [tilespmem:$0x1FC90];
	_ =	sdelay $0x3  }
0x2e1: {  	v35 =	vadd.s32 v37, v35;
	vm0 =	vmor vm0, vm2  }
0x2e2: {  	v35 =	vadd.s32 v36, v35;
	v36 =	vsel vm0, $0x1, v53;
	vm0 =	vnez.u8 v40;
	v40 =	vld [tilespmem:$0x1F650];
	_ =	sdelay $0x4  }
0x2e3: {  	v37 =	vsel vm1, $0x1, v53;
	vm1 =	vnez.u8 v40;
	v40 =	vld [tilespmem:$0x1FC70];
	_ =	sdelay $0x3  }
0x2e4: {  	vm0 =	vmor vm0, vm1  }
0x2e5: {  	v35 =	vadd.s32 v37, v35;
	v37 =	vsel vm0, $0x1, v53;
	vm0 =	vnez.u8 v40;
	v40 =	vld [tilespmem:$0x1F670];
	_ =	sdelay $0x4  }
0x2e6: {  	vm1 =	vnez.u8 v40;
	v40 =	vld [tilespmem:$0x1FC50];
	_ =	sdelay $0x3  }
0x2e7: {  	vm0 =	vmor vm0, vm1  }
0x2e8: {  	v35 =	vadd.s32 v36, v35;
	v36 =	vsel vm0, $0x1, v53;
	vm0 =	vnez.u8 v40;
	v40 =	vld [tilespmem:$0x1F5B0];
	_ =	sdelay $0x4  }
0x2e9: {  	vm1 =	vnez.u8 v40;
	v40 =	vld [tilespmem:$0x1FC30];
	_ =	sdelay $0x3  }
0x2ea: {  	vm0 =	vmor vm0, vm1  }
0x2eb: {  	v35 =	vadd.s32 v37, v35;
	v37 =	vsel vm0, $0x1, v53;
	vm0 =	vnez.u8 v40;
	v40 =	vld [tilespmem:$0x1F5D0];
	_ =	sdelay $0x4  }
0x2ec: {  	vm1 =	vnez.u8 v40;
	v40 =	vld [tilespmem:$0x1FC10];
	_ =	sdelay $0x3  }
0x2ed: {  	vm0 =	vmor vm0, vm1  }
0x2ee: {  	v35 =	vadd.s32 v36, v35;
	v36 =	vsel vm0, $0x1, v53;
	vm0 =	vnez.u8 v40;
	v40 =	vld [tilespmem:$0x1F600];
	_ =	sdelay $0x4  }
0x2ef: {  	vm1 =	vnez.u8 v40;
	v40 =	vld [tilespmem:$0x1FBF0];
	_ =	sdelay $0x3  }
0x2f0: {  	vm0 =	vmor vm0, vm1  }
0x2f1: {  	v35 =	vadd.s32 v37, v35;
	v37 =	vsel vm0, $0x1, v53;
	vm0 =	vnez.u8 v40;
	v40 =	vld [tilespmem:$0x1F550];
	_ =	sdelay $0x4  }
0x2f2: {  	vm1 =	vnez.u8 v40;
	v40 =	vld [tilespmem:$0x1FB60];
	_ =	sdelay $0x3  }
0x2f3: {  	vm0 =	vmor vm0, vm1  }
0x2f4: {  	v35 =	vadd.s32 v36, v35;
	v36 =	vsel vm0, $0x1, v53;
	vm0 =	vnez.u8 v40;
	v40 =	vld [tilespmem:$0x1F570];
	_ =	sdelay $0x4  }
0x2f5: {  	vm1 =	vnez.u8 v40;
	v40 =	vld [tilespmem:$0x1FAD0];
	_ =	sdelay $0x3  }
0x2f6: {  	vm0 =	vmor vm0, vm1  }
0x2f7: {  	v35 =	vadd.s32 v37, v35;
	v37 =	vsel vm0, $0x1, v53;
	vm0 =	vnez.u8 v40;
	v40 =	vld [tilespmem:$0x1F590];
	_ =	sdelay $0x4  }
0x2f8: {  	vm1 =	vnez.u8 v40;
	v40 =	vld [tilespmem:$0x1FA60];
	_ =	sdelay $0x3  }
0x2f9: {  	vm0 =	vmor vm0, vm1  }
0x2fa: {  	v35 =	vadd.s32 v36, v35;
	v36 =	vsel vm0, $0x1, v53;
	vm0 =	vnez.u8 v40;
	v40 =	vld [tilespmem:$0x1F510];
	_ =	sdelay $0x4  }
0x2fb: {  	vm1 =	vnez.u8 v40;
	v40 =	vld [tilespmem:$0x1F9E0];
	_ =	sdelay $0x3  }
0x2fc: {  	vm0 =	vmor vm0, vm1  }
0x2fd: {  	v35 =	vadd.s32 v37, v35;
	v37 =	vsel vm0, $0x1, v53;
	vm0 =	vnez.u8 v40;
	v40 =	vld [tilespmem:$0x1F530];
	_ =	sdelay $0x4  }
0x2fe: {  	vm1 =	vnez.u8 v40  }
0x2ff: {  	v35 =	vadd.s32 v36, v35;
	vm0 =	vmor vm0, vm1  }
0x300: {  	v35 =	vadd.s32 v37, v35;
	v40 =	vsel vm0, $0x1, v53  }
0x301: {  	v35 =	vadd.s32 v40, v35;
	v40 =	vld [tilespmem:$0x1F4F0];
	_ =	sdelay $0x4  }
0x302: {  	v36 =	vperm.xlane v35, v40;
	v40 =	vld [tilespmem:$0x1F4E0];
	_ =	sdelay $0x3  }
0x303: {  	v35 =	vadd.s32 v35, v36  }
0x304: {  	v36 =	vperm.xlane v35, v40;
	v40 =	vld [tilespmem:$0x1F4D0];
	_ =	sdelay $0x3  }
0x305: {  	v35 =	vadd.s32 v36, v35  }
0x306: {  	v36 =	vperm.xlane v35, v40;
	v40 =	vld [tilespmem:$0x1F4C0];
	_ =	sdelay $0x3  }
0x307: {  	v35 =	vadd.s32 v36, v35  }
0x308: {  	v36 =	vperm.xlane v35, v40;
	_ =	sdelay $0x1  }
0x309: {  	v35 =	vadd.s32 v36, v35  }
0x30a: {  	vm0 =	vlt.s32 v35, $0x40  }
0x30b: {  	s5 =	sshrl.u32 s3, s4;
	v55 =	vsel vm0, v54, v55  }
0x30c: {  	v54 =	vor.u32 s5, v55  }
0x30d: {  	v40 =	vimm.s32 $0x0;
	vm0 =	vgt.s32 v54, v62  }
0x30e: {  	v36 =	vimm.s32 $0x0;
	v35 =	vsel vm0, $0xFFFFFFFF, v40;
	vm0 =	vgt.s32 v54, v63  }
0x30f: {  	v37 =	vimm.s32 $0x0;
	[tilespmem:$0x1F2A0] =	vst v35;
	v35 =	vsel vm0, $0xFFFFFFFF, v36;
	vm0 =	vgt.s32 v54, v1  }
0x310: {  	v40 =	vimm.s32 $0x0;
	[tilespmem:$0x1F2B0] =	vst v35;
	v35 =	vsel vm0, $0xFFFFFFFF, v37;
	vm0 =	vgt.s32 v54, v0  }
0x311: {  	v36 =	vimm.s32 $0x0;
	[tilespmem:$0x1F2C0] =	vst v35;
	v35 =	vsel vm0, $0xFFFFFFFF, v40;
	vm0 =	vgt.s32 v54, v48  }
0x312: {  	v37 =	vimm.s32 $0x0;
	[tilespmem:$0x1F2D0] =	vst v35;
	v35 =	vsel vm0, $0xFFFFFFFF, v36;
	vm0 =	vgt.s32 v54, v4  }
0x313: {  	v40 =	vimm.s32 $0x0;
	[tilespmem:$0x1F2E0] =	vst v35;
	v35 =	vsel vm0, $0xFFFFFFFF, v37;
	vm0 =	vgt.s32 v54, v3  }
0x314: {  	v36 =	vimm.s32 $0x0;
	[tilespmem:$0x1F2F0] =	vst v35;
	v35 =	vsel vm0, $0xFFFFFFFF, v40;
	vm0 =	vgt.s32 v54, v2  }
0x315: {  	v37 =	vimm.s32 $0x0;
	[tilespmem:$0x1F300] =	vst v35;
	v35 =	vsel vm0, $0xFFFFFFFF, v36;
	vm0 =	vgt.s32 v54, v5  }
0x316: {  	v40 =	vimm.s32 $0x0;
	[tilespmem:$0x1F310] =	vst v35;
	v35 =	vsel vm0, $0xFFFFFFFF, v37;
	vm0 =	vgt.s32 v54, v49  }
0x317: {  	v36 =	vimm.s32 $0x0;
	[tilespmem:$0x1F320] =	vst v35;
	v35 =	vsel vm0, $0xFFFFFFFF, v40;
	vm0 =	vgt.s32 v54, v7  }
0x318: {  	v37 =	vimm.s32 $0x0;
	[tilespmem:$0x1F330] =	vst v35;
	v35 =	vsel vm0, $0xFFFFFFFF, v36;
	vm0 =	vgt.s32 v54, v6  }
0x319: {  	v40 =	vimm.s32 $0x0;
	[tilespmem:$0x1F340] =	vst v35;
	v35 =	vsel vm0, $0xFFFFFFFF, v37;
	vm0 =	vgt.s32 v54, v9  }
0x31a: {  	v36 =	vimm.s32 $0x0;
	[tilespmem:$0x1F350] =	vst v35;
	v35 =	vsel vm0, $0xFFFFFFFF, v40;
	vm0 =	vgt.s32 v54, v51  }
0x31b: {  	v37 =	vimm.s32 $0x0;
	[tilespmem:$0x1F360] =	vst v35;
	v35 =	vsel vm0, $0xFFFFFFFF, v36;
	vm0 =	vgt.s32 v54, v8  }
0x31c: {  	v40 =	vimm.s32 $0x0;
	[tilespmem:$0x1F370] =	vst v35;
	v35 =	vsel vm0, $0xFFFFFFFF, v37;
	vm0 =	vgt.s32 v54, v11  }
0x31d: {  	v36 =	vimm.s32 $0x0;
	[tilespmem:$0x1F380] =	vst v35;
	v35 =	vsel vm0, $0xFFFFFFFF, v40;
	vm0 =	vgt.s32 v54, v52  }
0x31e: {  	v37 =	vimm.s32 $0x0;
	[tilespmem:$0x1F390] =	vst v35;
	v35 =	vsel vm0, $0xFFFFFFFF, v36;
	vm0 =	vgt.s32 v54, v10  }
0x31f: {  	v40 =	vimm.s32 $0x0;
	[tilespmem:$0x1F3A0] =	vst v35;
	v35 =	vsel vm0, $0xFFFFFFFF, v37;
	vm0 =	vgt.s32 v54, v58  }
0x320: {  	v36 =	vimm.s32 $0x0;
	[tilespmem:$0x1F3B0] =	vst v35;
	v35 =	vsel vm0, $0xFFFFFFFF, v40;
	vm0 =	vgt.s32 v54, v13  }
0x321: {  	v37 =	vimm.s32 $0x0;
	[tilespmem:$0x1F3C0] =	vst v35;
	v35 =	vsel vm0, $0xFFFFFFFF, v36;
	vm0 =	vgt.s32 v54, v12  }
0x322: {  	v40 =	vimm.s32 $0x0;
	[tilespmem:$0x1F3D0] =	vst v35;
	v35 =	vsel vm0, $0xFFFFFFFF, v37;
	vm0 =	vgt.s32 v54, v17  }
0x323: {  	v36 =	vimm.s32 $0x0;
	[tilespmem:$0x1F3E0] =	vst v35;
	v35 =	vsel vm0, $0xFFFFFFFF, v40;
	vm0 =	vgt.s32 v54, v15  }
0x324: {  	v37 =	vimm.s32 $0x0;
	[tilespmem:$0x1F3F0] =	vst v35;
	v35 =	vsel vm0, $0xFFFFFFFF, v36;
	vm0 =	vgt.s32 v54, v19  }
0x325: {  	v40 =	vimm.s32 $0x0;
	[tilespmem:$0x1F400] =	vst v35;
	v35 =	vsel vm0, $0xFFFFFFFF, v37;
	vm0 =	vgt.s32 v54, v18  }
0x326: {  	v36 =	vimm.s32 $0x0;
	[tilespmem:$0x1F410] =	vst v35;
	v35 =	vsel vm0, $0xFFFFFFFF, v40;
	vm0 =	vgt.s32 v54, v16  }
0x327: {  	v37 =	vimm.s32 $0x0;
	[tilespmem:$0x1F420] =	vst v35;
	v35 =	vsel vm0, $0xFFFFFFFF, v36;
	vm0 =	vgt.s32 v54, v22  }
0x328: {  	v40 =	vimm.s32 $0x0;
	[tilespmem:$0x1F430] =	vst v35;
	v35 =	vsel vm0, $0xFFFFFFFF, v37;
	vm0 =	vgt.s32 v54, v21  }
0x329: {  	v36 =	vimm.s32 $0x0;
	[tilespmem:$0x1F440] =	vst v35;
	v35 =	vsel vm0, $0xFFFFFFFF, v40;
	vm0 =	vgt.s32 v54, v20  }
0x32a: {  	v37 =	vimm.s32 $0x0;
	[tilespmem:$0x1F450] =	vst v35;
	v35 =	vsel vm0, $0xFFFFFFFF, v36;
	vm0 =	vgt.s32 v54, v57  }
0x32b: {  	v40 =	vimm.s32 $0x0;
	[tilespmem:$0x1F460] =	vst v35;
	v35 =	vsel vm0, $0xFFFFFFFF, v37;
	vm0 =	vgt.s32 v54, v24  }
0x32c: {  	v36 =	vimm.s32 $0x0;
	[tilespmem:$0x1F470] =	vst v35;
	v35 =	vsel vm0, $0xFFFFFFFF, v40;
	vm0 =	vgt.s32 v54, v23  }
0x32d: {  	[tilespmem:$0x1F480] =	vst v35;
	v35 =	vsel vm0, $0xFFFFFFFF, v36;
	v36 =	vld [tilespmem:$0x1F500]  }
0x32e: {  	v37 =	vimm.s32 $0x0;
	vm0 =	vgt.s32 v54, v25  }
0x32f: {  	[tilespmem:$0x1F490] =	vst v35;
	v35 =	vsel vm0, $0xFFFFFFFF, v37;
	v37 =	vld [tilespmem:$0x1F2A0];
	_ =	sdelay $0x2  }
0x330: {  	vm4 =	vnez.u8 v36;
	v36 =	vld [tilespmem:$0x1F520];
	_ =	sdelay $0x1  }
0x331: {  	vm5 =	vnez.u8 v37;
	v37 =	vld [tilespmem:$0x1F2B0]  }
0x332: {  	v40 =	vimm.s32 $0x0;
	vm0 =	vgt.s32 v54, v26  }
0x333: {  	[tilespmem:$0x1F4A0] =	vst v35;
	v35 =	vsel vm0, $0xFFFFFFFF, v40;
	v40 =	vimm.s32 $0x0;
	vm4 =	vmand vm4, vm5  }
0x334: {  	[tilespmem:$0x1F4B0] =	vst v35;
	v35 =	vsel vm4, $0xFFFFFFFF, v40;
	vm4 =	vnez.u8 v36;
	v36 =	vld [tilespmem:$0x1F540];
	_ =	sdelay $0x1  }
0x335: {  	vm5 =	vnez.u8 v37;
	v37 =	vld [tilespmem:$0x1F2C0];
	_ =	sdelay $0x1  }
0x336: {  	v40 =	vimm.s32 $0x0;
	vm4 =	vmand vm4, vm5  }
0x337: {  	[tilespmem:$0x1F510] =	vst v35;
	v35 =	vsel vm4, $0xFFFFFFFF, v40;
	vm4 =	vnez.u8 v36;
	v36 =	vld [tilespmem:$0x1F560];
	_ =	sdelay $0x1  }
0x338: {  	vm5 =	vnez.u8 v37;
	v37 =	vld [tilespmem:$0x1F2D0];
	_ =	sdelay $0x1  }
0x339: {  	v40 =	vimm.s32 $0x0;
	vm4 =	vmand vm4, vm5  }
0x33a: {  	[tilespmem:$0x1F530] =	vst v35;
	v35 =	vsel vm4, $0xFFFFFFFF, v40;
	vm4 =	vnez.u8 v36;
	v36 =	vld [tilespmem:$0x1F580];
	_ =	sdelay $0x1  }
0x33b: {  	vm5 =	vnez.u8 v37;
	v37 =	vld [tilespmem:$0x1F2E0];
	_ =	sdelay $0x1  }
0x33c: {  	v40 =	vimm.s32 $0x0;
	vm4 =	vmand vm4, vm5  }
0x33d: {  	[tilespmem:$0x1F550] =	vst v35;
	v35 =	vsel vm4, $0xFFFFFFFF, v40;
	vm4 =	vnez.u8 v36;
	v36 =	vld [tilespmem:$0x1F5A0];
	_ =	sdelay $0x1  }
0x33e: {  	vm5 =	vnez.u8 v37;
	v37 =	vld [tilespmem:$0x1F2F0];
	_ =	sdelay $0x1  }
0x33f: {  	v40 =	vimm.s32 $0x0;
	vm4 =	vmand vm4, vm5  }
0x340: {  	[tilespmem:$0x1F570] =	vst v35;
	v35 =	vsel vm4, $0xFFFFFFFF, v40;
	vm4 =	vnez.u8 v36;
	v36 =	vld [tilespmem:$0x1F5C0];
	_ =	sdelay $0x1  }
0x341: {  	vm5 =	vnez.u8 v37;
	v37 =	vld [tilespmem:$0x1F300];
	_ =	sdelay $0x1  }
0x342: {  	v40 =	vimm.s32 $0x0;
	vm4 =	vmand vm4, vm5  }
0x343: {  	[tilespmem:$0x1F590] =	vst v35;
	v35 =	vsel vm4, $0xFFFFFFFF, v40;
	vm4 =	vnez.u8 v36;
	v36 =	vld [tilespmem:$0x1F5E0];
	_ =	sdelay $0x1  }
0x344: {  	vm5 =	vnez.u8 v37;
	v37 =	vld [tilespmem:$0x1F310];
	_ =	sdelay $0x1  }
0x345: {  	v40 =	vimm.s32 $0x0;
	vm4 =	vmand vm4, vm5  }
0x346: {  	[tilespmem:$0x1F5B0] =	vst v35;
	v35 =	vsel vm4, $0xFFFFFFFF, v40;
	vm4 =	vnez.u8 v36;
	v36 =	vld [tilespmem:$0x1F620];
	_ =	sdelay $0x1  }
0x347: {  	vm5 =	vnez.u8 v37  }
0x348: {  	v40 =	vimm.s32 $0x0;
	vm4 =	vmand vm4, vm5  }
0x349: {  	[tilespmem:$0x1F5D0] =	vst v35;
	v35 =	vsel vm4, $0xFFFFFFFF, v40;
	v40 =	vld [tilespmem:$0x1F640]  }
0x34a: {  	vm4 =	vnez.u8 v36;
	v36 =	vld [tilespmem:$0x1F320];
	_ =	sdelay $0x1  }
0x34b: {  	vm7 =	vgt.s32 v54, v59  }
0x34c: {  	v37 =	vimm.s32 $0x0;
	vm4 =	vmand vm4, vm7  }
0x34d: {  	[tilespmem:$0x1F600] =	vst v35;
	v35 =	vsel vm4, $0xFFFFFFFF, v37;
	vm4 =	vnez.u8 v40;
	v40 =	vld [tilespmem:$0x1F660]  }
0x34e: {  	vm7 =	vnez.u8 v36;
	v36 =	vld [tilespmem:$0x1F330];
	_ =	sdelay $0x2  }
0x34f: {  	v37 =	vimm.s32 $0x0;
	vm4 =	vmand vm4, vm7  }
0x350: {  	[tilespmem:$0x1F630] =	vst v35;
	v35 =	vsel vm4, $0xFFFFFFFF, v37;
	vm4 =	vnez.u8 v40;
	v40 =	vld [tilespmem:$0x1F680]  }
0x351: {  	vm7 =	vnez.u8 v36  }
0x352: {  	v37 =	vimm.s32 $0x0;
	vm4 =	vmand vm4, vm7  }
0x353: {  	[tilespmem:$0x1F650] =	vst v35;
	v35 =	vsel vm4, $0xFFFFFFFF, v37;
	v37 =	vld [tilespmem:$0x1F6A0];
	_ =	sdelay $0x1  }
0x354: {  	vm4 =	vnez.u8 v40;
	v40 =	vld [tilespmem:$0x1F340]  }
0x355: {  	vm12 =	vgt.s32 v54, v50  }
0x356: {  	v36 =	vimm.s32 $0x0;
	vm4 =	vmand vm4, vm12  }
0x357: {  	[tilespmem:$0x1F670] =	vst v35;
	v35 =	vsel vm4, $0xFFFFFFFF, v36;
	vm4 =	vnez.u8 v37;
	v37 =	vld [tilespmem:$0x1F6C0];
	_ =	sdelay $0x1  }
0x358: {  	vm5 =	vnez.u8 v40;
	v40 =	vld [tilespmem:$0x1F350];
	_ =	sdelay $0x1  }
0x359: {  	v36 =	vimm.s32 $0x0;
	vm4 =	vmand vm4, vm5  }
0x35a: {  	[tilespmem:$0x1F690] =	vst v35;
	v35 =	vsel vm4, $0xFFFFFFFF, v36;
	vm4 =	vnez.u8 v37;
	v37 =	vld [tilespmem:$0x1F6E0];
	_ =	sdelay $0x1  }
0x35b: {  	vm5 =	vnez.u8 v40;
	v40 =	vld [tilespmem:$0x1F360];
	_ =	sdelay $0x1  }
0x35c: {  	v36 =	vimm.s32 $0x0;
	vm4 =	vmand vm4, vm5  }
0x35d: {  	[tilespmem:$0x1F6B0] =	vst v35;
	v35 =	vsel vm4, $0xFFFFFFFF, v36;
	vm4 =	vnez.u8 v37;
	v37 =	vld [tilespmem:$0x1F700];
	_ =	sdelay $0x1  }
0x35e: {  	vm5 =	vnez.u8 v40;
	v40 =	vld [tilespmem:$0x1F370];
	_ =	sdelay $0x1  }
0x35f: {  	v36 =	vimm.s32 $0x0;
	vm4 =	vmand vm4, vm5  }
0x360: {  	[tilespmem:$0x1F6D0] =	vst v35;
	v35 =	vsel vm4, $0xFFFFFFFF, v36;
	vm4 =	vnez.u8 v37;
	v37 =	vld [tilespmem:$0x1F720];
	_ =	sdelay $0x1  }
0x361: {  	vm5 =	vnez.u8 v40;
	v40 =	vld [tilespmem:$0x1F380];
	_ =	sdelay $0x1  }
0x362: {  	v36 =	vimm.s32 $0x0;
	vm4 =	vmand vm4, vm5  }
0x363: {  	[tilespmem:$0x1F6F0] =	vst v35;
	v35 =	vsel vm4, $0xFFFFFFFF, v36;
	vm4 =	vnez.u8 v37;
	v37 =	vld [tilespmem:$0x1F740];
	_ =	sdelay $0x1  }
0x364: {  	vm5 =	vnez.u8 v40;
	v40 =	vld [tilespmem:$0x1F390];
	_ =	sdelay $0x1  }
0x365: {  	v36 =	vimm.s32 $0x0;
	vm4 =	vmand vm4, vm5  }
0x366: {  	[tilespmem:$0x1F710] =	vst v35;
	v35 =	vsel vm4, $0xFFFFFFFF, v36;
	vm4 =	vnez.u8 v37;
	v37 =	vld [tilespmem:$0x1F760];
	_ =	sdelay $0x1  }
0x367: {  	vm7 =	vnez.u8 v40;
	v40 =	vld [tilespmem:$0x1F3A0];
	_ =	sdelay $0x1  }
0x368: {  	v36 =	vimm.s32 $0x0;
	vm4 =	vmand vm4, vm7  }
0x369: {  	[tilespmem:$0x1F730] =	vst v35;
	v35 =	vsel vm4, $0xFFFFFFFF, v36;
	vm4 =	vnez.u8 v37;
	v37 =	vld [tilespmem:$0x1F780];
	_ =	sdelay $0x1  }
0x36a: {  	vm5 =	vnez.u8 v40;
	v40 =	vld [tilespmem:$0x1F3B0];
	_ =	sdelay $0x1  }
0x36b: {  	v36 =	vimm.s32 $0x0;
	vm4 =	vmand vm4, vm5  }
0x36c: {  	[tilespmem:$0x1F750] =	vst v35;
	v35 =	vsel vm4, $0xFFFFFFFF, v36;
	vm4 =	vnez.u8 v37;
	v37 =	vld [tilespmem:$0x1F7B0];
	_ =	sdelay $0x1  }
0x36d: {  	vm5 =	vnez.u8 v40;
	v40 =	vld [tilespmem:$0x1F3C0];
	_ =	sdelay $0x1  }
0x36e: {  	v36 =	vimm.s32 $0x0;
	vm4 =	vmand vm4, vm5  }
0x36f: {  	[tilespmem:$0x1F770] =	vst v35;
	v35 =	vsel vm4, $0xFFFFFFFF, v36;
	vm4 =	vnez.u8 v37;
	v37 =	vld [tilespmem:$0x1F7D0];
	_ =	sdelay $0x1  }
0x370: {  	vm5 =	vnez.u8 v40;
	v40 =	vld [tilespmem:$0x1F3D0];
	_ =	sdelay $0x1  }
0x371: {  	v36 =	vimm.s32 $0x0;
	vm4 =	vmand vm4, vm5  }
0x372: {  	[tilespmem:$0x1F790] =	vst v35;
	v35 =	vsel vm4, $0xFFFFFFFF, v36;
	vm4 =	vnez.u8 v37;
	v37 =	vld [tilespmem:$0x1F7F0];
	_ =	sdelay $0x1  }
0x373: {  	vm5 =	vnez.u8 v40;
	v40 =	vld [tilespmem:$0x1F3E0];
	_ =	sdelay $0x1  }
0x374: {  	v36 =	vimm.s32 $0x0;
	vm4 =	vmand vm4, vm5  }
0x375: {  	[tilespmem:$0x1F7C0] =	vst v35;
	v35 =	vsel vm4, $0xFFFFFFFF, v36;
	vm4 =	vnez.u8 v37;
	v37 =	vld [tilespmem:$0x1F810];
	_ =	sdelay $0x1  }
0x376: {  	vm5 =	vnez.u8 v40  }
0x377: {  	v36 =	vimm.s32 $0x0;
	vm4 =	vmand vm4, vm5  }
0x378: {  	[tilespmem:$0x1F7E0] =	vst v35;
	v35 =	vsel vm4, $0xFFFFFFFF, v36;
	v36 =	vld [tilespmem:$0x1F830]  }
0x379: {  	vm4 =	vnez.u8 v37;
	v37 =	vld [tilespmem:$0x1F3F0];
	_ =	sdelay $0x1  }
0x37a: {  	vm11 =	vgt.s32 v54, v14  }
0x37b: {  	v40 =	vimm.s32 $0x0;
	vm4 =	vmand vm4, vm11  }
0x37c: {  	[tilespmem:$0x1F800] =	vst v35;
	v35 =	vsel vm4, $0xFFFFFFFF, v40;
	vm4 =	vnez.u8 v36;
	v36 =	vld [tilespmem:$0x1F850]  }
0x37d: {  	vm5 =	vnez.u8 v37;
	v37 =	vld [tilespmem:$0x1F400];
	_ =	sdelay $0x2  }
0x37e: {  	v40 =	vimm.s32 $0x0;
	vm4 =	vmand vm4, vm5  }
0x37f: {  	[tilespmem:$0x1F820] =	vst v35;
	v35 =	vsel vm4, $0xFFFFFFFF, v40;
	vm4 =	vnez.u8 v36;
	v36 =	vld [tilespmem:$0x1F870]  }
0x380: {  	vm5 =	vnez.u8 v37;
	v37 =	vld [tilespmem:$0x1F410];
	_ =	sdelay $0x2  }
0x381: {  	v40 =	vimm.s32 $0x0;
	vm4 =	vmand vm4, vm5  }
0x382: {  	[tilespmem:$0x1F840] =	vst v35;
	v35 =	vsel vm4, $0xFFFFFFFF, v40;
	vm4 =	vnez.u8 v36;
	v36 =	vld [tilespmem:$0x1F890]  }
0x383: {  	vm5 =	vnez.u8 v37;
	v37 =	vld [tilespmem:$0x1F420];
	_ =	sdelay $0x2  }
0x384: {  	v40 =	vimm.s32 $0x0;
	vm4 =	vmand vm4, vm5  }
0x385: {  	[tilespmem:$0x1F860] =	vst v35;
	v35 =	vsel vm4, $0xFFFFFFFF, v40;
	vm4 =	vnez.u8 v36;
	v36 =	vld [tilespmem:$0x1F8B0]  }
0x386: {  	vm5 =	vnez.u8 v37;
	v37 =	vld [tilespmem:$0x1F430];
	_ =	sdelay $0x2  }
0x387: {  	v40 =	vimm.s32 $0x0;
	vm4 =	vmand vm4, vm5  }
0x388: {  	[tilespmem:$0x1F880] =	vst v35;
	v35 =	vsel vm4, $0xFFFFFFFF, v40;
	vm4 =	vnez.u8 v36;
	v36 =	vld [tilespmem:$0x1F8E0]  }
0x389: {  	vm5 =	vnez.u8 v37;
	v37 =	vld [tilespmem:$0x1F440];
	_ =	sdelay $0x2  }
0x38a: {  	v40 =	vimm.s32 $0x0;
	vm4 =	vmand vm4, vm5  }
0x38b: {  	[tilespmem:$0x1F8A0] =	vst v35;
	v35 =	vsel vm4, $0xFFFFFFFF, v40;
	vm4 =	vnez.u8 v36;
	v36 =	vld [tilespmem:$0x1F900]  }
0x38c: {  	vm5 =	vnez.u8 v37;
	v37 =	vld [tilespmem:$0x1F450];
	_ =	sdelay $0x2  }
0x38d: {  	v40 =	vimm.s32 $0x0;
	vm4 =	vmand vm4, vm5  }
0x38e: {  	[tilespmem:$0x1F8C0] =	vst v35;
	v35 =	vsel vm4, $0xFFFFFFFF, v40;
	vm4 =	vnez.u8 v36;
	v36 =	vld [tilespmem:$0x1F920]  }
0x38f: {  	vm5 =	vnez.u8 v37;
	v37 =	vld [tilespmem:$0x1F460];
	_ =	sdelay $0x3  }
0x390: {  	v40 =	vimm.s32 $0x0;
	vm4 =	vmand vm4, vm5  }
0x391: {  	[tilespmem:$0x1F8F0] =	vst v35;
	v35 =	vsel vm4, $0xFFFFFFFF, v40;
	vm4 =	vnez.u8 v36;
	v36 =	vld [tilespmem:$0x1F950];
	vm5 =	vnez.u8 v37  }
0x392: {  	v40 =	vimm.s32 $0x0;
	v37 =	vld [tilespmem:$0x1F470];
	vm4 =	vmand vm4, vm5  }
0x393: {  	[tilespmem:$0x1F910] =	vst v35;
	v35 =	vsel vm4, $0xFFFFFFFF, v40;
	v40 =	vld [tilespmem:$0x1F960];
	_ =	sdelay $0x2  }
0x394: {  	vm4 =	vnez.u8 v36;
	v36 =	vld [tilespmem:$0x1F480]  }
0x395: {  	vm5 =	vnez.u8 v37;
	v37 =	vld [tilespmem:$0x1F970]  }
0x396: {  	vm7 =	vmand vm4, vm5;
	vm4 =	vnez.u8 v40;
	v40 =	vld [tilespmem:$0x1F490];
	_ =	sdelay $0x2  }
0x397: {  	vm5 =	vnez.u8 v36  }
0x398: {  	vm12 =	vmand vm4, vm5;
	vm4 =	vnez.u8 v37;
	v37 =	vld [tilespmem:$0x1F9A0]  }
0x399: {  	vm5 =	vnez.u8 v40;
	v40 =	vld [tilespmem:$0x1F9B0];
	_ =	sdelay $0x1  }
0x39a: {  	v36 =	vimm.s32 $0x0;
	vm4 =	vmand vm4, vm5  }
0x39b: {  	[tilespmem:$0x1F930] =	vst v35;
	v35 =	vsel vm4, $0xFFFFFFFF, v36;
	v36 =	vld [tilespmem:$0x1F4A0]  }
0x39c: {  	vm10 =	vgt.s32 v54, v61;
	vm4 =	vnez.u8 v37;
	v37 =	vld [tilespmem:$0x1F9C0]  }
0x39d: {  	vm5 =	vmand vm4, vm10;
	vm4 =	vnez.u8 v40;
	v40 =	vld [tilespmem:$0x1F4B0]  }
0x39e: {  	p0 =	sne.s32 s4, $0x9  }
.Ltmp3:
0x39f: {  	vm9 =	vgt.s32 v54, v29;
	vm14 =	vgt.s32 v54, v28;
	vm1 =	vgt.s32 v54, v32;
	(pc) =	sbr.rel @p0 .LBB2_5-.Ltmp3, $4  }
0x3a0: {  	vm2 =	vgt.s32 v54, v31;
	vm8 =	vgt.s32 v54, v30;
	vm13 =	vgt.s32 v54, v56  }
0x3a1: {  	vm6 =	vgt.s32 v54, v34;
	vm3 =	vgt.s32 v54, v33;
	vm10 =	vnez.u8 v36  }
0x3a2: {  	vm4 =	vmand vm4, vm10;
	vm10 =	vnez.u8 v37;
	vm11 =	vnez.u8 v40  }
0x3a3: {  	s4 =	sadd.s32 $0x1, s4;
	vm15 =	vgt.s32 v54, v60;
	vm0 =	vgt.s32 v54, v27;
	[tilespmem:$0x1F980] =	vst v35;
	vm10 =	vmand vm10, vm11  }
0x3a4: {  	v0 =	vld [tilespmem:$0x1FEA0];
	_ =	sdelay $0x4  }
0x3a5: {  	vm11 =	vnez.u8 v0;
	v0 =	vld [tilespmem:$0x1FBC0];
	_ =	sdelay $0x4  }
0x3a6: {  	vm9 =	vmand vm11, vm9;
	vm11 =	vnez.u8 v0;
	v0 =	vld [tilespmem:$0x1FB30];
	_ =	sdelay $0x4  }
0x3a7: {  	vm11 =	vmand vm11, vm14;
	vm14 =	vnez.u8 v0;
	v0 =	vld [tilespmem:$0x1FF30];
	_ =	sdelay $0x4  }
0x3a8: {  	vm0 =	vmand vm14, vm0;
	vm14 =	vnez.u8 v0;
	v0 =	vld [tilespmem:$0x1FF00];
	_ =	sdelay $0x4  }
0x3a9: {  	vm1 =	vmand vm14, vm1;
	vm14 =	vnez.u8 v0;
	v0 =	vld [tilespmem:$0x1FED0];
	_ =	sdelay $0x4  }
0x3aa: {  	vm2 =	vmand vm14, vm2;
	vm14 =	vnez.u8 v0;
	v0 =	vld [tilespmem:$0x1FFF0];
	_ =	sdelay $0x4  }
0x3ab: {  	vm8 =	vmand vm14, vm8;
	vm14 =	vnez.u8 v0;
	v0 =	vld [tilespmem:$0x1FFE0];
	_ =	sdelay $0x4  }
0x3ac: {  	vm13 =	vmand vm14, vm13;
	vm14 =	vnez.u8 v0;
	v0 =	vld [tilespmem:$0x1FF60];
	_ =	sdelay $0x4  }
0x3ad: {  	vm14 =	vmand vm14, vm15;
	vm15 =	vnez.u8 v0;
	v0 =	vld [tilespmem:$0x1FFD0];
	_ =	sdelay $0x3  }
0x3ae: {  	v1 =	vld [tilespmem:$0x1FFC0]  }
0x3af: {  	vm3 =	vmand vm15, vm3;
	vm15 =	vnez.u8 v0;
	v0 =	vld [tilespmem:$0x1FF90];
	_ =	sdelay $0x3  }
0x3b0: {  	vm13 =	vmor vm15, vm13  }
0x3b1: {  	vm15 =	vnez.u8 v0;
	v0 =	vsel vm13, $0x1, v53;
	vm13 =	vnez.u8 v1;
	v1 =	vld [tilespmem:$0x1FFB0];
	_ =	sdelay $0x3  }
0x3b2: {  	vm13 =	vmor vm13, vm14  }
0x3b3: {  	v2 =	vsel vm13, $0x1, v53;
	vm13 =	vnez.u8 v1;
	v1 =	vld [tilespmem:$0x1FF70];
	_ =	sdelay $0x3  }
0x3b4: {  	vm6 =	vmand vm15, vm6  }
0x3b5: {  	vm6 =	vmor vm13, vm6;
	vm13 =	vnez.u8 v1;
	v1 =	vld [tilespmem:$0x1FF40];
	_ =	sdelay $0x4  }
0x3b6: {  	v14 =	vsel vm6, $0x1, v53;
	vm6 =	vnez.u8 v1;
	v1 =	vld [tilespmem:$0x1FF10];
	_ =	sdelay $0x4  }
0x3b7: {  	vm3 =	vmor vm13, vm3;
	vm13 =	vnez.u8 v1;
	v1 =	vld [tilespmem:$0x1FEE0];
	_ =	sdelay $0x4  }
0x3b8: {  	vm14 =	vnez.u8 v1;
	v1 =	vld [tilespmem:$0x1FEB0];
	_ =	sdelay $0x4  }
0x3b9: {  	vm15 =	vnez.u8 v1;
	v1 =	vld [tilespmem:$0x1FBD0];
	_ =	sdelay $0x4  }
0x3ba: {  	vm1 =	vmor vm6, vm1;
	vm6 =	vnez.u8 v1;
	v1 =	vld [tilespmem:$0x1FB40];
	_ =	sdelay $0x3  }
0x3bb: {  	v16 =	vsel vm1, $0x1, v53  }
0x3bc: {  	vm1 =	vmor vm13, vm2;
	vm2 =	vmor vm14, vm8;
	vm8 =	vnez.u8 v1;
	v1 =	vld [tilespmem:$0x1FAB0];
	_ =	sdelay $0x4  }
0x3bd: {  	v17 =	vsel vm1, $0x1, v53;
	vm1 =	vmor vm15, vm9;
	vm9 =	vnez.u8 v1;
	v1 =	vld [tilespmem:$0x1FA40];
	_ =	sdelay $0x4  }
0x3be: {  	v19 =	vsel vm1, $0x1, v53;
	vm1 =	vmor vm6, vm11;
	vm11 =	vnez.u8 v1;
	v1 =	vld [tilespmem:$0x1FE80];
	_ =	sdelay $0x4  }
0x3bf: {  	vm13 =	vnez.u8 v1;
	v1 =	vld [tilespmem:$0x1FE70];
	_ =	sdelay $0x4  }
0x3c0: {  	vm14 =	vnez.u8 v1;
	v1 =	vld [tilespmem:$0x1FE60];
	_ =	sdelay $0x4  }
0x3c1: {  	vm15 =	vnez.u8 v1;
	v1 =	vld [tilespmem:$0x1FE40];
	_ =	sdelay $0x3  }
0x3c2: {  	vm0 =	vmor vm8, vm0  }
0x3c3: {  	v21 =	vsel vm0, $0x1, v53;
	vm0 =	vmor vm9, vm4;
	vm4 =	vnez.u8 v1;
	v1 =	vld [tilespmem:$0x1F980];
	_ =	sdelay $0x4  }
0x3c4: {  	v20 =	vsel vm1, $0x1, v53;
	vm1 =	vmor vm13, vm5;
	vm5 =	vnez.u8 v1;
	v1 =	vld [tilespmem:$0x1FE20];
	_ =	sdelay $0x4  }
0x3c5: {  	vm6 =	vnez.u8 v1;
	v1 =	vld [tilespmem:$0x1F8F0];
	_ =	sdelay $0x3  }
0x3c6: {  	v22 =	vsel vm0, $0x1, v53;
	vm0 =	vmor vm11, vm10  }
0x3c7: {  	v23 =	vsel vm0, $0x1, v53;
	vm0 =	vmor vm14, vm7;
	vm7 =	vnez.u8 v1;
	v1 =	vld [tilespmem:$0x1FE00];
	_ =	sdelay $0x4  }
0x3c8: {  	vm8 =	vnez.u8 v1;
	v1 =	vld [tilespmem:$0x1F910];
	_ =	sdelay $0x4  }
0x3c9: {  	vm9 =	vnez.u8 v1;
	v1 =	vld [tilespmem:$0x1FDE0];
	_ =	sdelay $0x4  }
0x3ca: {  	vm10 =	vnez.u8 v1;
	v1 =	vld [tilespmem:$0x1F930];
	_ =	sdelay $0x4  }
0x3cb: {  	vm11 =	vnez.u8 v1;
	v1 =	vld [tilespmem:$0x1FDC0];
	_ =	sdelay $0x4  }
0x3cc: {  	v25 =	vsel vm0, $0x1, v53;
	vm0 =	vmor vm15, vm12;
	vm12 =	vnez.u8 v1;
	v1 =	vld [tilespmem:$0x1F880];
	_ =	sdelay $0x4  }
0x3cd: {  	vm13 =	vnez.u8 v1;
	v1 =	vld [tilespmem:$0x1FBA0];
	_ =	sdelay $0x4  }
0x3ce: {  	vm14 =	vnez.u8 v1;
	v1 =	vld [tilespmem:$0x1F8A0];
	_ =	sdelay $0x4  }
0x3cf: {  	vm15 =	vnez.u8 v1;
	v1 =	vld [tilespmem:$0x1FB10];
	_ =	sdelay $0x4  }
0x3d0: {  	v24 =	vsel vm1, $0x1, v53;
	vm1 =	vmor vm4, vm5;
	vm4 =	vnez.u8 v1;
	v1 =	vld [tilespmem:$0x1F8C0];
	_ =	sdelay $0x4  }
0x3d1: {  	vm5 =	vnez.u8 v1;
	v1 =	vld [tilespmem:$0x1FAA0];
	_ =	sdelay $0x4  }
0x3d2: {  	v26 =	vsel vm0, $0x1, v53;
	vm0 =	vmor vm6, vm7;
	vm6 =	vnez.u8 v1;
	v1 =	vld [tilespmem:$0x1F840];
	_ =	sdelay $0x4  }
0x3d3: {  	vm7 =	vnez.u8 v1;
	v1 =	vld [tilespmem:$0x1FA20];
	_ =	sdelay $0x4  }
0x3d4: {  	v28 =	vsel vm0, $0x1, v53;
	vm0 =	vmor vm8, vm9;
	vm8 =	vnez.u8 v1;
	v1 =	vld [tilespmem:$0x1F860];
	_ =	sdelay $0x4  }
0x3d5: {  	vm9 =	vnez.u8 v1;
	v1 =	vld [tilespmem:$0x1FDA0];
	_ =	sdelay $0x1  }
0x3d6: {  	v29 =	vsel vm0, $0x1, v53;
	vm0 =	vmor vm12, vm13  }
0x3d7: {  	v31 =	vsel vm0, $0x1, v53;
	vm0 =	vmor vm14, vm15  }
0x3d8: {  	v32 =	vsel vm0, $0x1, v53;
	vm0 =	vmor vm6, vm7  }
0x3d9: {  	v34 =	vsel vm0, $0x1, v53;
	vm0 =	vmor vm8, vm9;
	vm9 =	vnez.u8 v1;
	v1 =	vld [tilespmem:$0x1F820];
	_ =	sdelay $0x4  }
0x3da: {  	v27 =	vsel vm1, $0x1, v53;
	vm1 =	vmor vm10, vm11;
	vm10 =	vnez.u8 v1;
	v1 =	vld [tilespmem:$0x1FD90];
	_ =	sdelay $0x4  }
0x3db: {  	v30 =	vsel vm1, $0x1, v53;
	vm1 =	vmor vm4, vm5;
	vm4 =	vnez.u8 v1;
	v1 =	vld [tilespmem:$0x1F7C0];
	_ =	sdelay $0x4  }
0x3dc: {  	vm11 =	vnez.u8 v1;
	v1 =	vld [tilespmem:$0x1FD80];
	_ =	sdelay $0x4  }
0x3dd: {  	vm5 =	vnez.u8 v1;
	v1 =	vld [tilespmem:$0x1F7E0];
	_ =	sdelay $0x4  }
0x3de: {  	vm12 =	vnez.u8 v1;
	v1 =	vld [tilespmem:$0x1FD60];
	_ =	sdelay $0x4  }
0x3df: {  	vm7 =	vnez.u8 v1;
	v1 =	vld [tilespmem:$0x1F800];
	_ =	sdelay $0x4  }
0x3e0: {  	vm13 =	vnez.u8 v1;
	v1 =	vld [tilespmem:$0x1FD40];
	_ =	sdelay $0x4  }
0x3e1: {  	vm6 =	vnez.u8 v1;
	v1 =	vld [tilespmem:$0x1F750];
	_ =	sdelay $0x4  }
0x3e2: {  	vm14 =	vnez.u8 v1;
	v1 =	vld [tilespmem:$0x1FD20];
	_ =	sdelay $0x4  }
0x3e3: {  	vm8 =	vnez.u8 v1;
	v1 =	vld [tilespmem:$0x1F770];
	_ =	sdelay $0x4  }
0x3e4: {  	vm15 =	vnez.u8 v1;
	v1 =	vld [tilespmem:$0x1FD00];
	_ =	sdelay $0x4  }
0x3e5: {  	v35 =	vsel vm0, $0x1, v53;
	vm0 =	vmor vm4, vm11;
	vm11 =	vnez.u8 v1;
	v1 =	vld [tilespmem:$0x1F790];
	_ =	sdelay $0x4  }
0x3e6: {  	v33 =	vsel vm1, $0x1, v53;
	vm1 =	vmor vm9, vm10;
	vm10 =	vnez.u8 v1;
	v1 =	vld [tilespmem:$0x1FCE0];
	_ =	sdelay $0x3  }
0x3e7: {  	v36 =	vsel vm1, $0x1, v53;
	vm1 =	vmor vm7, vm13  }
0x3e8: {  	v49 =	vsel vm1, $0x1, v53;
	vm1 =	vmor vm11, vm10;
	vm10 =	vnez.u8 v1;
	v1 =	vld [tilespmem:$0x1F6F0];
	_ =	sdelay $0x4  }
0x3e9: {  	v37 =	vsel vm0, $0x1, v53;
	vm0 =	vmor vm5, vm12;
	vm12 =	vnez.u8 v1;
	v1 =	vld [tilespmem:$0x1FB80];
	_ =	sdelay $0x2  }
0x3ea: {  	v48 =	vsel vm0, $0x1, v53;
	vm0 =	vmor vm6, vm14  }
0x3eb: {  	v50 =	vsel vm0, $0x1, v53;
	vm0 =	vmor vm8, vm15  }
0x3ec: {  	v51 =	vsel vm0, $0x1, v53;
	vm0 =	vmor vm10, vm12;
	vm12 =	vnez.u8 v1;
	v1 =	vld [tilespmem:$0x1F710];
	_ =	sdelay $0x4  }
0x3ed: {  	vm13 =	vnez.u8 v1;
	v1 =	vld [tilespmem:$0x1FAF0];
	_ =	sdelay $0x4  }
0x3ee: {  	v56 =	vsel vm0, $0x1, v53;
	vm0 =	vmor vm12, vm13;
	vm13 =	vnez.u8 v1;
	v1 =	vld [tilespmem:$0x1F730];
	_ =	sdelay $0x4  }
0x3ef: {  	vm14 =	vnez.u8 v1;
	v1 =	vld [tilespmem:$0x1FA80];
	_ =	sdelay $0x4  }
0x3f0: {  	v52 =	vsel vm1, $0x1, v53;
	vm1 =	vmor vm13, vm14;
	vm14 =	vnez.u8 v1;
	v1 =	vld [tilespmem:$0x1F6B0];
	_ =	sdelay $0x4  }
0x3f1: {  	vm15 =	vnez.u8 v1;
	v1 =	vld [tilespmem:$0x1FA00];
	_ =	sdelay $0x4  }
0x3f2: {  	v57 =	vsel vm0, $0x1, v53;
	vm0 =	vmor vm14, vm15;
	vm15 =	vnez.u8 v1;
	v1 =	vld [tilespmem:$0x1F6D0];
	_ =	sdelay $0x4  }
0x3f3: {  	v59 =	vsel vm0, $0x1, v53;
	vm0 =	vnez.u8 v1;
	v1 =	vld [tilespmem:$0x1FCC0];
	_ =	sdelay $0x4  }
0x3f4: {  	v18 =	vsel vm2, $0x1, v53;
	vm2 =	vnez.u8 v1;
	v1 =	vld [tilespmem:$0x1F690];
	_ =	sdelay $0x4  }
0x3f5: {  	v58 =	vsel vm1, $0x1, v53;
	vm1 =	vnez.u8 v1;
	v1 =	vld [tilespmem:$0x1FCB0];
	_ =	sdelay $0x4  }
0x3f6: {  	v15 =	vsel vm3, $0x1, v53;
	vm3 =	vnez.u8 v1;
	v1 =	vld [tilespmem:$0x1F630];
	_ =	sdelay $0x3  }
0x3f7: {  	vm0 =	vmor vm15, vm0  }
0x3f8: {  	v60 =	vsel vm0, $0x1, v53;
	vm0 =	vnez.u8 v1;
	v1 =	vld [tilespmem:$0x1FC90];
	_ =	sdelay $0x3  }
0x3f9: {  	vm1 =	vmor vm2, vm1  }
0x3fa: {  	v13 =	vsel vm1, $0x1, v53;
	vm1 =	vnez.u8 v1;
	v1 =	vld [tilespmem:$0x1F650];
	_ =	sdelay $0x3  }
0x3fb: {  	vm0 =	vmor vm3, vm0  }
0x3fc: {  	v11 =	vsel vm0, $0x1, v53;
	vm0 =	vnez.u8 v1;
	v1 =	vld [tilespmem:$0x1FC70];
	_ =	sdelay $0x4  }
0x3fd: {  	vm2 =	vnez.u8 v1;
	v1 =	vld [tilespmem:$0x1F670];
	_ =	sdelay $0x4  }
0x3fe: {  	vm0 =	vmor vm1, vm0;
	vm1 =	vnez.u8 v1;
	v1 =	vld [tilespmem:$0x1FC50];
	_ =	sdelay $0x3  }
0x3ff: {  	vm1 =	vmor vm2, vm1  }
0x400: {  	v10 =	vsel vm1, $0x1, v53;
	vm1 =	vnez.u8 v1;
	v1 =	vld [tilespmem:$0x1F5B0];
	_ =	sdelay $0x4  }
0x401: {  	v12 =	vsel vm0, $0x1, v53;
	vm0 =	vnez.u8 v1;
	v1 =	vld [tilespmem:$0x1FC30];
	_ =	sdelay $0x4  }
0x402: {  	vm0 =	vmor vm1, vm0;
	vm1 =	vnez.u8 v1;
	v1 =	vld [tilespmem:$0x1F5D0];
	_ =	sdelay $0x4  }
0x403: {  	v8 =	vsel vm0, $0x1, v53;
	vm0 =	vnez.u8 v1;
	v1 =	vld [tilespmem:$0x1FC10];
	_ =	sdelay $0x4  }
0x404: {  	vm2 =	vnez.u8 v1;
	v1 =	vld [tilespmem:$0x1F600];
	_ =	sdelay $0x4  }
0x405: {  	vm0 =	vmor vm1, vm0;
	vm1 =	vnez.u8 v1;
	v1 =	vld [tilespmem:$0x1FBF0];
	_ =	sdelay $0x3  }
0x406: {  	vm1 =	vmor vm2, vm1  }
0x407: {  	v7 =	vsel vm1, $0x1, v53;
	vm1 =	vnez.u8 v1;
	v1 =	vld [tilespmem:$0x1F550];
	_ =	sdelay $0x4  }
0x408: {  	v9 =	vsel vm0, $0x1, v53;
	vm0 =	vnez.u8 v1;
	v1 =	vld [tilespmem:$0x1FB60];
	_ =	sdelay $0x4  }
0x409: {  	vm0 =	vmor vm1, vm0;
	vm1 =	vnez.u8 v1;
	v1 =	vld [tilespmem:$0x1F570];
	_ =	sdelay $0x4  }
0x40a: {  	v5 =	vsel vm0, $0x1, v53;
	vm0 =	vnez.u8 v1;
	v1 =	vld [tilespmem:$0x1FAD0];
	_ =	sdelay $0x4  }
0x40b: {  	vm2 =	vmor vm1, vm0;
	vm0 =	vnez.u8 v1;
	v1 =	vld [tilespmem:$0x1F590];
	_ =	sdelay $0x4  }
0x40c: {  	vm1 =	vnez.u8 v1;
	v1 =	vld [tilespmem:$0x1FA60];
	_ =	sdelay $0x3  }
0x40d: {  	vm1 =	vmor vm0, vm1  }
0x40e: {  	v4 =	vsel vm1, $0x1, v53;
	vm1 =	vnez.u8 v1;
	v1 =	vld [tilespmem:$0x1F510];
	_ =	sdelay $0x4  }
0x40f: {  	vm0 =	vnez.u8 v1;
	v1 =	vld [tilespmem:$0x1F9E0];
	_ =	sdelay $0x4  }
0x410: {  	v6 =	vsel vm2, $0x1, v53;
	vm2 =	vnez.u8 v1;
	v1 =	vld [tilespmem:$0x1F530];
	_ =	sdelay $0x1  }
0x411: {  	v40 =	vld [tilespmem:$0x1FFF0]  }
0x412: {  	v0 =	vadd.s32 v2, v0;
	v2 =	vld [tilespmem:$0x1FFD0]  }
0x413: {  	vm0 =	vmor vm1, vm0  }
0x414: {  	v14 =	vadd.s32 v14, v0;
	v3 =	vsel vm0, $0x1, v53;
	vm0 =	vnez.u8 v1  }
0x415: {  	v14 =	vadd.s32 v15, v14;
	vm0 =	vmor vm2, vm0  }
0x416: {  	vm1 =	vmmov $0x1;
	v1 =	vsel vm0, $0x1, v53;
	vm0 =	vnez.u8 v40  }
0x417: {  	vm0 =	vmand vm0, vm1;
	vm1 =	vnez.u8 v2;
	v2 =	vimm.s32 $0x0  }
0x418: {  	v14 =	vadd.s32 v16, v14;
	v15 =	vsel vm4, $0x1, v2;
	v62 =	vsel vm9, $0x1, v2  }
0x419: {  	v14 =	vadd.s32 v17, v14;
	v17 =	vsel vm5, $0x1, v2;
	v15 =	vadd.s32 v62, v15  }
0x41a: {  	v14 =	vadd.s32 v18, v14;
	v18 =	vsel vm7, $0x1, v2;
	v15 =	vadd.s32 v17, v15  }
0x41b: {  	v17 =	vsel vm6, $0x1, v2;
	v15 =	vadd.s32 v18, v15  }
0x41c: {  	v18 =	vsel vm8, $0x1, v2;
	v15 =	vadd.s32 v17, v15  }
0x41d: {  	v17 =	vsel vm11, $0x1, v2;
	v15 =	vadd.s32 v18, v15  }
0x41e: {  	v18 =	vsel vm10, $0x1, v2;
	v15 =	vadd.s32 v17, v15  }
0x41f: {  	v17 =	vsel vm12, $0x1, v2;
	v15 =	vadd.s32 v18, v15  }
0x420: {  	v18 =	vsel vm13, $0x1, v2;
	v15 =	vadd.s32 v17, v15  }
0x421: {  	v17 =	vsel vm14, $0x1, v2;
	v15 =	vadd.s32 v18, v15  }
0x422: {  	v15 =	vadd.s32 v17, v15;
	v17 =	vld [tilespmem:$0x1FCC0];
	_ =	sdelay $0x4  }
0x423: {  	v18 =	vsel vm15, $0x1, v2;
	vm7 =	vnez.u8 v17  }
0x424: {  	v15 =	vadd.s32 v18, v15;
	v17 =	vsel vm7, $0x1, v2  }
0x425: {  	v15 =	vadd.s32 v17, v15;
	v17 =	vld [tilespmem:$0x1FC90];
	_ =	sdelay $0x4  }
0x426: {  	v61 =	vsel vm3, $0x1, v2;
	vm9 =	vnez.u8 v17  }
0x427: {  	v14 =	vadd.s32 v19, v14;
	v19 =	vld [tilespmem:$0x1FC70];
	v15 =	vadd.s32 v61, v15;
	v17 =	vsel vm9, $0x1, v2  }
0x428: {  	v15 =	vadd.s32 v17, v15;
	v17 =	vld [tilespmem:$0x1FC50];
	_ =	sdelay $0x3  }
0x429: {  	vm10 =	vnez.u8 v19  }
0x42a: {  	v19 =	vsel vm10, $0x1, v2;
	vm11 =	vnez.u8 v17  }
0x42b: {  	v15 =	vadd.s32 v19, v15;
	v19 =	vld [tilespmem:$0x1FC30];
	v17 =	vsel vm11, $0x1, v2  }
0x42c: {  	v15 =	vadd.s32 v17, v15;
	v17 =	vld [tilespmem:$0x1FC10];
	_ =	sdelay $0x3  }
0x42d: {  	vm12 =	vnez.u8 v19  }
0x42e: {  	v19 =	vsel vm12, $0x1, v2;
	vm13 =	vnez.u8 v17  }
0x42f: {  	v15 =	vadd.s32 v19, v15;
	v19 =	vld [tilespmem:$0x1FBF0];
	v17 =	vsel vm13, $0x1, v2  }
0x430: {  	v15 =	vadd.s32 v17, v15;
	v17 =	vld [tilespmem:$0x1FB60];
	_ =	sdelay $0x3  }
0x431: {  	vm14 =	vnez.u8 v19  }
0x432: {  	v16 =	vld [tilespmem:$0x1FFC0];
	v19 =	vsel vm14, $0x1, v2;
	vm15 =	vnez.u8 v17  }
0x433: {  	v14 =	vadd.s32 v20, v14;
	v15 =	vadd.s32 v19, v15;
	v19 =	vld [tilespmem:$0x1FAD0];
	v17 =	vsel vm15, $0x1, v2  }
0x434: {  	v14 =	vadd.s32 v21, v14;
	v15 =	vadd.s32 v17, v15;
	v17 =	vld [tilespmem:$0x1FA60]  }
0x435: {  	v14 =	vadd.s32 v22, v14  }
0x436: {  	v14 =	vadd.s32 v23, v14  }
0x437: {  	v14 =	vadd.s32 v24, v14;
	vm4 =	vnez.u8 v16  }
0x438: {  	v14 =	vadd.s32 v25, v14;
	v16 =	vsel vm4, $0x1, v2;
	vm4 =	vnez.u8 v19  }
0x439: {  	v14 =	vadd.s32 v26, v14;
	v19 =	vsel vm4, $0x1, v2;
	vm5 =	vnez.u8 v17  }
0x43a: {  	v14 =	vadd.s32 v27, v14;
	v18 =	vld [tilespmem:$0x1FE80];
	v15 =	vadd.s32 v19, v15;
	v17 =	vsel vm5, $0x1, v2  }
0x43b: {  	v63 =	vld [tilespmem:$0x1FE70];
	v14 =	vadd.s32 v28, v14;
	v19 =	vsel vm2, $0x1, v2;
	v15 =	vadd.s32 v17, v15  }
0x43c: {  	v14 =	vadd.s32 v29, v14;
	v15 =	vadd.s32 v19, v15;
	v19 =	vld [tilespmem:$0x1FE60]  }
0x43d: {  	v20 =	vld [tilespmem:$0x1FE40];
	v14 =	vadd.s32 v30, v14  }
0x43e: {  	v14 =	vadd.s32 v31, v14  }
0x43f: {  	v14 =	vadd.s32 v32, v14;
	vm0 =	vmor vm1, vm0;
	vm8 =	vnez.u8 v18  }
0x440: {  	v0 =	vsel vm0, $0x1, v2;
	vm0 =	vnez.u8 v63;
	v18 =	vsel vm8, $0x1, v2  }
0x441: {  	v40 =	vsel vm0, $0x1, v2;
	v15 =	vadd.s32 v18, v15;
	vm7 =	vnez.u8 v19  }
0x442: {  	vm9 =	vnez.u8 v20;
	v15 =	vadd.s32 v40, v15;
	v19 =	vsel vm7, $0x1, v2  }
0x443: {  	v14 =	vadd.s32 v33, v14;
	v20 =	vsel vm9, $0x1, v2;
	v15 =	vadd.s32 v19, v15;
	v19 =	vld [tilespmem:$0x1FE20]  }
0x444: {  	v14 =	vadd.s32 v34, v14;
	v15 =	vadd.s32 v20, v15;
	v20 =	vld [tilespmem:$0x1FE00]  }
0x445: {  	v14 =	vadd.s32 v35, v14  }
0x446: {  	v14 =	vadd.s32 v36, v14  }
0x447: {  	v14 =	vadd.s32 v37, v14  }
0x448: {  	v14 =	vadd.s32 v48, v14;
	vm10 =	vnez.u8 v19  }
0x449: {  	v14 =	vadd.s32 v49, v14;
	v19 =	vsel vm10, $0x1, v2;
	vm11 =	vnez.u8 v20  }
0x44a: {  	v14 =	vadd.s32 v50, v14;
	v20 =	vsel vm11, $0x1, v2;
	v15 =	vadd.s32 v19, v15;
	v19 =	vld [tilespmem:$0x1FDE0]  }
0x44b: {  	v14 =	vadd.s32 v51, v14;
	v15 =	vadd.s32 v20, v15;
	v20 =	vld [tilespmem:$0x1FDC0]  }
0x44c: {  	v14 =	vadd.s32 v52, v14  }
0x44d: {  	v14 =	vadd.s32 v56, v14  }
0x44e: {  	v14 =	vadd.s32 v57, v14  }
0x44f: {  	v14 =	vadd.s32 v58, v14;
	vm12 =	vnez.u8 v19  }
0x450: {  	v14 =	vadd.s32 v59, v14;
	v19 =	vsel vm12, $0x1, v2;
	vm13 =	vnez.u8 v20  }
0x451: {  	v14 =	vadd.s32 v60, v14;
	v20 =	vsel vm13, $0x1, v2;
	v15 =	vadd.s32 v19, v15;
	v19 =	vld [tilespmem:$0x1FBA0]  }
0x452: {  	v13 =	vadd.s32 v13, v14;
	v14 =	vadd.s32 v20, v15;
	v15 =	vld [tilespmem:$0x1FB10];
	_ =	sdelay $0x3  }
0x453: {  	v25 =	vld [tilespmem:$0x1FBB0];
	vm14 =	vnez.u8 v19  }
0x454: {  	v26 =	vld [tilespmem:$0x1FBE0];
	v11 =	vadd.s32 v11, v13;
	v19 =	vsel vm14, $0x1, v2;
	vm15 =	vnez.u8 v15  }
0x455: {  	v11 =	vadd.s32 v12, v11;
	v15 =	vsel vm15, $0x1, v2;
	v13 =	vadd.s32 v19, v14;
	v14 =	vld [tilespmem:$0x1FAA0]  }
0x456: {  	v10 =	vadd.s32 v10, v11;
	v12 =	vadd.s32 v15, v13;
	v13 =	vld [tilespmem:$0x1FA20]  }
0x457: {  	v27 =	vld [tilespmem:$0x1FCD0];
	v8 =	vadd.s32 v8, v10  }
0x458: {  	v28 =	vld [tilespmem:$0x1FDB0];
	v8 =	vadd.s32 v9, v8  }
0x459: {  	v7 =	vadd.s32 v7, v8;
	v17 =	vld [tilespmem:$0x1FFB0]  }
0x45a: {  	v5 =	vadd.s32 v5, v7;
	v18 =	vld [tilespmem:$0x1FF70];
	vm4 =	vnez.u8 v14  }
0x45b: {  	v29 =	vld [tilespmem:$0x1FE90];
	v5 =	vadd.s32 v6, v5;
	v14 =	vsel vm4, $0x1, v2;
	vm5 =	vnez.u8 v13  }
0x45c: {  	v4 =	vadd.s32 v4, v5;
	v13 =	vsel vm5, $0x1, v2;
	v11 =	vadd.s32 v14, v12;
	v12 =	vld [tilespmem:$0x1FF40]  }
0x45d: {  	v3 =	vadd.s32 v3, v4;
	v10 =	vadd.s32 v13, v11;
	v11 =	vld [tilespmem:$0x1FF10]  }
0x45e: {  	v1 =	vadd.s32 v1, v3;
	v3 =	vld [tilespmem:$0x1FA40];
	vm6 =	vnez.u8 v17  }
0x45f: {  	v17 =	vsel vm6, $0x1, v2;
	vm8 =	vnez.u8 v18;
	v9 =	vadd.s32 v16, v10;
	v10 =	vld [tilespmem:$0x1FEE0]  }
0x460: {  	v18 =	vsel vm8, $0x1, v2;
	v8 =	vadd.s32 v17, v9;
	v9 =	vld [tilespmem:$0x1FEB0]  }
0x461: {  	v7 =	vadd.s32 v18, v8;
	v8 =	vld [tilespmem:$0x1FBD0];
	vm6 =	vnez.u8 v12  }
0x462: {  	v30 =	vld [tilespmem:$0x1FC00];
	v12 =	vsel vm6, $0x1, v2;
	vm7 =	vnez.u8 v11  }
0x463: {  	v11 =	vsel vm7, $0x1, v2;
	v6 =	vadd.s32 v12, v7;
	v7 =	vld [tilespmem:$0x1FB40]  }
0x464: {  	vm8 =	vnez.u8 v10;
	v5 =	vadd.s32 v11, v6;
	v6 =	vld [tilespmem:$0x1FAB0]  }
0x465: {  	v31 =	vld [tilespmem:$0x1FCF0];
	vm13 =	vnez.u8 v3;
	v10 =	vsel vm8, $0x1, v2;
	vm9 =	vnez.u8 v9  }
0x466: {  	v32 =	vld [tilespmem:$0x1FDD0];
	v9 =	vsel vm9, $0x1, v2;
	vm10 =	vnez.u8 v8;
	v4 =	vadd.s32 v10, v5  }
0x467: {  	v33 =	vld [tilespmem:$0x1FEC0];
	v5 =	vimm.s32 $0xEFCDAB89;
	v8 =	vsel vm10, $0x1, v2;
	v4 =	vadd.s32 v9, v4  }
0x468: {  	v34 =	vld [tilespmem:$0x1FD10];
	v9 =	vimm.s32 $0x67452301;
	v5 =	vunpack.c.l.s4.s8 v5;
	vm11 =	vnez.u8 v7  }
0x469: {  	v35 =	vld [tilespmem:$0x1F9D0];
	v4 =	vadd.s32 v8, v4;
	v7 =	vsel vm11, $0x1, v2;
	vm12 =	vnez.u8 v6  }
0x46a: {  	v36 =	vld [tilespmem:$0x1F9F0];
	v8 =	vunpack.c.l.s4.s8 v9;
	v6 =	vsel vm12, $0x1, v2;
	v3 =	vadd.s32 v7, v4  }
0x46b: {  	v3 =	vadd.s32 v6, v3;
	v6 =	vld [tilespmem:$0x1F4F0]  }
0x46c: {  	v37 =	vld [tilespmem:$0x1FA10];
	v4 =	vunpack.c.0.s8.s32 v5;
	v5 =	vunpack.c.0.s8.s32 v8  }
0x46d: {  	v48 =	vld [tilespmem:$0x1FDF0];
	v2 =	vsel vm13, $0x1, v2  }
0x46e: {  	v49 =	vld [tilespmem:$0x1FC20];
	v2 =	vadd.s32 v2, v3;
	v3 =	vimm.s32 $0xDCFE98BA;
	v4 =	vcombine.low v5, v4  }
0x46f: {  	v50 =	vld [tilespmem:$0x1FEF0];
	v5 =	vimm.s32 $0x54761032;
	v3 =	vunpack.c.l.s4.s8 v3;
	v0 =	vadd.s32 v0, v2  }
0x470: {  	v51 =	vld [tilespmem:$0x1FC40];
	v2 =	vunpack.c.l.s4.s8 v5;
	v5 =	vimm.s32 $0xBA98FEDC;
	v6 =	vperm.xlane v1, v6  }
0x471: {  	v52 =	vld [tilespmem:$0x1FD30];
	v4 =	vperm.xlane v0, v4;
	v5 =	vunpack.c.l.s4.s8 v5  }
0x472: {  	v56 =	vld [tilespmem:$0x1FF20];
	v3 =	vunpack.c.0.s8.s32 v3;
	v1 =	vadd.s32 v1, v6;
	v6 =	vimm.s32 $0x32107654  }
0x473: {  	v57 =	vld [tilespmem:$0x1FC60];
	v2 =	vunpack.c.0.s8.s32 v2;
	v0 =	vadd.s32 v0, v4;
	v4 =	vunpack.c.l.s4.s8 v6  }
0x474: {  	v7 =	vld [tilespmem:$0x1F4E0]  }
0x475: {  	v58 =	vld [tilespmem:$0x1FD50];
	v2 =	vcombine.low v2, v3;
	v3 =	vunpack.c.0.s8.s32 v5;
	v4 =	vunpack.c.0.s8.s32 v4  }
0x476: {  	v59 =	vld [tilespmem:$0x1FE30]  }
0x477: {  	v3 =	vcombine.low v4, v3;
	v4 =	vld [tilespmem:$0x1F4D0]  }
0x478: {  	v60 =	vld [tilespmem:$0x1FF50]  }
0x479: {  	v62 =	vld [tilespmem:$0x1FD70];
	v5 =	vimm.s32 $0xFEDCBA98;
	v7 =	vperm.xlane v1, v7  }
0x47a: {  	v61 =	vld [tilespmem:$0x1FC80];
	v5 =	vunpack.c.l.s4.s8 v5;
	v6 =	vimm.s32 $0x76543210  }
0x47b: {  	v40 =	vld [tilespmem:$0x1FCA0];
	v2 =	vperm.xlane v0, v2;
	v6 =	vunpack.c.l.s4.s8 v6;
	v1 =	vadd.s32 v7, v1  }
0x47c: {  	v20 =	vld [tilespmem:$0x1FB90];
	v5 =	vunpack.c.0.s8.s32 v5;
	v4 =	vperm.xlane v1, v4  }
0x47d: {  	v19 =	vld [tilespmem:$0x1FB70];
	v0 =	vadd.s32 v2, v0;
	v2 =	vunpack.c.0.s8.s32 v6  }
0x47e: {  	v15 =	vld [tilespmem:$0x1FAE0];
	v1 =	vadd.s32 v4, v1;
	v4 =	vand.u32 $0xF, v5  }
0x47f: {  	v2 =	vcombine.low v4, v2;
	v4 =	vld [tilespmem:$0x1F4C0]  }
0x480: {  	v14 =	vld [tilespmem:$0x1FAC0]  }
0x481: {  	v13 =	vld [tilespmem:$0x1F990]  }
0x482: {  	v16 =	vld [tilespmem:$0x1FB00]  }
0x483: {  	v17 =	vld [tilespmem:$0x1FB20];
	v3 =	vperm.xlane v0, v3  }
0x484: {  	v18 =	vld [tilespmem:$0x1FB50];
	v4 =	vperm.xlane v1, v4  }
0x485: {  	v12 =	vld [tilespmem:$0x1FA90];
	v0 =	vadd.s32 v3, v0  }
0x486: {  	v11 =	vld [tilespmem:$0x1FA70];
	v2 =	vperm.xlane v0, v2;
	v1 =	vadd.s32 v4, v1  }
0x487: {  	v10 =	vld [tilespmem:$0x1FA50];
	vm14 =	vlt.s32 v1, $0x40  }
0x488: {  	v6 =	vld [tilespmem:$0x1F610];
	v0 =	vadd.s32 v2, v0;
	v1 =	vsel vm14, v54, v55  }
0x489: {  	vm15 =	vlt.s32 v0, $0x40;
	v55 =	vld [tilespmem:$0x1FA30];
	v0 =	vadd.s32 $0x1, v1  }
0x48a: {  	v54 =	vld [tilespmem:$0x1FE10];
	v0 =	vnsel vm15, $0x0, v0  }
.LBB2_7:
0x48b: {  	v1 =	vlaneseq.u32  }
0x48c: {  	v2 =	vadd.s32 $0xFFFFFFFF, v1  }
0x48d: {  	v3 =	vld [tilespmem:$0x300];
	vm0 =	veq.s32 v47, v6;
	vm1 =	vgt.s32 v0, v2  }
0x48e: {  	vm2 =	vgt.s32 v47, v6;
	vm0 =	vmand vm0, vm1  }
0x48f: {  	vm0 =	vmor vm2, vm0;
	_ =	sdelay $0x4  }
0x490: {  	s3 =	simm.s32 $0x900;
	v2 =	vimm.f32 $1.000000000e+00  }
0x491: {  	v23 =	vadd.s32 $0xF, v1;
	[tilespmem:v3+s3+$0x0] =	vst.idx.msk vm0, v2  }
0x492: {  	vm7 =	veq.s32 v46, v6;
	vm8 =	vgt.s32 v0, v23;
	v24 =	vld [tilespmem:$0x310]  }
0x493: {  	vm9 =	vgt.s32 v46, v6;
	vm0 =	vmand vm7, vm8  }
0x494: {  	vm0 =	vmor vm9, vm0;
	_ =	sdelay $0x5  }
0x495: {  	v47 =	vadd.s32 $0x1F, v1;
	[tilespmem:v24+s3+$0x0] =	vst.idx.msk vm0, v2  }
0x496: {  	vm10 =	veq.s32 v45, v6;
	vm11 =	vgt.s32 v0, v47;
	v53 =	vld [tilespmem:$0x320]  }
0x497: {  	vm12 =	vgt.s32 v45, v6;
	vm0 =	vmand vm10, vm11  }
0x498: {  	vm0 =	vmor vm12, vm0;
	_ =	sdelay $0x5  }
0x499: {  	v63 =	vadd.s32 $0x2F, v1;
	[tilespmem:v53+s3+$0x0] =	vst.idx.msk vm0, v2  }
0x49a: {  	vm13 =	veq.s32 v40, v6;
	vm14 =	vgt.s32 v0, v63;
	v7 =	vld [tilespmem:$0x330]  }
0x49b: {  	vm15 =	vgt.s32 v40, v6;
	vm0 =	vmand vm13, vm14  }
0x49c: {  	vm0 =	vmor vm15, vm0;
	_ =	sdelay $0x5  }
0x49d: {  	v8 =	vadd.s32 $0x3F, v1;
	[tilespmem:v7+s3+$0x0] =	vst.idx.msk vm0, v2  }
0x49e: {  	vm4 =	veq.s32 v39, v6;
	vm5 =	vgt.s32 v0, v8;
	v9 =	vld [tilespmem:$0x340]  }
0x49f: {  	vm6 =	vgt.s32 v39, v6;
	vm0 =	vmand vm4, vm5  }
0x4a0: {  	vm0 =	vmor vm6, vm0;
	_ =	sdelay $0x5  }
0x4a1: {  	v21 =	vadd.s32 $0x4F, v1;
	[tilespmem:v9+s3+$0x0] =	vst.idx.msk vm0, v2  }
0x4a2: {  	vm7 =	veq.s32 v38, v6;
	vm8 =	vgt.s32 v0, v21;
	v22 =	vld [tilespmem:$0x350]  }
0x4a3: {  	vm9 =	vgt.s32 v38, v6;
	vm0 =	vmand vm7, vm8  }
0x4a4: {  	vm0 =	vmor vm9, vm0;
	_ =	sdelay $0x5  }
0x4a5: {  	v23 =	vadd.s32 $0x5F, v1;
	[tilespmem:v22+s3+$0x0] =	vst.idx.msk vm0, v2  }
0x4a6: {  	vm10 =	veq.s32 v41, v6;
	vm11 =	vgt.s32 v0, v23;
	v24 =	vld [tilespmem:$0x360]  }
0x4a7: {  	vm12 =	vgt.s32 v41, v6;
	vm0 =	vmand vm10, vm11  }
0x4a8: {  	vm0 =	vmor vm12, vm0;
	_ =	sdelay $0x5  }
0x4a9: {  	v38 =	vadd.s32 $0x6F, v1;
	[tilespmem:v24+s3+$0x0] =	vst.idx.msk vm0, v2  }
0x4aa: {  	vm13 =	veq.s32 v44, v6;
	vm14 =	vgt.s32 v0, v38;
	v39 =	vld [tilespmem:$0x370]  }
0x4ab: {  	vm15 =	vgt.s32 v44, v6;
	vm0 =	vmand vm13, vm14  }
0x4ac: {  	vm0 =	vmor vm15, vm0;
	_ =	sdelay $0x5  }
0x4ad: {  	v40 =	vadd.s32 $0x7F, v1;
	[tilespmem:v39+s3+$0x0] =	vst.idx.msk vm0, v2  }
0x4ae: {  	vm4 =	veq.s32 v43, v6;
	vm5 =	vgt.s32 v0, v40;
	v41 =	vld [tilespmem:$0x380]  }
0x4af: {  	vm6 =	vgt.s32 v43, v6;
	vm0 =	vmand vm4, vm5  }
0x4b0: {  	vm0 =	vmor vm6, vm0;
	_ =	sdelay $0x5  }
0x4b1: {  	v44 =	vadd.s32 $0x8F, v1;
	[tilespmem:v41+s3+$0x0] =	vst.idx.msk vm0, v2  }
0x4b2: {  	vm7 =	veq.s32 v42, v6;
	vm8 =	vgt.s32 v0, v44;
	v45 =	vld [tilespmem:$0x390]  }
0x4b3: {  	vm9 =	vgt.s32 v42, v6;
	vm0 =	vmand vm7, vm8  }
0x4b4: {  	vm0 =	vmor vm9, vm0;
	_ =	sdelay $0x5  }
0x4b5: {  	v46 =	vadd.s32 $0x9F, v1;
	[tilespmem:v45+s3+$0x0] =	vst.idx.msk vm0, v2  }
0x4b6: {  	vm10 =	veq.s32 v62, v6;
	vm11 =	vgt.s32 v0, v46;
	v47 =	vld [tilespmem:$0x3A0]  }
0x4b7: {  	vm12 =	vgt.s32 v62, v6;
	vm0 =	vmand vm10, vm11  }
0x4b8: {  	vm0 =	vmor vm12, vm0;
	_ =	sdelay $0x5  }
0x4b9: {  	v53 =	vadd.s32 $0xAF, v1;
	[tilespmem:v47+s3+$0x0] =	vst.idx.msk vm0, v2  }
0x4ba: {  	vm13 =	veq.s32 v61, v6;
	vm14 =	vgt.s32 v0, v53;
	v62 =	vld [tilespmem:$0x3B0]  }
0x4bb: {  	vm15 =	vgt.s32 v61, v6;
	vm0 =	vmand vm13, vm14  }
0x4bc: {  	vm0 =	vmor vm15, vm0;
	_ =	sdelay $0x5  }
0x4bd: {  	v63 =	vadd.s32 $0xBF, v1;
	[tilespmem:v62+s3+$0x0] =	vst.idx.msk vm0, v2  }
0x4be: {  	vm4 =	veq.s32 v60, v6;
	vm5 =	vgt.s32 v0, v63;
	v7 =	vld [tilespmem:$0x3C0]  }
0x4bf: {  	vm6 =	vgt.s32 v60, v6;
	vm0 =	vmand vm4, vm5  }
0x4c0: {  	vm0 =	vmor vm6, vm0;
	_ =	sdelay $0x5  }
0x4c1: {  	v8 =	vadd.s32 $0xCF, v1;
	[tilespmem:v7+s3+$0x0] =	vst.idx.msk vm0, v2  }
0x4c2: {  	vm7 =	veq.s32 v59, v6;
	vm8 =	vgt.s32 v0, v8;
	v9 =	vld [tilespmem:$0x3D0]  }
0x4c3: {  	vm9 =	vgt.s32 v59, v6;
	vm0 =	vmand vm7, vm8  }
0x4c4: {  	vm0 =	vmor vm9, vm0;
	_ =	sdelay $0x5  }
0x4c5: {  	v21 =	vadd.s32 $0xDF, v1;
	[tilespmem:v9+s3+$0x0] =	vst.idx.msk vm0, v2  }
0x4c6: {  	vm10 =	veq.s32 v58, v6;
	vm11 =	vgt.s32 v0, v21;
	v22 =	vld [tilespmem:$0x3E0]  }
0x4c7: {  	vm12 =	vgt.s32 v58, v6;
	vm0 =	vmand vm10, vm11  }
0x4c8: {  	vm0 =	vmor vm12, vm0;
	_ =	sdelay $0x5  }
0x4c9: {  	v23 =	vadd.s32 $0xEF, v1;
	[tilespmem:v22+s3+$0x0] =	vst.idx.msk vm0, v2  }
0x4ca: {  	vm13 =	veq.s32 v57, v6;
	vm14 =	vgt.s32 v0, v23;
	v24 =	vld [tilespmem:$0x3F0]  }
0x4cb: {  	vm15 =	vgt.s32 v57, v6;
	vm0 =	vmand vm13, vm14  }
0x4cc: {  	vm0 =	vmor vm15, vm0;
	_ =	sdelay $0x5  }
0x4cd: {  	v38 =	vadd.s32 $0xFF, v1;
	[tilespmem:v24+s3+$0x0] =	vst.idx.msk vm0, v2  }
0x4ce: {  	vm4 =	veq.s32 v56, v6;
	vm5 =	vgt.s32 v0, v38;
	v39 =	vld [tilespmem:$0x400]  }
0x4cf: {  	vm6 =	vgt.s32 v56, v6;
	vm0 =	vmand vm4, vm5  }
0x4d0: {  	vm0 =	vmor vm6, vm0;
	_ =	sdelay $0x5  }
0x4d1: {  	v40 =	vadd.s32 $0x10F, v1;
	[tilespmem:v39+s3+$0x0] =	vst.idx.msk vm0, v2  }
0x4d2: {  	vm7 =	veq.s32 v54, v6;
	vm8 =	vgt.s32 v0, v40;
	v41 =	vld [tilespmem:$0x410]  }
0x4d3: {  	vm9 =	vgt.s32 v54, v6;
	vm0 =	vmand vm7, vm8  }
0x4d4: {  	vm0 =	vmor vm9, vm0;
	_ =	sdelay $0x5  }
0x4d5: {  	v42 =	vadd.s32 $0x11F, v1;
	[tilespmem:v41+s3+$0x0] =	vst.idx.msk vm0, v2  }
0x4d6: {  	vm10 =	veq.s32 v52, v6;
	vm11 =	vgt.s32 v0, v42;
	v43 =	vld [tilespmem:$0x420]  }
0x4d7: {  	vm12 =	vgt.s32 v52, v6;
	vm0 =	vmand vm10, vm11  }
0x4d8: {  	vm0 =	vmor vm12, vm0;
	_ =	sdelay $0x5  }
0x4d9: {  	v44 =	vadd.s32 $0x12F, v1;
	[tilespmem:v43+s3+$0x0] =	vst.idx.msk vm0, v2  }
0x4da: {  	vm13 =	veq.s32 v51, v6;
	vm14 =	vgt.s32 v0, v44;
	v45 =	vld [tilespmem:$0x430]  }
0x4db: {  	vm15 =	vgt.s32 v51, v6;
	vm0 =	vmand vm13, vm14  }
0x4dc: {  	vm0 =	vmor vm15, vm0;
	_ =	sdelay $0x5  }
0x4dd: {  	v46 =	vadd.s32 $0x13F, v1;
	[tilespmem:v45+s3+$0x0] =	vst.idx.msk vm0, v2  }
0x4de: {  	vm4 =	veq.s32 v50, v6;
	vm5 =	vgt.s32 v0, v46;
	v47 =	vld [tilespmem:$0x440]  }
0x4df: {  	vm6 =	vgt.s32 v50, v6;
	vm0 =	vmand vm4, vm5  }
0x4e0: {  	vm0 =	vmor vm6, vm0;
	_ =	sdelay $0x5  }
0x4e1: {  	v50 =	vadd.s32 $0x14F, v1;
	[tilespmem:v47+s3+$0x0] =	vst.idx.msk vm0, v2  }
0x4e2: {  	vm7 =	veq.s32 v48, v6;
	vm8 =	vgt.s32 v0, v50;
	v51 =	vld [tilespmem:$0x450]  }
0x4e3: {  	vm9 =	vgt.s32 v48, v6;
	vm0 =	vmand vm7, vm8  }
0x4e4: {  	vm0 =	vmor vm9, vm0;
	_ =	sdelay $0x5  }
0x4e5: {  	v52 =	vadd.s32 $0x15F, v1;
	[tilespmem:v51+s3+$0x0] =	vst.idx.msk vm0, v2  }
0x4e6: {  	vm10 =	veq.s32 v34, v6;
	vm11 =	vgt.s32 v0, v52;
	v53 =	vld [tilespmem:$0x460]  }
0x4e7: {  	vm12 =	vgt.s32 v34, v6;
	vm0 =	vmand vm10, vm11  }
0x4e8: {  	vm0 =	vmor vm12, vm0;
	_ =	sdelay $0x5  }
0x4e9: {  	v54 =	vadd.s32 $0x16F, v1;
	[tilespmem:v53+s3+$0x0] =	vst.idx.msk vm0, v2  }
0x4ea: {  	vm13 =	veq.s32 v49, v6;
	vm14 =	vgt.s32 v0, v54;
	v56 =	vld [tilespmem:$0x470]  }
0x4eb: {  	vm15 =	vgt.s32 v49, v6;
	vm0 =	vmand vm13, vm14  }
0x4ec: {  	vm0 =	vmor vm15, vm0;
	_ =	sdelay $0x5  }
0x4ed: {  	v57 =	vadd.s32 $0x17F, v1;
	[tilespmem:v56+s3+$0x0] =	vst.idx.msk vm0, v2  }
0x4ee: {  	vm4 =	veq.s32 v33, v6;
	vm5 =	vgt.s32 v0, v57;
	v58 =	vld [tilespmem:$0x480]  }
0x4ef: {  	vm6 =	vgt.s32 v33, v6;
	vm0 =	vmand vm4, vm5  }
0x4f0: {  	vm0 =	vmor vm6, vm0;
	_ =	sdelay $0x5  }
0x4f1: {  	v59 =	vadd.s32 $0x18F, v1;
	[tilespmem:v58+s3+$0x0] =	vst.idx.msk vm0, v2  }
0x4f2: {  	vm7 =	veq.s32 v32, v6;
	vm8 =	vgt.s32 v0, v59;
	v60 =	vld [tilespmem:$0x490]  }
0x4f3: {  	vm9 =	vgt.s32 v32, v6;
	vm0 =	vmand vm7, vm8  }
0x4f4: {  	vm0 =	vmor vm9, vm0;
	_ =	sdelay $0x5  }
0x4f5: {  	v61 =	vadd.s32 $0x19F, v1;
	[tilespmem:v60+s3+$0x0] =	vst.idx.msk vm0, v2  }
0x4f6: {  	vm10 =	veq.s32 v31, v6;
	vm11 =	vgt.s32 v0, v61;
	v62 =	vld [tilespmem:$0x4A0]  }
0x4f7: {  	vm12 =	vgt.s32 v31, v6;
	vm0 =	vmand vm10, vm11  }
0x4f8: {  	vm0 =	vmor vm12, vm0;
	_ =	sdelay $0x5  }
0x4f9: {  	v63 =	vadd.s32 $0x1AF, v1;
	[tilespmem:v62+s3+$0x0] =	vst.idx.msk vm0, v2  }
0x4fa: {  	vm13 =	veq.s32 v30, v6;
	vm14 =	vgt.s32 v0, v63;
	v7 =	vld [tilespmem:$0x4B0]  }
0x4fb: {  	vm15 =	vgt.s32 v30, v6;
	vm0 =	vmand vm13, vm14  }
0x4fc: {  	vm0 =	vmor vm15, vm0;
	_ =	sdelay $0x5  }
0x4fd: {  	v8 =	vadd.s32 $0x1BF, v1;
	[tilespmem:v7+s3+$0x0] =	vst.idx.msk vm0, v2  }
0x4fe: {  	vm4 =	veq.s32 v29, v6;
	vm5 =	vgt.s32 v0, v8;
	v9 =	vld [tilespmem:$0x4C0]  }
0x4ff: {  	vm6 =	vgt.s32 v29, v6;
	vm0 =	vmand vm4, vm5  }
0x500: {  	vm0 =	vmor vm6, vm0;
	_ =	sdelay $0x5  }
0x501: {  	v21 =	vadd.s32 $0x1CF, v1;
	[tilespmem:v9+s3+$0x0] =	vst.idx.msk vm0, v2  }
0x502: {  	vm7 =	veq.s32 v28, v6;
	vm8 =	vgt.s32 v0, v21;
	v22 =	vld [tilespmem:$0x4D0]  }
0x503: {  	vm9 =	vgt.s32 v28, v6;
	vm0 =	vmand vm7, vm8  }
0x504: {  	vm0 =	vmor vm9, vm0;
	_ =	sdelay $0x5  }
0x505: {  	v23 =	vadd.s32 $0x1DF, v1;
	[tilespmem:v22+s3+$0x0] =	vst.idx.msk vm0, v2  }
0x506: {  	vm10 =	veq.s32 v27, v6;
	vm11 =	vgt.s32 v0, v23;
	v24 =	vld [tilespmem:$0x4E0]  }
0x507: {  	vm12 =	vgt.s32 v27, v6;
	vm0 =	vmand vm10, vm11  }
0x508: {  	vm0 =	vmor vm12, vm0;
	_ =	sdelay $0x5  }
0x509: {  	v27 =	vadd.s32 $0x1EF, v1;
	[tilespmem:v24+s3+$0x0] =	vst.idx.msk vm0, v2  }
0x50a: {  	vm13 =	veq.s32 v26, v6;
	vm14 =	vgt.s32 v0, v27;
	v28 =	vld [tilespmem:$0x4F0]  }
0x50b: {  	vm15 =	vgt.s32 v26, v6;
	vm0 =	vmand vm13, vm14  }
0x50c: {  	vm0 =	vmor vm15, vm0;
	_ =	sdelay $0x5  }
0x50d: {  	v29 =	vadd.s32 $0x1FF, v1;
	[tilespmem:v28+s3+$0x0] =	vst.idx.msk vm0, v2  }
0x50e: {  	vm4 =	veq.s32 v25, v6;
	vm5 =	vgt.s32 v0, v29;
	v30 =	vld [tilespmem:$0x500]  }
0x50f: {  	vm6 =	vgt.s32 v25, v6;
	vm0 =	vmand vm4, vm5  }
0x510: {  	vm0 =	vmor vm6, vm0;
	_ =	sdelay $0x5  }
0x511: {  	v31 =	vadd.s32 $0x20F, v1;
	[tilespmem:v30+s3+$0x0] =	vst.idx.msk vm0, v2  }
0x512: {  	vm7 =	veq.s32 v20, v6;
	vm8 =	vgt.s32 v0, v31;
	v32 =	vld [tilespmem:$0x510]  }
0x513: {  	vm9 =	vgt.s32 v20, v6;
	vm0 =	vmand vm7, vm8  }
0x514: {  	vm0 =	vmor vm9, vm0;
	_ =	sdelay $0x5  }
0x515: {  	v33 =	vadd.s32 $0x21F, v1;
	[tilespmem:v32+s3+$0x0] =	vst.idx.msk vm0, v2  }
0x516: {  	vm10 =	veq.s32 v19, v6;
	vm11 =	vgt.s32 v0, v33;
	v34 =	vld [tilespmem:$0x520]  }
0x517: {  	vm12 =	vgt.s32 v19, v6;
	vm0 =	vmand vm10, vm11  }
0x518: {  	vm0 =	vmor vm12, vm0;
	_ =	sdelay $0x5  }
0x519: {  	v38 =	vadd.s32 $0x22F, v1;
	[tilespmem:v34+s3+$0x0] =	vst.idx.msk vm0, v2  }
0x51a: {  	vm13 =	veq.s32 v18, v6;
	vm14 =	vgt.s32 v0, v38;
	v39 =	vld [tilespmem:$0x530]  }
0x51b: {  	vm15 =	vgt.s32 v18, v6;
	vm0 =	vmand vm13, vm14  }
0x51c: {  	vm0 =	vmor vm15, vm0;
	_ =	sdelay $0x5  }
0x51d: {  	v40 =	vadd.s32 $0x23F, v1;
	[tilespmem:v39+s3+$0x0] =	vst.idx.msk vm0, v2  }
0x51e: {  	vm4 =	veq.s32 v17, v6;
	vm5 =	vgt.s32 v0, v40;
	v41 =	vld [tilespmem:$0x540]  }
0x51f: {  	vm6 =	vgt.s32 v17, v6;
	vm0 =	vmand vm4, vm5  }
0x520: {  	vm0 =	vmor vm6, vm0;
	_ =	sdelay $0x5  }
0x521: {  	v42 =	vadd.s32 $0x24F, v1;
	[tilespmem:v41+s3+$0x0] =	vst.idx.msk vm0, v2  }
0x522: {  	vm7 =	veq.s32 v16, v6;
	vm8 =	vgt.s32 v0, v42;
	v43 =	vld [tilespmem:$0x550]  }
0x523: {  	vm9 =	vgt.s32 v16, v6;
	vm0 =	vmand vm7, vm8  }
0x524: {  	vm0 =	vmor vm9, vm0;
	_ =	sdelay $0x5  }
0x525: {  	v44 =	vadd.s32 $0x25F, v1;
	[tilespmem:v43+s3+$0x0] =	vst.idx.msk vm0, v2  }
0x526: {  	vm10 =	veq.s32 v15, v6;
	vm11 =	vgt.s32 v0, v44;
	v45 =	vld [tilespmem:$0x560]  }
0x527: {  	vm12 =	vgt.s32 v15, v6;
	vm0 =	vmand vm10, vm11  }
0x528: {  	vm0 =	vmor vm12, vm0;
	_ =	sdelay $0x5  }
0x529: {  	v46 =	vadd.s32 $0x26F, v1;
	[tilespmem:v45+s3+$0x0] =	vst.idx.msk vm0, v2  }
0x52a: {  	vm13 =	veq.s32 v14, v6;
	vm14 =	vgt.s32 v0, v46;
	v47 =	vld [tilespmem:$0x570]  }
0x52b: {  	vm15 =	vgt.s32 v14, v6;
	vm0 =	vmand vm13, vm14  }
0x52c: {  	vm0 =	vmor vm15, vm0;
	_ =	sdelay $0x5  }
0x52d: {  	v48 =	vadd.s32 $0x27F, v1;
	[tilespmem:v47+s3+$0x0] =	vst.idx.msk vm0, v2  }
0x52e: {  	vm4 =	veq.s32 v13, v6;
	vm5 =	vgt.s32 v0, v48;
	v49 =	vld [tilespmem:$0x580]  }
0x52f: {  	vm6 =	vgt.s32 v13, v6;
	vm0 =	vmand vm4, vm5  }
0x530: {  	vm0 =	vmor vm6, vm0;
	_ =	sdelay $0x5  }
0x531: {  	v50 =	vadd.s32 $0x28F, v1;
	[tilespmem:v49+s3+$0x0] =	vst.idx.msk vm0, v2  }
0x532: {  	vm7 =	veq.s32 v12, v6;
	vm8 =	vgt.s32 v0, v50;
	v51 =	vld [tilespmem:$0x590]  }
0x533: {  	vm9 =	vgt.s32 v12, v6;
	vm0 =	vmand vm7, vm8  }
0x534: {  	vm0 =	vmor vm9, vm0;
	_ =	sdelay $0x5  }
0x535: {  	v52 =	vadd.s32 $0x29F, v1;
	[tilespmem:v51+s3+$0x0] =	vst.idx.msk vm0, v2  }
0x536: {  	vm10 =	veq.s32 v11, v6;
	vm11 =	vgt.s32 v0, v52;
	v53 =	vld [tilespmem:$0x5A0]  }
0x537: {  	vm12 =	vgt.s32 v11, v6;
	vm0 =	vmand vm10, vm11  }
0x538: {  	vm0 =	vmor vm12, vm0;
	_ =	sdelay $0x5  }
0x539: {  	v54 =	vadd.s32 $0x2AF, v1;
	[tilespmem:v53+s3+$0x0] =	vst.idx.msk vm0, v2  }
0x53a: {  	vm13 =	veq.s32 v10, v6;
	vm14 =	vgt.s32 v0, v54;
	v56 =	vld [tilespmem:$0x5B0]  }
0x53b: {  	vm15 =	vgt.s32 v10, v6;
	vm0 =	vmand vm13, vm14  }
0x53c: {  	vm0 =	vmor vm15, vm0;
	_ =	sdelay $0x5  }
0x53d: {  	v57 =	vadd.s32 $0x2BF, v1;
	[tilespmem:v56+s3+$0x0] =	vst.idx.msk vm0, v2  }
0x53e: {  	vm4 =	veq.s32 v55, v6;
	vm5 =	vgt.s32 v0, v57;
	v58 =	vld [tilespmem:$0x5C0]  }
0x53f: {  	vm6 =	vgt.s32 v55, v6;
	vm0 =	vmand vm4, vm5  }
0x540: {  	vm0 =	vmor vm6, vm0;
	_ =	sdelay $0x5  }
0x541: {  	v59 =	vadd.s32 $0x2CF, v1;
	[tilespmem:v58+s3+$0x0] =	vst.idx.msk vm0, v2  }
0x542: {  	vm7 =	veq.s32 v37, v6;
	vm8 =	vgt.s32 v0, v59;
	v60 =	vld [tilespmem:$0x5D0]  }
0x543: {  	vm9 =	vgt.s32 v37, v6;
	vm0 =	vmand vm7, vm8  }
0x544: {  	vm0 =	vmor vm9, vm0;
	_ =	sdelay $0x5  }
0x545: {  	v61 =	vadd.s32 $0x2DF, v1;
	[tilespmem:v60+s3+$0x0] =	vst.idx.msk vm0, v2  }
0x546: {  	vm10 =	veq.s32 v36, v6;
	vm11 =	vgt.s32 v0, v61;
	v62 =	vld [tilespmem:$0x5E0]  }
0x547: {  	vm12 =	vgt.s32 v36, v6;
	vm0 =	vmand vm10, vm11  }
0x548: {  	vm0 =	vmor vm12, vm0;
	_ =	sdelay $0x5  }
0x549: {  	v1 =	vadd.s32 $0x2EF, v1;
	[tilespmem:v62+s3+$0x0] =	vst.idx.msk vm0, v2  }
0x54a: {  	vm13 =	veq.s32 v6, v35;
	vm14 =	vgt.s32 v0, v1;
	v63 =	vld [tilespmem:$0x5F0]  }
0x54b: {  	vm15 =	vlt.s32 v6, v35;
	vm0 =	vmand vm13, vm14  }
0x54c: {  	vm0 =	vmor vm15, vm0;
	_ =	sdelay $0x5  }
0x54d: {  	s4 =	simm.s32 $0x80;
	s5 =	simm.s32 $0x200;
	s31 =	simm.s32 $0x1;
	[tilespmem:v63+s3+$0x0] =	vst.idx.msk vm0, v2  }
0x54e: {  	[hbm4b:s2+s4] =	stream.strided.scatter [tilespmem:s3], [sflag:$0x1], $0x300, s5, s4, $0x38;
	[tilespmem:$0xC00] =	vst v63  }
0x54f: {  	_ =	swait.ge [sflag:s31], $0x300  }
0x550: {  	[sflag:s31] =	ssyncset.done $0x0  }
0x551: {  	[sflag:s31] =	ssyncadd.s32 $0xFFFFFD00  }
.LBB2_8:
0x552: {  	_ =	sfence.sel $0x180000  }
0x553: {  	[bflag:$0x0] =	sbarrier.arrive $0xFFFF  }
0x554: {  	p0 =	sne.s32 s1, $0x0;
	_ =	strace $0x90000047  }
0x555: {  	s0 =	sadd.s32 @!p0 $0x100000, s0;
	[bflag:$0x2] =	sbarrier.arrive $0xFFFF  }
0x556: {  	[sflag:s0] =	ssyncadd.tile.s32 @!p0 $0x1;
	_ =	shalt  }
.Lfunc_end2:
_tile_overlayer_lowered:
.L_overlay_start_2:
0x557: {  	(tag) =	ssettag $0x2  }
0x558: {  	s0 =	rddreg [dreg:$0x0];
	s2 =	stileid.u32  }
0x559: {  	s1 =	rddreg [dreg:$0x1];
	p0 =	sne.s32 s2, $0x0  }
0x55a: {  	s3 =	rddreg [dreg:$0x2];
	[bflag:$0x3] =	sbarrier.arrive $0xFFFF;
	s2 =	simm.s32 @!p0 $0x1C01  }
0x55b: {  	[timem:s3], [sflag:s2] =	dma.local @!p0 [hbm:s0], s1  }
0x55c: {  	s0 =	simm.s32 @!p0 $0x1  }
0x55d: {  	_ =	swait.ge @!p0 [sflag:s0], s1  }
0x55e: {  	s1 =	ssub.s32 @!p0 $0x0, s1;
	[sflag:s0] =	ssyncset.done @!p0 $0x0  }
0x55f: {  	[sflag:s0] =	ssyncadd.s32 @!p0 s1  }
0x560: {  	[bflag:$0x3] =	sbarrier.arrive $0xFFFF  }
0x561: {  	_ =	shalt  }

</sc_bundles>
